<compile_context>
chip_gen: v7x
topology: tpu7x:2x2x1
jax: 0.10.2.dev20260603
libtpu: 0.0.44.dev20260713+nightly
codegen_flags: <defaults>
</compile_context>

<pallas_src>
import jax
import jax.numpy as jnp
from jax import lax
from jax.experimental import pallas as pl
from jax.experimental.pallas import tpu as pltpu
from jax.experimental.pallas import tpu_sc as plsc

N_NODES = 10000
N_EDGES = 320000
D_IN = 128
D_H0 = 64
D_H1 = 32
N_GRAPHS = 256
N_CLASSES = 10

NC = 2
NS = 16
NW = NC * NS

N_PAD = 10240
RPT = N_PAD // NS
CH = 128
NCH2 = N_EDGES // CH
KCH = NCH2 // NW
NXTRA = NCH2 - KCH * NW
NBUF = 6
LAG = 2
LASTR = N_NODES - (NS - 1) * RPT

ROW_BLK = 5000
N_ROW_BLKS = N_NODES // ROW_BLK


def _mesh():
    return plsc.VectorSubcoreMesh(
        core_axis_name="c", subcore_axis_name="s", num_cores=NC, num_subcores=NS
    )


_SC_PARAMS = pltpu.CompilerParams(use_tc_tiling_on_sc=False)


def _worker_id():
    return lax.axis_index("s") * NC + lax.axis_index("c")


def _deg_body(edges, zeros1, degp, idxs, xidx, ones_v, zb, acc, ssem):
    c = lax.axis_index("c")
    s = lax.axis_index("s")
    w = _worker_id()
    pltpu.sync_copy(edges.at[pl.ds(w * KCH, KCH)], idxs)

    def _ofill(i, _):
        ones_v[pl.ds(i * 16, 16)] = jnp.ones((16,), jnp.float32)
        return 0

    lax.fori_loop(0, CH // 16, _ofill, 0)
    pltpu.sync_copy(zeros1, zb)
    pltpu.sync_copy(zb, acc.at[pl.ds(s * RPT, RPT)])
    plsc.subcore_barrier()
    for b in range(NBUF):
        pltpu.async_copy(ones_v, acc.at[idxs.at[b, 1]], ssem.at[b], add=True)

    def _grp(g, _):
        for b in range(NBUF):
            j = NBUF + g * NBUF + b
            pltpu.make_async_copy(ones_v, acc.at[idxs.at[0, 1]],
                                  ssem.at[b]).wait()
            pltpu.async_copy(ones_v, acc.at[idxs.at[j, 1]], ssem.at[b],
                             add=True)
        return 0

    lax.fori_loop(0, KCH // NBUF - 1, _grp, 0)
    for b in range(NBUF):
        pltpu.make_async_copy(ones_v, acc.at[idxs.at[0, 1]], ssem.at[b]).wait()

    @pl.when(w < NXTRA)
    def _():
        pltpu.sync_copy(edges.at[NW * KCH + w], xidx)
        pltpu.sync_copy(ones_v, acc.at[xidx.at[1]], add=True)

    plsc.subcore_barrier()
    pltpu.sync_copy(acc.at[pl.ds(s * RPT, RPT)], zb)
    pltpu.sync_copy(zb, degp.at[c, 0, pl.ds(s * RPT, RPT)])


def _deg_call(edges, zeros1):
    return pl.kernel(
        _deg_body,
        out_type=jax.ShapeDtypeStruct((NC, 1, N_PAD), jnp.float32),
        mesh=_mesh(),
        scratch_types=[
            pltpu.VMEM((KCH, 2, CH), jnp.int32),
            pltpu.VMEM((2, CH), jnp.int32),
            pltpu.VMEM((CH,), jnp.float32),
            pltpu.VMEM((RPT,), jnp.float32),
            pltpu.VMEM_SHARED((N_PAD,), jnp.float32),
            pltpu.SemaphoreType.DMA((NBUF,)),
        ],
        compiler_params=_SC_PARAMS,
    )(edges, zeros1)


def _agg_body(edges, h, zeros_d, out, idxs, xidx, rows, wb, acc, hs,
              gsem, ssem):
    c = lax.axis_index("c")
    s = lax.axis_index("s")
    w = _worker_id()
    pltpu.sync_copy(edges.at[pl.ds(w * KCH, KCH)], idxs)
    @pl.when(s < NS - 1)
    def _():
        pltpu.sync_copy(h.at[pl.ds(s * RPT, RPT)], wb)
        pltpu.sync_copy(wb, hs.at[pl.ds(s * RPT, RPT)])

    @pl.when(s == NS - 1)
    def _():
        pltpu.sync_copy(h.at[pl.ds(N_NODES - LASTR, LASTR)],
                        wb.at[pl.ds(0, LASTR)])
        pltpu.sync_copy(wb.at[pl.ds(0, LASTR)],
                        hs.at[pl.ds(N_NODES - LASTR, LASTR)])

    htab = hs
    pltpu.sync_copy(zeros_d, wb)
    pltpu.sync_copy(wb, acc.at[pl.ds(s * RPT, RPT)])
    plsc.subcore_barrier()

    for b in range(LAG):
        pltpu.async_copy(htab.at[idxs.at[b, 0]], rows.at[b], gsem.at[b])

    def _step(j, b):
        pltpu.make_async_copy(h.at[idxs.at[0, 0]], rows.at[b],
                              gsem.at[b]).wait()
        pltpu.async_copy(rows.at[b], acc.at[idxs.at[j, 1]], ssem.at[b],
                         add=True)
        bg = (b + LAG) % NBUF

        @pl.when(j + LAG < KCH)
        def _():
            @pl.when(j >= NBUF - LAG)
            def _():
                pltpu.make_async_copy(
                    rows.at[bg], acc.at[idxs.at[0, 1]], ssem.at[bg]
                ).wait()

            pltpu.async_copy(htab.at[idxs.at[j + LAG, 0]], rows.at[bg],
                             gsem.at[bg])

    def _grp(g, _):
        for b in range(NBUF):
            _step(g * NBUF + b, b)
        return 0

    lax.fori_loop(0, KCH // NBUF, _grp, 0)
    for b in range(NBUF):
        pltpu.make_async_copy(rows.at[b], acc.at[idxs.at[0, 1]],
                              ssem.at[b]).wait()

    @pl.when(w < NXTRA)
    def _():
        pltpu.sync_copy(edges.at[NW * KCH + w], xidx)
        pltpu.async_copy(htab.at[xidx.at[0]], rows.at[0], gsem.at[0]).wait()
        pltpu.sync_copy(rows.at[0], acc.at[xidx.at[1]], add=True)

    plsc.subcore_barrier()
    pltpu.sync_copy(acc.at[pl.ds(s * RPT, RPT)], wb)
    pltpu.sync_copy(wb, out.at[c, pl.ds(s * RPT, RPT)])


def _agg_call(edges, h, zeros_d, d):
    return pl.kernel(
        _agg_body,
        out_type=jax.ShapeDtypeStruct((NC, N_PAD, d), jnp.bfloat16),
        mesh=_mesh(),
        scratch_types=[
            pltpu.VMEM((KCH, 2, CH), jnp.int32),
            pltpu.VMEM((2, CH), jnp.int32),
            pltpu.VMEM((NBUF, CH, d), jnp.bfloat16),
            pltpu.VMEM((RPT, d), jnp.bfloat16),
            pltpu.VMEM_SHARED((N_PAD, d), jnp.bfloat16),
            pltpu.VMEM_SHARED((N_PAD, d), jnp.bfloat16),
            pltpu.SemaphoreType.DMA((NBUF,)),
            pltpu.SemaphoreType.DMA((NBUF,)),
        ],
        compiler_params=_SC_PARAMS,
    )(edges, h, zeros_d)


def _tc1_body(degt_ref, x_ref, w0_ref, h0_ref, dis_ref):
    d = degt_ref[...]
    dis = lax.rsqrt(d[:, 0:1] + d[:, 1:2] + 1.0)
    h = jnp.dot(x_ref[...], w0_ref[...], preferred_element_type=jnp.float32)
    h0_ref[...] = (h * dis).astype(jnp.bfloat16)
    dis_ref[...] = dis


def _tc1_call(degt, x, w0):
    return pl.pallas_call(
        _tc1_body,
        grid=(N_ROW_BLKS,),
        in_specs=[
            pl.BlockSpec((ROW_BLK, 2), lambda i: (i, 0)),
            pl.BlockSpec((ROW_BLK, D_IN), lambda i: (i, 0)),
            pl.BlockSpec((D_IN, D_H0), lambda i: (0, 0)),
        ],
        out_specs=[
            pl.BlockSpec((ROW_BLK, D_H0), lambda i: (i, 0)),
            pl.BlockSpec((ROW_BLK, 1), lambda i: (i, 0)),
        ],
        out_shape=[
            jax.ShapeDtypeStruct((N_NODES, D_H0), jnp.bfloat16),
            jax.ShapeDtypeStruct((N_NODES, 1), jnp.float32),
        ],
    )(degt, x, w0)


def _tc2_body(aggp_ref, h0_ref, dis_ref, b0_ref, w1_ref, h1_ref):
    dis = dis_ref[...]
    agg = (aggp_ref[0].astype(jnp.float32) + aggp_ref[1].astype(jnp.float32)
           + h0_ref[...].astype(jnp.float32))
    a = agg * dis + b0_ref[...]
    act = jnp.maximum(a, 0.0)
    h1_ref[...] = (
        jnp.dot(act, w1_ref[...], preferred_element_type=jnp.float32) * dis
    ).astype(jnp.bfloat16)


def _tc2_call(aggp, h0, dis, b0r, w1):
    return pl.pallas_call(
        _tc2_body,
        grid=(N_ROW_BLKS,),
        in_specs=[
            pl.BlockSpec((NC, ROW_BLK, D_H0), lambda i: (0, i, 0)),
            pl.BlockSpec((ROW_BLK, D_H0), lambda i: (i, 0)),
            pl.BlockSpec((ROW_BLK, 1), lambda i: (i, 0)),
            pl.BlockSpec((1, D_H0), lambda i: (0, 0)),
            pl.BlockSpec((D_H0, D_H1), lambda i: (0, 0)),
        ],
        out_specs=pl.BlockSpec((ROW_BLK, D_H1), lambda i: (i, 0)),
        out_shape=jax.ShapeDtypeStruct((N_NODES, D_H1), jnp.bfloat16),
    )(aggp, h0, dis, b0r, w1)


def _tc3_body(aggp_ref, h1_ref, dis_ref, b1_ref, ngi_ref, wd_ref, bd_ref,
              out_ref, gsum, gcnt):
    i = pl.program_id(0)

    @pl.when(i == 0)
    def _():
        gsum[...] = jnp.zeros_like(gsum)
        gcnt[...] = jnp.zeros_like(gcnt)

    dis = dis_ref[...]
    agg = (aggp_ref[0].astype(jnp.float32) + aggp_ref[1].astype(jnp.float32)
           + h1_ref[...].astype(jnp.float32))
    a = agg * dis + b1_ref[...]
    h2 = jnp.maximum(a, 0.0)
    oh = (
        lax.broadcasted_iota(jnp.int32, (N_GRAPHS, ROW_BLK), 0) == ngi_ref[0]
    ).astype(jnp.float32)
    gsum[...] += jnp.dot(oh, h2, preferred_element_type=jnp.float32)
    gcnt[...] += jnp.sum(oh, axis=1, keepdims=True)

    @pl.when(i == N_ROW_BLKS - 1)
    def _():
        g = gsum[...] / jnp.maximum(gcnt[...], 1.0)
        out_ref[...] = (
            jnp.dot(g, wd_ref[...], preferred_element_type=jnp.float32)
            + bd_ref[...]
        )


def _tc3_call(aggp, h1, dis, b1r, ngi_row, wd, bdr):
    return pl.pallas_call(
        _tc3_body,
        grid=(N_ROW_BLKS,),
        in_specs=[
            pl.BlockSpec((NC, ROW_BLK, D_H1), lambda i: (0, i, 0)),
            pl.BlockSpec((ROW_BLK, D_H1), lambda i: (i, 0)),
            pl.BlockSpec((ROW_BLK, 1), lambda i: (i, 0)),
            pl.BlockSpec((1, D_H1), lambda i: (0, 0)),
            pl.BlockSpec((1, 1, ROW_BLK), lambda i: (i, 0, 0)),
            pl.BlockSpec((D_H1, N_CLASSES), lambda i: (0, 0)),
            pl.BlockSpec((1, N_CLASSES), lambda i: (0, 0)),
        ],
        out_specs=pl.BlockSpec((N_GRAPHS, N_CLASSES), lambda i: (0, 0)),
        out_shape=jax.ShapeDtypeStruct((N_GRAPHS, N_CLASSES), jnp.float32),
        scratch_shapes=[
            pltpu.VMEM((N_GRAPHS, D_H1), jnp.float32),
            pltpu.VMEM((N_GRAPHS, 1), jnp.float32),
        ],
    )(aggp, h1, dis, b1r, ngi_row, wd, bdr)


def kernel(x, edge_index, node_graph_index, W0, b0, W1, b1, Wd, bd):
    edges = (edge_index.astype(jnp.int32)
             .reshape(2, NCH2, CH).transpose(1, 0, 2))
    ngi_row = node_graph_index.astype(jnp.int32).reshape(N_ROW_BLKS, 1, ROW_BLK)
    zeros1 = jnp.zeros((RPT,), jnp.float32)
    zeros64 = jnp.zeros((RPT, D_H0), jnp.bfloat16)
    zeros32 = jnp.zeros((RPT, D_H1), jnp.bfloat16)

    degp = _deg_call(edges, zeros1)
    degt = degp.reshape(NC, N_PAD).T
    h0p, dis = _tc1_call(degt, x, W0)
    agg0 = _agg_call(edges, h0p, zeros64, D_H0)
    h1p = _tc2_call(agg0, h0p, dis, b0.reshape(1, D_H0), W1)
    agg1 = _agg_call(edges, h1p, zeros32, D_H1)
    logits = _tc3_call(agg1, h1p, dis, b1.reshape(1, D_H1), ngi_row, Wd,
                       bd.reshape(1, N_CLASSES))
    return logits

# --- scband reference (transcript-rebuilt; emitter-appended) ---
"""Pipeline reference for scband-mean-pool-network-80221399154836 (READ-ONLY COPY).

The authoritative reference and input builder live on the scoring server;
editing this copy changes nothing except your own understanding.
"""

import jax, jax.numpy as jnp
import numpy as np

NUM_NODES = 10000
NUM_EDGES = 320000
D_FEAT = 128
H0 = 64
H1 = 32
NUM_GRAPHS = 256
NUM_CLASSES = 10


def setup_inputs(seed: int = 0):
    key = jax.random.key(seed)
    ks = jax.random.split(key, 10)
    x = jax.random.normal(ks[0], (NUM_NODES, D_FEAT), dtype=jnp.float32)
    edge_index = jax.random.randint(ks[1], (2, NUM_EDGES), 0, NUM_NODES, dtype=jnp.int64)
    node_graph_index = jnp.sort(jax.random.randint(ks[2], (NUM_NODES,), 0, NUM_GRAPHS, dtype=jnp.int64))
    W0 = jax.random.normal(ks[3], (D_FEAT, H0), dtype=jnp.float32) * (1.0 / np.sqrt(D_FEAT))
    b0 = jnp.zeros((H0,), dtype=jnp.float32)
    W1 = jax.random.normal(ks[4], (H0, H1), dtype=jnp.float32) * (1.0 / np.sqrt(H0))
    b1 = jnp.zeros((H1,), dtype=jnp.float32)
    Wd = jax.random.normal(ks[5], (H1, NUM_CLASSES), dtype=jnp.float32) * (1.0 / np.sqrt(H1))
    bd = jnp.zeros((NUM_CLASSES,), dtype=jnp.float32)
    return {"x": x, "edge_index": edge_index, "node_graph_index": node_graph_index,
            "W0": W0, "b0": b0, "W1": W1, "b1": b1, "Wd": Wd, "bd": bd}


def gcn_layer(x, src, dst, norm, W, b, activation=True):
    # tf_geometric GCN: h = A_hat @ (x @ W) + b, A_hat = D^-1/2 (A + I) D^-1/2
    h = x @ W
    msg = h[src] * norm[:, None]
    out = jax.ops.segment_sum(msg, dst, num_segments=x.shape[0])
    out = out + b
    if activation:
        out = jax.nn.relu(out)
    return out


def build_norm(edge_index, n_nodes, dtype):
    loop = jnp.arange(n_nodes, dtype=edge_index.dtype)
    src = jnp.concatenate([edge_index[0], loop])
    dst = jnp.concatenate([edge_index[1], loop])
    deg = jax.ops.segment_sum(jnp.ones_like(dst, dtype=dtype), dst, num_segments=n_nodes)
    deg_inv_sqrt = jnp.where(deg > 0, 1.0 / jnp.sqrt(deg), 0.0)
    norm = deg_inv_sqrt[src] * deg_inv_sqrt[dst]
    return src, dst, norm


def reference(x, edge_index, node_graph_index, W0, b0, W1, b1, Wd, bd):
    src, dst, norm = build_norm(edge_index, x.shape[0], x.dtype)
    h = gcn_layer(x, src, dst, norm, W0, b0, activation=True)
    # dropout is identity at inference (training=None)
    h = gcn_layer(h, src, dst, norm, W1, b1, activation=True)
    # mean_pool over node_graph_index
    g_sum = jax.ops.segment_sum(h, node_graph_index, num_segments=NUM_GRAPHS)
    g_cnt = jax.ops.segment_sum(jnp.ones((h.shape[0],), h.dtype), node_graph_index, num_segments=NUM_GRAPHS)
    g = g_sum / jnp.maximum(g_cnt, 1.0)[:, None]
    logits = g @ Wd + bd
    return logits

if __name__ == "__main__":
    import jax
    _d = setup_inputs()
    print(jax.jit(kernel)(*tuple(_d.values())))

</pallas_src>

<mosaic_0001>
#map = affine_map<(d0, d1) -> (0, 0, 0)>
#map1 = affine_map<(d0, d1) -> (0, 0)>
module attributes {stable_mosaic.version = 14 : i64} {
  func.func @_agg_body(%arg0: i32, %arg1: i32, %arg2: memref<2500x2x128xi32, #tpu.memory_space<hbm>>, %arg3: memref<10000x32xbf16, #tpu.memory_space<hbm>>, %arg4: memref<640x32xbf16, #tpu.memory_space<hbm>>, %arg5: memref<2x10240x32xbf16, #tpu.memory_space<hbm>>, %arg6: memref<78x2x128xi32, #tpu.memory_space<vmem>>, %arg7: memref<2x128xi32, #tpu.memory_space<vmem>>, %arg8: memref<6x128x32xbf16, #tpu.memory_space<vmem>>, %arg9: memref<640x32xbf16, #tpu.memory_space<vmem>>, %arg10: memref<10240x32xbf16, #tpu.memory_space<vmem_shared>>, %arg11: memref<10240x32xbf16, #tpu.memory_space<vmem_shared>>, %arg12: memref<6x!tpu.dma_semaphore, #tpu.memory_space<semaphore_mem>>, %arg13: memref<6x!tpu.dma_semaphore, #tpu.memory_space<semaphore_mem>>) attributes {dimension_semantics = [#tpu.dimension_semantics<core_parallel>, #tpu.dimension_semantics<subcore_parallel>], iteration_bounds = array<i64: 2, 16>, scalar_prefetch = 0 : i64, scratch_operands = 8 : i64, tpu.core_type = #tpu.core_type<sc_vector_subcore>, window_params = [{transform_indices = #map}, {transform_indices = #map1}, {transform_indices = #map1}, {transform_indices = #map}]} {
    %mul3A = arith.constant 2 : i32
    %mul3A_0 = arith.muli %arg1, %mul3A : i32
    %add3A = arith.addi %mul3A_0, %arg0 : i32
    %mul3A_1 = arith.constant 78 : i32
    %mul3A_2 = arith.muli %add3A, %mul3A_1 : i32
    "tpu.region"() ({
      %run_scoped3A = tpu.sem_alloc : memref<!tpu.dma_semaphore, #tpu.memory_space<semaphore_mem>>
      %dma_start3A_153 = arith.constant 0 : i32
      %dma_start3A_154 = arith.constant 0 : i32
      %dma_start3A_155 = tpu.memref_slice %arg2[%mul3A_2, %dma_start3A_153, %dma_start3A_154] : memref<2500x2x128xi32, #tpu.memory_space<hbm>> -> memref<78x2x128xi32, #tpu.memory_space<hbm>>
      %dma_start3A_156 = arith.constant 0 : i32
      %dma_start3A_157 = arith.constant 0 : i32
      %dma_start3A_158 = tpu.memref_slice %arg2[%mul3A_2, %dma_start3A_156, %dma_start3A_157] : memref<2500x2x128xi32, #tpu.memory_space<hbm>> -> memref<78x2x128xi32, #tpu.memory_space<hbm>>
      tpu.enqueue_dma source(%dma_start3A_158 : memref<78x2x128xi32, #tpu.memory_space<hbm>>) target(%arg6 : memref<78x2x128xi32, #tpu.memory_space<vmem>>) target_semaphore(%run_scoped3A : memref<!tpu.dma_semaphore, #tpu.memory_space<semaphore_mem>>)
      %dma_wait3A_159 = arith.constant 0 : i32
      %dma_wait3A_160 = arith.constant 0 : i32
      %dma_wait3A_161 = tpu.memref_slice %arg2[%mul3A_2, %dma_wait3A_159, %dma_wait3A_160] : memref<2500x2x128xi32, #tpu.memory_space<hbm>> -> memref<78x2x128xi32, #tpu.memory_space<hbm>>
      %dma_wait3A_162 = arith.constant 0 : i32
      %dma_wait3A_163 = arith.constant 0 : i32
      %dma_wait3A_164 = tpu.memref_slice %arg2[%mul3A_2, %dma_wait3A_162, %dma_wait3A_163] : memref<2500x2x128xi32, #tpu.memory_space<hbm>> -> memref<78x2x128xi32, #tpu.memory_space<hbm>>
      tpu.wait_dma2 semaphore(%run_scoped3A : memref<!tpu.dma_semaphore, #tpu.memory_space<semaphore_mem>>) src(%dma_wait3A_164 : memref<78x2x128xi32, #tpu.memory_space<hbm>>) dst(%arg6 : memref<78x2x128xi32, #tpu.memory_space<vmem>>)
      tpu.yield
    }) : () -> ()
    %lt3A = arith.constant 15 : i32
    %lt3A_3 = arith.cmpi slt, %arg1, %lt3A : i32
    %convert_element_type3A = arith.extui %lt3A_3 : i1 to i32
    %cond3A = arith.constant 0 : i32
    %cond3A_4 = arith.cmpi ne, %convert_element_type3A, %cond3A : i32
    scf.if %cond3A_4 {
      %mul3A_153 = arith.constant 640 : i32
      %mul3A_154 = arith.muli %arg1, %mul3A_153 : i32
      "tpu.region"() ({
        %run_scoped3A = tpu.sem_alloc : memref<!tpu.dma_semaphore, #tpu.memory_space<semaphore_mem>>
        %dma_start3A_157 = arith.constant 0 : i32
        %dma_start3A_158 = tpu.memref_slice %arg3[%mul3A_154, %dma_start3A_157] : memref<10000x32xbf16, #tpu.memory_space<hbm>> -> memref<640x32xbf16, #tpu.memory_space<hbm>>
        %dma_start3A_159 = arith.constant 0 : i32
        %dma_start3A_160 = tpu.memref_slice %arg3[%mul3A_154, %dma_start3A_159] : memref<10000x32xbf16, #tpu.memory_space<hbm>> -> memref<640x32xbf16, #tpu.memory_space<hbm>>
        tpu.enqueue_dma source(%dma_start3A_160 : memref<640x32xbf16, #tpu.memory_space<hbm>>) target(%arg9 : memref<640x32xbf16, #tpu.memory_space<vmem>>) target_semaphore(%run_scoped3A : memref<!tpu.dma_semaphore, #tpu.memory_space<semaphore_mem>>)
        %dma_wait3A_161 = arith.constant 0 : i32
        %dma_wait3A_162 = tpu.memref_slice %arg3[%mul3A_154, %dma_wait3A_161] : memref<10000x32xbf16, #tpu.memory_space<hbm>> -> memref<640x32xbf16, #tpu.memory_space<hbm>>
        %dma_wait3A_163 = arith.constant 0 : i32
        %dma_wait3A_164 = tpu.memref_slice %arg3[%mul3A_154, %dma_wait3A_163] : memref<10000x32xbf16, #tpu.memory_space<hbm>> -> memref<640x32xbf16, #tpu.memory_space<hbm>>
        tpu.wait_dma2 semaphore(%run_scoped3A : memref<!tpu.dma_semaphore, #tpu.memory_space<semaphore_mem>>) src(%dma_wait3A_164 : memref<640x32xbf16, #tpu.memory_space<hbm>>) dst(%arg9 : memref<640x32xbf16, #tpu.memory_space<vmem>>)
        tpu.yield
      }) : () -> ()
      %mul3A_155 = arith.constant 640 : i32
      %mul3A_156 = arith.muli %arg1, %mul3A_155 : i32
      "tpu.region"() ({
        %run_scoped3A = tpu.sem_alloc : memref<!tpu.dma_semaphore, #tpu.memory_space<semaphore_mem>>
        %dma_start3A_157 = arith.constant 0 : i32
        %dma_start3A_158 = tpu.memref_slice %arg11[%mul3A_156, %dma_start3A_157] : memref<10240x32xbf16, #tpu.memory_space<vmem_shared>> -> memref<640x32xbf16, #tpu.memory_space<vmem_shared>>
        %dma_start3A_159 = arith.constant 0 : i32
        %dma_start3A_160 = tpu.memref_slice %arg11[%mul3A_156, %dma_start3A_159] : memref<10240x32xbf16, #tpu.memory_space<vmem_shared>> -> memref<640x32xbf16, #tpu.memory_space<vmem_shared>>
        tpu.enqueue_dma source(%arg9 : memref<640x32xbf16, #tpu.memory_space<vmem>>) target(%dma_start3A_160 : memref<640x32xbf16, #tpu.memory_space<vmem_shared>>) target_semaphore(%run_scoped3A : memref<!tpu.dma_semaphore, #tpu.memory_space<semaphore_mem>>)
        %dma_wait3A_161 = arith.constant 0 : i32
        %dma_wait3A_162 = tpu.memref_slice %arg11[%mul3A_156, %dma_wait3A_161] : memref<10240x32xbf16, #tpu.memory_space<vmem_shared>> -> memref<640x32xbf16, #tpu.memory_space<vmem_shared>>
        %dma_wait3A_163 = arith.constant 0 : i32
        %dma_wait3A_164 = tpu.memref_slice %arg11[%mul3A_156, %dma_wait3A_163] : memref<10240x32xbf16, #tpu.memory_space<vmem_shared>> -> memref<640x32xbf16, #tpu.memory_space<vmem_shared>>
        tpu.wait_dma2 semaphore(%run_scoped3A : memref<!tpu.dma_semaphore, #tpu.memory_space<semaphore_mem>>) src(%arg9 : memref<640x32xbf16, #tpu.memory_space<vmem>>) dst(%dma_wait3A_164 : memref<640x32xbf16, #tpu.memory_space<vmem_shared>>)
        tpu.yield
      }) : () -> ()
    } else {
    }
    %eq3A = arith.constant 15 : i32
    %eq3A_5 = arith.cmpi eq, %arg1, %eq3A : i32
    %convert_element_type3A_6 = arith.extui %eq3A_5 : i1 to i32
    %cond3A_7 = arith.constant 0 : i32
    %cond3A_8 = arith.cmpi ne, %convert_element_type3A_6, %cond3A_7 : i32
    scf.if %cond3A_8 {
      "tpu.region"() ({
        %run_scoped3A = tpu.sem_alloc : memref<!tpu.dma_semaphore, #tpu.memory_space<semaphore_mem>>
        %dma_start3A_153 = arith.constant 0 : i32
        %dma_start3A_154 = arith.constant 0 : i32
        %dma_start3A_155 = tpu.memref_slice %arg9[%dma_start3A_153, %dma_start3A_154] : memref<640x32xbf16, #tpu.memory_space<vmem>> -> memref<400x32xbf16, #tpu.memory_space<vmem>>
        %dma_start3A_156 = arith.constant 9600 : i32
        %dma_start3A_157 = arith.constant 0 : i32
        %dma_start3A_158 = tpu.memref_slice %arg3[%dma_start3A_156, %dma_start3A_157] : memref<10000x32xbf16, #tpu.memory_space<hbm>> -> memref<400x32xbf16, #tpu.memory_space<hbm>>
        %dma_start3A_159 = arith.constant 0 : i32
        %dma_start3A_160 = arith.constant 0 : i32
        %dma_start3A_161 = tpu.memref_slice %arg9[%dma_start3A_159, %dma_start3A_160] : memref<640x32xbf16, #tpu.memory_space<vmem>> -> memref<400x32xbf16, #tpu.memory_space<vmem>>
        %dma_start3A_162 = arith.constant 9600 : i32
        %dma_start3A_163 = arith.constant 0 : i32
        %dma_start3A_164 = tpu.memref_slice %arg3[%dma_start3A_162, %dma_start3A_163] : memref<10000x32xbf16, #tpu.memory_space<hbm>> -> memref<400x32xbf16, #tpu.memory_space<hbm>>
        tpu.enqueue_dma source(%dma_start3A_164 : memref<400x32xbf16, #tpu.memory_space<hbm>>) target(%dma_start3A_161 : memref<400x32xbf16, #tpu.memory_space<vmem>>) target_semaphore(%run_scoped3A : memref<!tpu.dma_semaphore, #tpu.memory_space<semaphore_mem>>)
        %dma_wait3A_165 = arith.constant 0 : i32
        %dma_wait3A_166 = arith.constant 0 : i32
        %dma_wait3A_167 = tpu.memref_slice %arg9[%dma_wait3A_165, %dma_wait3A_166] : memref<640x32xbf16, #tpu.memory_space<vmem>> -> memref<400x32xbf16, #tpu.memory_space<vmem>>
        %dma_wait3A_168 = arith.constant 9600 : i32
        %dma_wait3A_169 = arith.constant 0 : i32
        %dma_wait3A_170 = tpu.memref_slice %arg3[%dma_wait3A_168, %dma_wait3A_169] : memref<10000x32xbf16, #tpu.memory_space<hbm>> -> memref<400x32xbf16, #tpu.memory_space<hbm>>
        %dma_wait3A_171 = arith.constant 0 : i32
        %dma_wait3A_172 = arith.constant 0 : i32
        %dma_wait3A_173 = tpu.memref_slice %arg9[%dma_wait3A_171, %dma_wait3A_172] : memref<640x32xbf16, #tpu.memory_space<vmem>> -> memref<400x32xbf16, #tpu.memory_space<vmem>>
        %dma_wait3A_174 = arith.constant 9600 : i32
        %dma_wait3A_175 = arith.constant 0 : i32
        %dma_wait3A_176 = tpu.memref_slice %arg3[%dma_wait3A_174, %dma_wait3A_175] : memref<10000x32xbf16, #tpu.memory_space<hbm>> -> memref<400x32xbf16, #tpu.memory_space<hbm>>
        tpu.wait_dma2 semaphore(%run_scoped3A : memref<!tpu.dma_semaphore, #tpu.memory_space<semaphore_mem>>) src(%dma_wait3A_176 : memref<400x32xbf16, #tpu.memory_space<hbm>>) dst(%dma_wait3A_173 : memref<400x32xbf16, #tpu.memory_space<vmem>>)
        tpu.yield
      }) : () -> ()
      "tpu.region"() ({
        %run_scoped3A = tpu.sem_alloc : memref<!tpu.dma_semaphore, #tpu.memory_space<semaphore_mem>>
        %dma_start3A_153 = arith.constant 0 : i32
        %dma_start3A_154 = arith.constant 0 : i32
        %dma_start3A_155 = tpu.memref_slice %arg9[%dma_start3A_153, %dma_start3A_154] : memref<640x32xbf16, #tpu.memory_space<vmem>> -> memref<400x32xbf16, #tpu.memory_space<vmem>>
        %dma_start3A_156 = arith.constant 9600 : i32
        %dma_start3A_157 = arith.constant 0 : i32
        %dma_start3A_158 = tpu.memref_slice %arg11[%dma_start3A_156, %dma_start3A_157] : memref<10240x32xbf16, #tpu.memory_space<vmem_shared>> -> memref<400x32xbf16, #tpu.memory_space<vmem_shared>>
        %dma_start3A_159 = arith.constant 9600 : i32
        %dma_start3A_160 = arith.constant 0 : i32
        %dma_start3A_161 = tpu.memref_slice %arg11[%dma_start3A_159, %dma_start3A_160] : memref<10240x32xbf16, #tpu.memory_space<vmem_shared>> -> memref<400x32xbf16, #tpu.memory_space<vmem_shared>>
        %dma_start3A_162 = arith.constant 0 : i32
        %dma_start3A_163 = arith.constant 0 : i32
        %dma_start3A_164 = tpu.memref_slice %arg9[%dma_start3A_162, %dma_start3A_163] : memref<640x32xbf16, #tpu.memory_space<vmem>> -> memref<400x32xbf16, #tpu.memory_space<vmem>>
        tpu.enqueue_dma source(%dma_start3A_164 : memref<400x32xbf16, #tpu.memory_space<vmem>>) target(%dma_start3A_161 : memref<400x32xbf16, #tpu.memory_space<vmem_shared>>) target_semaphore(%run_scoped3A : memref<!tpu.dma_semaphore, #tpu.memory_space<semaphore_mem>>)
        %dma_wait3A_165 = arith.constant 0 : i32
        %dma_wait3A_166 = arith.constant 0 : i32
        %dma_wait3A_167 = tpu.memref_slice %arg9[%dma_wait3A_165, %dma_wait3A_166] : memref<640x32xbf16, #tpu.memory_space<vmem>> -> memref<400x32xbf16, #tpu.memory_space<vmem>>
        %dma_wait3A_168 = arith.constant 9600 : i32
        %dma_wait3A_169 = arith.constant 0 : i32
        %dma_wait3A_170 = tpu.memref_slice %arg11[%dma_wait3A_168, %dma_wait3A_169] : memref<10240x32xbf16, #tpu.memory_space<vmem_shared>> -> memref<400x32xbf16, #tpu.memory_space<vmem_shared>>
        %dma_wait3A_171 = arith.constant 9600 : i32
        %dma_wait3A_172 = arith.constant 0 : i32
        %dma_wait3A_173 = tpu.memref_slice %arg11[%dma_wait3A_171, %dma_wait3A_172] : memref<10240x32xbf16, #tpu.memory_space<vmem_shared>> -> memref<400x32xbf16, #tpu.memory_space<vmem_shared>>
        %dma_wait3A_174 = arith.constant 0 : i32
        %dma_wait3A_175 = arith.constant 0 : i32
        %dma_wait3A_176 = tpu.memref_slice %arg9[%dma_wait3A_174, %dma_wait3A_175] : memref<640x32xbf16, #tpu.memory_space<vmem>> -> memref<400x32xbf16, #tpu.memory_space<vmem>>
        tpu.wait_dma2 semaphore(%run_scoped3A : memref<!tpu.dma_semaphore, #tpu.memory_space<semaphore_mem>>) src(%dma_wait3A_176 : memref<400x32xbf16, #tpu.memory_space<vmem>>) dst(%dma_wait3A_173 : memref<400x32xbf16, #tpu.memory_space<vmem_shared>>)
        tpu.yield
      }) : () -> ()
    } else {
    }
    "tpu.region"() ({
      %run_scoped3A = tpu.sem_alloc : memref<!tpu.dma_semaphore, #tpu.memory_space<semaphore_mem>>
      tpu.enqueue_dma source(%arg4 : memref<640x32xbf16, #tpu.memory_space<hbm>>) target(%arg9 : memref<640x32xbf16, #tpu.memory_space<vmem>>) target_semaphore(%run_scoped3A : memref<!tpu.dma_semaphore, #tpu.memory_space<semaphore_mem>>)
      tpu.wait_dma2 semaphore(%run_scoped3A : memref<!tpu.dma_semaphore, #tpu.memory_space<semaphore_mem>>) src(%arg4 : memref<640x32xbf16, #tpu.memory_space<hbm>>) dst(%arg9 : memref<640x32xbf16, #tpu.memory_space<vmem>>)
      tpu.yield
    }) : () -> ()
    %mul3A_9 = arith.constant 640 : i32
    %mul3A_10 = arith.muli %arg1, %mul3A_9 : i32
    "tpu.region"() ({
      %run_scoped3A = tpu.sem_alloc : memref<!tpu.dma_semaphore, #tpu.memory_space<semaphore_mem>>
      %dma_start3A_153 = arith.constant 0 : i32
      %dma_start3A_154 = tpu.memref_slice %arg10[%mul3A_10, %dma_start3A_153] : memref<10240x32xbf16, #tpu.memory_space<vmem_shared>> -> memref<640x32xbf16, #tpu.memory_space<vmem_shared>>
      %dma_start3A_155 = arith.constant 0 : i32
      %dma_start3A_156 = tpu.memref_slice %arg10[%mul3A_10, %dma_start3A_155] : memref<10240x32xbf16, #tpu.memory_space<vmem_shared>> -> memref<640x32xbf16, #tpu.memory_space<vmem_shared>>
      tpu.enqueue_dma source(%arg9 : memref<640x32xbf16, #tpu.memory_space<vmem>>) target(%dma_start3A_156 : memref<640x32xbf16, #tpu.memory_space<vmem_shared>>) target_semaphore(%run_scoped3A : memref<!tpu.dma_semaphore, #tpu.memory_space<semaphore_mem>>)
      %dma_wait3A_157 = arith.constant 0 : i32
      %dma_wait3A_158 = tpu.memref_slice %arg10[%mul3A_10, %dma_wait3A_157] : memref<10240x32xbf16, #tpu.memory_space<vmem_shared>> -> memref<640x32xbf16, #tpu.memory_space<vmem_shared>>
      %dma_wait3A_159 = arith.constant 0 : i32
      %dma_wait3A_160 = tpu.memref_slice %arg10[%mul3A_10, %dma_wait3A_159] : memref<10240x32xbf16, #tpu.memory_space<vmem_shared>> -> memref<640x32xbf16, #tpu.memory_space<vmem_shared>>
      tpu.wait_dma2 semaphore(%run_scoped3A : memref<!tpu.dma_semaphore, #tpu.memory_space<semaphore_mem>>) src(%arg9 : memref<640x32xbf16, #tpu.memory_space<vmem>>) dst(%dma_wait3A_160 : memref<640x32xbf16, #tpu.memory_space<vmem_shared>>)
      tpu.yield
    }) : () -> ()
    %barrier3A = arith.constant 0 : index
    tpu.barrier barrier_id(%barrier3A)
    %dma_start3A = arith.constant 0 : i32
    %dma_start3A_11 = arith.constant 0 : i32
    %dma_start3A_12 = arith.constant 0 : i32
    %dma_start3A_13 = arith.constant 0 : i32
    %dma_start3A_14 = arith.constant 0 : i32
    %dma_start3A_15 = arith.constant 0 : i32
    %dma_start3A_16 = tpu.memref_slice %arg8[%dma_start3A_12, %dma_start3A_14, %dma_start3A_15] : memref<6x128x32xbf16, #tpu.memory_space<vmem>> -> memref<1x128x32xbf16, #tpu.memory_space<vmem>>
    %dma_start3A_17 = tpu.memref_squeeze %dma_start3A_16 : memref<1x128x32xbf16, #tpu.memory_space<vmem>> -> memref<128x32xbf16, #tpu.memory_space<vmem>>
    %dma_start3A_18 = arith.constant 0 : i32
    %dma_start3A_19 = tpu.memref_slice %arg6[%dma_start3A, %dma_start3A_11, %dma_start3A_18] : memref<78x2x128xi32, #tpu.memory_space<vmem>> -> memref<1x1x128xi32, #tpu.memory_space<vmem>>
    %dma_start3A_20 = tpu.memref_squeeze %dma_start3A_19 : memref<1x1x128xi32, #tpu.memory_space<vmem>> -> memref<128xi32, #tpu.memory_space<vmem>>
    %dma_start3A_21 = arith.constant 0 : i32
    %dma_start3A_22 = arith.constant 0 : i32
    %dma_start3A_23 = tpu.memref_slice %arg11[%dma_start3A_21, %dma_start3A_22] : memref<10240x32xbf16, #tpu.memory_space<vmem_shared>> -> memref<10240x32xbf16, #tpu.memory_space<vmem_shared>>
    %dma_start3A_24 = tpu.memref_slice %arg12[%dma_start3A_13] : memref<6x!tpu.dma_semaphore, #tpu.memory_space<semaphore_mem>> -> memref<1x!tpu.dma_semaphore, #tpu.memory_space<semaphore_mem>>
    %dma_start3A_25 = tpu.memref_squeeze %dma_start3A_24 : memref<1x!tpu.dma_semaphore, #tpu.memory_space<semaphore_mem>> -> memref<!tpu.dma_semaphore, #tpu.memory_space<semaphore_mem>>
    tpu.enqueue_indirect_dma source(%dma_start3A_23 : memref<10240x32xbf16, #tpu.memory_space<vmem_shared>>) target(%dma_start3A_17 : memref<128x32xbf16, #tpu.memory_space<vmem>>) offsets(%dma_start3A_20 : memref<128xi32, #tpu.memory_space<vmem>>) semaphore(%dma_start3A_25 : memref<!tpu.dma_semaphore, #tpu.memory_space<semaphore_mem>>)
    %dma_start3A_26 = arith.constant 1 : i32
    %dma_start3A_27 = arith.constant 0 : i32
    %dma_start3A_28 = arith.constant 1 : i32
    %dma_start3A_29 = arith.constant 1 : i32
    %dma_start3A_30 = arith.constant 0 : i32
    %dma_start3A_31 = arith.constant 0 : i32
    %dma_start3A_32 = tpu.memref_slice %arg8[%dma_start3A_28, %dma_start3A_30, %dma_start3A_31] : memref<6x128x32xbf16, #tpu.memory_space<vmem>> -> memref<1x128x32xbf16, #tpu.memory_space<vmem>>
    %dma_start3A_33 = tpu.memref_squeeze %dma_start3A_32 : memref<1x128x32xbf16, #tpu.memory_space<vmem>> -> memref<128x32xbf16, #tpu.memory_space<vmem>>
    %dma_start3A_34 = arith.constant 0 : i32
    %dma_start3A_35 = tpu.memref_slice %arg6[%dma_start3A_26, %dma_start3A_27, %dma_start3A_34] : memref<78x2x128xi32, #tpu.memory_space<vmem>> -> memref<1x1x128xi32, #tpu.memory_space<vmem>>
    %dma_start3A_36 = tpu.memref_squeeze %dma_start3A_35 : memref<1x1x128xi32, #tpu.memory_space<vmem>> -> memref<128xi32, #tpu.memory_space<vmem>>
    %dma_start3A_37 = arith.constant 0 : i32
    %dma_start3A_38 = arith.constant 0 : i32
    %dma_start3A_39 = tpu.memref_slice %arg11[%dma_start3A_37, %dma_start3A_38] : memref<10240x32xbf16, #tpu.memory_space<vmem_shared>> -> memref<10240x32xbf16, #tpu.memory_space<vmem_shared>>
    %dma_start3A_40 = tpu.memref_slice %arg12[%dma_start3A_29] : memref<6x!tpu.dma_semaphore, #tpu.memory_space<semaphore_mem>> -> memref<1x!tpu.dma_semaphore, #tpu.memory_space<semaphore_mem>>
    %dma_start3A_41 = tpu.memref_squeeze %dma_start3A_40 : memref<1x!tpu.dma_semaphore, #tpu.memory_space<semaphore_mem>> -> memref<!tpu.dma_semaphore, #tpu.memory_space<semaphore_mem>>
    tpu.enqueue_indirect_dma source(%dma_start3A_39 : memref<10240x32xbf16, #tpu.memory_space<vmem_shared>>) target(%dma_start3A_33 : memref<128x32xbf16, #tpu.memory_space<vmem>>) offsets(%dma_start3A_36 : memref<128xi32, #tpu.memory_space<vmem>>) semaphore(%dma_start3A_41 : memref<!tpu.dma_semaphore, #tpu.memory_space<semaphore_mem>>)
    %scan3A = arith.constant 0 : i32
    %scan3A_42 = arith.constant 0 : i32
    %scan3A_43 = arith.constant 13 : i32
    %scan3A_44 = arith.addi %scan3A_42, %scan3A_43 : i32
    %scan3A_45 = arith.constant 1 : i32
    %scan3A_46 = scf.for %scan3A_153 = %scan3A_42 to %scan3A_44 step %scan3A_45 iter_args(%scan3A_154 = %scan3A) -> (i32)  : i32 {
      %mul3A_155 = arith.constant 6 : i32
      %mul3A_156 = arith.muli %scan3A_153, %mul3A_155 : i32
      %add3A_157 = arith.constant 0 : i32
      %add3A_158 = arith.addi %mul3A_156, %add3A_157 : i32
      %dma_wait3A_159 = arith.constant 0 : i32
      %dma_wait3A_160 = arith.constant 0 : i32
      %dma_wait3A_161 = arith.constant 0 : i32
      %dma_wait3A_162 = arith.constant 0 : i32
      %dma_wait3A_163 = arith.constant 0 : i32
      %dma_wait3A_164 = arith.constant 0 : i32
      %dma_wait3A_165 = tpu.memref_slice %arg8[%dma_wait3A_161, %dma_wait3A_163, %dma_wait3A_164] : memref<6x128x32xbf16, #tpu.memory_space<vmem>> -> memref<1x128x32xbf16, #tpu.memory_space<vmem>>
      %dma_wait3A_166 = tpu.memref_squeeze %dma_wait3A_165 : memref<1x128x32xbf16, #tpu.memory_space<vmem>> -> memref<128x32xbf16, #tpu.memory_space<vmem>>
      %dma_wait3A_167 = arith.constant 0 : i32
      %dma_wait3A_168 = tpu.memref_slice %arg6[%dma_wait3A_159, %dma_wait3A_160, %dma_wait3A_167] : memref<78x2x128xi32, #tpu.memory_space<vmem>> -> memref<1x1x128xi32, #tpu.memory_space<vmem>>
      %dma_wait3A_169 = tpu.memref_squeeze %dma_wait3A_168 : memref<1x1x128xi32, #tpu.memory_space<vmem>> -> memref<128xi32, #tpu.memory_space<vmem>>
      %dma_wait3A_170 = arith.constant 0 : i32
      %dma_wait3A_171 = arith.constant 0 : i32
      %dma_wait3A_172 = tpu.memref_slice %arg3[%dma_wait3A_170, %dma_wait3A_171] : memref<10000x32xbf16, #tpu.memory_space<hbm>> -> memref<10000x32xbf16, #tpu.memory_space<hbm>>
      %dma_wait3A_173 = tpu.memref_slice %arg12[%dma_wait3A_162] : memref<6x!tpu.dma_semaphore, #tpu.memory_space<semaphore_mem>> -> memref<1x!tpu.dma_semaphore, #tpu.memory_space<semaphore_mem>>
      %dma_wait3A_174 = tpu.memref_squeeze %dma_wait3A_173 : memref<1x!tpu.dma_semaphore, #tpu.memory_space<semaphore_mem>> -> memref<!tpu.dma_semaphore, #tpu.memory_space<semaphore_mem>>
      tpu.wait_indirect_dma semaphore(%dma_wait3A_174 : memref<!tpu.dma_semaphore, #tpu.memory_space<semaphore_mem>>) src(%dma_wait3A_172 : memref<10000x32xbf16, #tpu.memory_space<hbm>>) dst(%dma_wait3A_166 : memref<128x32xbf16, #tpu.memory_space<vmem>>)
      %dma_start3A_175 = arith.constant 0 : i32
      %dma_start3A_176 = arith.constant 1 : i32
      %dma_start3A_177 = arith.constant 0 : i32
      %dma_start3A_178 = arith.constant 0 : i32
      %dma_start3A_179 = arith.constant 0 : i32
      %dma_start3A_180 = tpu.memref_slice %arg8[%dma_start3A_175, %dma_start3A_178, %dma_start3A_179] : memref<6x128x32xbf16, #tpu.memory_space<vmem>> -> memref<1x128x32xbf16, #tpu.memory_space<vmem>>
      %dma_start3A_181 = tpu.memref_squeeze %dma_start3A_180 : memref<1x128x32xbf16, #tpu.memory_space<vmem>> -> memref<128x32xbf16, #tpu.memory_space<vmem>>
      %dma_start3A_182 = arith.constant 0 : i32
      %dma_start3A_183 = tpu.memref_slice %arg6[%add3A_158, %dma_start3A_176, %dma_start3A_182] : memref<78x2x128xi32, #tpu.memory_space<vmem>> -> memref<1x1x128xi32, #tpu.memory_space<vmem>>
      %dma_start3A_184 = tpu.memref_squeeze %dma_start3A_183 : memref<1x1x128xi32, #tpu.memory_space<vmem>> -> memref<128xi32, #tpu.memory_space<vmem>>
      %dma_start3A_185 = arith.constant 0 : i32
      %dma_start3A_186 = arith.constant 0 : i32
      %dma_start3A_187 = tpu.memref_slice %arg10[%dma_start3A_185, %dma_start3A_186] : memref<10240x32xbf16, #tpu.memory_space<vmem_shared>> -> memref<10240x32xbf16, #tpu.memory_space<vmem_shared>>
      %dma_start3A_188 = tpu.memref_slice %arg13[%dma_start3A_177] : memref<6x!tpu.dma_semaphore, #tpu.memory_space<semaphore_mem>> -> memref<1x!tpu.dma_semaphore, #tpu.memory_space<semaphore_mem>>
      %dma_start3A_189 = tpu.memref_squeeze %dma_start3A_188 : memref<1x!tpu.dma_semaphore, #tpu.memory_space<semaphore_mem>> -> memref<!tpu.dma_semaphore, #tpu.memory_space<semaphore_mem>>
      tpu.enqueue_indirect_dma source(%dma_start3A_181 : memref<128x32xbf16, #tpu.memory_space<vmem>>) target(%dma_start3A_187 : memref<10240x32xbf16, #tpu.memory_space<vmem_shared>>) offsets(%dma_start3A_184 : memref<128xi32, #tpu.memory_space<vmem>>) semaphore(%dma_start3A_189 : memref<!tpu.dma_semaphore, #tpu.memory_space<semaphore_mem>>) {add = true}
      %add3A_190 = arith.constant 2 : i32
      %add3A_191 = arith.addi %add3A_158, %add3A_190 : i32
      %lt3A_192 = arith.constant 78 : i32
      %lt3A_193 = arith.cmpi slt, %add3A_191, %lt3A_192 : i32
      %convert_element_type3A_194 = arith.extui %lt3A_193 : i1 to i32
      %cond3A_195 = arith.constant 0 : i32
      %cond3A_196 = arith.cmpi ne, %convert_element_type3A_194, %cond3A_195 : i32
      scf.if %cond3A_196 {
        %ge3A = arith.constant 4 : i32
        %ge3A_408 = arith.cmpi sge, %add3A_158, %ge3A : i32
        %convert_element_type3A_409 = arith.extui %ge3A_408 : i1 to i32
        %cond3A_410 = arith.constant 0 : i32
        %cond3A_411 = arith.cmpi ne, %convert_element_type3A_409, %cond3A_410 : i32
        scf.if %cond3A_411 {
          %dma_wait3A_429 = arith.constant 2 : i32
          %dma_wait3A_430 = arith.constant 0 : i32
          %dma_wait3A_431 = arith.constant 1 : i32
          %dma_wait3A_432 = arith.constant 2 : i32
          %dma_wait3A_433 = arith.constant 0 : i32
          %dma_wait3A_434 = arith.constant 0 : i32
          %dma_wait3A_435 = tpu.memref_slice %arg8[%dma_wait3A_429, %dma_wait3A_433, %dma_wait3A_434] : memref<6x128x32xbf16, #tpu.memory_space<vmem>> -> memref<1x128x32xbf16, #tpu.memory_space<vmem>>
          %dma_wait3A_436 = tpu.memref_squeeze %dma_wait3A_435 : memref<1x128x32xbf16, #tpu.memory_space<vmem>> -> memref<128x32xbf16, #tpu.memory_space<vmem>>
          %dma_wait3A_437 = arith.constant 0 : i32
          %dma_wait3A_438 = tpu.memref_slice %arg6[%dma_wait3A_430, %dma_wait3A_431, %dma_wait3A_437] : memref<78x2x128xi32, #tpu.memory_space<vmem>> -> memref<1x1x128xi32, #tpu.memory_space<vmem>>
          %dma_wait3A_439 = tpu.memref_squeeze %dma_wait3A_438 : memref<1x1x128xi32, #tpu.memory_space<vmem>> -> memref<128xi32, #tpu.memory_space<vmem>>
          %dma_wait3A_440 = arith.constant 0 : i32
          %dma_wait3A_441 = arith.constant 0 : i32
          %dma_wait3A_442 = tpu.memref_slice %arg10[%dma_wait3A_440, %dma_wait3A_441] : memref<10240x32xbf16, #tpu.memory_space<vmem_shared>> -> memref<10240x32xbf16, #tpu.memory_space<vmem_shared>>
          %dma_wait3A_443 = tpu.memref_slice %arg13[%dma_wait3A_432] : memref<6x!tpu.dma_semaphore, #tpu.memory_space<semaphore_mem>> -> memref<1x!tpu.dma_semaphore, #tpu.memory_space<semaphore_mem>>
          %dma_wait3A_444 = tpu.memref_squeeze %dma_wait3A_443 : memref<1x!tpu.dma_semaphore, #tpu.memory_space<semaphore_mem>> -> memref<!tpu.dma_semaphore, #tpu.memory_space<semaphore_mem>>
          tpu.wait_indirect_dma semaphore(%dma_wait3A_444 : memref<!tpu.dma_semaphore, #tpu.memory_space<semaphore_mem>>) src(%dma_wait3A_436 : memref<128x32xbf16, #tpu.memory_space<vmem>>) dst(%dma_wait3A_442 : memref<10240x32xbf16, #tpu.memory_space<vmem_shared>>)
        } else {
        }
        %add3A_412 = arith.constant 2 : i32
        %add3A_413 = arith.addi %add3A_158, %add3A_412 : i32
        %dma_start3A_414 = arith.constant 0 : i32
        %dma_start3A_415 = arith.constant 2 : i32
        %dma_start3A_416 = arith.constant 2 : i32
        %dma_start3A_417 = arith.constant 0 : i32
        %dma_start3A_418 = arith.constant 0 : i32
        %dma_start3A_419 = tpu.memref_slice %arg8[%dma_start3A_415, %dma_start3A_417, %dma_start3A_418] : memref<6x128x32xbf16, #tpu.memory_space<vmem>> -> memref<1x128x32xbf16, #tpu.memory_space<vmem>>
        %dma_start3A_420 = tpu.memref_squeeze %dma_start3A_419 : memref<1x128x32xbf16, #tpu.memory_space<vmem>> -> memref<128x32xbf16, #tpu.memory_space<vmem>>
        %dma_start3A_421 = arith.constant 0 : i32
        %dma_start3A_422 = tpu.memref_slice %arg6[%add3A_413, %dma_start3A_414, %dma_start3A_421] : memref<78x2x128xi32, #tpu.memory_space<vmem>> -> memref<1x1x128xi32, #tpu.memory_space<vmem>>
        %dma_start3A_423 = tpu.memref_squeeze %dma_start3A_422 : memref<1x1x128xi32, #tpu.memory_space<vmem>> -> memref<128xi32, #tpu.memory_space<vmem>>
        %dma_start3A_424 = arith.constant 0 : i32
        %dma_start3A_425 = arith.constant 0 : i32
        %dma_start3A_426 = tpu.memref_slice %arg11[%dma_start3A_424, %dma_start3A_425] : memref<10240x32xbf16, #tpu.memory_space<vmem_shared>> -> memref<10240x32xbf16, #tpu.memory_space<vmem_shared>>
        %dma_start3A_427 = tpu.memref_slice %arg12[%dma_start3A_416] : memref<6x!tpu.dma_semaphore, #tpu.memory_space<semaphore_mem>> -> memref<1x!tpu.dma_semaphore, #tpu.memory_space<semaphore_mem>>
        %dma_start3A_428 = tpu.memref_squeeze %dma_start3A_427 : memref<1x!tpu.dma_semaphore, #tpu.memory_space<semaphore_mem>> -> memref<!tpu.dma_semaphore, #tpu.memory_space<semaphore_mem>>
        tpu.enqueue_indirect_dma source(%dma_start3A_426 : memref<10240x32xbf16, #tpu.memory_space<vmem_shared>>) target(%dma_start3A_420 : memref<128x32xbf16, #tpu.memory_space<vmem>>) offsets(%dma_start3A_423 : memref<128xi32, #tpu.memory_space<vmem>>) semaphore(%dma_start3A_428 : memref<!tpu.dma_semaphore, #tpu.memory_space<semaphore_mem>>)
      } else {
      }
      %mul3A_197 = arith.constant 6 : i32
      %mul3A_198 = arith.muli %scan3A_153, %mul3A_197 : i32
      %add3A_199 = arith.constant 1 : i32
      %add3A_200 = arith.addi %mul3A_198, %add3A_199 : i32
      %dma_wait3A_201 = arith.constant 0 : i32
      %dma_wait3A_202 = arith.constant 0 : i32
      %dma_wait3A_203 = arith.constant 1 : i32
      %dma_wait3A_204 = arith.constant 1 : i32
      %dma_wait3A_205 = arith.constant 0 : i32
      %dma_wait3A_206 = arith.constant 0 : i32
      %dma_wait3A_207 = tpu.memref_slice %arg8[%dma_wait3A_203, %dma_wait3A_205, %dma_wait3A_206] : memref<6x128x32xbf16, #tpu.memory_space<vmem>> -> memref<1x128x32xbf16, #tpu.memory_space<vmem>>
      %dma_wait3A_208 = tpu.memref_squeeze %dma_wait3A_207 : memref<1x128x32xbf16, #tpu.memory_space<vmem>> -> memref<128x32xbf16, #tpu.memory_space<vmem>>
      %dma_wait3A_209 = arith.constant 0 : i32
      %dma_wait3A_210 = tpu.memref_slice %arg6[%dma_wait3A_201, %dma_wait3A_202, %dma_wait3A_209] : memref<78x2x128xi32, #tpu.memory_space<vmem>> -> memref<1x1x128xi32, #tpu.memory_space<vmem>>
      %dma_wait3A_211 = tpu.memref_squeeze %dma_wait3A_210 : memref<1x1x128xi32, #tpu.memory_space<vmem>> -> memref<128xi32, #tpu.memory_space<vmem>>
      %dma_wait3A_212 = arith.constant 0 : i32
      %dma_wait3A_213 = arith.constant 0 : i32
      %dma_wait3A_214 = tpu.memref_slice %arg3[%dma_wait3A_212, %dma_wait3A_213] : memref<10000x32xbf16, #tpu.memory_space<hbm>> -> memref<10000x32xbf16, #tpu.memory_space<hbm>>
      %dma_wait3A_215 = tpu.memref_slice %arg12[%dma_wait3A_204] : memref<6x!tpu.dma_semaphore, #tpu.memory_space<semaphore_mem>> -> memref<1x!tpu.dma_semaphore, #tpu.memory_space<semaphore_mem>>
      %dma_wait3A_216 = tpu.memref_squeeze %dma_wait3A_215 : memref<1x!tpu.dma_semaphore, #tpu.memory_space<semaphore_mem>> -> memref<!tpu.dma_semaphore, #tpu.memory_space<semaphore_mem>>
      tpu.wait_indirect_dma semaphore(%dma_wait3A_216 : memref<!tpu.dma_semaphore, #tpu.memory_space<semaphore_mem>>) src(%dma_wait3A_214 : memref<10000x32xbf16, #tpu.memory_space<hbm>>) dst(%dma_wait3A_208 : memref<128x32xbf16, #tpu.memory_space<vmem>>)
      %dma_start3A_217 = arith.constant 1 : i32
      %dma_start3A_218 = arith.constant 1 : i32
      %dma_start3A_219 = arith.constant 1 : i32
      %dma_start3A_220 = arith.constant 0 : i32
      %dma_start3A_221 = arith.constant 0 : i32
      %dma_start3A_222 = tpu.memref_slice %arg8[%dma_start3A_217, %dma_start3A_220, %dma_start3A_221] : memref<6x128x32xbf16, #tpu.memory_space<vmem>> -> memref<1x128x32xbf16, #tpu.memory_space<vmem>>
      %dma_start3A_223 = tpu.memref_squeeze %dma_start3A_222 : memref<1x128x32xbf16, #tpu.memory_space<vmem>> -> memref<128x32xbf16, #tpu.memory_space<vmem>>
      %dma_start3A_224 = arith.constant 0 : i32
      %dma_start3A_225 = tpu.memref_slice %arg6[%add3A_200, %dma_start3A_218, %dma_start3A_224] : memref<78x2x128xi32, #tpu.memory_space<vmem>> -> memref<1x1x128xi32, #tpu.memory_space<vmem>>
      %dma_start3A_226 = tpu.memref_squeeze %dma_start3A_225 : memref<1x1x128xi32, #tpu.memory_space<vmem>> -> memref<128xi32, #tpu.memory_space<vmem>>
      %dma_start3A_227 = arith.constant 0 : i32
      %dma_start3A_228 = arith.constant 0 : i32
      %dma_start3A_229 = tpu.memref_slice %arg10[%dma_start3A_227, %dma_start3A_228] : memref<10240x32xbf16, #tpu.memory_space<vmem_shared>> -> memref<10240x32xbf16, #tpu.memory_space<vmem_shared>>
      %dma_start3A_230 = tpu.memref_slice %arg13[%dma_start3A_219] : memref<6x!tpu.dma_semaphore, #tpu.memory_space<semaphore_mem>> -> memref<1x!tpu.dma_semaphore, #tpu.memory_space<semaphore_mem>>
      %dma_start3A_231 = tpu.memref_squeeze %dma_start3A_230 : memref<1x!tpu.dma_semaphore, #tpu.memory_space<semaphore_mem>> -> memref<!tpu.dma_semaphore, #tpu.memory_space<semaphore_mem>>
      tpu.enqueue_indirect_dma source(%dma_start3A_223 : memref<128x32xbf16, #tpu.memory_space<vmem>>) target(%dma_start3A_229 : memref<10240x32xbf16, #tpu.memory_space<vmem_shared>>) offsets(%dma_start3A_226 : memref<128xi32, #tpu.memory_space<vmem>>) semaphore(%dma_start3A_231 : memref<!tpu.dma_semaphore, #tpu.memory_space<semaphore_mem>>) {add = true}
      %add3A_232 = arith.constant 2 : i32
      %add3A_233 = arith.addi %add3A_200, %add3A_232 : i32
      %lt3A_234 = arith.constant 78 : i32
      %lt3A_235 = arith.cmpi slt, %add3A_233, %lt3A_234 : i32
      %convert_element_type3A_236 = arith.extui %lt3A_235 : i1 to i32
      %cond3A_237 = arith.constant 0 : i32
      %cond3A_238 = arith.cmpi ne, %convert_element_type3A_236, %cond3A_237 : i32
      scf.if %cond3A_238 {
        %ge3A = arith.constant 4 : i32
        %ge3A_408 = arith.cmpi sge, %add3A_200, %ge3A : i32
        %convert_element_type3A_409 = arith.extui %ge3A_408 : i1 to i32
        %cond3A_410 = arith.constant 0 : i32
        %cond3A_411 = arith.cmpi ne, %convert_element_type3A_409, %cond3A_410 : i32
        scf.if %cond3A_411 {
          %dma_wait3A_429 = arith.constant 3 : i32
          %dma_wait3A_430 = arith.constant 0 : i32
          %dma_wait3A_431 = arith.constant 1 : i32
          %dma_wait3A_432 = arith.constant 3 : i32
          %dma_wait3A_433 = arith.constant 0 : i32
          %dma_wait3A_434 = arith.constant 0 : i32
          %dma_wait3A_435 = tpu.memref_slice %arg8[%dma_wait3A_429, %dma_wait3A_433, %dma_wait3A_434] : memref<6x128x32xbf16, #tpu.memory_space<vmem>> -> memref<1x128x32xbf16, #tpu.memory_space<vmem>>
          %dma_wait3A_436 = tpu.memref_squeeze %dma_wait3A_435 : memref<1x128x32xbf16, #tpu.memory_space<vmem>> -> memref<128x32xbf16, #tpu.memory_space<vmem>>
          %dma_wait3A_437 = arith.constant 0 : i32
          %dma_wait3A_438 = tpu.memref_slice %arg6[%dma_wait3A_430, %dma_wait3A_431, %dma_wait3A_437] : memref<78x2x128xi32, #tpu.memory_space<vmem>> -> memref<1x1x128xi32, #tpu.memory_space<vmem>>
          %dma_wait3A_439 = tpu.memref_squeeze %dma_wait3A_438 : memref<1x1x128xi32, #tpu.memory_space<vmem>> -> memref<128xi32, #tpu.memory_space<vmem>>
          %dma_wait3A_440 = arith.constant 0 : i32
          %dma_wait3A_441 = arith.constant 0 : i32
          %dma_wait3A_442 = tpu.memref_slice %arg10[%dma_wait3A_440, %dma_wait3A_441] : memref<10240x32xbf16, #tpu.memory_space<vmem_shared>> -> memref<10240x32xbf16, #tpu.memory_space<vmem_shared>>
          %dma_wait3A_443 = tpu.memref_slice %arg13[%dma_wait3A_432] : memref<6x!tpu.dma_semaphore, #tpu.memory_space<semaphore_mem>> -> memref<1x!tpu.dma_semaphore, #tpu.memory_space<semaphore_mem>>
          %dma_wait3A_444 = tpu.memref_squeeze %dma_wait3A_443 : memref<1x!tpu.dma_semaphore, #tpu.memory_space<semaphore_mem>> -> memref<!tpu.dma_semaphore, #tpu.memory_space<semaphore_mem>>
          tpu.wait_indirect_dma semaphore(%dma_wait3A_444 : memref<!tpu.dma_semaphore, #tpu.memory_space<semaphore_mem>>) src(%dma_wait3A_436 : memref<128x32xbf16, #tpu.memory_space<vmem>>) dst(%dma_wait3A_442 : memref<10240x32xbf16, #tpu.memory_space<vmem_shared>>)
        } else {
        }
        %add3A_412 = arith.constant 2 : i32
        %add3A_413 = arith.addi %add3A_200, %add3A_412 : i32
        %dma_start3A_414 = arith.constant 0 : i32
        %dma_start3A_415 = arith.constant 3 : i32
        %dma_start3A_416 = arith.constant 3 : i32
        %dma_start3A_417 = arith.constant 0 : i32
        %dma_start3A_418 = arith.constant 0 : i32
        %dma_start3A_419 = tpu.memref_slice %arg8[%dma_start3A_415, %dma_start3A_417, %dma_start3A_418] : memref<6x128x32xbf16, #tpu.memory_space<vmem>> -> memref<1x128x32xbf16, #tpu.memory_space<vmem>>
        %dma_start3A_420 = tpu.memref_squeeze %dma_start3A_419 : memref<1x128x32xbf16, #tpu.memory_space<vmem>> -> memref<128x32xbf16, #tpu.memory_space<vmem>>
        %dma_start3A_421 = arith.constant 0 : i32
        %dma_start3A_422 = tpu.memref_slice %arg6[%add3A_413, %dma_start3A_414, %dma_start3A_421] : memref<78x2x128xi32, #tpu.memory_space<vmem>> -> memref<1x1x128xi32, #tpu.memory_space<vmem>>
        %dma_start3A_423 = tpu.memref_squeeze %dma_start3A_422 : memref<1x1x128xi32, #tpu.memory_space<vmem>> -> memref<128xi32, #tpu.memory_space<vmem>>
        %dma_start3A_424 = arith.constant 0 : i32
        %dma_start3A_425 = arith.constant 0 : i32
        %dma_start3A_426 = tpu.memref_slice %arg11[%dma_start3A_424, %dma_start3A_425] : memref<10240x32xbf16, #tpu.memory_space<vmem_shared>> -> memref<10240x32xbf16, #tpu.memory_space<vmem_shared>>
        %dma_start3A_427 = tpu.memref_slice %arg12[%dma_start3A_416] : memref<6x!tpu.dma_semaphore, #tpu.memory_space<semaphore_mem>> -> memref<1x!tpu.dma_semaphore, #tpu.memory_space<semaphore_mem>>
        %dma_start3A_428 = tpu.memref_squeeze %dma_start3A_427 : memref<1x!tpu.dma_semaphore, #tpu.memory_space<semaphore_mem>> -> memref<!tpu.dma_semaphore, #tpu.memory_space<semaphore_mem>>
        tpu.enqueue_indirect_dma source(%dma_start3A_426 : memref<10240x32xbf16, #tpu.memory_space<vmem_shared>>) target(%dma_start3A_420 : memref<128x32xbf16, #tpu.memory_space<vmem>>) offsets(%dma_start3A_423 : memref<128xi32, #tpu.memory_space<vmem>>) semaphore(%dma_start3A_428 : memref<!tpu.dma_semaphore, #tpu.memory_space<semaphore_mem>>)
      } else {
      }
      %mul3A_239 = arith.constant 6 : i32
      %mul3A_240 = arith.muli %scan3A_153, %mul3A_239 : i32
      %add3A_241 = arith.constant 2 : i32
      %add3A_242 = arith.addi %mul3A_240, %add3A_241 : i32
      %dma_wait3A_243 = arith.constant 0 : i32
      %dma_wait3A_244 = arith.constant 0 : i32
      %dma_wait3A_245 = arith.constant 2 : i32
      %dma_wait3A_246 = arith.constant 2 : i32
      %dma_wait3A_247 = arith.constant 0 : i32
      %dma_wait3A_248 = arith.constant 0 : i32
      %dma_wait3A_249 = tpu.memref_slice %arg8[%dma_wait3A_245, %dma_wait3A_247, %dma_wait3A_248] : memref<6x128x32xbf16, #tpu.memory_space<vmem>> -> memref<1x128x32xbf16, #tpu.memory_space<vmem>>
      %dma_wait3A_250 = tpu.memref_squeeze %dma_wait3A_249 : memref<1x128x32xbf16, #tpu.memory_space<vmem>> -> memref<128x32xbf16, #tpu.memory_space<vmem>>
      %dma_wait3A_251 = arith.constant 0 : i32
      %dma_wait3A_252 = tpu.memref_slice %arg6[%dma_wait3A_243, %dma_wait3A_244, %dma_wait3A_251] : memref<78x2x128xi32, #tpu.memory_space<vmem>> -> memref<1x1x128xi32, #tpu.memory_space<vmem>>
      %dma_wait3A_253 = tpu.memref_squeeze %dma_wait3A_252 : memref<1x1x128xi32, #tpu.memory_space<vmem>> -> memref<128xi32, #tpu.memory_space<vmem>>
      %dma_wait3A_254 = arith.constant 0 : i32
      %dma_wait3A_255 = arith.constant 0 : i32
      %dma_wait3A_256 = tpu.memref_slice %arg3[%dma_wait3A_254, %dma_wait3A_255] : memref<10000x32xbf16, #tpu.memory_space<hbm>> -> memref<10000x32xbf16, #tpu.memory_space<hbm>>
      %dma_wait3A_257 = tpu.memref_slice %arg12[%dma_wait3A_246] : memref<6x!tpu.dma_semaphore, #tpu.memory_space<semaphore_mem>> -> memref<1x!tpu.dma_semaphore, #tpu.memory_space<semaphore_mem>>
      %dma_wait3A_258 = tpu.memref_squeeze %dma_wait3A_257 : memref<1x!tpu.dma_semaphore, #tpu.memory_space<semaphore_mem>> -> memref<!tpu.dma_semaphore, #tpu.memory_space<semaphore_mem>>
      tpu.wait_indirect_dma semaphore(%dma_wait3A_258 : memref<!tpu.dma_semaphore, #tpu.memory_space<semaphore_mem>>) src(%dma_wait3A_256 : memref<10000x32xbf16, #tpu.memory_space<hbm>>) dst(%dma_wait3A_250 : memref<128x32xbf16, #tpu.memory_space<vmem>>)
      %dma_start3A_259 = arith.constant 2 : i32
      %dma_start3A_260 = arith.constant 1 : i32
      %dma_start3A_261 = arith.constant 2 : i32
      %dma_start3A_262 = arith.constant 0 : i32
      %dma_start3A_263 = arith.constant 0 : i32
      %dma_start3A_264 = tpu.memref_slice %arg8[%dma_start3A_259, %dma_start3A_262, %dma_start3A_263] : memref<6x128x32xbf16, #tpu.memory_space<vmem>> -> memref<1x128x32xbf16, #tpu.memory_space<vmem>>
      %dma_start3A_265 = tpu.memref_squeeze %dma_start3A_264 : memref<1x128x32xbf16, #tpu.memory_space<vmem>> -> memref<128x32xbf16, #tpu.memory_space<vmem>>
      %dma_start3A_266 = arith.constant 0 : i32
      %dma_start3A_267 = tpu.memref_slice %arg6[%add3A_242, %dma_start3A_260, %dma_start3A_266] : memref<78x2x128xi32, #tpu.memory_space<vmem>> -> memref<1x1x128xi32, #tpu.memory_space<vmem>>
      %dma_start3A_268 = tpu.memref_squeeze %dma_start3A_267 : memref<1x1x128xi32, #tpu.memory_space<vmem>> -> memref<128xi32, #tpu.memory_space<vmem>>
      %dma_start3A_269 = arith.constant 0 : i32
      %dma_start3A_270 = arith.constant 0 : i32
      %dma_start3A_271 = tpu.memref_slice %arg10[%dma_start3A_269, %dma_start3A_270] : memref<10240x32xbf16, #tpu.memory_space<vmem_shared>> -> memref<10240x32xbf16, #tpu.memory_space<vmem_shared>>
      %dma_start3A_272 = tpu.memref_slice %arg13[%dma_start3A_261] : memref<6x!tpu.dma_semaphore, #tpu.memory_space<semaphore_mem>> -> memref<1x!tpu.dma_semaphore, #tpu.memory_space<semaphore_mem>>
      %dma_start3A_273 = tpu.memref_squeeze %dma_start3A_272 : memref<1x!tpu.dma_semaphore, #tpu.memory_space<semaphore_mem>> -> memref<!tpu.dma_semaphore, #tpu.memory_space<semaphore_mem>>
      tpu.enqueue_indirect_dma source(%dma_start3A_265 : memref<128x32xbf16, #tpu.memory_space<vmem>>) target(%dma_start3A_271 : memref<10240x32xbf16, #tpu.memory_space<vmem_shared>>) offsets(%dma_start3A_268 : memref<128xi32, #tpu.memory_space<vmem>>) semaphore(%dma_start3A_273 : memref<!tpu.dma_semaphore, #tpu.memory_space<semaphore_mem>>) {add = true}
      %add3A_274 = arith.constant 2 : i32
      %add3A_275 = arith.addi %add3A_242, %add3A_274 : i32
      %lt3A_276 = arith.constant 78 : i32
      %lt3A_277 = arith.cmpi slt, %add3A_275, %lt3A_276 : i32
      %convert_element_type3A_278 = arith.extui %lt3A_277 : i1 to i32
      %cond3A_279 = arith.constant 0 : i32
      %cond3A_280 = arith.cmpi ne, %convert_element_type3A_278, %cond3A_279 : i32
      scf.if %cond3A_280 {
        %ge3A = arith.constant 4 : i32
        %ge3A_408 = arith.cmpi sge, %add3A_242, %ge3A : i32
        %convert_element_type3A_409 = arith.extui %ge3A_408 : i1 to i32
        %cond3A_410 = arith.constant 0 : i32
        %cond3A_411 = arith.cmpi ne, %convert_element_type3A_409, %cond3A_410 : i32
        scf.if %cond3A_411 {
          %dma_wait3A_429 = arith.constant 4 : i32
          %dma_wait3A_430 = arith.constant 0 : i32
          %dma_wait3A_431 = arith.constant 1 : i32
          %dma_wait3A_432 = arith.constant 4 : i32
          %dma_wait3A_433 = arith.constant 0 : i32
          %dma_wait3A_434 = arith.constant 0 : i32
          %dma_wait3A_435 = tpu.memref_slice %arg8[%dma_wait3A_429, %dma_wait3A_433, %dma_wait3A_434] : memref<6x128x32xbf16, #tpu.memory_space<vmem>> -> memref<1x128x32xbf16, #tpu.memory_space<vmem>>
          %dma_wait3A_436 = tpu.memref_squeeze %dma_wait3A_435 : memref<1x128x32xbf16, #tpu.memory_space<vmem>> -> memref<128x32xbf16, #tpu.memory_space<vmem>>
          %dma_wait3A_437 = arith.constant 0 : i32
          %dma_wait3A_438 = tpu.memref_slice %arg6[%dma_wait3A_430, %dma_wait3A_431, %dma_wait3A_437] : memref<78x2x128xi32, #tpu.memory_space<vmem>> -> memref<1x1x128xi32, #tpu.memory_space<vmem>>
          %dma_wait3A_439 = tpu.memref_squeeze %dma_wait3A_438 : memref<1x1x128xi32, #tpu.memory_space<vmem>> -> memref<128xi32, #tpu.memory_space<vmem>>
          %dma_wait3A_440 = arith.constant 0 : i32
          %dma_wait3A_441 = arith.constant 0 : i32
          %dma_wait3A_442 = tpu.memref_slice %arg10[%dma_wait3A_440, %dma_wait3A_441] : memref<10240x32xbf16, #tpu.memory_space<vmem_shared>> -> memref<10240x32xbf16, #tpu.memory_space<vmem_shared>>
          %dma_wait3A_443 = tpu.memref_slice %arg13[%dma_wait3A_432] : memref<6x!tpu.dma_semaphore, #tpu.memory_space<semaphore_mem>> -> memref<1x!tpu.dma_semaphore, #tpu.memory_space<semaphore_mem>>
          %dma_wait3A_444 = tpu.memref_squeeze %dma_wait3A_443 : memref<1x!tpu.dma_semaphore, #tpu.memory_space<semaphore_mem>> -> memref<!tpu.dma_semaphore, #tpu.memory_space<semaphore_mem>>
          tpu.wait_indirect_dma semaphore(%dma_wait3A_444 : memref<!tpu.dma_semaphore, #tpu.memory_space<semaphore_mem>>) src(%dma_wait3A_436 : memref<128x32xbf16, #tpu.memory_space<vmem>>) dst(%dma_wait3A_442 : memref<10240x32xbf16, #tpu.memory_space<vmem_shared>>)
        } else {
        }
        %add3A_412 = arith.constant 2 : i32
        %add3A_413 = arith.addi %add3A_242, %add3A_412 : i32
        %dma_start3A_414 = arith.constant 0 : i32
        %dma_start3A_415 = arith.constant 4 : i32
        %dma_start3A_416 = arith.constant 4 : i32
        %dma_start3A_417 = arith.constant 0 : i32
        %dma_start3A_418 = arith.constant 0 : i32
        %dma_start3A_419 = tpu.memref_slice %arg8[%dma_start3A_415, %dma_start3A_417, %dma_start3A_418] : memref<6x128x32xbf16, #tpu.memory_space<vmem>> -> memref<1x128x32xbf16, #tpu.memory_space<vmem>>
        %dma_start3A_420 = tpu.memref_squeeze %dma_start3A_419 : memref<1x128x32xbf16, #tpu.memory_space<vmem>> -> memref<128x32xbf16, #tpu.memory_space<vmem>>
        %dma_start3A_421 = arith.constant 0 : i32
        %dma_start3A_422 = tpu.memref_slice %arg6[%add3A_413, %dma_start3A_414, %dma_start3A_421] : memref<78x2x128xi32, #tpu.memory_space<vmem>> -> memref<1x1x128xi32, #tpu.memory_space<vmem>>
        %dma_start3A_423 = tpu.memref_squeeze %dma_start3A_422 : memref<1x1x128xi32, #tpu.memory_space<vmem>> -> memref<128xi32, #tpu.memory_space<vmem>>
        %dma_start3A_424 = arith.constant 0 : i32
        %dma_start3A_425 = arith.constant 0 : i32
        %dma_start3A_426 = tpu.memref_slice %arg11[%dma_start3A_424, %dma_start3A_425] : memref<10240x32xbf16, #tpu.memory_space<vmem_shared>> -> memref<10240x32xbf16, #tpu.memory_space<vmem_shared>>
        %dma_start3A_427 = tpu.memref_slice %arg12[%dma_start3A_416] : memref<6x!tpu.dma_semaphore, #tpu.memory_space<semaphore_mem>> -> memref<1x!tpu.dma_semaphore, #tpu.memory_space<semaphore_mem>>
        %dma_start3A_428 = tpu.memref_squeeze %dma_start3A_427 : memref<1x!tpu.dma_semaphore, #tpu.memory_space<semaphore_mem>> -> memref<!tpu.dma_semaphore, #tpu.memory_space<semaphore_mem>>
        tpu.enqueue_indirect_dma source(%dma_start3A_426 : memref<10240x32xbf16, #tpu.memory_space<vmem_shared>>) target(%dma_start3A_420 : memref<128x32xbf16, #tpu.memory_space<vmem>>) offsets(%dma_start3A_423 : memref<128xi32, #tpu.memory_space<vmem>>) semaphore(%dma_start3A_428 : memref<!tpu.dma_semaphore, #tpu.memory_space<semaphore_mem>>)
      } else {
      }
      %mul3A_281 = arith.constant 6 : i32
      %mul3A_282 = arith.muli %scan3A_153, %mul3A_281 : i32
      %add3A_283 = arith.constant 3 : i32
      %add3A_284 = arith.addi %mul3A_282, %add3A_283 : i32
      %dma_wait3A_285 = arith.constant 0 : i32
      %dma_wait3A_286 = arith.constant 0 : i32
      %dma_wait3A_287 = arith.constant 3 : i32
      %dma_wait3A_288 = arith.constant 3 : i32
      %dma_wait3A_289 = arith.constant 0 : i32
      %dma_wait3A_290 = arith.constant 0 : i32
      %dma_wait3A_291 = tpu.memref_slice %arg8[%dma_wait3A_287, %dma_wait3A_289, %dma_wait3A_290] : memref<6x128x32xbf16, #tpu.memory_space<vmem>> -> memref<1x128x32xbf16, #tpu.memory_space<vmem>>
      %dma_wait3A_292 = tpu.memref_squeeze %dma_wait3A_291 : memref<1x128x32xbf16, #tpu.memory_space<vmem>> -> memref<128x32xbf16, #tpu.memory_space<vmem>>
      %dma_wait3A_293 = arith.constant 0 : i32
      %dma_wait3A_294 = tpu.memref_slice %arg6[%dma_wait3A_285, %dma_wait3A_286, %dma_wait3A_293] : memref<78x2x128xi32, #tpu.memory_space<vmem>> -> memref<1x1x128xi32, #tpu.memory_space<vmem>>
      %dma_wait3A_295 = tpu.memref_squeeze %dma_wait3A_294 : memref<1x1x128xi32, #tpu.memory_space<vmem>> -> memref<128xi32, #tpu.memory_space<vmem>>
      %dma_wait3A_296 = arith.constant 0 : i32
      %dma_wait3A_297 = arith.constant 0 : i32
      %dma_wait3A_298 = tpu.memref_slice %arg3[%dma_wait3A_296, %dma_wait3A_297] : memref<10000x32xbf16, #tpu.memory_space<hbm>> -> memref<10000x32xbf16, #tpu.memory_space<hbm>>
      %dma_wait3A_299 = tpu.memref_slice %arg12[%dma_wait3A_288] : memref<6x!tpu.dma_semaphore, #tpu.memory_space<semaphore_mem>> -> memref<1x!tpu.dma_semaphore, #tpu.memory_space<semaphore_mem>>
      %dma_wait3A_300 = tpu.memref_squeeze %dma_wait3A_299 : memref<1x!tpu.dma_semaphore, #tpu.memory_space<semaphore_mem>> -> memref<!tpu.dma_semaphore, #tpu.memory_space<semaphore_mem>>
      tpu.wait_indirect_dma semaphore(%dma_wait3A_300 : memref<!tpu.dma_semaphore, #tpu.memory_space<semaphore_mem>>) src(%dma_wait3A_298 : memref<10000x32xbf16, #tpu.memory_space<hbm>>) dst(%dma_wait3A_292 : memref<128x32xbf16, #tpu.memory_space<vmem>>)
      %dma_start3A_301 = arith.constant 3 : i32
      %dma_start3A_302 = arith.constant 1 : i32
      %dma_start3A_303 = arith.constant 3 : i32
      %dma_start3A_304 = arith.constant 0 : i32
      %dma_start3A_305 = arith.constant 0 : i32
      %dma_start3A_306 = tpu.memref_slice %arg8[%dma_start3A_301, %dma_start3A_304, %dma_start3A_305] : memref<6x128x32xbf16, #tpu.memory_space<vmem>> -> memref<1x128x32xbf16, #tpu.memory_space<vmem>>
      %dma_start3A_307 = tpu.memref_squeeze %dma_start3A_306 : memref<1x128x32xbf16, #tpu.memory_space<vmem>> -> memref<128x32xbf16, #tpu.memory_space<vmem>>
      %dma_start3A_308 = arith.constant 0 : i32
      %dma_start3A_309 = tpu.memref_slice %arg6[%add3A_284, %dma_start3A_302, %dma_start3A_308] : memref<78x2x128xi32, #tpu.memory_space<vmem>> -> memref<1x1x128xi32, #tpu.memory_space<vmem>>
      %dma_start3A_310 = tpu.memref_squeeze %dma_start3A_309 : memref<1x1x128xi32, #tpu.memory_space<vmem>> -> memref<128xi32, #tpu.memory_space<vmem>>
      %dma_start3A_311 = arith.constant 0 : i32
      %dma_start3A_312 = arith.constant 0 : i32
      %dma_start3A_313 = tpu.memref_slice %arg10[%dma_start3A_311, %dma_start3A_312] : memref<10240x32xbf16, #tpu.memory_space<vmem_shared>> -> memref<10240x32xbf16, #tpu.memory_space<vmem_shared>>
      %dma_start3A_314 = tpu.memref_slice %arg13[%dma_start3A_303] : memref<6x!tpu.dma_semaphore, #tpu.memory_space<semaphore_mem>> -> memref<1x!tpu.dma_semaphore, #tpu.memory_space<semaphore_mem>>
      %dma_start3A_315 = tpu.memref_squeeze %dma_start3A_314 : memref<1x!tpu.dma_semaphore, #tpu.memory_space<semaphore_mem>> -> memref<!tpu.dma_semaphore, #tpu.memory_space<semaphore_mem>>
      tpu.enqueue_indirect_dma source(%dma_start3A_307 : memref<128x32xbf16, #tpu.memory_space<vmem>>) target(%dma_start3A_313 : memref<10240x32xbf16, #tpu.memory_space<vmem_shared>>) offsets(%dma_start3A_310 : memref<128xi32, #tpu.memory_space<vmem>>) semaphore(%dma_start3A_315 : memref<!tpu.dma_semaphore, #tpu.memory_space<semaphore_mem>>) {add = true}
      %add3A_316 = arith.constant 2 : i32
      %add3A_317 = arith.addi %add3A_284, %add3A_316 : i32
      %lt3A_318 = arith.constant 78 : i32
      %lt3A_319 = arith.cmpi slt, %add3A_317, %lt3A_318 : i32
      %convert_element_type3A_320 = arith.extui %lt3A_319 : i1 to i32
      %cond3A_321 = arith.constant 0 : i32
      %cond3A_322 = arith.cmpi ne, %convert_element_type3A_320, %cond3A_321 : i32
      scf.if %cond3A_322 {
        %ge3A = arith.constant 4 : i32
        %ge3A_408 = arith.cmpi sge, %add3A_284, %ge3A : i32
        %convert_element_type3A_409 = arith.extui %ge3A_408 : i1 to i32
        %cond3A_410 = arith.constant 0 : i32
        %cond3A_411 = arith.cmpi ne, %convert_element_type3A_409, %cond3A_410 : i32
        scf.if %cond3A_411 {
          %dma_wait3A_429 = arith.constant 5 : i32
          %dma_wait3A_430 = arith.constant 0 : i32
          %dma_wait3A_431 = arith.constant 1 : i32
          %dma_wait3A_432 = arith.constant 5 : i32
          %dma_wait3A_433 = arith.constant 0 : i32
          %dma_wait3A_434 = arith.constant 0 : i32
          %dma_wait3A_435 = tpu.memref_slice %arg8[%dma_wait3A_429, %dma_wait3A_433, %dma_wait3A_434] : memref<6x128x32xbf16, #tpu.memory_space<vmem>> -> memref<1x128x32xbf16, #tpu.memory_space<vmem>>
          %dma_wait3A_436 = tpu.memref_squeeze %dma_wait3A_435 : memref<1x128x32xbf16, #tpu.memory_space<vmem>> -> memref<128x32xbf16, #tpu.memory_space<vmem>>
          %dma_wait3A_437 = arith.constant 0 : i32
          %dma_wait3A_438 = tpu.memref_slice %arg6[%dma_wait3A_430, %dma_wait3A_431, %dma_wait3A_437] : memref<78x2x128xi32, #tpu.memory_space<vmem>> -> memref<1x1x128xi32, #tpu.memory_space<vmem>>
          %dma_wait3A_439 = tpu.memref_squeeze %dma_wait3A_438 : memref<1x1x128xi32, #tpu.memory_space<vmem>> -> memref<128xi32, #tpu.memory_space<vmem>>
          %dma_wait3A_440 = arith.constant 0 : i32
          %dma_wait3A_441 = arith.constant 0 : i32
          %dma_wait3A_442 = tpu.memref_slice %arg10[%dma_wait3A_440, %dma_wait3A_441] : memref<10240x32xbf16, #tpu.memory_space<vmem_shared>> -> memref<10240x32xbf16, #tpu.memory_space<vmem_shared>>
          %dma_wait3A_443 = tpu.memref_slice %arg13[%dma_wait3A_432] : memref<6x!tpu.dma_semaphore, #tpu.memory_space<semaphore_mem>> -> memref<1x!tpu.dma_semaphore, #tpu.memory_space<semaphore_mem>>
          %dma_wait3A_444 = tpu.memref_squeeze %dma_wait3A_443 : memref<1x!tpu.dma_semaphore, #tpu.memory_space<semaphore_mem>> -> memref<!tpu.dma_semaphore, #tpu.memory_space<semaphore_mem>>
          tpu.wait_indirect_dma semaphore(%dma_wait3A_444 : memref<!tpu.dma_semaphore, #tpu.memory_space<semaphore_mem>>) src(%dma_wait3A_436 : memref<128x32xbf16, #tpu.memory_space<vmem>>) dst(%dma_wait3A_442 : memref<10240x32xbf16, #tpu.memory_space<vmem_shared>>)
        } else {
        }
        %add3A_412 = arith.constant 2 : i32
        %add3A_413 = arith.addi %add3A_284, %add3A_412 : i32
        %dma_start3A_414 = arith.constant 0 : i32
        %dma_start3A_415 = arith.constant 5 : i32
        %dma_start3A_416 = arith.constant 5 : i32
        %dma_start3A_417 = arith.constant 0 : i32
        %dma_start3A_418 = arith.constant 0 : i32
        %dma_start3A_419 = tpu.memref_slice %arg8[%dma_start3A_415, %dma_start3A_417, %dma_start3A_418] : memref<6x128x32xbf16, #tpu.memory_space<vmem>> -> memref<1x128x32xbf16, #tpu.memory_space<vmem>>
        %dma_start3A_420 = tpu.memref_squeeze %dma_start3A_419 : memref<1x128x32xbf16, #tpu.memory_space<vmem>> -> memref<128x32xbf16, #tpu.memory_space<vmem>>
        %dma_start3A_421 = arith.constant 0 : i32
        %dma_start3A_422 = tpu.memref_slice %arg6[%add3A_413, %dma_start3A_414, %dma_start3A_421] : memref<78x2x128xi32, #tpu.memory_space<vmem>> -> memref<1x1x128xi32, #tpu.memory_space<vmem>>
        %dma_start3A_423 = tpu.memref_squeeze %dma_start3A_422 : memref<1x1x128xi32, #tpu.memory_space<vmem>> -> memref<128xi32, #tpu.memory_space<vmem>>
        %dma_start3A_424 = arith.constant 0 : i32
        %dma_start3A_425 = arith.constant 0 : i32
        %dma_start3A_426 = tpu.memref_slice %arg11[%dma_start3A_424, %dma_start3A_425] : memref<10240x32xbf16, #tpu.memory_space<vmem_shared>> -> memref<10240x32xbf16, #tpu.memory_space<vmem_shared>>
        %dma_start3A_427 = tpu.memref_slice %arg12[%dma_start3A_416] : memref<6x!tpu.dma_semaphore, #tpu.memory_space<semaphore_mem>> -> memref<1x!tpu.dma_semaphore, #tpu.memory_space<semaphore_mem>>
        %dma_start3A_428 = tpu.memref_squeeze %dma_start3A_427 : memref<1x!tpu.dma_semaphore, #tpu.memory_space<semaphore_mem>> -> memref<!tpu.dma_semaphore, #tpu.memory_space<semaphore_mem>>
        tpu.enqueue_indirect_dma source(%dma_start3A_426 : memref<10240x32xbf16, #tpu.memory_space<vmem_shared>>) target(%dma_start3A_420 : memref<128x32xbf16, #tpu.memory_space<vmem>>) offsets(%dma_start3A_423 : memref<128xi32, #tpu.memory_space<vmem>>) semaphore(%dma_start3A_428 : memref<!tpu.dma_semaphore, #tpu.memory_space<semaphore_mem>>)
      } else {
      }
      %mul3A_323 = arith.constant 6 : i32
      %mul3A_324 = arith.muli %scan3A_153, %mul3A_323 : i32
      %add3A_325 = arith.constant 4 : i32
      %add3A_326 = arith.addi %mul3A_324, %add3A_325 : i32
      %dma_wait3A_327 = arith.constant 0 : i32
      %dma_wait3A_328 = arith.constant 0 : i32
      %dma_wait3A_329 = arith.constant 4 : i32
      %dma_wait3A_330 = arith.constant 4 : i32
      %dma_wait3A_331 = arith.constant 0 : i32
      %dma_wait3A_332 = arith.constant 0 : i32
      %dma_wait3A_333 = tpu.memref_slice %arg8[%dma_wait3A_329, %dma_wait3A_331, %dma_wait3A_332] : memref<6x128x32xbf16, #tpu.memory_space<vmem>> -> memref<1x128x32xbf16, #tpu.memory_space<vmem>>
      %dma_wait3A_334 = tpu.memref_squeeze %dma_wait3A_333 : memref<1x128x32xbf16, #tpu.memory_space<vmem>> -> memref<128x32xbf16, #tpu.memory_space<vmem>>
      %dma_wait3A_335 = arith.constant 0 : i32
      %dma_wait3A_336 = tpu.memref_slice %arg6[%dma_wait3A_327, %dma_wait3A_328, %dma_wait3A_335] : memref<78x2x128xi32, #tpu.memory_space<vmem>> -> memref<1x1x128xi32, #tpu.memory_space<vmem>>
      %dma_wait3A_337 = tpu.memref_squeeze %dma_wait3A_336 : memref<1x1x128xi32, #tpu.memory_space<vmem>> -> memref<128xi32, #tpu.memory_space<vmem>>
      %dma_wait3A_338 = arith.constant 0 : i32
      %dma_wait3A_339 = arith.constant 0 : i32
      %dma_wait3A_340 = tpu.memref_slice %arg3[%dma_wait3A_338, %dma_wait3A_339] : memref<10000x32xbf16, #tpu.memory_space<hbm>> -> memref<10000x32xbf16, #tpu.memory_space<hbm>>
      %dma_wait3A_341 = tpu.memref_slice %arg12[%dma_wait3A_330] : memref<6x!tpu.dma_semaphore, #tpu.memory_space<semaphore_mem>> -> memref<1x!tpu.dma_semaphore, #tpu.memory_space<semaphore_mem>>
      %dma_wait3A_342 = tpu.memref_squeeze %dma_wait3A_341 : memref<1x!tpu.dma_semaphore, #tpu.memory_space<semaphore_mem>> -> memref<!tpu.dma_semaphore, #tpu.memory_space<semaphore_mem>>
      tpu.wait_indirect_dma semaphore(%dma_wait3A_342 : memref<!tpu.dma_semaphore, #tpu.memory_space<semaphore_mem>>) src(%dma_wait3A_340 : memref<10000x32xbf16, #tpu.memory_space<hbm>>) dst(%dma_wait3A_334 : memref<128x32xbf16, #tpu.memory_space<vmem>>)
      %dma_start3A_343 = arith.constant 4 : i32
      %dma_start3A_344 = arith.constant 1 : i32
      %dma_start3A_345 = arith.constant 4 : i32
      %dma_start3A_346 = arith.constant 0 : i32
      %dma_start3A_347 = arith.constant 0 : i32
      %dma_start3A_348 = tpu.memref_slice %arg8[%dma_start3A_343, %dma_start3A_346, %dma_start3A_347] : memref<6x128x32xbf16, #tpu.memory_space<vmem>> -> memref<1x128x32xbf16, #tpu.memory_space<vmem>>
      %dma_start3A_349 = tpu.memref_squeeze %dma_start3A_348 : memref<1x128x32xbf16, #tpu.memory_space<vmem>> -> memref<128x32xbf16, #tpu.memory_space<vmem>>
      %dma_start3A_350 = arith.constant 0 : i32
      %dma_start3A_351 = tpu.memref_slice %arg6[%add3A_326, %dma_start3A_344, %dma_start3A_350] : memref<78x2x128xi32, #tpu.memory_space<vmem>> -> memref<1x1x128xi32, #tpu.memory_space<vmem>>
      %dma_start3A_352 = tpu.memref_squeeze %dma_start3A_351 : memref<1x1x128xi32, #tpu.memory_space<vmem>> -> memref<128xi32, #tpu.memory_space<vmem>>
      %dma_start3A_353 = arith.constant 0 : i32
      %dma_start3A_354 = arith.constant 0 : i32
      %dma_start3A_355 = tpu.memref_slice %arg10[%dma_start3A_353, %dma_start3A_354] : memref<10240x32xbf16, #tpu.memory_space<vmem_shared>> -> memref<10240x32xbf16, #tpu.memory_space<vmem_shared>>
      %dma_start3A_356 = tpu.memref_slice %arg13[%dma_start3A_345] : memref<6x!tpu.dma_semaphore, #tpu.memory_space<semaphore_mem>> -> memref<1x!tpu.dma_semaphore, #tpu.memory_space<semaphore_mem>>
      %dma_start3A_357 = tpu.memref_squeeze %dma_start3A_356 : memref<1x!tpu.dma_semaphore, #tpu.memory_space<semaphore_mem>> -> memref<!tpu.dma_semaphore, #tpu.memory_space<semaphore_mem>>
      tpu.enqueue_indirect_dma source(%dma_start3A_349 : memref<128x32xbf16, #tpu.memory_space<vmem>>) target(%dma_start3A_355 : memref<10240x32xbf16, #tpu.memory_space<vmem_shared>>) offsets(%dma_start3A_352 : memref<128xi32, #tpu.memory_space<vmem>>) semaphore(%dma_start3A_357 : memref<!tpu.dma_semaphore, #tpu.memory_space<semaphore_mem>>) {add = true}
      %add3A_358 = arith.constant 2 : i32
      %add3A_359 = arith.addi %add3A_326, %add3A_358 : i32
      %lt3A_360 = arith.constant 78 : i32
      %lt3A_361 = arith.cmpi slt, %add3A_359, %lt3A_360 : i32
      %convert_element_type3A_362 = arith.extui %lt3A_361 : i1 to i32
      %cond3A_363 = arith.constant 0 : i32
      %cond3A_364 = arith.cmpi ne, %convert_element_type3A_362, %cond3A_363 : i32
      scf.if %cond3A_364 {
        %ge3A = arith.constant 4 : i32
        %ge3A_408 = arith.cmpi sge, %add3A_326, %ge3A : i32
        %convert_element_type3A_409 = arith.extui %ge3A_408 : i1 to i32
        %cond3A_410 = arith.constant 0 : i32
        %cond3A_411 = arith.cmpi ne, %convert_element_type3A_409, %cond3A_410 : i32
        scf.if %cond3A_411 {
          %dma_wait3A_429 = arith.constant 0 : i32
          %dma_wait3A_430 = arith.constant 0 : i32
          %dma_wait3A_431 = arith.constant 1 : i32
          %dma_wait3A_432 = arith.constant 0 : i32
          %dma_wait3A_433 = arith.constant 0 : i32
          %dma_wait3A_434 = arith.constant 0 : i32
          %dma_wait3A_435 = tpu.memref_slice %arg8[%dma_wait3A_429, %dma_wait3A_433, %dma_wait3A_434] : memref<6x128x32xbf16, #tpu.memory_space<vmem>> -> memref<1x128x32xbf16, #tpu.memory_space<vmem>>
          %dma_wait3A_436 = tpu.memref_squeeze %dma_wait3A_435 : memref<1x128x32xbf16, #tpu.memory_space<vmem>> -> memref<128x32xbf16, #tpu.memory_space<vmem>>
          %dma_wait3A_437 = arith.constant 0 : i32
          %dma_wait3A_438 = tpu.memref_slice %arg6[%dma_wait3A_430, %dma_wait3A_431, %dma_wait3A_437] : memref<78x2x128xi32, #tpu.memory_space<vmem>> -> memref<1x1x128xi32, #tpu.memory_space<vmem>>
          %dma_wait3A_439 = tpu.memref_squeeze %dma_wait3A_438 : memref<1x1x128xi32, #tpu.memory_space<vmem>> -> memref<128xi32, #tpu.memory_space<vmem>>
          %dma_wait3A_440 = arith.constant 0 : i32
          %dma_wait3A_441 = arith.constant 0 : i32
          %dma_wait3A_442 = tpu.memref_slice %arg10[%dma_wait3A_440, %dma_wait3A_441] : memref<10240x32xbf16, #tpu.memory_space<vmem_shared>> -> memref<10240x32xbf16, #tpu.memory_space<vmem_shared>>
          %dma_wait3A_443 = tpu.memref_slice %arg13[%dma_wait3A_432] : memref<6x!tpu.dma_semaphore, #tpu.memory_space<semaphore_mem>> -> memref<1x!tpu.dma_semaphore, #tpu.memory_space<semaphore_mem>>
          %dma_wait3A_444 = tpu.memref_squeeze %dma_wait3A_443 : memref<1x!tpu.dma_semaphore, #tpu.memory_space<semaphore_mem>> -> memref<!tpu.dma_semaphore, #tpu.memory_space<semaphore_mem>>
          tpu.wait_indirect_dma semaphore(%dma_wait3A_444 : memref<!tpu.dma_semaphore, #tpu.memory_space<semaphore_mem>>) src(%dma_wait3A_436 : memref<128x32xbf16, #tpu.memory_space<vmem>>) dst(%dma_wait3A_442 : memref<10240x32xbf16, #tpu.memory_space<vmem_shared>>)
        } else {
        }
        %add3A_412 = arith.constant 2 : i32
        %add3A_413 = arith.addi %add3A_326, %add3A_412 : i32
        %dma_start3A_414 = arith.constant 0 : i32
        %dma_start3A_415 = arith.constant 0 : i32
        %dma_start3A_416 = arith.constant 0 : i32
        %dma_start3A_417 = arith.constant 0 : i32
        %dma_start3A_418 = arith.constant 0 : i32
        %dma_start3A_419 = tpu.memref_slice %arg8[%dma_start3A_415, %dma_start3A_417, %dma_start3A_418] : memref<6x128x32xbf16, #tpu.memory_space<vmem>> -> memref<1x128x32xbf16, #tpu.memory_space<vmem>>
        %dma_start3A_420 = tpu.memref_squeeze %dma_start3A_419 : memref<1x128x32xbf16, #tpu.memory_space<vmem>> -> memref<128x32xbf16, #tpu.memory_space<vmem>>
        %dma_start3A_421 = arith.constant 0 : i32
        %dma_start3A_422 = tpu.memref_slice %arg6[%add3A_413, %dma_start3A_414, %dma_start3A_421] : memref<78x2x128xi32, #tpu.memory_space<vmem>> -> memref<1x1x128xi32, #tpu.memory_space<vmem>>
        %dma_start3A_423 = tpu.memref_squeeze %dma_start3A_422 : memref<1x1x128xi32, #tpu.memory_space<vmem>> -> memref<128xi32, #tpu.memory_space<vmem>>
        %dma_start3A_424 = arith.constant 0 : i32
        %dma_start3A_425 = arith.constant 0 : i32
        %dma_start3A_426 = tpu.memref_slice %arg11[%dma_start3A_424, %dma_start3A_425] : memref<10240x32xbf16, #tpu.memory_space<vmem_shared>> -> memref<10240x32xbf16, #tpu.memory_space<vmem_shared>>
        %dma_start3A_427 = tpu.memref_slice %arg12[%dma_start3A_416] : memref<6x!tpu.dma_semaphore, #tpu.memory_space<semaphore_mem>> -> memref<1x!tpu.dma_semaphore, #tpu.memory_space<semaphore_mem>>
        %dma_start3A_428 = tpu.memref_squeeze %dma_start3A_427 : memref<1x!tpu.dma_semaphore, #tpu.memory_space<semaphore_mem>> -> memref<!tpu.dma_semaphore, #tpu.memory_space<semaphore_mem>>
        tpu.enqueue_indirect_dma source(%dma_start3A_426 : memref<10240x32xbf16, #tpu.memory_space<vmem_shared>>) target(%dma_start3A_420 : memref<128x32xbf16, #tpu.memory_space<vmem>>) offsets(%dma_start3A_423 : memref<128xi32, #tpu.memory_space<vmem>>) semaphore(%dma_start3A_428 : memref<!tpu.dma_semaphore, #tpu.memory_space<semaphore_mem>>)
      } else {
      }
      %mul3A_365 = arith.constant 6 : i32
      %mul3A_366 = arith.muli %scan3A_153, %mul3A_365 : i32
      %add3A_367 = arith.constant 5 : i32
      %add3A_368 = arith.addi %mul3A_366, %add3A_367 : i32
      %dma_wait3A_369 = arith.constant 0 : i32
      %dma_wait3A_370 = arith.constant 0 : i32
      %dma_wait3A_371 = arith.constant 5 : i32
      %dma_wait3A_372 = arith.constant 5 : i32
      %dma_wait3A_373 = arith.constant 0 : i32
      %dma_wait3A_374 = arith.constant 0 : i32
      %dma_wait3A_375 = tpu.memref_slice %arg8[%dma_wait3A_371, %dma_wait3A_373, %dma_wait3A_374] : memref<6x128x32xbf16, #tpu.memory_space<vmem>> -> memref<1x128x32xbf16, #tpu.memory_space<vmem>>
      %dma_wait3A_376 = tpu.memref_squeeze %dma_wait3A_375 : memref<1x128x32xbf16, #tpu.memory_space<vmem>> -> memref<128x32xbf16, #tpu.memory_space<vmem>>
      %dma_wait3A_377 = arith.constant 0 : i32
      %dma_wait3A_378 = tpu.memref_slice %arg6[%dma_wait3A_369, %dma_wait3A_370, %dma_wait3A_377] : memref<78x2x128xi32, #tpu.memory_space<vmem>> -> memref<1x1x128xi32, #tpu.memory_space<vmem>>
      %dma_wait3A_379 = tpu.memref_squeeze %dma_wait3A_378 : memref<1x1x128xi32, #tpu.memory_space<vmem>> -> memref<128xi32, #tpu.memory_space<vmem>>
      %dma_wait3A_380 = arith.constant 0 : i32
      %dma_wait3A_381 = arith.constant 0 : i32
      %dma_wait3A_382 = tpu.memref_slice %arg3[%dma_wait3A_380, %dma_wait3A_381] : memref<10000x32xbf16, #tpu.memory_space<hbm>> -> memref<10000x32xbf16, #tpu.memory_space<hbm>>
      %dma_wait3A_383 = tpu.memref_slice %arg12[%dma_wait3A_372] : memref<6x!tpu.dma_semaphore, #tpu.memory_space<semaphore_mem>> -> memref<1x!tpu.dma_semaphore, #tpu.memory_space<semaphore_mem>>
      %dma_wait3A_384 = tpu.memref_squeeze %dma_wait3A_383 : memref<1x!tpu.dma_semaphore, #tpu.memory_space<semaphore_mem>> -> memref<!tpu.dma_semaphore, #tpu.memory_space<semaphore_mem>>
      tpu.wait_indirect_dma semaphore(%dma_wait3A_384 : memref<!tpu.dma_semaphore, #tpu.memory_space<semaphore_mem>>) src(%dma_wait3A_382 : memref<10000x32xbf16, #tpu.memory_space<hbm>>) dst(%dma_wait3A_376 : memref<128x32xbf16, #tpu.memory_space<vmem>>)
      %dma_start3A_385 = arith.constant 5 : i32
      %dma_start3A_386 = arith.constant 1 : i32
      %dma_start3A_387 = arith.constant 5 : i32
      %dma_start3A_388 = arith.constant 0 : i32
      %dma_start3A_389 = arith.constant 0 : i32
      %dma_start3A_390 = tpu.memref_slice %arg8[%dma_start3A_385, %dma_start3A_388, %dma_start3A_389] : memref<6x128x32xbf16, #tpu.memory_space<vmem>> -> memref<1x128x32xbf16, #tpu.memory_space<vmem>>
      %dma_start3A_391 = tpu.memref_squeeze %dma_start3A_390 : memref<1x128x32xbf16, #tpu.memory_space<vmem>> -> memref<128x32xbf16, #tpu.memory_space<vmem>>
      %dma_start3A_392 = arith.constant 0 : i32
      %dma_start3A_393 = tpu.memref_slice %arg6[%add3A_368, %dma_start3A_386, %dma_start3A_392] : memref<78x2x128xi32, #tpu.memory_space<vmem>> -> memref<1x1x128xi32, #tpu.memory_space<vmem>>
      %dma_start3A_394 = tpu.memref_squeeze %dma_start3A_393 : memref<1x1x128xi32, #tpu.memory_space<vmem>> -> memref<128xi32, #tpu.memory_space<vmem>>
      %dma_start3A_395 = arith.constant 0 : i32
      %dma_start3A_396 = arith.constant 0 : i32
      %dma_start3A_397 = tpu.memref_slice %arg10[%dma_start3A_395, %dma_start3A_396] : memref<10240x32xbf16, #tpu.memory_space<vmem_shared>> -> memref<10240x32xbf16, #tpu.memory_space<vmem_shared>>
      %dma_start3A_398 = tpu.memref_slice %arg13[%dma_start3A_387] : memref<6x!tpu.dma_semaphore, #tpu.memory_space<semaphore_mem>> -> memref<1x!tpu.dma_semaphore, #tpu.memory_space<semaphore_mem>>
      %dma_start3A_399 = tpu.memref_squeeze %dma_start3A_398 : memref<1x!tpu.dma_semaphore, #tpu.memory_space<semaphore_mem>> -> memref<!tpu.dma_semaphore, #tpu.memory_space<semaphore_mem>>
      tpu.enqueue_indirect_dma source(%dma_start3A_391 : memref<128x32xbf16, #tpu.memory_space<vmem>>) target(%dma_start3A_397 : memref<10240x32xbf16, #tpu.memory_space<vmem_shared>>) offsets(%dma_start3A_394 : memref<128xi32, #tpu.memory_space<vmem>>) semaphore(%dma_start3A_399 : memref<!tpu.dma_semaphore, #tpu.memory_space<semaphore_mem>>) {add = true}
      %add3A_400 = arith.constant 2 : i32
      %add3A_401 = arith.addi %add3A_368, %add3A_400 : i32
      %lt3A_402 = arith.constant 78 : i32
      %lt3A_403 = arith.cmpi slt, %add3A_401, %lt3A_402 : i32
      %convert_element_type3A_404 = arith.extui %lt3A_403 : i1 to i32
      %cond3A_405 = arith.constant 0 : i32
      %cond3A_406 = arith.cmpi ne, %convert_element_type3A_404, %cond3A_405 : i32
      scf.if %cond3A_406 {
        %ge3A = arith.constant 4 : i32
        %ge3A_408 = arith.cmpi sge, %add3A_368, %ge3A : i32
        %convert_element_type3A_409 = arith.extui %ge3A_408 : i1 to i32
        %cond3A_410 = arith.constant 0 : i32
        %cond3A_411 = arith.cmpi ne, %convert_element_type3A_409, %cond3A_410 : i32
        scf.if %cond3A_411 {
          %dma_wait3A_429 = arith.constant 1 : i32
          %dma_wait3A_430 = arith.constant 0 : i32
          %dma_wait3A_431 = arith.constant 1 : i32
          %dma_wait3A_432 = arith.constant 1 : i32
          %dma_wait3A_433 = arith.constant 0 : i32
          %dma_wait3A_434 = arith.constant 0 : i32
          %dma_wait3A_435 = tpu.memref_slice %arg8[%dma_wait3A_429, %dma_wait3A_433, %dma_wait3A_434] : memref<6x128x32xbf16, #tpu.memory_space<vmem>> -> memref<1x128x32xbf16, #tpu.memory_space<vmem>>
          %dma_wait3A_436 = tpu.memref_squeeze %dma_wait3A_435 : memref<1x128x32xbf16, #tpu.memory_space<vmem>> -> memref<128x32xbf16, #tpu.memory_space<vmem>>
          %dma_wait3A_437 = arith.constant 0 : i32
          %dma_wait3A_438 = tpu.memref_slice %arg6[%dma_wait3A_430, %dma_wait3A_431, %dma_wait3A_437] : memref<78x2x128xi32, #tpu.memory_space<vmem>> -> memref<1x1x128xi32, #tpu.memory_space<vmem>>
          %dma_wait3A_439 = tpu.memref_squeeze %dma_wait3A_438 : memref<1x1x128xi32, #tpu.memory_space<vmem>> -> memref<128xi32, #tpu.memory_space<vmem>>
          %dma_wait3A_440 = arith.constant 0 : i32
          %dma_wait3A_441 = arith.constant 0 : i32
          %dma_wait3A_442 = tpu.memref_slice %arg10[%dma_wait3A_440, %dma_wait3A_441] : memref<10240x32xbf16, #tpu.memory_space<vmem_shared>> -> memref<10240x32xbf16, #tpu.memory_space<vmem_shared>>
          %dma_wait3A_443 = tpu.memref_slice %arg13[%dma_wait3A_432] : memref<6x!tpu.dma_semaphore, #tpu.memory_space<semaphore_mem>> -> memref<1x!tpu.dma_semaphore, #tpu.memory_space<semaphore_mem>>
          %dma_wait3A_444 = tpu.memref_squeeze %dma_wait3A_443 : memref<1x!tpu.dma_semaphore, #tpu.memory_space<semaphore_mem>> -> memref<!tpu.dma_semaphore, #tpu.memory_space<semaphore_mem>>
          tpu.wait_indirect_dma semaphore(%dma_wait3A_444 : memref<!tpu.dma_semaphore, #tpu.memory_space<semaphore_mem>>) src(%dma_wait3A_436 : memref<128x32xbf16, #tpu.memory_space<vmem>>) dst(%dma_wait3A_442 : memref<10240x32xbf16, #tpu.memory_space<vmem_shared>>)
        } else {
        }
        %add3A_412 = arith.constant 2 : i32
        %add3A_413 = arith.addi %add3A_368, %add3A_412 : i32
        %dma_start3A_414 = arith.constant 0 : i32
        %dma_start3A_415 = arith.constant 1 : i32
        %dma_start3A_416 = arith.constant 1 : i32
        %dma_start3A_417 = arith.constant 0 : i32
        %dma_start3A_418 = arith.constant 0 : i32
        %dma_start3A_419 = tpu.memref_slice %arg8[%dma_start3A_415, %dma_start3A_417, %dma_start3A_418] : memref<6x128x32xbf16, #tpu.memory_space<vmem>> -> memref<1x128x32xbf16, #tpu.memory_space<vmem>>
        %dma_start3A_420 = tpu.memref_squeeze %dma_start3A_419 : memref<1x128x32xbf16, #tpu.memory_space<vmem>> -> memref<128x32xbf16, #tpu.memory_space<vmem>>
        %dma_start3A_421 = arith.constant 0 : i32
        %dma_start3A_422 = tpu.memref_slice %arg6[%add3A_413, %dma_start3A_414, %dma_start3A_421] : memref<78x2x128xi32, #tpu.memory_space<vmem>> -> memref<1x1x128xi32, #tpu.memory_space<vmem>>
        %dma_start3A_423 = tpu.memref_squeeze %dma_start3A_422 : memref<1x1x128xi32, #tpu.memory_space<vmem>> -> memref<128xi32, #tpu.memory_space<vmem>>
        %dma_start3A_424 = arith.constant 0 : i32
        %dma_start3A_425 = arith.constant 0 : i32
        %dma_start3A_426 = tpu.memref_slice %arg11[%dma_start3A_424, %dma_start3A_425] : memref<10240x32xbf16, #tpu.memory_space<vmem_shared>> -> memref<10240x32xbf16, #tpu.memory_space<vmem_shared>>
        %dma_start3A_427 = tpu.memref_slice %arg12[%dma_start3A_416] : memref<6x!tpu.dma_semaphore, #tpu.memory_space<semaphore_mem>> -> memref<1x!tpu.dma_semaphore, #tpu.memory_space<semaphore_mem>>
        %dma_start3A_428 = tpu.memref_squeeze %dma_start3A_427 : memref<1x!tpu.dma_semaphore, #tpu.memory_space<semaphore_mem>> -> memref<!tpu.dma_semaphore, #tpu.memory_space<semaphore_mem>>
        tpu.enqueue_indirect_dma source(%dma_start3A_426 : memref<10240x32xbf16, #tpu.memory_space<vmem_shared>>) target(%dma_start3A_420 : memref<128x32xbf16, #tpu.memory_space<vmem>>) offsets(%dma_start3A_423 : memref<128xi32, #tpu.memory_space<vmem>>) semaphore(%dma_start3A_428 : memref<!tpu.dma_semaphore, #tpu.memory_space<semaphore_mem>>)
      } else {
      }
      %scan3A_407 = arith.constant 0 : i32
      scf.yield %scan3A_407 : i32
    }
    %scan3A_47 = arith.constant 13 : i32
    %dma_wait3A = arith.constant 0 : i32
    %dma_wait3A_48 = arith.constant 0 : i32
    %dma_wait3A_49 = arith.constant 1 : i32
    %dma_wait3A_50 = arith.constant 0 : i32
    %dma_wait3A_51 = arith.constant 0 : i32
    %dma_wait3A_52 = arith.constant 0 : i32
    %dma_wait3A_53 = tpu.memref_slice %arg8[%dma_wait3A, %dma_wait3A_51, %dma_wait3A_52] : memref<6x128x32xbf16, #tpu.memory_space<vmem>> -> memref<1x128x32xbf16, #tpu.memory_space<vmem>>
    %dma_wait3A_54 = tpu.memref_squeeze %dma_wait3A_53 : memref<1x128x32xbf16, #tpu.memory_space<vmem>> -> memref<128x32xbf16, #tpu.memory_space<vmem>>
    %dma_wait3A_55 = arith.constant 0 : i32
    %dma_wait3A_56 = tpu.memref_slice %arg6[%dma_wait3A_48, %dma_wait3A_49, %dma_wait3A_55] : memref<78x2x128xi32, #tpu.memory_space<vmem>> -> memref<1x1x128xi32, #tpu.memory_space<vmem>>
    %dma_wait3A_57 = tpu.memref_squeeze %dma_wait3A_56 : memref<1x1x128xi32, #tpu.memory_space<vmem>> -> memref<128xi32, #tpu.memory_space<vmem>>
    %dma_wait3A_58 = arith.constant 0 : i32
    %dma_wait3A_59 = arith.constant 0 : i32
    %dma_wait3A_60 = tpu.memref_slice %arg10[%dma_wait3A_58, %dma_wait3A_59] : memref<10240x32xbf16, #tpu.memory_space<vmem_shared>> -> memref<10240x32xbf16, #tpu.memory_space<vmem_shared>>
    %dma_wait3A_61 = tpu.memref_slice %arg13[%dma_wait3A_50] : memref<6x!tpu.dma_semaphore, #tpu.memory_space<semaphore_mem>> -> memref<1x!tpu.dma_semaphore, #tpu.memory_space<semaphore_mem>>
    %dma_wait3A_62 = tpu.memref_squeeze %dma_wait3A_61 : memref<1x!tpu.dma_semaphore, #tpu.memory_space<semaphore_mem>> -> memref<!tpu.dma_semaphore, #tpu.memory_space<semaphore_mem>>
    tpu.wait_indirect_dma semaphore(%dma_wait3A_62 : memref<!tpu.dma_semaphore, #tpu.memory_space<semaphore_mem>>) src(%dma_wait3A_54 : memref<128x32xbf16, #tpu.memory_space<vmem>>) dst(%dma_wait3A_60 : memref<10240x32xbf16, #tpu.memory_space<vmem_shared>>)
    %dma_wait3A_63 = arith.constant 1 : i32
    %dma_wait3A_64 = arith.constant 0 : i32
    %dma_wait3A_65 = arith.constant 1 : i32
    %dma_wait3A_66 = arith.constant 1 : i32
    %dma_wait3A_67 = arith.constant 0 : i32
    %dma_wait3A_68 = arith.constant 0 : i32
    %dma_wait3A_69 = tpu.memref_slice %arg8[%dma_wait3A_63, %dma_wait3A_67, %dma_wait3A_68] : memref<6x128x32xbf16, #tpu.memory_space<vmem>> -> memref<1x128x32xbf16, #tpu.memory_space<vmem>>
    %dma_wait3A_70 = tpu.memref_squeeze %dma_wait3A_69 : memref<1x128x32xbf16, #tpu.memory_space<vmem>> -> memref<128x32xbf16, #tpu.memory_space<vmem>>
    %dma_wait3A_71 = arith.constant 0 : i32
    %dma_wait3A_72 = tpu.memref_slice %arg6[%dma_wait3A_64, %dma_wait3A_65, %dma_wait3A_71] : memref<78x2x128xi32, #tpu.memory_space<vmem>> -> memref<1x1x128xi32, #tpu.memory_space<vmem>>
    %dma_wait3A_73 = tpu.memref_squeeze %dma_wait3A_72 : memref<1x1x128xi32, #tpu.memory_space<vmem>> -> memref<128xi32, #tpu.memory_space<vmem>>
    %dma_wait3A_74 = arith.constant 0 : i32
    %dma_wait3A_75 = arith.constant 0 : i32
    %dma_wait3A_76 = tpu.memref_slice %arg10[%dma_wait3A_74, %dma_wait3A_75] : memref<10240x32xbf16, #tpu.memory_space<vmem_shared>> -> memref<10240x32xbf16, #tpu.memory_space<vmem_shared>>
    %dma_wait3A_77 = tpu.memref_slice %arg13[%dma_wait3A_66] : memref<6x!tpu.dma_semaphore, #tpu.memory_space<semaphore_mem>> -> memref<1x!tpu.dma_semaphore, #tpu.memory_space<semaphore_mem>>
    %dma_wait3A_78 = tpu.memref_squeeze %dma_wait3A_77 : memref<1x!tpu.dma_semaphore, #tpu.memory_space<semaphore_mem>> -> memref<!tpu.dma_semaphore, #tpu.memory_space<semaphore_mem>>
    tpu.wait_indirect_dma semaphore(%dma_wait3A_78 : memref<!tpu.dma_semaphore, #tpu.memory_space<semaphore_mem>>) src(%dma_wait3A_70 : memref<128x32xbf16, #tpu.memory_space<vmem>>) dst(%dma_wait3A_76 : memref<10240x32xbf16, #tpu.memory_space<vmem_shared>>)
    %dma_wait3A_79 = arith.constant 2 : i32
    %dma_wait3A_80 = arith.constant 0 : i32
    %dma_wait3A_81 = arith.constant 1 : i32
    %dma_wait3A_82 = arith.constant 2 : i32
    %dma_wait3A_83 = arith.constant 0 : i32
    %dma_wait3A_84 = arith.constant 0 : i32
    %dma_wait3A_85 = tpu.memref_slice %arg8[%dma_wait3A_79, %dma_wait3A_83, %dma_wait3A_84] : memref<6x128x32xbf16, #tpu.memory_space<vmem>> -> memref<1x128x32xbf16, #tpu.memory_space<vmem>>
    %dma_wait3A_86 = tpu.memref_squeeze %dma_wait3A_85 : memref<1x128x32xbf16, #tpu.memory_space<vmem>> -> memref<128x32xbf16, #tpu.memory_space<vmem>>
    %dma_wait3A_87 = arith.constant 0 : i32
    %dma_wait3A_88 = tpu.memref_slice %arg6[%dma_wait3A_80, %dma_wait3A_81, %dma_wait3A_87] : memref<78x2x128xi32, #tpu.memory_space<vmem>> -> memref<1x1x128xi32, #tpu.memory_space<vmem>>
    %dma_wait3A_89 = tpu.memref_squeeze %dma_wait3A_88 : memref<1x1x128xi32, #tpu.memory_space<vmem>> -> memref<128xi32, #tpu.memory_space<vmem>>
    %dma_wait3A_90 = arith.constant 0 : i32
    %dma_wait3A_91 = arith.constant 0 : i32
    %dma_wait3A_92 = tpu.memref_slice %arg10[%dma_wait3A_90, %dma_wait3A_91] : memref<10240x32xbf16, #tpu.memory_space<vmem_shared>> -> memref<10240x32xbf16, #tpu.memory_space<vmem_shared>>
    %dma_wait3A_93 = tpu.memref_slice %arg13[%dma_wait3A_82] : memref<6x!tpu.dma_semaphore, #tpu.memory_space<semaphore_mem>> -> memref<1x!tpu.dma_semaphore, #tpu.memory_space<semaphore_mem>>
    %dma_wait3A_94 = tpu.memref_squeeze %dma_wait3A_93 : memref<1x!tpu.dma_semaphore, #tpu.memory_space<semaphore_mem>> -> memref<!tpu.dma_semaphore, #tpu.memory_space<semaphore_mem>>
    tpu.wait_indirect_dma semaphore(%dma_wait3A_94 : memref<!tpu.dma_semaphore, #tpu.memory_space<semaphore_mem>>) src(%dma_wait3A_86 : memref<128x32xbf16, #tpu.memory_space<vmem>>) dst(%dma_wait3A_92 : memref<10240x32xbf16, #tpu.memory_space<vmem_shared>>)
    %dma_wait3A_95 = arith.constant 3 : i32
    %dma_wait3A_96 = arith.constant 0 : i32
    %dma_wait3A_97 = arith.constant 1 : i32
    %dma_wait3A_98 = arith.constant 3 : i32
    %dma_wait3A_99 = arith.constant 0 : i32
    %dma_wait3A_100 = arith.constant 0 : i32
    %dma_wait3A_101 = tpu.memref_slice %arg8[%dma_wait3A_95, %dma_wait3A_99, %dma_wait3A_100] : memref<6x128x32xbf16, #tpu.memory_space<vmem>> -> memref<1x128x32xbf16, #tpu.memory_space<vmem>>
    %dma_wait3A_102 = tpu.memref_squeeze %dma_wait3A_101 : memref<1x128x32xbf16, #tpu.memory_space<vmem>> -> memref<128x32xbf16, #tpu.memory_space<vmem>>
    %dma_wait3A_103 = arith.constant 0 : i32
    %dma_wait3A_104 = tpu.memref_slice %arg6[%dma_wait3A_96, %dma_wait3A_97, %dma_wait3A_103] : memref<78x2x128xi32, #tpu.memory_space<vmem>> -> memref<1x1x128xi32, #tpu.memory_space<vmem>>
    %dma_wait3A_105 = tpu.memref_squeeze %dma_wait3A_104 : memref<1x1x128xi32, #tpu.memory_space<vmem>> -> memref<128xi32, #tpu.memory_space<vmem>>
    %dma_wait3A_106 = arith.constant 0 : i32
    %dma_wait3A_107 = arith.constant 0 : i32
    %dma_wait3A_108 = tpu.memref_slice %arg10[%dma_wait3A_106, %dma_wait3A_107] : memref<10240x32xbf16, #tpu.memory_space<vmem_shared>> -> memref<10240x32xbf16, #tpu.memory_space<vmem_shared>>
    %dma_wait3A_109 = tpu.memref_slice %arg13[%dma_wait3A_98] : memref<6x!tpu.dma_semaphore, #tpu.memory_space<semaphore_mem>> -> memref<1x!tpu.dma_semaphore, #tpu.memory_space<semaphore_mem>>
    %dma_wait3A_110 = tpu.memref_squeeze %dma_wait3A_109 : memref<1x!tpu.dma_semaphore, #tpu.memory_space<semaphore_mem>> -> memref<!tpu.dma_semaphore, #tpu.memory_space<semaphore_mem>>
    tpu.wait_indirect_dma semaphore(%dma_wait3A_110 : memref<!tpu.dma_semaphore, #tpu.memory_space<semaphore_mem>>) src(%dma_wait3A_102 : memref<128x32xbf16, #tpu.memory_space<vmem>>) dst(%dma_wait3A_108 : memref<10240x32xbf16, #tpu.memory_space<vmem_shared>>)
    %dma_wait3A_111 = arith.constant 4 : i32
    %dma_wait3A_112 = arith.constant 0 : i32
    %dma_wait3A_113 = arith.constant 1 : i32
    %dma_wait3A_114 = arith.constant 4 : i32
    %dma_wait3A_115 = arith.constant 0 : i32
    %dma_wait3A_116 = arith.constant 0 : i32
    %dma_wait3A_117 = tpu.memref_slice %arg8[%dma_wait3A_111, %dma_wait3A_115, %dma_wait3A_116] : memref<6x128x32xbf16, #tpu.memory_space<vmem>> -> memref<1x128x32xbf16, #tpu.memory_space<vmem>>
    %dma_wait3A_118 = tpu.memref_squeeze %dma_wait3A_117 : memref<1x128x32xbf16, #tpu.memory_space<vmem>> -> memref<128x32xbf16, #tpu.memory_space<vmem>>
    %dma_wait3A_119 = arith.constant 0 : i32
    %dma_wait3A_120 = tpu.memref_slice %arg6[%dma_wait3A_112, %dma_wait3A_113, %dma_wait3A_119] : memref<78x2x128xi32, #tpu.memory_space<vmem>> -> memref<1x1x128xi32, #tpu.memory_space<vmem>>
    %dma_wait3A_121 = tpu.memref_squeeze %dma_wait3A_120 : memref<1x1x128xi32, #tpu.memory_space<vmem>> -> memref<128xi32, #tpu.memory_space<vmem>>
    %dma_wait3A_122 = arith.constant 0 : i32
    %dma_wait3A_123 = arith.constant 0 : i32
    %dma_wait3A_124 = tpu.memref_slice %arg10[%dma_wait3A_122, %dma_wait3A_123] : memref<10240x32xbf16, #tpu.memory_space<vmem_shared>> -> memref<10240x32xbf16, #tpu.memory_space<vmem_shared>>
    %dma_wait3A_125 = tpu.memref_slice %arg13[%dma_wait3A_114] : memref<6x!tpu.dma_semaphore, #tpu.memory_space<semaphore_mem>> -> memref<1x!tpu.dma_semaphore, #tpu.memory_space<semaphore_mem>>
    %dma_wait3A_126 = tpu.memref_squeeze %dma_wait3A_125 : memref<1x!tpu.dma_semaphore, #tpu.memory_space<semaphore_mem>> -> memref<!tpu.dma_semaphore, #tpu.memory_space<semaphore_mem>>
    tpu.wait_indirect_dma semaphore(%dma_wait3A_126 : memref<!tpu.dma_semaphore, #tpu.memory_space<semaphore_mem>>) src(%dma_wait3A_118 : memref<128x32xbf16, #tpu.memory_space<vmem>>) dst(%dma_wait3A_124 : memref<10240x32xbf16, #tpu.memory_space<vmem_shared>>)
    %dma_wait3A_127 = arith.constant 5 : i32
    %dma_wait3A_128 = arith.constant 0 : i32
    %dma_wait3A_129 = arith.constant 1 : i32
    %dma_wait3A_130 = arith.constant 5 : i32
    %dma_wait3A_131 = arith.constant 0 : i32
    %dma_wait3A_132 = arith.constant 0 : i32
    %dma_wait3A_133 = tpu.memref_slice %arg8[%dma_wait3A_127, %dma_wait3A_131, %dma_wait3A_132] : memref<6x128x32xbf16, #tpu.memory_space<vmem>> -> memref<1x128x32xbf16, #tpu.memory_space<vmem>>
    %dma_wait3A_134 = tpu.memref_squeeze %dma_wait3A_133 : memref<1x128x32xbf16, #tpu.memory_space<vmem>> -> memref<128x32xbf16, #tpu.memory_space<vmem>>
    %dma_wait3A_135 = arith.constant 0 : i32
    %dma_wait3A_136 = tpu.memref_slice %arg6[%dma_wait3A_128, %dma_wait3A_129, %dma_wait3A_135] : memref<78x2x128xi32, #tpu.memory_space<vmem>> -> memref<1x1x128xi32, #tpu.memory_space<vmem>>
    %dma_wait3A_137 = tpu.memref_squeeze %dma_wait3A_136 : memref<1x1x128xi32, #tpu.memory_space<vmem>> -> memref<128xi32, #tpu.memory_space<vmem>>
    %dma_wait3A_138 = arith.constant 0 : i32
    %dma_wait3A_139 = arith.constant 0 : i32
    %dma_wait3A_140 = tpu.memref_slice %arg10[%dma_wait3A_138, %dma_wait3A_139] : memref<10240x32xbf16, #tpu.memory_space<vmem_shared>> -> memref<10240x32xbf16, #tpu.memory_space<vmem_shared>>
    %dma_wait3A_141 = tpu.memref_slice %arg13[%dma_wait3A_130] : memref<6x!tpu.dma_semaphore, #tpu.memory_space<semaphore_mem>> -> memref<1x!tpu.dma_semaphore, #tpu.memory_space<semaphore_mem>>
    %dma_wait3A_142 = tpu.memref_squeeze %dma_wait3A_141 : memref<1x!tpu.dma_semaphore, #tpu.memory_space<semaphore_mem>> -> memref<!tpu.dma_semaphore, #tpu.memory_space<semaphore_mem>>
    tpu.wait_indirect_dma semaphore(%dma_wait3A_142 : memref<!tpu.dma_semaphore, #tpu.memory_space<semaphore_mem>>) src(%dma_wait3A_134 : memref<128x32xbf16, #tpu.memory_space<vmem>>) dst(%dma_wait3A_140 : memref<10240x32xbf16, #tpu.memory_space<vmem_shared>>)
    %lt3A_143 = arith.constant 4 : i32
    %lt3A_144 = arith.cmpi slt, %add3A, %lt3A_143 : i32
    %convert_element_type3A_145 = arith.extui %lt3A_144 : i1 to i32
    %cond3A_146 = arith.constant 0 : i32
    %cond3A_147 = arith.cmpi ne, %convert_element_type3A_145, %cond3A_146 : i32
    scf.if %cond3A_147 {
      %add3A_153 = arith.constant 2496 : i32
      %add3A_154 = arith.addi %add3A_153, %add3A : i32
      "tpu.region"() ({
        %run_scoped3A_186 = tpu.sem_alloc : memref<!tpu.dma_semaphore, #tpu.memory_space<semaphore_mem>>
        %dma_start3A_187 = arith.constant 0 : i32
        %dma_start3A_188 = arith.constant 0 : i32
        %dma_start3A_189 = tpu.memref_slice %arg2[%add3A_154, %dma_start3A_187, %dma_start3A_188] : memref<2500x2x128xi32, #tpu.memory_space<hbm>> -> memref<1x2x128xi32, #tpu.memory_space<hbm>>
        %dma_start3A_190 = tpu.memref_squeeze %dma_start3A_189 : memref<1x2x128xi32, #tpu.memory_space<hbm>> -> memref<2x128xi32, #tpu.memory_space<hbm>>
        %dma_start3A_191 = arith.constant 0 : i32
        %dma_start3A_192 = arith.constant 0 : i32
        %dma_start3A_193 = tpu.memref_slice %arg2[%add3A_154, %dma_start3A_191, %dma_start3A_192] : memref<2500x2x128xi32, #tpu.memory_space<hbm>> -> memref<1x2x128xi32, #tpu.memory_space<hbm>>
        %dma_start3A_194 = tpu.memref_squeeze %dma_start3A_193 : memref<1x2x128xi32, #tpu.memory_space<hbm>> -> memref<2x128xi32, #tpu.memory_space<hbm>>
        tpu.enqueue_dma source(%dma_start3A_194 : memref<2x128xi32, #tpu.memory_space<hbm>>) target(%arg7 : memref<2x128xi32, #tpu.memory_space<vmem>>) target_semaphore(%run_scoped3A_186 : memref<!tpu.dma_semaphore, #tpu.memory_space<semaphore_mem>>)
        %dma_wait3A_195 = arith.constant 0 : i32
        %dma_wait3A_196 = arith.constant 0 : i32
        %dma_wait3A_197 = tpu.memref_slice %arg2[%add3A_154, %dma_wait3A_195, %dma_wait3A_196] : memref<2500x2x128xi32, #tpu.memory_space<hbm>> -> memref<1x2x128xi32, #tpu.memory_space<hbm>>
        %dma_wait3A_198 = tpu.memref_squeeze %dma_wait3A_197 : memref<1x2x128xi32, #tpu.memory_space<hbm>> -> memref<2x128xi32, #tpu.memory_space<hbm>>
        %dma_wait3A_199 = arith.constant 0 : i32
        %dma_wait3A_200 = arith.constant 0 : i32
        %dma_wait3A_201 = tpu.memref_slice %arg2[%add3A_154, %dma_wait3A_199, %dma_wait3A_200] : memref<2500x2x128xi32, #tpu.memory_space<hbm>> -> memref<1x2x128xi32, #tpu.memory_space<hbm>>
        %dma_wait3A_202 = tpu.memref_squeeze %dma_wait3A_201 : memref<1x2x128xi32, #tpu.memory_space<hbm>> -> memref<2x128xi32, #tpu.memory_space<hbm>>
        tpu.wait_dma2 semaphore(%run_scoped3A_186 : memref<!tpu.dma_semaphore, #tpu.memory_space<semaphore_mem>>) src(%dma_wait3A_202 : memref<2x128xi32, #tpu.memory_space<hbm>>) dst(%arg7 : memref<2x128xi32, #tpu.memory_space<vmem>>)
        tpu.yield
      }) : () -> ()
      %dma_start3A_155 = arith.constant 0 : i32
      %dma_start3A_156 = arith.constant 0 : i32
      %dma_start3A_157 = arith.constant 0 : i32
      %dma_start3A_158 = arith.constant 0 : i32
      %dma_start3A_159 = arith.constant 0 : i32
      %dma_start3A_160 = tpu.memref_slice %arg8[%dma_start3A_156, %dma_start3A_158, %dma_start3A_159] : memref<6x128x32xbf16, #tpu.memory_space<vmem>> -> memref<1x128x32xbf16, #tpu.memory_space<vmem>>
      %dma_start3A_161 = tpu.memref_squeeze %dma_start3A_160 : memref<1x128x32xbf16, #tpu.memory_space<vmem>> -> memref<128x32xbf16, #tpu.memory_space<vmem>>
      %dma_start3A_162 = arith.constant 0 : i32
      %dma_start3A_163 = tpu.memref_slice %arg7[%dma_start3A_155, %dma_start3A_162] : memref<2x128xi32, #tpu.memory_space<vmem>> -> memref<1x128xi32, #tpu.memory_space<vmem>>
      %dma_start3A_164 = tpu.memref_squeeze %dma_start3A_163 : memref<1x128xi32, #tpu.memory_space<vmem>> -> memref<128xi32, #tpu.memory_space<vmem>>
      %dma_start3A_165 = arith.constant 0 : i32
      %dma_start3A_166 = arith.constant 0 : i32
      %dma_start3A_167 = tpu.memref_slice %arg11[%dma_start3A_165, %dma_start3A_166] : memref<10240x32xbf16, #tpu.memory_space<vmem_shared>> -> memref<10240x32xbf16, #tpu.memory_space<vmem_shared>>
      %dma_start3A_168 = tpu.memref_slice %arg12[%dma_start3A_157] : memref<6x!tpu.dma_semaphore, #tpu.memory_space<semaphore_mem>> -> memref<1x!tpu.dma_semaphore, #tpu.memory_space<semaphore_mem>>
      %dma_start3A_169 = tpu.memref_squeeze %dma_start3A_168 : memref<1x!tpu.dma_semaphore, #tpu.memory_space<semaphore_mem>> -> memref<!tpu.dma_semaphore, #tpu.memory_space<semaphore_mem>>
      tpu.enqueue_indirect_dma source(%dma_start3A_167 : memref<10240x32xbf16, #tpu.memory_space<vmem_shared>>) target(%dma_start3A_161 : memref<128x32xbf16, #tpu.memory_space<vmem>>) offsets(%dma_start3A_164 : memref<128xi32, #tpu.memory_space<vmem>>) semaphore(%dma_start3A_169 : memref<!tpu.dma_semaphore, #tpu.memory_space<semaphore_mem>>)
      %dma_wait3A_170 = arith.constant 0 : i32
      %dma_wait3A_171 = arith.constant 0 : i32
      %dma_wait3A_172 = arith.constant 0 : i32
      %dma_wait3A_173 = arith.constant 0 : i32
      %dma_wait3A_174 = arith.constant 0 : i32
      %dma_wait3A_175 = tpu.memref_slice %arg8[%dma_wait3A_171, %dma_wait3A_173, %dma_wait3A_174] : memref<6x128x32xbf16, #tpu.memory_space<vmem>> -> memref<1x128x32xbf16, #tpu.memory_space<vmem>>
      %dma_wait3A_176 = tpu.memref_squeeze %dma_wait3A_175 : memref<1x128x32xbf16, #tpu.memory_space<vmem>> -> memref<128x32xbf16, #tpu.memory_space<vmem>>
      %dma_wait3A_177 = arith.constant 0 : i32
      %dma_wait3A_178 = tpu.memref_slice %arg7[%dma_wait3A_170, %dma_wait3A_177] : memref<2x128xi32, #tpu.memory_space<vmem>> -> memref<1x128xi32, #tpu.memory_space<vmem>>
      %dma_wait3A_179 = tpu.memref_squeeze %dma_wait3A_178 : memref<1x128xi32, #tpu.memory_space<vmem>> -> memref<128xi32, #tpu.memory_space<vmem>>
      %dma_wait3A_180 = arith.constant 0 : i32
      %dma_wait3A_181 = arith.constant 0 : i32
      %dma_wait3A_182 = tpu.memref_slice %arg11[%dma_wait3A_180, %dma_wait3A_181] : memref<10240x32xbf16, #tpu.memory_space<vmem_shared>> -> memref<10240x32xbf16, #tpu.memory_space<vmem_shared>>
      %dma_wait3A_183 = tpu.memref_slice %arg12[%dma_wait3A_172] : memref<6x!tpu.dma_semaphore, #tpu.memory_space<semaphore_mem>> -> memref<1x!tpu.dma_semaphore, #tpu.memory_space<semaphore_mem>>
      %dma_wait3A_184 = tpu.memref_squeeze %dma_wait3A_183 : memref<1x!tpu.dma_semaphore, #tpu.memory_space<semaphore_mem>> -> memref<!tpu.dma_semaphore, #tpu.memory_space<semaphore_mem>>
      tpu.wait_indirect_dma semaphore(%dma_wait3A_184 : memref<!tpu.dma_semaphore, #tpu.memory_space<semaphore_mem>>) src(%dma_wait3A_182 : memref<10240x32xbf16, #tpu.memory_space<vmem_shared>>) dst(%dma_wait3A_176 : memref<128x32xbf16, #tpu.memory_space<vmem>>)
      %run_scoped3A = arith.constant 0 : i32
      %run_scoped3A_185 = arith.constant 1 : i32
      "tpu.region"() ({
        %run_scoped3A_186 = tpu.sem_alloc : memref<!tpu.dma_semaphore, #tpu.memory_space<semaphore_mem>>
        %dma_start3A_187 = arith.constant 0 : i32
        %dma_start3A_188 = arith.constant 0 : i32
        %dma_start3A_189 = tpu.memref_slice %arg8[%run_scoped3A, %dma_start3A_187, %dma_start3A_188] : memref<6x128x32xbf16, #tpu.memory_space<vmem>> -> memref<1x128x32xbf16, #tpu.memory_space<vmem>>
        %dma_start3A_190 = tpu.memref_squeeze %dma_start3A_189 : memref<1x128x32xbf16, #tpu.memory_space<vmem>> -> memref<128x32xbf16, #tpu.memory_space<vmem>>
        %dma_start3A_191 = arith.constant 0 : i32
        %dma_start3A_192 = tpu.memref_slice %arg7[%run_scoped3A_185, %dma_start3A_191] : memref<2x128xi32, #tpu.memory_space<vmem>> -> memref<1x128xi32, #tpu.memory_space<vmem>>
        %dma_start3A_193 = tpu.memref_squeeze %dma_start3A_192 : memref<1x128xi32, #tpu.memory_space<vmem>> -> memref<128xi32, #tpu.memory_space<vmem>>
        %dma_start3A_194 = arith.constant 0 : i32
        %dma_start3A_195 = arith.constant 0 : i32
        %dma_start3A_196 = tpu.memref_slice %arg10[%dma_start3A_194, %dma_start3A_195] : memref<10240x32xbf16, #tpu.memory_space<vmem_shared>> -> memref<10240x32xbf16, #tpu.memory_space<vmem_shared>>
        tpu.enqueue_indirect_dma source(%dma_start3A_190 : memref<128x32xbf16, #tpu.memory_space<vmem>>) target(%dma_start3A_196 : memref<10240x32xbf16, #tpu.memory_space<vmem_shared>>) offsets(%dma_start3A_193 : memref<128xi32, #tpu.memory_space<vmem>>) semaphore(%run_scoped3A_186 : memref<!tpu.dma_semaphore, #tpu.memory_space<semaphore_mem>>) {add = true}
        %dma_wait3A_197 = arith.constant 0 : i32
        %dma_wait3A_198 = arith.constant 0 : i32
        %dma_wait3A_199 = tpu.memref_slice %arg8[%run_scoped3A, %dma_wait3A_197, %dma_wait3A_198] : memref<6x128x32xbf16, #tpu.memory_space<vmem>> -> memref<1x128x32xbf16, #tpu.memory_space<vmem>>
        %dma_wait3A_200 = tpu.memref_squeeze %dma_wait3A_199 : memref<1x128x32xbf16, #tpu.memory_space<vmem>> -> memref<128x32xbf16, #tpu.memory_space<vmem>>
        %dma_wait3A_201 = arith.constant 0 : i32
        %dma_wait3A_202 = tpu.memref_slice %arg7[%run_scoped3A_185, %dma_wait3A_201] : memref<2x128xi32, #tpu.memory_space<vmem>> -> memref<1x128xi32, #tpu.memory_space<vmem>>
        %dma_wait3A_203 = tpu.memref_squeeze %dma_wait3A_202 : memref<1x128xi32, #tpu.memory_space<vmem>> -> memref<128xi32, #tpu.memory_space<vmem>>
        %dma_wait3A_204 = arith.constant 0 : i32
        %dma_wait3A_205 = arith.constant 0 : i32
        %dma_wait3A_206 = tpu.memref_slice %arg10[%dma_wait3A_204, %dma_wait3A_205] : memref<10240x32xbf16, #tpu.memory_space<vmem_shared>> -> memref<10240x32xbf16, #tpu.memory_space<vmem_shared>>
        tpu.wait_indirect_dma semaphore(%run_scoped3A_186 : memref<!tpu.dma_semaphore, #tpu.memory_space<semaphore_mem>>) src(%dma_wait3A_200 : memref<128x32xbf16, #tpu.memory_space<vmem>>) dst(%dma_wait3A_206 : memref<10240x32xbf16, #tpu.memory_space<vmem_shared>>)
        tpu.yield
      }) : () -> ()
    } else {
    }
    %barrier3A_148 = arith.constant 0 : index
    tpu.barrier barrier_id(%barrier3A_148)
    %mul3A_149 = arith.constant 640 : i32
    %mul3A_150 = arith.muli %arg1, %mul3A_149 : i32
    "tpu.region"() ({
      %run_scoped3A = tpu.sem_alloc : memref<!tpu.dma_semaphore, #tpu.memory_space<semaphore_mem>>
      %dma_start3A_153 = arith.constant 0 : i32
      %dma_start3A_154 = tpu.memref_slice %arg10[%mul3A_150, %dma_start3A_153] : memref<10240x32xbf16, #tpu.memory_space<vmem_shared>> -> memref<640x32xbf16, #tpu.memory_space<vmem_shared>>
      %dma_start3A_155 = arith.constant 0 : i32
      %dma_start3A_156 = tpu.memref_slice %arg10[%mul3A_150, %dma_start3A_155] : memref<10240x32xbf16, #tpu.memory_space<vmem_shared>> -> memref<640x32xbf16, #tpu.memory_space<vmem_shared>>
      tpu.enqueue_dma source(%dma_start3A_156 : memref<640x32xbf16, #tpu.memory_space<vmem_shared>>) target(%arg9 : memref<640x32xbf16, #tpu.memory_space<vmem>>) target_semaphore(%run_scoped3A : memref<!tpu.dma_semaphore, #tpu.memory_space<semaphore_mem>>)
      %dma_wait3A_157 = arith.constant 0 : i32
      %dma_wait3A_158 = tpu.memref_slice %arg10[%mul3A_150, %dma_wait3A_157] : memref<10240x32xbf16, #tpu.memory_space<vmem_shared>> -> memref<640x32xbf16, #tpu.memory_space<vmem_shared>>
      %dma_wait3A_159 = arith.constant 0 : i32
      %dma_wait3A_160 = tpu.memref_slice %arg10[%mul3A_150, %dma_wait3A_159] : memref<10240x32xbf16, #tpu.memory_space<vmem_shared>> -> memref<640x32xbf16, #tpu.memory_space<vmem_shared>>
      tpu.wait_dma2 semaphore(%run_scoped3A : memref<!tpu.dma_semaphore, #tpu.memory_space<semaphore_mem>>) src(%dma_wait3A_160 : memref<640x32xbf16, #tpu.memory_space<vmem_shared>>) dst(%arg9 : memref<640x32xbf16, #tpu.memory_space<vmem>>)
      tpu.yield
    }) : () -> ()
    %mul3A_151 = arith.constant 640 : i32
    %mul3A_152 = arith.muli %arg1, %mul3A_151 : i32
    "tpu.region"() ({
      %run_scoped3A = tpu.sem_alloc : memref<!tpu.dma_semaphore, #tpu.memory_space<semaphore_mem>>
      %dma_start3A_153 = arith.constant 0 : i32
      %dma_start3A_154 = tpu.memref_slice %arg5[%arg0, %mul3A_152, %dma_start3A_153] : memref<2x10240x32xbf16, #tpu.memory_space<hbm>> -> memref<1x640x32xbf16, #tpu.memory_space<hbm>>
      %dma_start3A_155 = tpu.memref_squeeze %dma_start3A_154 : memref<1x640x32xbf16, #tpu.memory_space<hbm>> -> memref<640x32xbf16, #tpu.memory_space<hbm>>
      %dma_start3A_156 = arith.constant 0 : i32
      %dma_start3A_157 = tpu.memref_slice %arg5[%arg0, %mul3A_152, %dma_start3A_156] : memref<2x10240x32xbf16, #tpu.memory_space<hbm>> -> memref<1x640x32xbf16, #tpu.memory_space<hbm>>
      %dma_start3A_158 = tpu.memref_squeeze %dma_start3A_157 : memref<1x640x32xbf16, #tpu.memory_space<hbm>> -> memref<640x32xbf16, #tpu.memory_space<hbm>>
      tpu.enqueue_dma source(%arg9 : memref<640x32xbf16, #tpu.memory_space<vmem>>) target(%dma_start3A_158 : memref<640x32xbf16, #tpu.memory_space<hbm>>) target_semaphore(%run_scoped3A : memref<!tpu.dma_semaphore, #tpu.memory_space<semaphore_mem>>)
      %dma_wait3A_159 = arith.constant 0 : i32
      %dma_wait3A_160 = tpu.memref_slice %arg5[%arg0, %mul3A_152, %dma_wait3A_159] : memref<2x10240x32xbf16, #tpu.memory_space<hbm>> -> memref<1x640x32xbf16, #tpu.memory_space<hbm>>
      %dma_wait3A_161 = tpu.memref_squeeze %dma_wait3A_160 : memref<1x640x32xbf16, #tpu.memory_space<hbm>> -> memref<640x32xbf16, #tpu.memory_space<hbm>>
      %dma_wait3A_162 = arith.constant 0 : i32
      %dma_wait3A_163 = tpu.memref_slice %arg5[%arg0, %mul3A_152, %dma_wait3A_162] : memref<2x10240x32xbf16, #tpu.memory_space<hbm>> -> memref<1x640x32xbf16, #tpu.memory_space<hbm>>
      %dma_wait3A_164 = tpu.memref_squeeze %dma_wait3A_163 : memref<1x640x32xbf16, #tpu.memory_space<hbm>> -> memref<640x32xbf16, #tpu.memory_space<hbm>>
      tpu.wait_dma2 semaphore(%run_scoped3A : memref<!tpu.dma_semaphore, #tpu.memory_space<semaphore_mem>>) src(%arg9 : memref<640x32xbf16, #tpu.memory_space<vmem>>) dst(%dma_wait3A_164 : memref<640x32xbf16, #tpu.memory_space<hbm>>)
      tpu.yield
    }) : () -> ()
    return
  }
}

#map = affine_map<(d0, d1) -> (0, 0, 0)>
#map1 = affine_map<(d0, d1) -> (0)>
module attributes {stable_mosaic.version = 14 : i64} {
  func.func @_deg_body(%arg0: i32, %arg1: i32, %arg2: memref<2500x2x128xi32, #tpu.memory_space<hbm>>, %arg3: memref<640xf32, #tpu.memory_space<hbm>>, %arg4: memref<2x1x10240xf32, #tpu.memory_space<hbm>>, %arg5: memref<78x2x128xi32, #tpu.memory_space<vmem>>, %arg6: memref<2x128xi32, #tpu.memory_space<vmem>>, %arg7: memref<128xf32, #tpu.memory_space<vmem>>, %arg8: memref<640xf32, #tpu.memory_space<vmem>>, %arg9: memref<10240xf32, #tpu.memory_space<vmem_shared>>, %arg10: memref<6x!tpu.dma_semaphore, #tpu.memory_space<semaphore_mem>>) attributes {dimension_semantics = [#tpu.dimension_semantics<core_parallel>, #tpu.dimension_semantics<subcore_parallel>], iteration_bounds = array<i64: 2, 16>, scalar_prefetch = 0 : i64, scratch_operands = 6 : i64, tpu.core_type = #tpu.core_type<sc_vector_subcore>, window_params = [{transform_indices = #map}, {transform_indices = #map1}, {transform_indices = #map}]} {
    %mul3A = arith.constant 2 : i32
    %mul3A_0 = arith.muli %arg1, %mul3A : i32
    %add3A = arith.addi %mul3A_0, %arg0 : i32
    %mul3A_1 = arith.constant 78 : i32
    %mul3A_2 = arith.muli %add3A, %mul3A_1 : i32
    "tpu.region"() ({
      %run_scoped3A_143 = tpu.sem_alloc : memref<!tpu.dma_semaphore, #tpu.memory_space<semaphore_mem>>
      %dma_start3A_144 = arith.constant 0 : i32
      %dma_start3A_145 = arith.constant 0 : i32
      %dma_start3A_146 = tpu.memref_slice %arg2[%mul3A_2, %dma_start3A_144, %dma_start3A_145] : memref<2500x2x128xi32, #tpu.memory_space<hbm>> -> memref<78x2x128xi32, #tpu.memory_space<hbm>>
      %dma_start3A_147 = arith.constant 0 : i32
      %dma_start3A_148 = arith.constant 0 : i32
      %dma_start3A_149 = tpu.memref_slice %arg2[%mul3A_2, %dma_start3A_147, %dma_start3A_148] : memref<2500x2x128xi32, #tpu.memory_space<hbm>> -> memref<78x2x128xi32, #tpu.memory_space<hbm>>
      tpu.enqueue_dma source(%dma_start3A_149 : memref<78x2x128xi32, #tpu.memory_space<hbm>>) target(%arg5 : memref<78x2x128xi32, #tpu.memory_space<vmem>>) target_semaphore(%run_scoped3A_143 : memref<!tpu.dma_semaphore, #tpu.memory_space<semaphore_mem>>)
      %dma_wait3A_150 = arith.constant 0 : i32
      %dma_wait3A_151 = arith.constant 0 : i32
      %dma_wait3A_152 = tpu.memref_slice %arg2[%mul3A_2, %dma_wait3A_150, %dma_wait3A_151] : memref<2500x2x128xi32, #tpu.memory_space<hbm>> -> memref<78x2x128xi32, #tpu.memory_space<hbm>>
      %dma_wait3A_153 = arith.constant 0 : i32
      %dma_wait3A_154 = arith.constant 0 : i32
      %dma_wait3A_155 = tpu.memref_slice %arg2[%mul3A_2, %dma_wait3A_153, %dma_wait3A_154] : memref<2500x2x128xi32, #tpu.memory_space<hbm>> -> memref<78x2x128xi32, #tpu.memory_space<hbm>>
      tpu.wait_dma2 semaphore(%run_scoped3A_143 : memref<!tpu.dma_semaphore, #tpu.memory_space<semaphore_mem>>) src(%dma_wait3A_155 : memref<78x2x128xi32, #tpu.memory_space<hbm>>) dst(%arg5 : memref<78x2x128xi32, #tpu.memory_space<vmem>>)
      tpu.yield
    }) : () -> ()
    %scan3A = arith.constant 0 : i32
    %scan3A_3 = arith.constant 0 : i32
    %scan3A_4 = arith.constant 8 : i32
    %scan3A_5 = arith.addi %scan3A_3, %scan3A_4 : i32
    %scan3A_6 = arith.constant 1 : i32
    %scan3A_7 = scf.for %scan3A_143 = %scan3A_3 to %scan3A_5 step %scan3A_6 iter_args(%scan3A_144 = %scan3A) -> (i32)  : i32 {
      %broadcast_in_dim3A = arith.constant 1.000000e+00 : f32
      %broadcast_in_dim3A_145 = vector.broadcast %broadcast_in_dim3A : f32 to vector<16xf32>
      %mul3A_146 = arith.constant 16 : i32
      %mul3A_147 = arith.muli %scan3A_143, %mul3A_146 : i32
      %swap3A = arith.index_cast %mul3A_147 : i32 to index
      %swap3A_148 = tpu.vector_load %arg7[%swap3A] {strides = array<i32>} : memref<128xf32, #tpu.memory_space<vmem>>, vector<16xf32>,
      %swap3A_149 = vector.shape_cast %swap3A_148 : vector<16xf32> to vector<16xf32>
      %swap3A_150 = vector.shape_cast %broadcast_in_dim3A_145 : vector<16xf32> to vector<16xf32>
      tpu.vector_store %arg7[%swap3A], %swap3A_150 {strides = array<i32>} : memref<128xf32, #tpu.memory_space<vmem>>, vector<16xf32>,
      %scan3A_151 = arith.constant 0 : i32
      scf.yield %scan3A_151 : i32
    }
    %scan3A_8 = arith.constant 8 : i32
    "tpu.region"() ({
      %run_scoped3A_143 = tpu.sem_alloc : memref<!tpu.dma_semaphore, #tpu.memory_space<semaphore_mem>>
      tpu.enqueue_dma source(%arg3 : memref<640xf32, #tpu.memory_space<hbm>>) target(%arg8 : memref<640xf32, #tpu.memory_space<vmem>>) target_semaphore(%run_scoped3A_143 : memref<!tpu.dma_semaphore, #tpu.memory_space<semaphore_mem>>)
      tpu.wait_dma2 semaphore(%run_scoped3A_143 : memref<!tpu.dma_semaphore, #tpu.memory_space<semaphore_mem>>) src(%arg3 : memref<640xf32, #tpu.memory_space<hbm>>) dst(%arg8 : memref<640xf32, #tpu.memory_space<vmem>>)
      tpu.yield
    }) : () -> ()
    %mul3A_9 = arith.constant 640 : i32
    %mul3A_10 = arith.muli %arg1, %mul3A_9 : i32
    "tpu.region"() ({
      %run_scoped3A_143 = tpu.sem_alloc : memref<!tpu.dma_semaphore, #tpu.memory_space<semaphore_mem>>
      %dma_start3A_144 = tpu.memref_slice %arg9[%mul3A_10] : memref<10240xf32, #tpu.memory_space<vmem_shared>> -> memref<640xf32, #tpu.memory_space<vmem_shared>>
      %dma_start3A_145 = tpu.memref_slice %arg9[%mul3A_10] : memref<10240xf32, #tpu.memory_space<vmem_shared>> -> memref<640xf32, #tpu.memory_space<vmem_shared>>
      tpu.enqueue_dma source(%arg8 : memref<640xf32, #tpu.memory_space<vmem>>) target(%dma_start3A_145 : memref<640xf32, #tpu.memory_space<vmem_shared>>) target_semaphore(%run_scoped3A_143 : memref<!tpu.dma_semaphore, #tpu.memory_space<semaphore_mem>>)
      %dma_wait3A_146 = tpu.memref_slice %arg9[%mul3A_10] : memref<10240xf32, #tpu.memory_space<vmem_shared>> -> memref<640xf32, #tpu.memory_space<vmem_shared>>
      %dma_wait3A_147 = tpu.memref_slice %arg9[%mul3A_10] : memref<10240xf32, #tpu.memory_space<vmem_shared>> -> memref<640xf32, #tpu.memory_space<vmem_shared>>
      tpu.wait_dma2 semaphore(%run_scoped3A_143 : memref<!tpu.dma_semaphore, #tpu.memory_space<semaphore_mem>>) src(%arg8 : memref<640xf32, #tpu.memory_space<vmem>>) dst(%dma_wait3A_147 : memref<640xf32, #tpu.memory_space<vmem_shared>>)
      tpu.yield
    }) : () -> ()
    %barrier3A = arith.constant 0 : index
    tpu.barrier barrier_id(%barrier3A)
    %dma_start3A = arith.constant 0 : i32
    %dma_start3A_11 = arith.constant 1 : i32
    %dma_start3A_12 = arith.constant 0 : i32
    %dma_start3A_13 = arith.constant 0 : i32
    %dma_start3A_14 = tpu.memref_slice %arg5[%dma_start3A, %dma_start3A_11, %dma_start3A_13] : memref<78x2x128xi32, #tpu.memory_space<vmem>> -> memref<1x1x128xi32, #tpu.memory_space<vmem>>
    %dma_start3A_15 = tpu.memref_squeeze %dma_start3A_14 : memref<1x1x128xi32, #tpu.memory_space<vmem>> -> memref<128xi32, #tpu.memory_space<vmem>>
    %dma_start3A_16 = arith.constant 0 : i32
    %dma_start3A_17 = tpu.memref_slice %arg9[%dma_start3A_16] : memref<10240xf32, #tpu.memory_space<vmem_shared>> -> memref<10240xf32, #tpu.memory_space<vmem_shared>>
    %dma_start3A_18 = tpu.memref_slice %arg10[%dma_start3A_12] : memref<6x!tpu.dma_semaphore, #tpu.memory_space<semaphore_mem>> -> memref<1x!tpu.dma_semaphore, #tpu.memory_space<semaphore_mem>>
    %dma_start3A_19 = tpu.memref_squeeze %dma_start3A_18 : memref<1x!tpu.dma_semaphore, #tpu.memory_space<semaphore_mem>> -> memref<!tpu.dma_semaphore, #tpu.memory_space<semaphore_mem>>
    tpu.enqueue_indirect_dma source(%arg7 : memref<128xf32, #tpu.memory_space<vmem>>) target(%dma_start3A_17 : memref<10240xf32, #tpu.memory_space<vmem_shared>>) offsets(%dma_start3A_15 : memref<128xi32, #tpu.memory_space<vmem>>) semaphore(%dma_start3A_19 : memref<!tpu.dma_semaphore, #tpu.memory_space<semaphore_mem>>) {add = true}
    %dma_start3A_20 = arith.constant 1 : i32
    %dma_start3A_21 = arith.constant 1 : i32
    %dma_start3A_22 = arith.constant 1 : i32
    %dma_start3A_23 = arith.constant 0 : i32
    %dma_start3A_24 = tpu.memref_slice %arg5[%dma_start3A_20, %dma_start3A_21, %dma_start3A_23] : memref<78x2x128xi32, #tpu.memory_space<vmem>> -> memref<1x1x128xi32, #tpu.memory_space<vmem>>
    %dma_start3A_25 = tpu.memref_squeeze %dma_start3A_24 : memref<1x1x128xi32, #tpu.memory_space<vmem>> -> memref<128xi32, #tpu.memory_space<vmem>>
    %dma_start3A_26 = arith.constant 0 : i32
    %dma_start3A_27 = tpu.memref_slice %arg9[%dma_start3A_26] : memref<10240xf32, #tpu.memory_space<vmem_shared>> -> memref<10240xf32, #tpu.memory_space<vmem_shared>>
    %dma_start3A_28 = tpu.memref_slice %arg10[%dma_start3A_22] : memref<6x!tpu.dma_semaphore, #tpu.memory_space<semaphore_mem>> -> memref<1x!tpu.dma_semaphore, #tpu.memory_space<semaphore_mem>>
    %dma_start3A_29 = tpu.memref_squeeze %dma_start3A_28 : memref<1x!tpu.dma_semaphore, #tpu.memory_space<semaphore_mem>> -> memref<!tpu.dma_semaphore, #tpu.memory_space<semaphore_mem>>
    tpu.enqueue_indirect_dma source(%arg7 : memref<128xf32, #tpu.memory_space<vmem>>) target(%dma_start3A_27 : memref<10240xf32, #tpu.memory_space<vmem_shared>>) offsets(%dma_start3A_25 : memref<128xi32, #tpu.memory_space<vmem>>) semaphore(%dma_start3A_29 : memref<!tpu.dma_semaphore, #tpu.memory_space<semaphore_mem>>) {add = true}
    %dma_start3A_30 = arith.constant 2 : i32
    %dma_start3A_31 = arith.constant 1 : i32
    %dma_start3A_32 = arith.constant 2 : i32
    %dma_start3A_33 = arith.constant 0 : i32
    %dma_start3A_34 = tpu.memref_slice %arg5[%dma_start3A_30, %dma_start3A_31, %dma_start3A_33] : memref<78x2x128xi32, #tpu.memory_space<vmem>> -> memref<1x1x128xi32, #tpu.memory_space<vmem>>
    %dma_start3A_35 = tpu.memref_squeeze %dma_start3A_34 : memref<1x1x128xi32, #tpu.memory_space<vmem>> -> memref<128xi32, #tpu.memory_space<vmem>>
    %dma_start3A_36 = arith.constant 0 : i32
    %dma_start3A_37 = tpu.memref_slice %arg9[%dma_start3A_36] : memref<10240xf32, #tpu.memory_space<vmem_shared>> -> memref<10240xf32, #tpu.memory_space<vmem_shared>>
    %dma_start3A_38 = tpu.memref_slice %arg10[%dma_start3A_32] : memref<6x!tpu.dma_semaphore, #tpu.memory_space<semaphore_mem>> -> memref<1x!tpu.dma_semaphore, #tpu.memory_space<semaphore_mem>>
    %dma_start3A_39 = tpu.memref_squeeze %dma_start3A_38 : memref<1x!tpu.dma_semaphore, #tpu.memory_space<semaphore_mem>> -> memref<!tpu.dma_semaphore, #tpu.memory_space<semaphore_mem>>
    tpu.enqueue_indirect_dma source(%arg7 : memref<128xf32, #tpu.memory_space<vmem>>) target(%dma_start3A_37 : memref<10240xf32, #tpu.memory_space<vmem_shared>>) offsets(%dma_start3A_35 : memref<128xi32, #tpu.memory_space<vmem>>) semaphore(%dma_start3A_39 : memref<!tpu.dma_semaphore, #tpu.memory_space<semaphore_mem>>) {add = true}
    %dma_start3A_40 = arith.constant 3 : i32
    %dma_start3A_41 = arith.constant 1 : i32
    %dma_start3A_42 = arith.constant 3 : i32
    %dma_start3A_43 = arith.constant 0 : i32
    %dma_start3A_44 = tpu.memref_slice %arg5[%dma_start3A_40, %dma_start3A_41, %dma_start3A_43] : memref<78x2x128xi32, #tpu.memory_space<vmem>> -> memref<1x1x128xi32, #tpu.memory_space<vmem>>
    %dma_start3A_45 = tpu.memref_squeeze %dma_start3A_44 : memref<1x1x128xi32, #tpu.memory_space<vmem>> -> memref<128xi32, #tpu.memory_space<vmem>>
    %dma_start3A_46 = arith.constant 0 : i32
    %dma_start3A_47 = tpu.memref_slice %arg9[%dma_start3A_46] : memref<10240xf32, #tpu.memory_space<vmem_shared>> -> memref<10240xf32, #tpu.memory_space<vmem_shared>>
    %dma_start3A_48 = tpu.memref_slice %arg10[%dma_start3A_42] : memref<6x!tpu.dma_semaphore, #tpu.memory_space<semaphore_mem>> -> memref<1x!tpu.dma_semaphore, #tpu.memory_space<semaphore_mem>>
    %dma_start3A_49 = tpu.memref_squeeze %dma_start3A_48 : memref<1x!tpu.dma_semaphore, #tpu.memory_space<semaphore_mem>> -> memref<!tpu.dma_semaphore, #tpu.memory_space<semaphore_mem>>
    tpu.enqueue_indirect_dma source(%arg7 : memref<128xf32, #tpu.memory_space<vmem>>) target(%dma_start3A_47 : memref<10240xf32, #tpu.memory_space<vmem_shared>>) offsets(%dma_start3A_45 : memref<128xi32, #tpu.memory_space<vmem>>) semaphore(%dma_start3A_49 : memref<!tpu.dma_semaphore, #tpu.memory_space<semaphore_mem>>) {add = true}
    %dma_start3A_50 = arith.constant 4 : i32
    %dma_start3A_51 = arith.constant 1 : i32
    %dma_start3A_52 = arith.constant 4 : i32
    %dma_start3A_53 = arith.constant 0 : i32
    %dma_start3A_54 = tpu.memref_slice %arg5[%dma_start3A_50, %dma_start3A_51, %dma_start3A_53] : memref<78x2x128xi32, #tpu.memory_space<vmem>> -> memref<1x1x128xi32, #tpu.memory_space<vmem>>
    %dma_start3A_55 = tpu.memref_squeeze %dma_start3A_54 : memref<1x1x128xi32, #tpu.memory_space<vmem>> -> memref<128xi32, #tpu.memory_space<vmem>>
    %dma_start3A_56 = arith.constant 0 : i32
    %dma_start3A_57 = tpu.memref_slice %arg9[%dma_start3A_56] : memref<10240xf32, #tpu.memory_space<vmem_shared>> -> memref<10240xf32, #tpu.memory_space<vmem_shared>>
    %dma_start3A_58 = tpu.memref_slice %arg10[%dma_start3A_52] : memref<6x!tpu.dma_semaphore, #tpu.memory_space<semaphore_mem>> -> memref<1x!tpu.dma_semaphore, #tpu.memory_space<semaphore_mem>>
    %dma_start3A_59 = tpu.memref_squeeze %dma_start3A_58 : memref<1x!tpu.dma_semaphore, #tpu.memory_space<semaphore_mem>> -> memref<!tpu.dma_semaphore, #tpu.memory_space<semaphore_mem>>
    tpu.enqueue_indirect_dma source(%arg7 : memref<128xf32, #tpu.memory_space<vmem>>) target(%dma_start3A_57 : memref<10240xf32, #tpu.memory_space<vmem_shared>>) offsets(%dma_start3A_55 : memref<128xi32, #tpu.memory_space<vmem>>) semaphore(%dma_start3A_59 : memref<!tpu.dma_semaphore, #tpu.memory_space<semaphore_mem>>) {add = true}
    %dma_start3A_60 = arith.constant 5 : i32
    %dma_start3A_61 = arith.constant 1 : i32
    %dma_start3A_62 = arith.constant 5 : i32
    %dma_start3A_63 = arith.constant 0 : i32
    %dma_start3A_64 = tpu.memref_slice %arg5[%dma_start3A_60, %dma_start3A_61, %dma_start3A_63] : memref<78x2x128xi32, #tpu.memory_space<vmem>> -> memref<1x1x128xi32, #tpu.memory_space<vmem>>
    %dma_start3A_65 = tpu.memref_squeeze %dma_start3A_64 : memref<1x1x128xi32, #tpu.memory_space<vmem>> -> memref<128xi32, #tpu.memory_space<vmem>>
    %dma_start3A_66 = arith.constant 0 : i32
    %dma_start3A_67 = tpu.memref_slice %arg9[%dma_start3A_66] : memref<10240xf32, #tpu.memory_space<vmem_shared>> -> memref<10240xf32, #tpu.memory_space<vmem_shared>>
    %dma_start3A_68 = tpu.memref_slice %arg10[%dma_start3A_62] : memref<6x!tpu.dma_semaphore, #tpu.memory_space<semaphore_mem>> -> memref<1x!tpu.dma_semaphore, #tpu.memory_space<semaphore_mem>>
    %dma_start3A_69 = tpu.memref_squeeze %dma_start3A_68 : memref<1x!tpu.dma_semaphore, #tpu.memory_space<semaphore_mem>> -> memref<!tpu.dma_semaphore, #tpu.memory_space<semaphore_mem>>
    tpu.enqueue_indirect_dma source(%arg7 : memref<128xf32, #tpu.memory_space<vmem>>) target(%dma_start3A_67 : memref<10240xf32, #tpu.memory_space<vmem_shared>>) offsets(%dma_start3A_65 : memref<128xi32, #tpu.memory_space<vmem>>) semaphore(%dma_start3A_69 : memref<!tpu.dma_semaphore, #tpu.memory_space<semaphore_mem>>) {add = true}
    %scan3A_70 = arith.constant 0 : i32
    %scan3A_71 = arith.constant 0 : i32
    %scan3A_72 = arith.constant 12 : i32
    %scan3A_73 = arith.addi %scan3A_71, %scan3A_72 : i32
    %scan3A_74 = arith.constant 1 : i32
    %scan3A_75 = scf.for %scan3A_143 = %scan3A_71 to %scan3A_73 step %scan3A_74 iter_args(%scan3A_144 = %scan3A_70) -> (i32)  : i32 {
      %mul3A_145 = arith.constant 6 : i32
      %mul3A_146 = arith.muli %scan3A_143, %mul3A_145 : i32
      %add3A_147 = arith.constant 6 : i32
      %add3A_148 = arith.addi %add3A_147, %mul3A_146 : i32
      %add3A_149 = arith.constant 0 : i32
      %add3A_150 = arith.addi %add3A_148, %add3A_149 : i32
      %dma_wait3A_151 = arith.constant 0 : i32
      %dma_wait3A_152 = arith.constant 1 : i32
      %dma_wait3A_153 = arith.constant 0 : i32
      %dma_wait3A_154 = arith.constant 0 : i32
      %dma_wait3A_155 = tpu.memref_slice %arg5[%dma_wait3A_151, %dma_wait3A_152, %dma_wait3A_154] : memref<78x2x128xi32, #tpu.memory_space<vmem>> -> memref<1x1x128xi32, #tpu.memory_space<vmem>>
      %dma_wait3A_156 = tpu.memref_squeeze %dma_wait3A_155 : memref<1x1x128xi32, #tpu.memory_space<vmem>> -> memref<128xi32, #tpu.memory_space<vmem>>
      %dma_wait3A_157 = arith.constant 0 : i32
      %dma_wait3A_158 = tpu.memref_slice %arg9[%dma_wait3A_157] : memref<10240xf32, #tpu.memory_space<vmem_shared>> -> memref<10240xf32, #tpu.memory_space<vmem_shared>>
      %dma_wait3A_159 = tpu.memref_slice %arg10[%dma_wait3A_153] : memref<6x!tpu.dma_semaphore, #tpu.memory_space<semaphore_mem>> -> memref<1x!tpu.dma_semaphore, #tpu.memory_space<semaphore_mem>>
      %dma_wait3A_160 = tpu.memref_squeeze %dma_wait3A_159 : memref<1x!tpu.dma_semaphore, #tpu.memory_space<semaphore_mem>> -> memref<!tpu.dma_semaphore, #tpu.memory_space<semaphore_mem>>
      tpu.wait_indirect_dma semaphore(%dma_wait3A_160 : memref<!tpu.dma_semaphore, #tpu.memory_space<semaphore_mem>>) src(%arg7 : memref<128xf32, #tpu.memory_space<vmem>>) dst(%dma_wait3A_158 : memref<10240xf32, #tpu.memory_space<vmem_shared>>)
      %dma_start3A_161 = arith.constant 1 : i32
      %dma_start3A_162 = arith.constant 0 : i32
      %dma_start3A_163 = arith.constant 0 : i32
      %dma_start3A_164 = tpu.memref_slice %arg5[%add3A_150, %dma_start3A_161, %dma_start3A_163] : memref<78x2x128xi32, #tpu.memory_space<vmem>> -> memref<1x1x128xi32, #tpu.memory_space<vmem>>
      %dma_start3A_165 = tpu.memref_squeeze %dma_start3A_164 : memref<1x1x128xi32, #tpu.memory_space<vmem>> -> memref<128xi32, #tpu.memory_space<vmem>>
      %dma_start3A_166 = arith.constant 0 : i32
      %dma_start3A_167 = tpu.memref_slice %arg9[%dma_start3A_166] : memref<10240xf32, #tpu.memory_space<vmem_shared>> -> memref<10240xf32, #tpu.memory_space<vmem_shared>>
      %dma_start3A_168 = tpu.memref_slice %arg10[%dma_start3A_162] : memref<6x!tpu.dma_semaphore, #tpu.memory_space<semaphore_mem>> -> memref<1x!tpu.dma_semaphore, #tpu.memory_space<semaphore_mem>>
      %dma_start3A_169 = tpu.memref_squeeze %dma_start3A_168 : memref<1x!tpu.dma_semaphore, #tpu.memory_space<semaphore_mem>> -> memref<!tpu.dma_semaphore, #tpu.memory_space<semaphore_mem>>
      tpu.enqueue_indirect_dma source(%arg7 : memref<128xf32, #tpu.memory_space<vmem>>) target(%dma_start3A_167 : memref<10240xf32, #tpu.memory_space<vmem_shared>>) offsets(%dma_start3A_165 : memref<128xi32, #tpu.memory_space<vmem>>) semaphore(%dma_start3A_169 : memref<!tpu.dma_semaphore, #tpu.memory_space<semaphore_mem>>) {add = true}
      %mul3A_170 = arith.constant 6 : i32
      %mul3A_171 = arith.muli %scan3A_143, %mul3A_170 : i32
      %add3A_172 = arith.constant 6 : i32
      %add3A_173 = arith.addi %add3A_172, %mul3A_171 : i32
      %add3A_174 = arith.constant 1 : i32
      %add3A_175 = arith.addi %add3A_173, %add3A_174 : i32
      %dma_wait3A_176 = arith.constant 0 : i32
      %dma_wait3A_177 = arith.constant 1 : i32
      %dma_wait3A_178 = arith.constant 1 : i32
      %dma_wait3A_179 = arith.constant 0 : i32
      %dma_wait3A_180 = tpu.memref_slice %arg5[%dma_wait3A_176, %dma_wait3A_177, %dma_wait3A_179] : memref<78x2x128xi32, #tpu.memory_space<vmem>> -> memref<1x1x128xi32, #tpu.memory_space<vmem>>
      %dma_wait3A_181 = tpu.memref_squeeze %dma_wait3A_180 : memref<1x1x128xi32, #tpu.memory_space<vmem>> -> memref<128xi32, #tpu.memory_space<vmem>>
      %dma_wait3A_182 = arith.constant 0 : i32
      %dma_wait3A_183 = tpu.memref_slice %arg9[%dma_wait3A_182] : memref<10240xf32, #tpu.memory_space<vmem_shared>> -> memref<10240xf32, #tpu.memory_space<vmem_shared>>
      %dma_wait3A_184 = tpu.memref_slice %arg10[%dma_wait3A_178] : memref<6x!tpu.dma_semaphore, #tpu.memory_space<semaphore_mem>> -> memref<1x!tpu.dma_semaphore, #tpu.memory_space<semaphore_mem>>
      %dma_wait3A_185 = tpu.memref_squeeze %dma_wait3A_184 : memref<1x!tpu.dma_semaphore, #tpu.memory_space<semaphore_mem>> -> memref<!tpu.dma_semaphore, #tpu.memory_space<semaphore_mem>>
      tpu.wait_indirect_dma semaphore(%dma_wait3A_185 : memref<!tpu.dma_semaphore, #tpu.memory_space<semaphore_mem>>) src(%arg7 : memref<128xf32, #tpu.memory_space<vmem>>) dst(%dma_wait3A_183 : memref<10240xf32, #tpu.memory_space<vmem_shared>>)
      %dma_start3A_186 = arith.constant 1 : i32
      %dma_start3A_187 = arith.constant 1 : i32
      %dma_start3A_188 = arith.constant 0 : i32
      %dma_start3A_189 = tpu.memref_slice %arg5[%add3A_175, %dma_start3A_186, %dma_start3A_188] : memref<78x2x128xi32, #tpu.memory_space<vmem>> -> memref<1x1x128xi32, #tpu.memory_space<vmem>>
      %dma_start3A_190 = tpu.memref_squeeze %dma_start3A_189 : memref<1x1x128xi32, #tpu.memory_space<vmem>> -> memref<128xi32, #tpu.memory_space<vmem>>
      %dma_start3A_191 = arith.constant 0 : i32
      %dma_start3A_192 = tpu.memref_slice %arg9[%dma_start3A_191] : memref<10240xf32, #tpu.memory_space<vmem_shared>> -> memref<10240xf32, #tpu.memory_space<vmem_shared>>
      %dma_start3A_193 = tpu.memref_slice %arg10[%dma_start3A_187] : memref<6x!tpu.dma_semaphore, #tpu.memory_space<semaphore_mem>> -> memref<1x!tpu.dma_semaphore, #tpu.memory_space<semaphore_mem>>
      %dma_start3A_194 = tpu.memref_squeeze %dma_start3A_193 : memref<1x!tpu.dma_semaphore, #tpu.memory_space<semaphore_mem>> -> memref<!tpu.dma_semaphore, #tpu.memory_space<semaphore_mem>>
      tpu.enqueue_indirect_dma source(%arg7 : memref<128xf32, #tpu.memory_space<vmem>>) target(%dma_start3A_192 : memref<10240xf32, #tpu.memory_space<vmem_shared>>) offsets(%dma_start3A_190 : memref<128xi32, #tpu.memory_space<vmem>>) semaphore(%dma_start3A_194 : memref<!tpu.dma_semaphore, #tpu.memory_space<semaphore_mem>>) {add = true}
      %mul3A_195 = arith.constant 6 : i32
      %mul3A_196 = arith.muli %scan3A_143, %mul3A_195 : i32
      %add3A_197 = arith.constant 6 : i32
      %add3A_198 = arith.addi %add3A_197, %mul3A_196 : i32
      %add3A_199 = arith.constant 2 : i32
      %add3A_200 = arith.addi %add3A_198, %add3A_199 : i32
      %dma_wait3A_201 = arith.constant 0 : i32
      %dma_wait3A_202 = arith.constant 1 : i32
      %dma_wait3A_203 = arith.constant 2 : i32
      %dma_wait3A_204 = arith.constant 0 : i32
      %dma_wait3A_205 = tpu.memref_slice %arg5[%dma_wait3A_201, %dma_wait3A_202, %dma_wait3A_204] : memref<78x2x128xi32, #tpu.memory_space<vmem>> -> memref<1x1x128xi32, #tpu.memory_space<vmem>>
      %dma_wait3A_206 = tpu.memref_squeeze %dma_wait3A_205 : memref<1x1x128xi32, #tpu.memory_space<vmem>> -> memref<128xi32, #tpu.memory_space<vmem>>
      %dma_wait3A_207 = arith.constant 0 : i32
      %dma_wait3A_208 = tpu.memref_slice %arg9[%dma_wait3A_207] : memref<10240xf32, #tpu.memory_space<vmem_shared>> -> memref<10240xf32, #tpu.memory_space<vmem_shared>>
      %dma_wait3A_209 = tpu.memref_slice %arg10[%dma_wait3A_203] : memref<6x!tpu.dma_semaphore, #tpu.memory_space<semaphore_mem>> -> memref<1x!tpu.dma_semaphore, #tpu.memory_space<semaphore_mem>>
      %dma_wait3A_210 = tpu.memref_squeeze %dma_wait3A_209 : memref<1x!tpu.dma_semaphore, #tpu.memory_space<semaphore_mem>> -> memref<!tpu.dma_semaphore, #tpu.memory_space<semaphore_mem>>
      tpu.wait_indirect_dma semaphore(%dma_wait3A_210 : memref<!tpu.dma_semaphore, #tpu.memory_space<semaphore_mem>>) src(%arg7 : memref<128xf32, #tpu.memory_space<vmem>>) dst(%dma_wait3A_208 : memref<10240xf32, #tpu.memory_space<vmem_shared>>)
      %dma_start3A_211 = arith.constant 1 : i32
      %dma_start3A_212 = arith.constant 2 : i32
      %dma_start3A_213 = arith.constant 0 : i32
      %dma_start3A_214 = tpu.memref_slice %arg5[%add3A_200, %dma_start3A_211, %dma_start3A_213] : memref<78x2x128xi32, #tpu.memory_space<vmem>> -> memref<1x1x128xi32, #tpu.memory_space<vmem>>
      %dma_start3A_215 = tpu.memref_squeeze %dma_start3A_214 : memref<1x1x128xi32, #tpu.memory_space<vmem>> -> memref<128xi32, #tpu.memory_space<vmem>>
      %dma_start3A_216 = arith.constant 0 : i32
      %dma_start3A_217 = tpu.memref_slice %arg9[%dma_start3A_216] : memref<10240xf32, #tpu.memory_space<vmem_shared>> -> memref<10240xf32, #tpu.memory_space<vmem_shared>>
      %dma_start3A_218 = tpu.memref_slice %arg10[%dma_start3A_212] : memref<6x!tpu.dma_semaphore, #tpu.memory_space<semaphore_mem>> -> memref<1x!tpu.dma_semaphore, #tpu.memory_space<semaphore_mem>>
      %dma_start3A_219 = tpu.memref_squeeze %dma_start3A_218 : memref<1x!tpu.dma_semaphore, #tpu.memory_space<semaphore_mem>> -> memref<!tpu.dma_semaphore, #tpu.memory_space<semaphore_mem>>
      tpu.enqueue_indirect_dma source(%arg7 : memref<128xf32, #tpu.memory_space<vmem>>) target(%dma_start3A_217 : memref<10240xf32, #tpu.memory_space<vmem_shared>>) offsets(%dma_start3A_215 : memref<128xi32, #tpu.memory_space<vmem>>) semaphore(%dma_start3A_219 : memref<!tpu.dma_semaphore, #tpu.memory_space<semaphore_mem>>) {add = true}
      %mul3A_220 = arith.constant 6 : i32
      %mul3A_221 = arith.muli %scan3A_143, %mul3A_220 : i32
      %add3A_222 = arith.constant 6 : i32
      %add3A_223 = arith.addi %add3A_222, %mul3A_221 : i32
      %add3A_224 = arith.constant 3 : i32
      %add3A_225 = arith.addi %add3A_223, %add3A_224 : i32
      %dma_wait3A_226 = arith.constant 0 : i32
      %dma_wait3A_227 = arith.constant 1 : i32
      %dma_wait3A_228 = arith.constant 3 : i32
      %dma_wait3A_229 = arith.constant 0 : i32
      %dma_wait3A_230 = tpu.memref_slice %arg5[%dma_wait3A_226, %dma_wait3A_227, %dma_wait3A_229] : memref<78x2x128xi32, #tpu.memory_space<vmem>> -> memref<1x1x128xi32, #tpu.memory_space<vmem>>
      %dma_wait3A_231 = tpu.memref_squeeze %dma_wait3A_230 : memref<1x1x128xi32, #tpu.memory_space<vmem>> -> memref<128xi32, #tpu.memory_space<vmem>>
      %dma_wait3A_232 = arith.constant 0 : i32
      %dma_wait3A_233 = tpu.memref_slice %arg9[%dma_wait3A_232] : memref<10240xf32, #tpu.memory_space<vmem_shared>> -> memref<10240xf32, #tpu.memory_space<vmem_shared>>
      %dma_wait3A_234 = tpu.memref_slice %arg10[%dma_wait3A_228] : memref<6x!tpu.dma_semaphore, #tpu.memory_space<semaphore_mem>> -> memref<1x!tpu.dma_semaphore, #tpu.memory_space<semaphore_mem>>
      %dma_wait3A_235 = tpu.memref_squeeze %dma_wait3A_234 : memref<1x!tpu.dma_semaphore, #tpu.memory_space<semaphore_mem>> -> memref<!tpu.dma_semaphore, #tpu.memory_space<semaphore_mem>>
      tpu.wait_indirect_dma semaphore(%dma_wait3A_235 : memref<!tpu.dma_semaphore, #tpu.memory_space<semaphore_mem>>) src(%arg7 : memref<128xf32, #tpu.memory_space<vmem>>) dst(%dma_wait3A_233 : memref<10240xf32, #tpu.memory_space<vmem_shared>>)
      %dma_start3A_236 = arith.constant 1 : i32
      %dma_start3A_237 = arith.constant 3 : i32
      %dma_start3A_238 = arith.constant 0 : i32
      %dma_start3A_239 = tpu.memref_slice %arg5[%add3A_225, %dma_start3A_236, %dma_start3A_238] : memref<78x2x128xi32, #tpu.memory_space<vmem>> -> memref<1x1x128xi32, #tpu.memory_space<vmem>>
      %dma_start3A_240 = tpu.memref_squeeze %dma_start3A_239 : memref<1x1x128xi32, #tpu.memory_space<vmem>> -> memref<128xi32, #tpu.memory_space<vmem>>
      %dma_start3A_241 = arith.constant 0 : i32
      %dma_start3A_242 = tpu.memref_slice %arg9[%dma_start3A_241] : memref<10240xf32, #tpu.memory_space<vmem_shared>> -> memref<10240xf32, #tpu.memory_space<vmem_shared>>
      %dma_start3A_243 = tpu.memref_slice %arg10[%dma_start3A_237] : memref<6x!tpu.dma_semaphore, #tpu.memory_space<semaphore_mem>> -> memref<1x!tpu.dma_semaphore, #tpu.memory_space<semaphore_mem>>
      %dma_start3A_244 = tpu.memref_squeeze %dma_start3A_243 : memref<1x!tpu.dma_semaphore, #tpu.memory_space<semaphore_mem>> -> memref<!tpu.dma_semaphore, #tpu.memory_space<semaphore_mem>>
      tpu.enqueue_indirect_dma source(%arg7 : memref<128xf32, #tpu.memory_space<vmem>>) target(%dma_start3A_242 : memref<10240xf32, #tpu.memory_space<vmem_shared>>) offsets(%dma_start3A_240 : memref<128xi32, #tpu.memory_space<vmem>>) semaphore(%dma_start3A_244 : memref<!tpu.dma_semaphore, #tpu.memory_space<semaphore_mem>>) {add = true}
      %mul3A_245 = arith.constant 6 : i32
      %mul3A_246 = arith.muli %scan3A_143, %mul3A_245 : i32
      %add3A_247 = arith.constant 6 : i32
      %add3A_248 = arith.addi %add3A_247, %mul3A_246 : i32
      %add3A_249 = arith.constant 4 : i32
      %add3A_250 = arith.addi %add3A_248, %add3A_249 : i32
      %dma_wait3A_251 = arith.constant 0 : i32
      %dma_wait3A_252 = arith.constant 1 : i32
      %dma_wait3A_253 = arith.constant 4 : i32
      %dma_wait3A_254 = arith.constant 0 : i32
      %dma_wait3A_255 = tpu.memref_slice %arg5[%dma_wait3A_251, %dma_wait3A_252, %dma_wait3A_254] : memref<78x2x128xi32, #tpu.memory_space<vmem>> -> memref<1x1x128xi32, #tpu.memory_space<vmem>>
      %dma_wait3A_256 = tpu.memref_squeeze %dma_wait3A_255 : memref<1x1x128xi32, #tpu.memory_space<vmem>> -> memref<128xi32, #tpu.memory_space<vmem>>
      %dma_wait3A_257 = arith.constant 0 : i32
      %dma_wait3A_258 = tpu.memref_slice %arg9[%dma_wait3A_257] : memref<10240xf32, #tpu.memory_space<vmem_shared>> -> memref<10240xf32, #tpu.memory_space<vmem_shared>>
      %dma_wait3A_259 = tpu.memref_slice %arg10[%dma_wait3A_253] : memref<6x!tpu.dma_semaphore, #tpu.memory_space<semaphore_mem>> -> memref<1x!tpu.dma_semaphore, #tpu.memory_space<semaphore_mem>>
      %dma_wait3A_260 = tpu.memref_squeeze %dma_wait3A_259 : memref<1x!tpu.dma_semaphore, #tpu.memory_space<semaphore_mem>> -> memref<!tpu.dma_semaphore, #tpu.memory_space<semaphore_mem>>
      tpu.wait_indirect_dma semaphore(%dma_wait3A_260 : memref<!tpu.dma_semaphore, #tpu.memory_space<semaphore_mem>>) src(%arg7 : memref<128xf32, #tpu.memory_space<vmem>>) dst(%dma_wait3A_258 : memref<10240xf32, #tpu.memory_space<vmem_shared>>)
      %dma_start3A_261 = arith.constant 1 : i32
      %dma_start3A_262 = arith.constant 4 : i32
      %dma_start3A_263 = arith.constant 0 : i32
      %dma_start3A_264 = tpu.memref_slice %arg5[%add3A_250, %dma_start3A_261, %dma_start3A_263] : memref<78x2x128xi32, #tpu.memory_space<vmem>> -> memref<1x1x128xi32, #tpu.memory_space<vmem>>
      %dma_start3A_265 = tpu.memref_squeeze %dma_start3A_264 : memref<1x1x128xi32, #tpu.memory_space<vmem>> -> memref<128xi32, #tpu.memory_space<vmem>>
      %dma_start3A_266 = arith.constant 0 : i32
      %dma_start3A_267 = tpu.memref_slice %arg9[%dma_start3A_266] : memref<10240xf32, #tpu.memory_space<vmem_shared>> -> memref<10240xf32, #tpu.memory_space<vmem_shared>>
      %dma_start3A_268 = tpu.memref_slice %arg10[%dma_start3A_262] : memref<6x!tpu.dma_semaphore, #tpu.memory_space<semaphore_mem>> -> memref<1x!tpu.dma_semaphore, #tpu.memory_space<semaphore_mem>>
      %dma_start3A_269 = tpu.memref_squeeze %dma_start3A_268 : memref<1x!tpu.dma_semaphore, #tpu.memory_space<semaphore_mem>> -> memref<!tpu.dma_semaphore, #tpu.memory_space<semaphore_mem>>
      tpu.enqueue_indirect_dma source(%arg7 : memref<128xf32, #tpu.memory_space<vmem>>) target(%dma_start3A_267 : memref<10240xf32, #tpu.memory_space<vmem_shared>>) offsets(%dma_start3A_265 : memref<128xi32, #tpu.memory_space<vmem>>) semaphore(%dma_start3A_269 : memref<!tpu.dma_semaphore, #tpu.memory_space<semaphore_mem>>) {add = true}
      %mul3A_270 = arith.constant 6 : i32
      %mul3A_271 = arith.muli %scan3A_143, %mul3A_270 : i32
      %add3A_272 = arith.constant 6 : i32
      %add3A_273 = arith.addi %add3A_272, %mul3A_271 : i32
      %add3A_274 = arith.constant 5 : i32
      %add3A_275 = arith.addi %add3A_273, %add3A_274 : i32
      %dma_wait3A_276 = arith.constant 0 : i32
      %dma_wait3A_277 = arith.constant 1 : i32
      %dma_wait3A_278 = arith.constant 5 : i32
      %dma_wait3A_279 = arith.constant 0 : i32
      %dma_wait3A_280 = tpu.memref_slice %arg5[%dma_wait3A_276, %dma_wait3A_277, %dma_wait3A_279] : memref<78x2x128xi32, #tpu.memory_space<vmem>> -> memref<1x1x128xi32, #tpu.memory_space<vmem>>
      %dma_wait3A_281 = tpu.memref_squeeze %dma_wait3A_280 : memref<1x1x128xi32, #tpu.memory_space<vmem>> -> memref<128xi32, #tpu.memory_space<vmem>>
      %dma_wait3A_282 = arith.constant 0 : i32
      %dma_wait3A_283 = tpu.memref_slice %arg9[%dma_wait3A_282] : memref<10240xf32, #tpu.memory_space<vmem_shared>> -> memref<10240xf32, #tpu.memory_space<vmem_shared>>
      %dma_wait3A_284 = tpu.memref_slice %arg10[%dma_wait3A_278] : memref<6x!tpu.dma_semaphore, #tpu.memory_space<semaphore_mem>> -> memref<1x!tpu.dma_semaphore, #tpu.memory_space<semaphore_mem>>
      %dma_wait3A_285 = tpu.memref_squeeze %dma_wait3A_284 : memref<1x!tpu.dma_semaphore, #tpu.memory_space<semaphore_mem>> -> memref<!tpu.dma_semaphore, #tpu.memory_space<semaphore_mem>>
      tpu.wait_indirect_dma semaphore(%dma_wait3A_285 : memref<!tpu.dma_semaphore, #tpu.memory_space<semaphore_mem>>) src(%arg7 : memref<128xf32, #tpu.memory_space<vmem>>) dst(%dma_wait3A_283 : memref<10240xf32, #tpu.memory_space<vmem_shared>>)
      %dma_start3A_286 = arith.constant 1 : i32
      %dma_start3A_287 = arith.constant 5 : i32
      %dma_start3A_288 = arith.constant 0 : i32
      %dma_start3A_289 = tpu.memref_slice %arg5[%add3A_275, %dma_start3A_286, %dma_start3A_288] : memref<78x2x128xi32, #tpu.memory_space<vmem>> -> memref<1x1x128xi32, #tpu.memory_space<vmem>>
      %dma_start3A_290 = tpu.memref_squeeze %dma_start3A_289 : memref<1x1x128xi32, #tpu.memory_space<vmem>> -> memref<128xi32, #tpu.memory_space<vmem>>
      %dma_start3A_291 = arith.constant 0 : i32
      %dma_start3A_292 = tpu.memref_slice %arg9[%dma_start3A_291] : memref<10240xf32, #tpu.memory_space<vmem_shared>> -> memref<10240xf32, #tpu.memory_space<vmem_shared>>
      %dma_start3A_293 = tpu.memref_slice %arg10[%dma_start3A_287] : memref<6x!tpu.dma_semaphore, #tpu.memory_space<semaphore_mem>> -> memref<1x!tpu.dma_semaphore, #tpu.memory_space<semaphore_mem>>
      %dma_start3A_294 = tpu.memref_squeeze %dma_start3A_293 : memref<1x!tpu.dma_semaphore, #tpu.memory_space<semaphore_mem>> -> memref<!tpu.dma_semaphore, #tpu.memory_space<semaphore_mem>>
      tpu.enqueue_indirect_dma source(%arg7 : memref<128xf32, #tpu.memory_space<vmem>>) target(%dma_start3A_292 : memref<10240xf32, #tpu.memory_space<vmem_shared>>) offsets(%dma_start3A_290 : memref<128xi32, #tpu.memory_space<vmem>>) semaphore(%dma_start3A_294 : memref<!tpu.dma_semaphore, #tpu.memory_space<semaphore_mem>>) {add = true}
      %scan3A_295 = arith.constant 0 : i32
      scf.yield %scan3A_295 : i32
    }
    %scan3A_76 = arith.constant 12 : i32
    %dma_wait3A = arith.constant 0 : i32
    %dma_wait3A_77 = arith.constant 1 : i32
    %dma_wait3A_78 = arith.constant 0 : i32
    %dma_wait3A_79 = arith.constant 0 : i32
    %dma_wait3A_80 = tpu.memref_slice %arg5[%dma_wait3A, %dma_wait3A_77, %dma_wait3A_79] : memref<78x2x128xi32, #tpu.memory_space<vmem>> -> memref<1x1x128xi32, #tpu.memory_space<vmem>>
    %dma_wait3A_81 = tpu.memref_squeeze %dma_wait3A_80 : memref<1x1x128xi32, #tpu.memory_space<vmem>> -> memref<128xi32, #tpu.memory_space<vmem>>
    %dma_wait3A_82 = arith.constant 0 : i32
    %dma_wait3A_83 = tpu.memref_slice %arg9[%dma_wait3A_82] : memref<10240xf32, #tpu.memory_space<vmem_shared>> -> memref<10240xf32, #tpu.memory_space<vmem_shared>>
    %dma_wait3A_84 = tpu.memref_slice %arg10[%dma_wait3A_78] : memref<6x!tpu.dma_semaphore, #tpu.memory_space<semaphore_mem>> -> memref<1x!tpu.dma_semaphore, #tpu.memory_space<semaphore_mem>>
    %dma_wait3A_85 = tpu.memref_squeeze %dma_wait3A_84 : memref<1x!tpu.dma_semaphore, #tpu.memory_space<semaphore_mem>> -> memref<!tpu.dma_semaphore, #tpu.memory_space<semaphore_mem>>
    tpu.wait_indirect_dma semaphore(%dma_wait3A_85 : memref<!tpu.dma_semaphore, #tpu.memory_space<semaphore_mem>>) src(%arg7 : memref<128xf32, #tpu.memory_space<vmem>>) dst(%dma_wait3A_83 : memref<10240xf32, #tpu.memory_space<vmem_shared>>)
    %dma_wait3A_86 = arith.constant 0 : i32
    %dma_wait3A_87 = arith.constant 1 : i32
    %dma_wait3A_88 = arith.constant 1 : i32
    %dma_wait3A_89 = arith.constant 0 : i32
    %dma_wait3A_90 = tpu.memref_slice %arg5[%dma_wait3A_86, %dma_wait3A_87, %dma_wait3A_89] : memref<78x2x128xi32, #tpu.memory_space<vmem>> -> memref<1x1x128xi32, #tpu.memory_space<vmem>>
    %dma_wait3A_91 = tpu.memref_squeeze %dma_wait3A_90 : memref<1x1x128xi32, #tpu.memory_space<vmem>> -> memref<128xi32, #tpu.memory_space<vmem>>
    %dma_wait3A_92 = arith.constant 0 : i32
    %dma_wait3A_93 = tpu.memref_slice %arg9[%dma_wait3A_92] : memref<10240xf32, #tpu.memory_space<vmem_shared>> -> memref<10240xf32, #tpu.memory_space<vmem_shared>>
    %dma_wait3A_94 = tpu.memref_slice %arg10[%dma_wait3A_88] : memref<6x!tpu.dma_semaphore, #tpu.memory_space<semaphore_mem>> -> memref<1x!tpu.dma_semaphore, #tpu.memory_space<semaphore_mem>>
    %dma_wait3A_95 = tpu.memref_squeeze %dma_wait3A_94 : memref<1x!tpu.dma_semaphore, #tpu.memory_space<semaphore_mem>> -> memref<!tpu.dma_semaphore, #tpu.memory_space<semaphore_mem>>
    tpu.wait_indirect_dma semaphore(%dma_wait3A_95 : memref<!tpu.dma_semaphore, #tpu.memory_space<semaphore_mem>>) src(%arg7 : memref<128xf32, #tpu.memory_space<vmem>>) dst(%dma_wait3A_93 : memref<10240xf32, #tpu.memory_space<vmem_shared>>)
    %dma_wait3A_96 = arith.constant 0 : i32
    %dma_wait3A_97 = arith.constant 1 : i32
    %dma_wait3A_98 = arith.constant 2 : i32
    %dma_wait3A_99 = arith.constant 0 : i32
    %dma_wait3A_100 = tpu.memref_slice %arg5[%dma_wait3A_96, %dma_wait3A_97, %dma_wait3A_99] : memref<78x2x128xi32, #tpu.memory_space<vmem>> -> memref<1x1x128xi32, #tpu.memory_space<vmem>>
    %dma_wait3A_101 = tpu.memref_squeeze %dma_wait3A_100 : memref<1x1x128xi32, #tpu.memory_space<vmem>> -> memref<128xi32, #tpu.memory_space<vmem>>
    %dma_wait3A_102 = arith.constant 0 : i32
    %dma_wait3A_103 = tpu.memref_slice %arg9[%dma_wait3A_102] : memref<10240xf32, #tpu.memory_space<vmem_shared>> -> memref<10240xf32, #tpu.memory_space<vmem_shared>>
    %dma_wait3A_104 = tpu.memref_slice %arg10[%dma_wait3A_98] : memref<6x!tpu.dma_semaphore, #tpu.memory_space<semaphore_mem>> -> memref<1x!tpu.dma_semaphore, #tpu.memory_space<semaphore_mem>>
    %dma_wait3A_105 = tpu.memref_squeeze %dma_wait3A_104 : memref<1x!tpu.dma_semaphore, #tpu.memory_space<semaphore_mem>> -> memref<!tpu.dma_semaphore, #tpu.memory_space<semaphore_mem>>
    tpu.wait_indirect_dma semaphore(%dma_wait3A_105 : memref<!tpu.dma_semaphore, #tpu.memory_space<semaphore_mem>>) src(%arg7 : memref<128xf32, #tpu.memory_space<vmem>>) dst(%dma_wait3A_103 : memref<10240xf32, #tpu.memory_space<vmem_shared>>)
    %dma_wait3A_106 = arith.constant 0 : i32
    %dma_wait3A_107 = arith.constant 1 : i32
    %dma_wait3A_108 = arith.constant 3 : i32
    %dma_wait3A_109 = arith.constant 0 : i32
    %dma_wait3A_110 = tpu.memref_slice %arg5[%dma_wait3A_106, %dma_wait3A_107, %dma_wait3A_109] : memref<78x2x128xi32, #tpu.memory_space<vmem>> -> memref<1x1x128xi32, #tpu.memory_space<vmem>>
    %dma_wait3A_111 = tpu.memref_squeeze %dma_wait3A_110 : memref<1x1x128xi32, #tpu.memory_space<vmem>> -> memref<128xi32, #tpu.memory_space<vmem>>
    %dma_wait3A_112 = arith.constant 0 : i32
    %dma_wait3A_113 = tpu.memref_slice %arg9[%dma_wait3A_112] : memref<10240xf32, #tpu.memory_space<vmem_shared>> -> memref<10240xf32, #tpu.memory_space<vmem_shared>>
    %dma_wait3A_114 = tpu.memref_slice %arg10[%dma_wait3A_108] : memref<6x!tpu.dma_semaphore, #tpu.memory_space<semaphore_mem>> -> memref<1x!tpu.dma_semaphore, #tpu.memory_space<semaphore_mem>>
    %dma_wait3A_115 = tpu.memref_squeeze %dma_wait3A_114 : memref<1x!tpu.dma_semaphore, #tpu.memory_space<semaphore_mem>> -> memref<!tpu.dma_semaphore, #tpu.memory_space<semaphore_mem>>
    tpu.wait_indirect_dma semaphore(%dma_wait3A_115 : memref<!tpu.dma_semaphore, #tpu.memory_space<semaphore_mem>>) src(%arg7 : memref<128xf32, #tpu.memory_space<vmem>>) dst(%dma_wait3A_113 : memref<10240xf32, #tpu.memory_space<vmem_shared>>)
    %dma_wait3A_116 = arith.constant 0 : i32
    %dma_wait3A_117 = arith.constant 1 : i32
    %dma_wait3A_118 = arith.constant 4 : i32
    %dma_wait3A_119 = arith.constant 0 : i32
    %dma_wait3A_120 = tpu.memref_slice %arg5[%dma_wait3A_116, %dma_wait3A_117, %dma_wait3A_119] : memref<78x2x128xi32, #tpu.memory_space<vmem>> -> memref<1x1x128xi32, #tpu.memory_space<vmem>>
    %dma_wait3A_121 = tpu.memref_squeeze %dma_wait3A_120 : memref<1x1x128xi32, #tpu.memory_space<vmem>> -> memref<128xi32, #tpu.memory_space<vmem>>
    %dma_wait3A_122 = arith.constant 0 : i32
    %dma_wait3A_123 = tpu.memref_slice %arg9[%dma_wait3A_122] : memref<10240xf32, #tpu.memory_space<vmem_shared>> -> memref<10240xf32, #tpu.memory_space<vmem_shared>>
    %dma_wait3A_124 = tpu.memref_slice %arg10[%dma_wait3A_118] : memref<6x!tpu.dma_semaphore, #tpu.memory_space<semaphore_mem>> -> memref<1x!tpu.dma_semaphore, #tpu.memory_space<semaphore_mem>>
    %dma_wait3A_125 = tpu.memref_squeeze %dma_wait3A_124 : memref<1x!tpu.dma_semaphore, #tpu.memory_space<semaphore_mem>> -> memref<!tpu.dma_semaphore, #tpu.memory_space<semaphore_mem>>
    tpu.wait_indirect_dma semaphore(%dma_wait3A_125 : memref<!tpu.dma_semaphore, #tpu.memory_space<semaphore_mem>>) src(%arg7 : memref<128xf32, #tpu.memory_space<vmem>>) dst(%dma_wait3A_123 : memref<10240xf32, #tpu.memory_space<vmem_shared>>)
    %dma_wait3A_126 = arith.constant 0 : i32
    %dma_wait3A_127 = arith.constant 1 : i32
    %dma_wait3A_128 = arith.constant 5 : i32
    %dma_wait3A_129 = arith.constant 0 : i32
    %dma_wait3A_130 = tpu.memref_slice %arg5[%dma_wait3A_126, %dma_wait3A_127, %dma_wait3A_129] : memref<78x2x128xi32, #tpu.memory_space<vmem>> -> memref<1x1x128xi32, #tpu.memory_space<vmem>>
    %dma_wait3A_131 = tpu.memref_squeeze %dma_wait3A_130 : memref<1x1x128xi32, #tpu.memory_space<vmem>> -> memref<128xi32, #tpu.memory_space<vmem>>
    %dma_wait3A_132 = arith.constant 0 : i32
    %dma_wait3A_133 = tpu.memref_slice %arg9[%dma_wait3A_132] : memref<10240xf32, #tpu.memory_space<vmem_shared>> -> memref<10240xf32, #tpu.memory_space<vmem_shared>>
    %dma_wait3A_134 = tpu.memref_slice %arg10[%dma_wait3A_128] : memref<6x!tpu.dma_semaphore, #tpu.memory_space<semaphore_mem>> -> memref<1x!tpu.dma_semaphore, #tpu.memory_space<semaphore_mem>>
    %dma_wait3A_135 = tpu.memref_squeeze %dma_wait3A_134 : memref<1x!tpu.dma_semaphore, #tpu.memory_space<semaphore_mem>> -> memref<!tpu.dma_semaphore, #tpu.memory_space<semaphore_mem>>
    tpu.wait_indirect_dma semaphore(%dma_wait3A_135 : memref<!tpu.dma_semaphore, #tpu.memory_space<semaphore_mem>>) src(%arg7 : memref<128xf32, #tpu.memory_space<vmem>>) dst(%dma_wait3A_133 : memref<10240xf32, #tpu.memory_space<vmem_shared>>)
    %lt3A = arith.constant 4 : i32
    %lt3A_136 = arith.cmpi slt, %add3A, %lt3A : i32
    %convert_element_type3A = arith.extui %lt3A_136 : i1 to i32
    %cond3A = arith.constant 0 : i32
    %cond3A_137 = arith.cmpi ne, %convert_element_type3A, %cond3A : i32
    scf.if %cond3A_137 {
      %add3A_143 = arith.constant 2496 : i32
      %add3A_144 = arith.addi %add3A_143, %add3A : i32
      "tpu.region"() ({
        %run_scoped3A_146 = tpu.sem_alloc : memref<!tpu.dma_semaphore, #tpu.memory_space<semaphore_mem>>
        %dma_start3A_147 = arith.constant 0 : i32
        %dma_start3A_148 = arith.constant 0 : i32
        %dma_start3A_149 = tpu.memref_slice %arg2[%add3A_144, %dma_start3A_147, %dma_start3A_148] : memref<2500x2x128xi32, #tpu.memory_space<hbm>> -> memref<1x2x128xi32, #tpu.memory_space<hbm>>
        %dma_start3A_150 = tpu.memref_squeeze %dma_start3A_149 : memref<1x2x128xi32, #tpu.memory_space<hbm>> -> memref<2x128xi32, #tpu.memory_space<hbm>>
        %dma_start3A_151 = arith.constant 0 : i32
        %dma_start3A_152 = arith.constant 0 : i32
        %dma_start3A_153 = tpu.memref_slice %arg2[%add3A_144, %dma_start3A_151, %dma_start3A_152] : memref<2500x2x128xi32, #tpu.memory_space<hbm>> -> memref<1x2x128xi32, #tpu.memory_space<hbm>>
        %dma_start3A_154 = tpu.memref_squeeze %dma_start3A_153 : memref<1x2x128xi32, #tpu.memory_space<hbm>> -> memref<2x128xi32, #tpu.memory_space<hbm>>
        tpu.enqueue_dma source(%dma_start3A_154 : memref<2x128xi32, #tpu.memory_space<hbm>>) target(%arg6 : memref<2x128xi32, #tpu.memory_space<vmem>>) target_semaphore(%run_scoped3A_146 : memref<!tpu.dma_semaphore, #tpu.memory_space<semaphore_mem>>)
        %dma_wait3A_155 = arith.constant 0 : i32
        %dma_wait3A_156 = arith.constant 0 : i32
        %dma_wait3A_157 = tpu.memref_slice %arg2[%add3A_144, %dma_wait3A_155, %dma_wait3A_156] : memref<2500x2x128xi32, #tpu.memory_space<hbm>> -> memref<1x2x128xi32, #tpu.memory_space<hbm>>
        %dma_wait3A_158 = tpu.memref_squeeze %dma_wait3A_157 : memref<1x2x128xi32, #tpu.memory_space<hbm>> -> memref<2x128xi32, #tpu.memory_space<hbm>>
        %dma_wait3A_159 = arith.constant 0 : i32
        %dma_wait3A_160 = arith.constant 0 : i32
        %dma_wait3A_161 = tpu.memref_slice %arg2[%add3A_144, %dma_wait3A_159, %dma_wait3A_160] : memref<2500x2x128xi32, #tpu.memory_space<hbm>> -> memref<1x2x128xi32, #tpu.memory_space<hbm>>
        %dma_wait3A_162 = tpu.memref_squeeze %dma_wait3A_161 : memref<1x2x128xi32, #tpu.memory_space<hbm>> -> memref<2x128xi32, #tpu.memory_space<hbm>>
        tpu.wait_dma2 semaphore(%run_scoped3A_146 : memref<!tpu.dma_semaphore, #tpu.memory_space<semaphore_mem>>) src(%dma_wait3A_162 : memref<2x128xi32, #tpu.memory_space<hbm>>) dst(%arg6 : memref<2x128xi32, #tpu.memory_space<vmem>>)
        tpu.yield
      }) : () -> ()
      %run_scoped3A_145 = arith.constant 1 : i32
      "tpu.region"() ({
        %run_scoped3A_146 = tpu.sem_alloc : memref<!tpu.dma_semaphore, #tpu.memory_space<semaphore_mem>>
        %dma_start3A_147 = arith.constant 0 : i32
        %dma_start3A_148 = tpu.memref_slice %arg6[%run_scoped3A_145, %dma_start3A_147] : memref<2x128xi32, #tpu.memory_space<vmem>> -> memref<1x128xi32, #tpu.memory_space<vmem>>
        %dma_start3A_149 = tpu.memref_squeeze %dma_start3A_148 : memref<1x128xi32, #tpu.memory_space<vmem>> -> memref<128xi32, #tpu.memory_space<vmem>>
        %dma_start3A_150 = arith.constant 0 : i32
        %dma_start3A_151 = tpu.memref_slice %arg9[%dma_start3A_150] : memref<10240xf32, #tpu.memory_space<vmem_shared>> -> memref<10240xf32, #tpu.memory_space<vmem_shared>>
        tpu.enqueue_indirect_dma source(%arg7 : memref<128xf32, #tpu.memory_space<vmem>>) target(%dma_start3A_151 : memref<10240xf32, #tpu.memory_space<vmem_shared>>) offsets(%dma_start3A_149 : memref<128xi32, #tpu.memory_space<vmem>>) semaphore(%run_scoped3A_146 : memref<!tpu.dma_semaphore, #tpu.memory_space<semaphore_mem>>) {add = true}
        %dma_wait3A_152 = arith.constant 0 : i32
        %dma_wait3A_153 = tpu.memref_slice %arg6[%run_scoped3A_145, %dma_wait3A_152] : memref<2x128xi32, #tpu.memory_space<vmem>> -> memref<1x128xi32, #tpu.memory_space<vmem>>
        %dma_wait3A_154 = tpu.memref_squeeze %dma_wait3A_153 : memref<1x128xi32, #tpu.memory_space<vmem>> -> memref<128xi32, #tpu.memory_space<vmem>>
        %dma_wait3A_155 = arith.constant 0 : i32
        %dma_wait3A_156 = tpu.memref_slice %arg9[%dma_wait3A_155] : memref<10240xf32, #tpu.memory_space<vmem_shared>> -> memref<10240xf32, #tpu.memory_space<vmem_shared>>
        tpu.wait_indirect_dma semaphore(%run_scoped3A_146 : memref<!tpu.dma_semaphore, #tpu.memory_space<semaphore_mem>>) src(%arg7 : memref<128xf32, #tpu.memory_space<vmem>>) dst(%dma_wait3A_156 : memref<10240xf32, #tpu.memory_space<vmem_shared>>)
        tpu.yield
      }) : () -> ()
    } else {
    }
    %barrier3A_138 = arith.constant 0 : index
    tpu.barrier barrier_id(%barrier3A_138)
    %mul3A_139 = arith.constant 640 : i32
    %mul3A_140 = arith.muli %arg1, %mul3A_139 : i32
    "tpu.region"() ({
      %run_scoped3A_143 = tpu.sem_alloc : memref<!tpu.dma_semaphore, #tpu.memory_space<semaphore_mem>>
      %dma_start3A_144 = tpu.memref_slice %arg9[%mul3A_140] : memref<10240xf32, #tpu.memory_space<vmem_shared>> -> memref<640xf32, #tpu.memory_space<vmem_shared>>
      %dma_start3A_145 = tpu.memref_slice %arg9[%mul3A_140] : memref<10240xf32, #tpu.memory_space<vmem_shared>> -> memref<640xf32, #tpu.memory_space<vmem_shared>>
      tpu.enqueue_dma source(%dma_start3A_145 : memref<640xf32, #tpu.memory_space<vmem_shared>>) target(%arg8 : memref<640xf32, #tpu.memory_space<vmem>>) target_semaphore(%run_scoped3A_143 : memref<!tpu.dma_semaphore, #tpu.memory_space<semaphore_mem>>)
      %dma_wait3A_146 = tpu.memref_slice %arg9[%mul3A_140] : memref<10240xf32, #tpu.memory_space<vmem_shared>> -> memref<640xf32, #tpu.memory_space<vmem_shared>>
      %dma_wait3A_147 = tpu.memref_slice %arg9[%mul3A_140] : memref<10240xf32, #tpu.memory_space<vmem_shared>> -> memref<640xf32, #tpu.memory_space<vmem_shared>>
      tpu.wait_dma2 semaphore(%run_scoped3A_143 : memref<!tpu.dma_semaphore, #tpu.memory_space<semaphore_mem>>) src(%dma_wait3A_147 : memref<640xf32, #tpu.memory_space<vmem_shared>>) dst(%arg8 : memref<640xf32, #tpu.memory_space<vmem>>)
      tpu.yield
    }) : () -> ()
    %mul3A_141 = arith.constant 640 : i32
    %mul3A_142 = arith.muli %arg1, %mul3A_141 : i32
    %run_scoped3A = arith.constant 0 : i32
    "tpu.region"() ({
      %run_scoped3A_143 = tpu.sem_alloc : memref<!tpu.dma_semaphore, #tpu.memory_space<semaphore_mem>>
      %dma_start3A_144 = tpu.memref_slice %arg4[%arg0, %run_scoped3A, %mul3A_142] : memref<2x1x10240xf32, #tpu.memory_space<hbm>> -> memref<1x1x640xf32, #tpu.memory_space<hbm>>
      %dma_start3A_145 = tpu.memref_squeeze %dma_start3A_144 : memref<1x1x640xf32, #tpu.memory_space<hbm>> -> memref<640xf32, #tpu.memory_space<hbm>>
      %dma_start3A_146 = tpu.memref_slice %arg4[%arg0, %run_scoped3A, %mul3A_142] : memref<2x1x10240xf32, #tpu.memory_space<hbm>> -> memref<1x1x640xf32, #tpu.memory_space<hbm>>
      %dma_start3A_147 = tpu.memref_squeeze %dma_start3A_146 : memref<1x1x640xf32, #tpu.memory_space<hbm>> -> memref<640xf32, #tpu.memory_space<hbm>>
      tpu.enqueue_dma source(%arg8 : memref<640xf32, #tpu.memory_space<vmem>>) target(%dma_start3A_147 : memref<640xf32, #tpu.memory_space<hbm>>) target_semaphore(%run_scoped3A_143 : memref<!tpu.dma_semaphore, #tpu.memory_space<semaphore_mem>>)
      %dma_wait3A_148 = tpu.memref_slice %arg4[%arg0, %run_scoped3A, %mul3A_142] : memref<2x1x10240xf32, #tpu.memory_space<hbm>> -> memref<1x1x640xf32, #tpu.memory_space<hbm>>
      %dma_wait3A_149 = tpu.memref_squeeze %dma_wait3A_148 : memref<1x1x640xf32, #tpu.memory_space<hbm>> -> memref<640xf32, #tpu.memory_space<hbm>>
      %dma_wait3A_150 = tpu.memref_slice %arg4[%arg0, %run_scoped3A, %mul3A_142] : memref<2x1x10240xf32, #tpu.memory_space<hbm>> -> memref<1x1x640xf32, #tpu.memory_space<hbm>>
      %dma_wait3A_151 = tpu.memref_squeeze %dma_wait3A_150 : memref<1x1x640xf32, #tpu.memory_space<hbm>> -> memref<640xf32, #tpu.memory_space<hbm>>
      tpu.wait_dma2 semaphore(%run_scoped3A_143 : memref<!tpu.dma_semaphore, #tpu.memory_space<semaphore_mem>>) src(%arg8 : memref<640xf32, #tpu.memory_space<vmem>>) dst(%dma_wait3A_151 : memref<640xf32, #tpu.memory_space<hbm>>)
      tpu.yield
    }) : () -> ()
    return
  }
}

#map = affine_map<(d0, d1) -> (0, 0, 0)>
#map1 = affine_map<(d0, d1) -> (0, 0)>
module attributes {stable_mosaic.version = 14 : i64} {
  func.func @_agg_body(%arg0: i32, %arg1: i32, %arg2: memref<2500x2x128xi32, #tpu.memory_space<hbm>>, %arg3: memref<10000x64xbf16, #tpu.memory_space<hbm>>, %arg4: memref<640x64xbf16, #tpu.memory_space<hbm>>, %arg5: memref<2x10240x64xbf16, #tpu.memory_space<hbm>>, %arg6: memref<78x2x128xi32, #tpu.memory_space<vmem>>, %arg7: memref<2x128xi32, #tpu.memory_space<vmem>>, %arg8: memref<6x128x64xbf16, #tpu.memory_space<vmem>>, %arg9: memref<640x64xbf16, #tpu.memory_space<vmem>>, %arg10: memref<10240x64xbf16, #tpu.memory_space<vmem_shared>>, %arg11: memref<10240x64xbf16, #tpu.memory_space<vmem_shared>>, %arg12: memref<6x!tpu.dma_semaphore, #tpu.memory_space<semaphore_mem>>, %arg13: memref<6x!tpu.dma_semaphore, #tpu.memory_space<semaphore_mem>>) attributes {dimension_semantics = [#tpu.dimension_semantics<core_parallel>, #tpu.dimension_semantics<subcore_parallel>], iteration_bounds = array<i64: 2, 16>, scalar_prefetch = 0 : i64, scratch_operands = 8 : i64, tpu.core_type = #tpu.core_type<sc_vector_subcore>, window_params = [{transform_indices = #map}, {transform_indices = #map1}, {transform_indices = #map1}, {transform_indices = #map}]} {
    %mul3A = arith.constant 2 : i32
    %mul3A_0 = arith.muli %arg1, %mul3A : i32
    %add3A = arith.addi %mul3A_0, %arg0 : i32
    %mul3A_1 = arith.constant 78 : i32
    %mul3A_2 = arith.muli %add3A, %mul3A_1 : i32
    "tpu.region"() ({
      %run_scoped3A = tpu.sem_alloc : memref<!tpu.dma_semaphore, #tpu.memory_space<semaphore_mem>>
      %dma_start3A_153 = arith.constant 0 : i32
      %dma_start3A_154 = arith.constant 0 : i32
      %dma_start3A_155 = tpu.memref_slice %arg2[%mul3A_2, %dma_start3A_153, %dma_start3A_154] : memref<2500x2x128xi32, #tpu.memory_space<hbm>> -> memref<78x2x128xi32, #tpu.memory_space<hbm>>
      %dma_start3A_156 = arith.constant 0 : i32
      %dma_start3A_157 = arith.constant 0 : i32
      %dma_start3A_158 = tpu.memref_slice %arg2[%mul3A_2, %dma_start3A_156, %dma_start3A_157] : memref<2500x2x128xi32, #tpu.memory_space<hbm>> -> memref<78x2x128xi32, #tpu.memory_space<hbm>>
      tpu.enqueue_dma source(%dma_start3A_158 : memref<78x2x128xi32, #tpu.memory_space<hbm>>) target(%arg6 : memref<78x2x128xi32, #tpu.memory_space<vmem>>) target_semaphore(%run_scoped3A : memref<!tpu.dma_semaphore, #tpu.memory_space<semaphore_mem>>)
      %dma_wait3A_159 = arith.constant 0 : i32
      %dma_wait3A_160 = arith.constant 0 : i32
      %dma_wait3A_161 = tpu.memref_slice %arg2[%mul3A_2, %dma_wait3A_159, %dma_wait3A_160] : memref<2500x2x128xi32, #tpu.memory_space<hbm>> -> memref<78x2x128xi32, #tpu.memory_space<hbm>>
      %dma_wait3A_162 = arith.constant 0 : i32
      %dma_wait3A_163 = arith.constant 0 : i32
      %dma_wait3A_164 = tpu.memref_slice %arg2[%mul3A_2, %dma_wait3A_162, %dma_wait3A_163] : memref<2500x2x128xi32, #tpu.memory_space<hbm>> -> memref<78x2x128xi32, #tpu.memory_space<hbm>>
      tpu.wait_dma2 semaphore(%run_scoped3A : memref<!tpu.dma_semaphore, #tpu.memory_space<semaphore_mem>>) src(%dma_wait3A_164 : memref<78x2x128xi32, #tpu.memory_space<hbm>>) dst(%arg6 : memref<78x2x128xi32, #tpu.memory_space<vmem>>)
      tpu.yield
    }) : () -> ()
    %lt3A = arith.constant 15 : i32
    %lt3A_3 = arith.cmpi slt, %arg1, %lt3A : i32
    %convert_element_type3A = arith.extui %lt3A_3 : i1 to i32
    %cond3A = arith.constant 0 : i32
    %cond3A_4 = arith.cmpi ne, %convert_element_type3A, %cond3A : i32
    scf.if %cond3A_4 {
      %mul3A_153 = arith.constant 640 : i32
      %mul3A_154 = arith.muli %arg1, %mul3A_153 : i32
      "tpu.region"() ({
        %run_scoped3A = tpu.sem_alloc : memref<!tpu.dma_semaphore, #tpu.memory_space<semaphore_mem>>
        %dma_start3A_157 = arith.constant 0 : i32
        %dma_start3A_158 = tpu.memref_slice %arg3[%mul3A_154, %dma_start3A_157] : memref<10000x64xbf16, #tpu.memory_space<hbm>> -> memref<640x64xbf16, #tpu.memory_space<hbm>>
        %dma_start3A_159 = arith.constant 0 : i32
        %dma_start3A_160 = tpu.memref_slice %arg3[%mul3A_154, %dma_start3A_159] : memref<10000x64xbf16, #tpu.memory_space<hbm>> -> memref<640x64xbf16, #tpu.memory_space<hbm>>
        tpu.enqueue_dma source(%dma_start3A_160 : memref<640x64xbf16, #tpu.memory_space<hbm>>) target(%arg9 : memref<640x64xbf16, #tpu.memory_space<vmem>>) target_semaphore(%run_scoped3A : memref<!tpu.dma_semaphore, #tpu.memory_space<semaphore_mem>>)
        %dma_wait3A_161 = arith.constant 0 : i32
        %dma_wait3A_162 = tpu.memref_slice %arg3[%mul3A_154, %dma_wait3A_161] : memref<10000x64xbf16, #tpu.memory_space<hbm>> -> memref<640x64xbf16, #tpu.memory_space<hbm>>
        %dma_wait3A_163 = arith.constant 0 : i32
        %dma_wait3A_164 = tpu.memref_slice %arg3[%mul3A_154, %dma_wait3A_163] : memref<10000x64xbf16, #tpu.memory_space<hbm>> -> memref<640x64xbf16, #tpu.memory_space<hbm>>
        tpu.wait_dma2 semaphore(%run_scoped3A : memref<!tpu.dma_semaphore, #tpu.memory_space<semaphore_mem>>) src(%dma_wait3A_164 : memref<640x64xbf16, #tpu.memory_space<hbm>>) dst(%arg9 : memref<640x64xbf16, #tpu.memory_space<vmem>>)
        tpu.yield
      }) : () -> ()
      %mul3A_155 = arith.constant 640 : i32
      %mul3A_156 = arith.muli %arg1, %mul3A_155 : i32
      "tpu.region"() ({
        %run_scoped3A = tpu.sem_alloc : memref<!tpu.dma_semaphore, #tpu.memory_space<semaphore_mem>>
        %dma_start3A_157 = arith.constant 0 : i32
        %dma_start3A_158 = tpu.memref_slice %arg11[%mul3A_156, %dma_start3A_157] : memref<10240x64xbf16, #tpu.memory_space<vmem_shared>> -> memref<640x64xbf16, #tpu.memory_space<vmem_shared>>
        %dma_start3A_159 = arith.constant 0 : i32
        %dma_start3A_160 = tpu.memref_slice %arg11[%mul3A_156, %dma_start3A_159] : memref<10240x64xbf16, #tpu.memory_space<vmem_shared>> -> memref<640x64xbf16, #tpu.memory_space<vmem_shared>>
        tpu.enqueue_dma source(%arg9 : memref<640x64xbf16, #tpu.memory_space<vmem>>) target(%dma_start3A_160 : memref<640x64xbf16, #tpu.memory_space<vmem_shared>>) target_semaphore(%run_scoped3A : memref<!tpu.dma_semaphore, #tpu.memory_space<semaphore_mem>>)
        %dma_wait3A_161 = arith.constant 0 : i32
        %dma_wait3A_162 = tpu.memref_slice %arg11[%mul3A_156, %dma_wait3A_161] : memref<10240x64xbf16, #tpu.memory_space<vmem_shared>> -> memref<640x64xbf16, #tpu.memory_space<vmem_shared>>
        %dma_wait3A_163 = arith.constant 0 : i32
        %dma_wait3A_164 = tpu.memref_slice %arg11[%mul3A_156, %dma_wait3A_163] : memref<10240x64xbf16, #tpu.memory_space<vmem_shared>> -> memref<640x64xbf16, #tpu.memory_space<vmem_shared>>
        tpu.wait_dma2 semaphore(%run_scoped3A : memref<!tpu.dma_semaphore, #tpu.memory_space<semaphore_mem>>) src(%arg9 : memref<640x64xbf16, #tpu.memory_space<vmem>>) dst(%dma_wait3A_164 : memref<640x64xbf16, #tpu.memory_space<vmem_shared>>)
        tpu.yield
      }) : () -> ()
    } else {
    }
    %eq3A = arith.constant 15 : i32
    %eq3A_5 = arith.cmpi eq, %arg1, %eq3A : i32
    %convert_element_type3A_6 = arith.extui %eq3A_5 : i1 to i32
    %cond3A_7 = arith.constant 0 : i32
    %cond3A_8 = arith.cmpi ne, %convert_element_type3A_6, %cond3A_7 : i32
    scf.if %cond3A_8 {
      "tpu.region"() ({
        %run_scoped3A = tpu.sem_alloc : memref<!tpu.dma_semaphore, #tpu.memory_space<semaphore_mem>>
        %dma_start3A_153 = arith.constant 0 : i32
        %dma_start3A_154 = arith.constant 0 : i32
        %dma_start3A_155 = tpu.memref_slice %arg9[%dma_start3A_153, %dma_start3A_154] : memref<640x64xbf16, #tpu.memory_space<vmem>> -> memref<400x64xbf16, #tpu.memory_space<vmem>>
        %dma_start3A_156 = arith.constant 9600 : i32
        %dma_start3A_157 = arith.constant 0 : i32
        %dma_start3A_158 = tpu.memref_slice %arg3[%dma_start3A_156, %dma_start3A_157] : memref<10000x64xbf16, #tpu.memory_space<hbm>> -> memref<400x64xbf16, #tpu.memory_space<hbm>>
        %dma_start3A_159 = arith.constant 0 : i32
        %dma_start3A_160 = arith.constant 0 : i32
        %dma_start3A_161 = tpu.memref_slice %arg9[%dma_start3A_159, %dma_start3A_160] : memref<640x64xbf16, #tpu.memory_space<vmem>> -> memref<400x64xbf16, #tpu.memory_space<vmem>>
        %dma_start3A_162 = arith.constant 9600 : i32
        %dma_start3A_163 = arith.constant 0 : i32
        %dma_start3A_164 = tpu.memref_slice %arg3[%dma_start3A_162, %dma_start3A_163] : memref<10000x64xbf16, #tpu.memory_space<hbm>> -> memref<400x64xbf16, #tpu.memory_space<hbm>>
        tpu.enqueue_dma source(%dma_start3A_164 : memref<400x64xbf16, #tpu.memory_space<hbm>>) target(%dma_start3A_161 : memref<400x64xbf16, #tpu.memory_space<vmem>>) target_semaphore(%run_scoped3A : memref<!tpu.dma_semaphore, #tpu.memory_space<semaphore_mem>>)
        %dma_wait3A_165 = arith.constant 0 : i32
        %dma_wait3A_166 = arith.constant 0 : i32
        %dma_wait3A_167 = tpu.memref_slice %arg9[%dma_wait3A_165, %dma_wait3A_166] : memref<640x64xbf16, #tpu.memory_space<vmem>> -> memref<400x64xbf16, #tpu.memory_space<vmem>>
        %dma_wait3A_168 = arith.constant 9600 : i32
        %dma_wait3A_169 = arith.constant 0 : i32
        %dma_wait3A_170 = tpu.memref_slice %arg3[%dma_wait3A_168, %dma_wait3A_169] : memref<10000x64xbf16, #tpu.memory_space<hbm>> -> memref<400x64xbf16, #tpu.memory_space<hbm>>
        %dma_wait3A_171 = arith.constant 0 : i32
        %dma_wait3A_172 = arith.constant 0 : i32
        %dma_wait3A_173 = tpu.memref_slice %arg9[%dma_wait3A_171, %dma_wait3A_172] : memref<640x64xbf16, #tpu.memory_space<vmem>> -> memref<400x64xbf16, #tpu.memory_space<vmem>>
        %dma_wait3A_174 = arith.constant 9600 : i32
        %dma_wait3A_175 = arith.constant 0 : i32
        %dma_wait3A_176 = tpu.memref_slice %arg3[%dma_wait3A_174, %dma_wait3A_175] : memref<10000x64xbf16, #tpu.memory_space<hbm>> -> memref<400x64xbf16, #tpu.memory_space<hbm>>
        tpu.wait_dma2 semaphore(%run_scoped3A : memref<!tpu.dma_semaphore, #tpu.memory_space<semaphore_mem>>) src(%dma_wait3A_176 : memref<400x64xbf16, #tpu.memory_space<hbm>>) dst(%dma_wait3A_173 : memref<400x64xbf16, #tpu.memory_space<vmem>>)
        tpu.yield
      }) : () -> ()
      "tpu.region"() ({
        %run_scoped3A = tpu.sem_alloc : memref<!tpu.dma_semaphore, #tpu.memory_space<semaphore_mem>>
        %dma_start3A_153 = arith.constant 0 : i32
        %dma_start3A_154 = arith.constant 0 : i32
        %dma_start3A_155 = tpu.memref_slice %arg9[%dma_start3A_153, %dma_start3A_154] : memref<640x64xbf16, #tpu.memory_space<vmem>> -> memref<400x64xbf16, #tpu.memory_space<vmem>>
        %dma_start3A_156 = arith.constant 9600 : i32
        %dma_start3A_157 = arith.constant 0 : i32
        %dma_start3A_158 = tpu.memref_slice %arg11[%dma_start3A_156, %dma_start3A_157] : memref<10240x64xbf16, #tpu.memory_space<vmem_shared>> -> memref<400x64xbf16, #tpu.memory_space<vmem_shared>>
        %dma_start3A_159 = arith.constant 9600 : i32
        %dma_start3A_160 = arith.constant 0 : i32
        %dma_start3A_161 = tpu.memref_slice %arg11[%dma_start3A_159, %dma_start3A_160] : memref<10240x64xbf16, #tpu.memory_space<vmem_shared>> -> memref<400x64xbf16, #tpu.memory_space<vmem_shared>>
        %dma_start3A_162 = arith.constant 0 : i32
        %dma_start3A_163 = arith.constant 0 : i32
        %dma_start3A_164 = tpu.memref_slice %arg9[%dma_start3A_162, %dma_start3A_163] : memref<640x64xbf16, #tpu.memory_space<vmem>> -> memref<400x64xbf16, #tpu.memory_space<vmem>>
        tpu.enqueue_dma source(%dma_start3A_164 : memref<400x64xbf16, #tpu.memory_space<vmem>>) target(%dma_start3A_161 : memref<400x64xbf16, #tpu.memory_space<vmem_shared>>) target_semaphore(%run_scoped3A : memref<!tpu.dma_semaphore, #tpu.memory_space<semaphore_mem>>)
        %dma_wait3A_165 = arith.constant 0 : i32
        %dma_wait3A_166 = arith.constant 0 : i32
        %dma_wait3A_167 = tpu.memref_slice %arg9[%dma_wait3A_165, %dma_wait3A_166] : memref<640x64xbf16, #tpu.memory_space<vmem>> -> memref<400x64xbf16, #tpu.memory_space<vmem>>
        %dma_wait3A_168 = arith.constant 9600 : i32
        %dma_wait3A_169 = arith.constant 0 : i32
        %dma_wait3A_170 = tpu.memref_slice %arg11[%dma_wait3A_168, %dma_wait3A_169] : memref<10240x64xbf16, #tpu.memory_space<vmem_shared>> -> memref<400x64xbf16, #tpu.memory_space<vmem_shared>>
        %dma_wait3A_171 = arith.constant 9600 : i32
        %dma_wait3A_172 = arith.constant 0 : i32
        %dma_wait3A_173 = tpu.memref_slice %arg11[%dma_wait3A_171, %dma_wait3A_172] : memref<10240x64xbf16, #tpu.memory_space<vmem_shared>> -> memref<400x64xbf16, #tpu.memory_space<vmem_shared>>
        %dma_wait3A_174 = arith.constant 0 : i32
        %dma_wait3A_175 = arith.constant 0 : i32
        %dma_wait3A_176 = tpu.memref_slice %arg9[%dma_wait3A_174, %dma_wait3A_175] : memref<640x64xbf16, #tpu.memory_space<vmem>> -> memref<400x64xbf16, #tpu.memory_space<vmem>>
        tpu.wait_dma2 semaphore(%run_scoped3A : memref<!tpu.dma_semaphore, #tpu.memory_space<semaphore_mem>>) src(%dma_wait3A_176 : memref<400x64xbf16, #tpu.memory_space<vmem>>) dst(%dma_wait3A_173 : memref<400x64xbf16, #tpu.memory_space<vmem_shared>>)
        tpu.yield
      }) : () -> ()
    } else {
    }
    "tpu.region"() ({
      %run_scoped3A = tpu.sem_alloc : memref<!tpu.dma_semaphore, #tpu.memory_space<semaphore_mem>>
      tpu.enqueue_dma source(%arg4 : memref<640x64xbf16, #tpu.memory_space<hbm>>) target(%arg9 : memref<640x64xbf16, #tpu.memory_space<vmem>>) target_semaphore(%run_scoped3A : memref<!tpu.dma_semaphore, #tpu.memory_space<semaphore_mem>>)
      tpu.wait_dma2 semaphore(%run_scoped3A : memref<!tpu.dma_semaphore, #tpu.memory_space<semaphore_mem>>) src(%arg4 : memref<640x64xbf16, #tpu.memory_space<hbm>>) dst(%arg9 : memref<640x64xbf16, #tpu.memory_space<vmem>>)
      tpu.yield
    }) : () -> ()
    %mul3A_9 = arith.constant 640 : i32
    %mul3A_10 = arith.muli %arg1, %mul3A_9 : i32
    "tpu.region"() ({
      %run_scoped3A = tpu.sem_alloc : memref<!tpu.dma_semaphore, #tpu.memory_space<semaphore_mem>>
      %dma_start3A_153 = arith.constant 0 : i32
      %dma_start3A_154 = tpu.memref_slice %arg10[%mul3A_10, %dma_start3A_153] : memref<10240x64xbf16, #tpu.memory_space<vmem_shared>> -> memref<640x64xbf16, #tpu.memory_space<vmem_shared>>
      %dma_start3A_155 = arith.constant 0 : i32
      %dma_start3A_156 = tpu.memref_slice %arg10[%mul3A_10, %dma_start3A_155] : memref<10240x64xbf16, #tpu.memory_space<vmem_shared>> -> memref<640x64xbf16, #tpu.memory_space<vmem_shared>>
      tpu.enqueue_dma source(%arg9 : memref<640x64xbf16, #tpu.memory_space<vmem>>) target(%dma_start3A_156 : memref<640x64xbf16, #tpu.memory_space<vmem_shared>>) target_semaphore(%run_scoped3A : memref<!tpu.dma_semaphore, #tpu.memory_space<semaphore_mem>>)
      %dma_wait3A_157 = arith.constant 0 : i32
      %dma_wait3A_158 = tpu.memref_slice %arg10[%mul3A_10, %dma_wait3A_157] : memref<10240x64xbf16, #tpu.memory_space<vmem_shared>> -> memref<640x64xbf16, #tpu.memory_space<vmem_shared>>
      %dma_wait3A_159 = arith.constant 0 : i32
      %dma_wait3A_160 = tpu.memref_slice %arg10[%mul3A_10, %dma_wait3A_159] : memref<10240x64xbf16, #tpu.memory_space<vmem_shared>> -> memref<640x64xbf16, #tpu.memory_space<vmem_shared>>
      tpu.wait_dma2 semaphore(%run_scoped3A : memref<!tpu.dma_semaphore, #tpu.memory_space<semaphore_mem>>) src(%arg9 : memref<640x64xbf16, #tpu.memory_space<vmem>>) dst(%dma_wait3A_160 : memref<640x64xbf16, #tpu.memory_space<vmem_shared>>)
      tpu.yield
    }) : () -> ()
    %barrier3A = arith.constant 0 : index
    tpu.barrier barrier_id(%barrier3A)
    %dma_start3A = arith.constant 0 : i32
    %dma_start3A_11 = arith.constant 0 : i32
    %dma_start3A_12 = arith.constant 0 : i32
    %dma_start3A_13 = arith.constant 0 : i32
    %dma_start3A_14 = arith.constant 0 : i32
    %dma_start3A_15 = arith.constant 0 : i32
    %dma_start3A_16 = tpu.memref_slice %arg8[%dma_start3A_12, %dma_start3A_14, %dma_start3A_15] : memref<6x128x64xbf16, #tpu.memory_space<vmem>> -> memref<1x128x64xbf16, #tpu.memory_space<vmem>>
    %dma_start3A_17 = tpu.memref_squeeze %dma_start3A_16 : memref<1x128x64xbf16, #tpu.memory_space<vmem>> -> memref<128x64xbf16, #tpu.memory_space<vmem>>
    %dma_start3A_18 = arith.constant 0 : i32
    %dma_start3A_19 = tpu.memref_slice %arg6[%dma_start3A, %dma_start3A_11, %dma_start3A_18] : memref<78x2x128xi32, #tpu.memory_space<vmem>> -> memref<1x1x128xi32, #tpu.memory_space<vmem>>
    %dma_start3A_20 = tpu.memref_squeeze %dma_start3A_19 : memref<1x1x128xi32, #tpu.memory_space<vmem>> -> memref<128xi32, #tpu.memory_space<vmem>>
    %dma_start3A_21 = arith.constant 0 : i32
    %dma_start3A_22 = arith.constant 0 : i32
    %dma_start3A_23 = tpu.memref_slice %arg11[%dma_start3A_21, %dma_start3A_22] : memref<10240x64xbf16, #tpu.memory_space<vmem_shared>> -> memref<10240x64xbf16, #tpu.memory_space<vmem_shared>>
    %dma_start3A_24 = tpu.memref_slice %arg12[%dma_start3A_13] : memref<6x!tpu.dma_semaphore, #tpu.memory_space<semaphore_mem>> -> memref<1x!tpu.dma_semaphore, #tpu.memory_space<semaphore_mem>>
    %dma_start3A_25 = tpu.memref_squeeze %dma_start3A_24 : memref<1x!tpu.dma_semaphore, #tpu.memory_space<semaphore_mem>> -> memref<!tpu.dma_semaphore, #tpu.memory_space<semaphore_mem>>
    tpu.enqueue_indirect_dma source(%dma_start3A_23 : memref<10240x64xbf16, #tpu.memory_space<vmem_shared>>) target(%dma_start3A_17 : memref<128x64xbf16, #tpu.memory_space<vmem>>) offsets(%dma_start3A_20 : memref<128xi32, #tpu.memory_space<vmem>>) semaphore(%dma_start3A_25 : memref<!tpu.dma_semaphore, #tpu.memory_space<semaphore_mem>>)
    %dma_start3A_26 = arith.constant 1 : i32
    %dma_start3A_27 = arith.constant 0 : i32
    %dma_start3A_28 = arith.constant 1 : i32
    %dma_start3A_29 = arith.constant 1 : i32
    %dma_start3A_30 = arith.constant 0 : i32
    %dma_start3A_31 = arith.constant 0 : i32
    %dma_start3A_32 = tpu.memref_slice %arg8[%dma_start3A_28, %dma_start3A_30, %dma_start3A_31] : memref<6x128x64xbf16, #tpu.memory_space<vmem>> -> memref<1x128x64xbf16, #tpu.memory_space<vmem>>
    %dma_start3A_33 = tpu.memref_squeeze %dma_start3A_32 : memref<1x128x64xbf16, #tpu.memory_space<vmem>> -> memref<128x64xbf16, #tpu.memory_space<vmem>>
    %dma_start3A_34 = arith.constant 0 : i32
    %dma_start3A_35 = tpu.memref_slice %arg6[%dma_start3A_26, %dma_start3A_27, %dma_start3A_34] : memref<78x2x128xi32, #tpu.memory_space<vmem>> -> memref<1x1x128xi32, #tpu.memory_space<vmem>>
    %dma_start3A_36 = tpu.memref_squeeze %dma_start3A_35 : memref<1x1x128xi32, #tpu.memory_space<vmem>> -> memref<128xi32, #tpu.memory_space<vmem>>
    %dma_start3A_37 = arith.constant 0 : i32
    %dma_start3A_38 = arith.constant 0 : i32
    %dma_start3A_39 = tpu.memref_slice %arg11[%dma_start3A_37, %dma_start3A_38] : memref<10240x64xbf16, #tpu.memory_space<vmem_shared>> -> memref<10240x64xbf16, #tpu.memory_space<vmem_shared>>
    %dma_start3A_40 = tpu.memref_slice %arg12[%dma_start3A_29] : memref<6x!tpu.dma_semaphore, #tpu.memory_space<semaphore_mem>> -> memref<1x!tpu.dma_semaphore, #tpu.memory_space<semaphore_mem>>
    %dma_start3A_41 = tpu.memref_squeeze %dma_start3A_40 : memref<1x!tpu.dma_semaphore, #tpu.memory_space<semaphore_mem>> -> memref<!tpu.dma_semaphore, #tpu.memory_space<semaphore_mem>>
    tpu.enqueue_indirect_dma source(%dma_start3A_39 : memref<10240x64xbf16, #tpu.memory_space<vmem_shared>>) target(%dma_start3A_33 : memref<128x64xbf16, #tpu.memory_space<vmem>>) offsets(%dma_start3A_36 : memref<128xi32, #tpu.memory_space<vmem>>) semaphore(%dma_start3A_41 : memref<!tpu.dma_semaphore, #tpu.memory_space<semaphore_mem>>)
    %scan3A = arith.constant 0 : i32
    %scan3A_42 = arith.constant 0 : i32
    %scan3A_43 = arith.constant 13 : i32
    %scan3A_44 = arith.addi %scan3A_42, %scan3A_43 : i32
    %scan3A_45 = arith.constant 1 : i32
    %scan3A_46 = scf.for %scan3A_153 = %scan3A_42 to %scan3A_44 step %scan3A_45 iter_args(%scan3A_154 = %scan3A) -> (i32)  : i32 {
      %mul3A_155 = arith.constant 6 : i32
      %mul3A_156 = arith.muli %scan3A_153, %mul3A_155 : i32
      %add3A_157 = arith.constant 0 : i32
      %add3A_158 = arith.addi %mul3A_156, %add3A_157 : i32
      %dma_wait3A_159 = arith.constant 0 : i32
      %dma_wait3A_160 = arith.constant 0 : i32
      %dma_wait3A_161 = arith.constant 0 : i32
      %dma_wait3A_162 = arith.constant 0 : i32
      %dma_wait3A_163 = arith.constant 0 : i32
      %dma_wait3A_164 = arith.constant 0 : i32
      %dma_wait3A_165 = tpu.memref_slice %arg8[%dma_wait3A_161, %dma_wait3A_163, %dma_wait3A_164] : memref<6x128x64xbf16, #tpu.memory_space<vmem>> -> memref<1x128x64xbf16, #tpu.memory_space<vmem>>
      %dma_wait3A_166 = tpu.memref_squeeze %dma_wait3A_165 : memref<1x128x64xbf16, #tpu.memory_space<vmem>> -> memref<128x64xbf16, #tpu.memory_space<vmem>>
      %dma_wait3A_167 = arith.constant 0 : i32
      %dma_wait3A_168 = tpu.memref_slice %arg6[%dma_wait3A_159, %dma_wait3A_160, %dma_wait3A_167] : memref<78x2x128xi32, #tpu.memory_space<vmem>> -> memref<1x1x128xi32, #tpu.memory_space<vmem>>
      %dma_wait3A_169 = tpu.memref_squeeze %dma_wait3A_168 : memref<1x1x128xi32, #tpu.memory_space<vmem>> -> memref<128xi32, #tpu.memory_space<vmem>>
      %dma_wait3A_170 = arith.constant 0 : i32
      %dma_wait3A_171 = arith.constant 0 : i32
      %dma_wait3A_172 = tpu.memref_slice %arg3[%dma_wait3A_170, %dma_wait3A_171] : memref<10000x64xbf16, #tpu.memory_space<hbm>> -> memref<10000x64xbf16, #tpu.memory_space<hbm>>
      %dma_wait3A_173 = tpu.memref_slice %arg12[%dma_wait3A_162] : memref<6x!tpu.dma_semaphore, #tpu.memory_space<semaphore_mem>> -> memref<1x!tpu.dma_semaphore, #tpu.memory_space<semaphore_mem>>
      %dma_wait3A_174 = tpu.memref_squeeze %dma_wait3A_173 : memref<1x!tpu.dma_semaphore, #tpu.memory_space<semaphore_mem>> -> memref<!tpu.dma_semaphore, #tpu.memory_space<semaphore_mem>>
      tpu.wait_indirect_dma semaphore(%dma_wait3A_174 : memref<!tpu.dma_semaphore, #tpu.memory_space<semaphore_mem>>) src(%dma_wait3A_172 : memref<10000x64xbf16, #tpu.memory_space<hbm>>) dst(%dma_wait3A_166 : memref<128x64xbf16, #tpu.memory_space<vmem>>)
      %dma_start3A_175 = arith.constant 0 : i32
      %dma_start3A_176 = arith.constant 1 : i32
      %dma_start3A_177 = arith.constant 0 : i32
      %dma_start3A_178 = arith.constant 0 : i32
      %dma_start3A_179 = arith.constant 0 : i32
      %dma_start3A_180 = tpu.memref_slice %arg8[%dma_start3A_175, %dma_start3A_178, %dma_start3A_179] : memref<6x128x64xbf16, #tpu.memory_space<vmem>> -> memref<1x128x64xbf16, #tpu.memory_space<vmem>>
      %dma_start3A_181 = tpu.memref_squeeze %dma_start3A_180 : memref<1x128x64xbf16, #tpu.memory_space<vmem>> -> memref<128x64xbf16, #tpu.memory_space<vmem>>
      %dma_start3A_182 = arith.constant 0 : i32
      %dma_start3A_183 = tpu.memref_slice %arg6[%add3A_158, %dma_start3A_176, %dma_start3A_182] : memref<78x2x128xi32, #tpu.memory_space<vmem>> -> memref<1x1x128xi32, #tpu.memory_space<vmem>>
      %dma_start3A_184 = tpu.memref_squeeze %dma_start3A_183 : memref<1x1x128xi32, #tpu.memory_space<vmem>> -> memref<128xi32, #tpu.memory_space<vmem>>
      %dma_start3A_185 = arith.constant 0 : i32
      %dma_start3A_186 = arith.constant 0 : i32
      %dma_start3A_187 = tpu.memref_slice %arg10[%dma_start3A_185, %dma_start3A_186] : memref<10240x64xbf16, #tpu.memory_space<vmem_shared>> -> memref<10240x64xbf16, #tpu.memory_space<vmem_shared>>
      %dma_start3A_188 = tpu.memref_slice %arg13[%dma_start3A_177] : memref<6x!tpu.dma_semaphore, #tpu.memory_space<semaphore_mem>> -> memref<1x!tpu.dma_semaphore, #tpu.memory_space<semaphore_mem>>
      %dma_start3A_189 = tpu.memref_squeeze %dma_start3A_188 : memref<1x!tpu.dma_semaphore, #tpu.memory_space<semaphore_mem>> -> memref<!tpu.dma_semaphore, #tpu.memory_space<semaphore_mem>>
      tpu.enqueue_indirect_dma source(%dma_start3A_181 : memref<128x64xbf16, #tpu.memory_space<vmem>>) target(%dma_start3A_187 : memref<10240x64xbf16, #tpu.memory_space<vmem_shared>>) offsets(%dma_start3A_184 : memref<128xi32, #tpu.memory_space<vmem>>) semaphore(%dma_start3A_189 : memref<!tpu.dma_semaphore, #tpu.memory_space<semaphore_mem>>) {add = true}
      %add3A_190 = arith.constant 2 : i32
      %add3A_191 = arith.addi %add3A_158, %add3A_190 : i32
      %lt3A_192 = arith.constant 78 : i32
      %lt3A_193 = arith.cmpi slt, %add3A_191, %lt3A_192 : i32
      %convert_element_type3A_194 = arith.extui %lt3A_193 : i1 to i32
      %cond3A_195 = arith.constant 0 : i32
      %cond3A_196 = arith.cmpi ne, %convert_element_type3A_194, %cond3A_195 : i32
      scf.if %cond3A_196 {
        %ge3A = arith.constant 4 : i32
        %ge3A_408 = arith.cmpi sge, %add3A_158, %ge3A : i32
        %convert_element_type3A_409 = arith.extui %ge3A_408 : i1 to i32
        %cond3A_410 = arith.constant 0 : i32
        %cond3A_411 = arith.cmpi ne, %convert_element_type3A_409, %cond3A_410 : i32
        scf.if %cond3A_411 {
          %dma_wait3A_429 = arith.constant 2 : i32
          %dma_wait3A_430 = arith.constant 0 : i32
          %dma_wait3A_431 = arith.constant 1 : i32
          %dma_wait3A_432 = arith.constant 2 : i32
          %dma_wait3A_433 = arith.constant 0 : i32
          %dma_wait3A_434 = arith.constant 0 : i32
          %dma_wait3A_435 = tpu.memref_slice %arg8[%dma_wait3A_429, %dma_wait3A_433, %dma_wait3A_434] : memref<6x128x64xbf16, #tpu.memory_space<vmem>> -> memref<1x128x64xbf16, #tpu.memory_space<vmem>>
          %dma_wait3A_436 = tpu.memref_squeeze %dma_wait3A_435 : memref<1x128x64xbf16, #tpu.memory_space<vmem>> -> memref<128x64xbf16, #tpu.memory_space<vmem>>
          %dma_wait3A_437 = arith.constant 0 : i32
          %dma_wait3A_438 = tpu.memref_slice %arg6[%dma_wait3A_430, %dma_wait3A_431, %dma_wait3A_437] : memref<78x2x128xi32, #tpu.memory_space<vmem>> -> memref<1x1x128xi32, #tpu.memory_space<vmem>>
          %dma_wait3A_439 = tpu.memref_squeeze %dma_wait3A_438 : memref<1x1x128xi32, #tpu.memory_space<vmem>> -> memref<128xi32, #tpu.memory_space<vmem>>
          %dma_wait3A_440 = arith.constant 0 : i32
          %dma_wait3A_441 = arith.constant 0 : i32
          %dma_wait3A_442 = tpu.memref_slice %arg10[%dma_wait3A_440, %dma_wait3A_441] : memref<10240x64xbf16, #tpu.memory_space<vmem_shared>> -> memref<10240x64xbf16, #tpu.memory_space<vmem_shared>>
          %dma_wait3A_443 = tpu.memref_slice %arg13[%dma_wait3A_432] : memref<6x!tpu.dma_semaphore, #tpu.memory_space<semaphore_mem>> -> memref<1x!tpu.dma_semaphore, #tpu.memory_space<semaphore_mem>>
          %dma_wait3A_444 = tpu.memref_squeeze %dma_wait3A_443 : memref<1x!tpu.dma_semaphore, #tpu.memory_space<semaphore_mem>> -> memref<!tpu.dma_semaphore, #tpu.memory_space<semaphore_mem>>
          tpu.wait_indirect_dma semaphore(%dma_wait3A_444 : memref<!tpu.dma_semaphore, #tpu.memory_space<semaphore_mem>>) src(%dma_wait3A_436 : memref<128x64xbf16, #tpu.memory_space<vmem>>) dst(%dma_wait3A_442 : memref<10240x64xbf16, #tpu.memory_space<vmem_shared>>)
        } else {
        }
        %add3A_412 = arith.constant 2 : i32
        %add3A_413 = arith.addi %add3A_158, %add3A_412 : i32
        %dma_start3A_414 = arith.constant 0 : i32
        %dma_start3A_415 = arith.constant 2 : i32
        %dma_start3A_416 = arith.constant 2 : i32
        %dma_start3A_417 = arith.constant 0 : i32
        %dma_start3A_418 = arith.constant 0 : i32
        %dma_start3A_419 = tpu.memref_slice %arg8[%dma_start3A_415, %dma_start3A_417, %dma_start3A_418] : memref<6x128x64xbf16, #tpu.memory_space<vmem>> -> memref<1x128x64xbf16, #tpu.memory_space<vmem>>
        %dma_start3A_420 = tpu.memref_squeeze %dma_start3A_419 : memref<1x128x64xbf16, #tpu.memory_space<vmem>> -> memref<128x64xbf16, #tpu.memory_space<vmem>>
        %dma_start3A_421 = arith.constant 0 : i32
        %dma_start3A_422 = tpu.memref_slice %arg6[%add3A_413, %dma_start3A_414, %dma_start3A_421] : memref<78x2x128xi32, #tpu.memory_space<vmem>> -> memref<1x1x128xi32, #tpu.memory_space<vmem>>
        %dma_start3A_423 = tpu.memref_squeeze %dma_start3A_422 : memref<1x1x128xi32, #tpu.memory_space<vmem>> -> memref<128xi32, #tpu.memory_space<vmem>>
        %dma_start3A_424 = arith.constant 0 : i32
        %dma_start3A_425 = arith.constant 0 : i32
        %dma_start3A_426 = tpu.memref_slice %arg11[%dma_start3A_424, %dma_start3A_425] : memref<10240x64xbf16, #tpu.memory_space<vmem_shared>> -> memref<10240x64xbf16, #tpu.memory_space<vmem_shared>>
        %dma_start3A_427 = tpu.memref_slice %arg12[%dma_start3A_416] : memref<6x!tpu.dma_semaphore, #tpu.memory_space<semaphore_mem>> -> memref<1x!tpu.dma_semaphore, #tpu.memory_space<semaphore_mem>>
        %dma_start3A_428 = tpu.memref_squeeze %dma_start3A_427 : memref<1x!tpu.dma_semaphore, #tpu.memory_space<semaphore_mem>> -> memref<!tpu.dma_semaphore, #tpu.memory_space<semaphore_mem>>
        tpu.enqueue_indirect_dma source(%dma_start3A_426 : memref<10240x64xbf16, #tpu.memory_space<vmem_shared>>) target(%dma_start3A_420 : memref<128x64xbf16, #tpu.memory_space<vmem>>) offsets(%dma_start3A_423 : memref<128xi32, #tpu.memory_space<vmem>>) semaphore(%dma_start3A_428 : memref<!tpu.dma_semaphore, #tpu.memory_space<semaphore_mem>>)
      } else {
      }
      %mul3A_197 = arith.constant 6 : i32
      %mul3A_198 = arith.muli %scan3A_153, %mul3A_197 : i32
      %add3A_199 = arith.constant 1 : i32
      %add3A_200 = arith.addi %mul3A_198, %add3A_199 : i32
      %dma_wait3A_201 = arith.constant 0 : i32
      %dma_wait3A_202 = arith.constant 0 : i32
      %dma_wait3A_203 = arith.constant 1 : i32
      %dma_wait3A_204 = arith.constant 1 : i32
      %dma_wait3A_205 = arith.constant 0 : i32
      %dma_wait3A_206 = arith.constant 0 : i32
      %dma_wait3A_207 = tpu.memref_slice %arg8[%dma_wait3A_203, %dma_wait3A_205, %dma_wait3A_206] : memref<6x128x64xbf16, #tpu.memory_space<vmem>> -> memref<1x128x64xbf16, #tpu.memory_space<vmem>>
      %dma_wait3A_208 = tpu.memref_squeeze %dma_wait3A_207 : memref<1x128x64xbf16, #tpu.memory_space<vmem>> -> memref<128x64xbf16, #tpu.memory_space<vmem>>
      %dma_wait3A_209 = arith.constant 0 : i32
      %dma_wait3A_210 = tpu.memref_slice %arg6[%dma_wait3A_201, %dma_wait3A_202, %dma_wait3A_209] : memref<78x2x128xi32, #tpu.memory_space<vmem>> -> memref<1x1x128xi32, #tpu.memory_space<vmem>>
      %dma_wait3A_211 = tpu.memref_squeeze %dma_wait3A_210 : memref<1x1x128xi32, #tpu.memory_space<vmem>> -> memref<128xi32, #tpu.memory_space<vmem>>
      %dma_wait3A_212 = arith.constant 0 : i32
      %dma_wait3A_213 = arith.constant 0 : i32
      %dma_wait3A_214 = tpu.memref_slice %arg3[%dma_wait3A_212, %dma_wait3A_213] : memref<10000x64xbf16, #tpu.memory_space<hbm>> -> memref<10000x64xbf16, #tpu.memory_space<hbm>>
      %dma_wait3A_215 = tpu.memref_slice %arg12[%dma_wait3A_204] : memref<6x!tpu.dma_semaphore, #tpu.memory_space<semaphore_mem>> -> memref<1x!tpu.dma_semaphore, #tpu.memory_space<semaphore_mem>>
      %dma_wait3A_216 = tpu.memref_squeeze %dma_wait3A_215 : memref<1x!tpu.dma_semaphore, #tpu.memory_space<semaphore_mem>> -> memref<!tpu.dma_semaphore, #tpu.memory_space<semaphore_mem>>
      tpu.wait_indirect_dma semaphore(%dma_wait3A_216 : memref<!tpu.dma_semaphore, #tpu.memory_space<semaphore_mem>>) src(%dma_wait3A_214 : memref<10000x64xbf16, #tpu.memory_space<hbm>>) dst(%dma_wait3A_208 : memref<128x64xbf16, #tpu.memory_space<vmem>>)
      %dma_start3A_217 = arith.constant 1 : i32
      %dma_start3A_218 = arith.constant 1 : i32
      %dma_start3A_219 = arith.constant 1 : i32
      %dma_start3A_220 = arith.constant 0 : i32
      %dma_start3A_221 = arith.constant 0 : i32
      %dma_start3A_222 = tpu.memref_slice %arg8[%dma_start3A_217, %dma_start3A_220, %dma_start3A_221] : memref<6x128x64xbf16, #tpu.memory_space<vmem>> -> memref<1x128x64xbf16, #tpu.memory_space<vmem>>
      %dma_start3A_223 = tpu.memref_squeeze %dma_start3A_222 : memref<1x128x64xbf16, #tpu.memory_space<vmem>> -> memref<128x64xbf16, #tpu.memory_space<vmem>>
      %dma_start3A_224 = arith.constant 0 : i32
      %dma_start3A_225 = tpu.memref_slice %arg6[%add3A_200, %dma_start3A_218, %dma_start3A_224] : memref<78x2x128xi32, #tpu.memory_space<vmem>> -> memref<1x1x128xi32, #tpu.memory_space<vmem>>
      %dma_start3A_226 = tpu.memref_squeeze %dma_start3A_225 : memref<1x1x128xi32, #tpu.memory_space<vmem>> -> memref<128xi32, #tpu.memory_space<vmem>>
      %dma_start3A_227 = arith.constant 0 : i32
      %dma_start3A_228 = arith.constant 0 : i32
      %dma_start3A_229 = tpu.memref_slice %arg10[%dma_start3A_227, %dma_start3A_228] : memref<10240x64xbf16, #tpu.memory_space<vmem_shared>> -> memref<10240x64xbf16, #tpu.memory_space<vmem_shared>>
      %dma_start3A_230 = tpu.memref_slice %arg13[%dma_start3A_219] : memref<6x!tpu.dma_semaphore, #tpu.memory_space<semaphore_mem>> -> memref<1x!tpu.dma_semaphore, #tpu.memory_space<semaphore_mem>>
      %dma_start3A_231 = tpu.memref_squeeze %dma_start3A_230 : memref<1x!tpu.dma_semaphore, #tpu.memory_space<semaphore_mem>> -> memref<!tpu.dma_semaphore, #tpu.memory_space<semaphore_mem>>
      tpu.enqueue_indirect_dma source(%dma_start3A_223 : memref<128x64xbf16, #tpu.memory_space<vmem>>) target(%dma_start3A_229 : memref<10240x64xbf16, #tpu.memory_space<vmem_shared>>) offsets(%dma_start3A_226 : memref<128xi32, #tpu.memory_space<vmem>>) semaphore(%dma_start3A_231 : memref<!tpu.dma_semaphore, #tpu.memory_space<semaphore_mem>>) {add = true}
      %add3A_232 = arith.constant 2 : i32
      %add3A_233 = arith.addi %add3A_200, %add3A_232 : i32
      %lt3A_234 = arith.constant 78 : i32
      %lt3A_235 = arith.cmpi slt, %add3A_233, %lt3A_234 : i32
      %convert_element_type3A_236 = arith.extui %lt3A_235 : i1 to i32
      %cond3A_237 = arith.constant 0 : i32
      %cond3A_238 = arith.cmpi ne, %convert_element_type3A_236, %cond3A_237 : i32
      scf.if %cond3A_238 {
        %ge3A = arith.constant 4 : i32
        %ge3A_408 = arith.cmpi sge, %add3A_200, %ge3A : i32
        %convert_element_type3A_409 = arith.extui %ge3A_408 : i1 to i32
        %cond3A_410 = arith.constant 0 : i32
        %cond3A_411 = arith.cmpi ne, %convert_element_type3A_409, %cond3A_410 : i32
        scf.if %cond3A_411 {
          %dma_wait3A_429 = arith.constant 3 : i32
          %dma_wait3A_430 = arith.constant 0 : i32
          %dma_wait3A_431 = arith.constant 1 : i32
          %dma_wait3A_432 = arith.constant 3 : i32
          %dma_wait3A_433 = arith.constant 0 : i32
          %dma_wait3A_434 = arith.constant 0 : i32
          %dma_wait3A_435 = tpu.memref_slice %arg8[%dma_wait3A_429, %dma_wait3A_433, %dma_wait3A_434] : memref<6x128x64xbf16, #tpu.memory_space<vmem>> -> memref<1x128x64xbf16, #tpu.memory_space<vmem>>
          %dma_wait3A_436 = tpu.memref_squeeze %dma_wait3A_435 : memref<1x128x64xbf16, #tpu.memory_space<vmem>> -> memref<128x64xbf16, #tpu.memory_space<vmem>>
          %dma_wait3A_437 = arith.constant 0 : i32
          %dma_wait3A_438 = tpu.memref_slice %arg6[%dma_wait3A_430, %dma_wait3A_431, %dma_wait3A_437] : memref<78x2x128xi32, #tpu.memory_space<vmem>> -> memref<1x1x128xi32, #tpu.memory_space<vmem>>
          %dma_wait3A_439 = tpu.memref_squeeze %dma_wait3A_438 : memref<1x1x128xi32, #tpu.memory_space<vmem>> -> memref<128xi32, #tpu.memory_space<vmem>>
          %dma_wait3A_440 = arith.constant 0 : i32
          %dma_wait3A_441 = arith.constant 0 : i32
          %dma_wait3A_442 = tpu.memref_slice %arg10[%dma_wait3A_440, %dma_wait3A_441] : memref<10240x64xbf16, #tpu.memory_space<vmem_shared>> -> memref<10240x64xbf16, #tpu.memory_space<vmem_shared>>
          %dma_wait3A_443 = tpu.memref_slice %arg13[%dma_wait3A_432] : memref<6x!tpu.dma_semaphore, #tpu.memory_space<semaphore_mem>> -> memref<1x!tpu.dma_semaphore, #tpu.memory_space<semaphore_mem>>
          %dma_wait3A_444 = tpu.memref_squeeze %dma_wait3A_443 : memref<1x!tpu.dma_semaphore, #tpu.memory_space<semaphore_mem>> -> memref<!tpu.dma_semaphore, #tpu.memory_space<semaphore_mem>>
          tpu.wait_indirect_dma semaphore(%dma_wait3A_444 : memref<!tpu.dma_semaphore, #tpu.memory_space<semaphore_mem>>) src(%dma_wait3A_436 : memref<128x64xbf16, #tpu.memory_space<vmem>>) dst(%dma_wait3A_442 : memref<10240x64xbf16, #tpu.memory_space<vmem_shared>>)
        } else {
        }
        %add3A_412 = arith.constant 2 : i32
        %add3A_413 = arith.addi %add3A_200, %add3A_412 : i32
        %dma_start3A_414 = arith.constant 0 : i32
        %dma_start3A_415 = arith.constant 3 : i32
        %dma_start3A_416 = arith.constant 3 : i32
        %dma_start3A_417 = arith.constant 0 : i32
        %dma_start3A_418 = arith.constant 0 : i32
        %dma_start3A_419 = tpu.memref_slice %arg8[%dma_start3A_415, %dma_start3A_417, %dma_start3A_418] : memref<6x128x64xbf16, #tpu.memory_space<vmem>> -> memref<1x128x64xbf16, #tpu.memory_space<vmem>>
        %dma_start3A_420 = tpu.memref_squeeze %dma_start3A_419 : memref<1x128x64xbf16, #tpu.memory_space<vmem>> -> memref<128x64xbf16, #tpu.memory_space<vmem>>
        %dma_start3A_421 = arith.constant 0 : i32
        %dma_start3A_422 = tpu.memref_slice %arg6[%add3A_413, %dma_start3A_414, %dma_start3A_421] : memref<78x2x128xi32, #tpu.memory_space<vmem>> -> memref<1x1x128xi32, #tpu.memory_space<vmem>>
        %dma_start3A_423 = tpu.memref_squeeze %dma_start3A_422 : memref<1x1x128xi32, #tpu.memory_space<vmem>> -> memref<128xi32, #tpu.memory_space<vmem>>
        %dma_start3A_424 = arith.constant 0 : i32
        %dma_start3A_425 = arith.constant 0 : i32
        %dma_start3A_426 = tpu.memref_slice %arg11[%dma_start3A_424, %dma_start3A_425] : memref<10240x64xbf16, #tpu.memory_space<vmem_shared>> -> memref<10240x64xbf16, #tpu.memory_space<vmem_shared>>
        %dma_start3A_427 = tpu.memref_slice %arg12[%dma_start3A_416] : memref<6x!tpu.dma_semaphore, #tpu.memory_space<semaphore_mem>> -> memref<1x!tpu.dma_semaphore, #tpu.memory_space<semaphore_mem>>
        %dma_start3A_428 = tpu.memref_squeeze %dma_start3A_427 : memref<1x!tpu.dma_semaphore, #tpu.memory_space<semaphore_mem>> -> memref<!tpu.dma_semaphore, #tpu.memory_space<semaphore_mem>>
        tpu.enqueue_indirect_dma source(%dma_start3A_426 : memref<10240x64xbf16, #tpu.memory_space<vmem_shared>>) target(%dma_start3A_420 : memref<128x64xbf16, #tpu.memory_space<vmem>>) offsets(%dma_start3A_423 : memref<128xi32, #tpu.memory_space<vmem>>) semaphore(%dma_start3A_428 : memref<!tpu.dma_semaphore, #tpu.memory_space<semaphore_mem>>)
      } else {
      }
      %mul3A_239 = arith.constant 6 : i32
      %mul3A_240 = arith.muli %scan3A_153, %mul3A_239 : i32
      %add3A_241 = arith.constant 2 : i32
      %add3A_242 = arith.addi %mul3A_240, %add3A_241 : i32
      %dma_wait3A_243 = arith.constant 0 : i32
      %dma_wait3A_244 = arith.constant 0 : i32
      %dma_wait3A_245 = arith.constant 2 : i32
      %dma_wait3A_246 = arith.constant 2 : i32
      %dma_wait3A_247 = arith.constant 0 : i32
      %dma_wait3A_248 = arith.constant 0 : i32
      %dma_wait3A_249 = tpu.memref_slice %arg8[%dma_wait3A_245, %dma_wait3A_247, %dma_wait3A_248] : memref<6x128x64xbf16, #tpu.memory_space<vmem>> -> memref<1x128x64xbf16, #tpu.memory_space<vmem>>
      %dma_wait3A_250 = tpu.memref_squeeze %dma_wait3A_249 : memref<1x128x64xbf16, #tpu.memory_space<vmem>> -> memref<128x64xbf16, #tpu.memory_space<vmem>>
      %dma_wait3A_251 = arith.constant 0 : i32
      %dma_wait3A_252 = tpu.memref_slice %arg6[%dma_wait3A_243, %dma_wait3A_244, %dma_wait3A_251] : memref<78x2x128xi32, #tpu.memory_space<vmem>> -> memref<1x1x128xi32, #tpu.memory_space<vmem>>
      %dma_wait3A_253 = tpu.memref_squeeze %dma_wait3A_252 : memref<1x1x128xi32, #tpu.memory_space<vmem>> -> memref<128xi32, #tpu.memory_space<vmem>>
      %dma_wait3A_254 = arith.constant 0 : i32
      %dma_wait3A_255 = arith.constant 0 : i32
      %dma_wait3A_256 = tpu.memref_slice %arg3[%dma_wait3A_254, %dma_wait3A_255] : memref<10000x64xbf16, #tpu.memory_space<hbm>> -> memref<10000x64xbf16, #tpu.memory_space<hbm>>
      %dma_wait3A_257 = tpu.memref_slice %arg12[%dma_wait3A_246] : memref<6x!tpu.dma_semaphore, #tpu.memory_space<semaphore_mem>> -> memref<1x!tpu.dma_semaphore, #tpu.memory_space<semaphore_mem>>
      %dma_wait3A_258 = tpu.memref_squeeze %dma_wait3A_257 : memref<1x!tpu.dma_semaphore, #tpu.memory_space<semaphore_mem>> -> memref<!tpu.dma_semaphore, #tpu.memory_space<semaphore_mem>>
      tpu.wait_indirect_dma semaphore(%dma_wait3A_258 : memref<!tpu.dma_semaphore, #tpu.memory_space<semaphore_mem>>) src(%dma_wait3A_256 : memref<10000x64xbf16, #tpu.memory_space<hbm>>) dst(%dma_wait3A_250 : memref<128x64xbf16, #tpu.memory_space<vmem>>)
      %dma_start3A_259 = arith.constant 2 : i32
      %dma_start3A_260 = arith.constant 1 : i32
      %dma_start3A_261 = arith.constant 2 : i32
      %dma_start3A_262 = arith.constant 0 : i32
      %dma_start3A_263 = arith.constant 0 : i32
      %dma_start3A_264 = tpu.memref_slice %arg8[%dma_start3A_259, %dma_start3A_262, %dma_start3A_263] : memref<6x128x64xbf16, #tpu.memory_space<vmem>> -> memref<1x128x64xbf16, #tpu.memory_space<vmem>>
      %dma_start3A_265 = tpu.memref_squeeze %dma_start3A_264 : memref<1x128x64xbf16, #tpu.memory_space<vmem>> -> memref<128x64xbf16, #tpu.memory_space<vmem>>
      %dma_start3A_266 = arith.constant 0 : i32
      %dma_start3A_267 = tpu.memref_slice %arg6[%add3A_242, %dma_start3A_260, %dma_start3A_266] : memref<78x2x128xi32, #tpu.memory_space<vmem>> -> memref<1x1x128xi32, #tpu.memory_space<vmem>>
      %dma_start3A_268 = tpu.memref_squeeze %dma_start3A_267 : memref<1x1x128xi32, #tpu.memory_space<vmem>> -> memref<128xi32, #tpu.memory_space<vmem>>
      %dma_start3A_269 = arith.constant 0 : i32
      %dma_start3A_270 = arith.constant 0 : i32
      %dma_start3A_271 = tpu.memref_slice %arg10[%dma_start3A_269, %dma_start3A_270] : memref<10240x64xbf16, #tpu.memory_space<vmem_shared>> -> memref<10240x64xbf16, #tpu.memory_space<vmem_shared>>
      %dma_start3A_272 = tpu.memref_slice %arg13[%dma_start3A_261] : memref<6x!tpu.dma_semaphore, #tpu.memory_space<semaphore_mem>> -> memref<1x!tpu.dma_semaphore, #tpu.memory_space<semaphore_mem>>
      %dma_start3A_273 = tpu.memref_squeeze %dma_start3A_272 : memref<1x!tpu.dma_semaphore, #tpu.memory_space<semaphore_mem>> -> memref<!tpu.dma_semaphore, #tpu.memory_space<semaphore_mem>>
      tpu.enqueue_indirect_dma source(%dma_start3A_265 : memref<128x64xbf16, #tpu.memory_space<vmem>>) target(%dma_start3A_271 : memref<10240x64xbf16, #tpu.memory_space<vmem_shared>>) offsets(%dma_start3A_268 : memref<128xi32, #tpu.memory_space<vmem>>) semaphore(%dma_start3A_273 : memref<!tpu.dma_semaphore, #tpu.memory_space<semaphore_mem>>) {add = true}
      %add3A_274 = arith.constant 2 : i32
      %add3A_275 = arith.addi %add3A_242, %add3A_274 : i32
      %lt3A_276 = arith.constant 78 : i32
      %lt3A_277 = arith.cmpi slt, %add3A_275, %lt3A_276 : i32
      %convert_element_type3A_278 = arith.extui %lt3A_277 : i1 to i32
      %cond3A_279 = arith.constant 0 : i32
      %cond3A_280 = arith.cmpi ne, %convert_element_type3A_278, %cond3A_279 : i32
      scf.if %cond3A_280 {
        %ge3A = arith.constant 4 : i32
        %ge3A_408 = arith.cmpi sge, %add3A_242, %ge3A : i32
        %convert_element_type3A_409 = arith.extui %ge3A_408 : i1 to i32
        %cond3A_410 = arith.constant 0 : i32
        %cond3A_411 = arith.cmpi ne, %convert_element_type3A_409, %cond3A_410 : i32
        scf.if %cond3A_411 {
          %dma_wait3A_429 = arith.constant 4 : i32
          %dma_wait3A_430 = arith.constant 0 : i32
          %dma_wait3A_431 = arith.constant 1 : i32
          %dma_wait3A_432 = arith.constant 4 : i32
          %dma_wait3A_433 = arith.constant 0 : i32
          %dma_wait3A_434 = arith.constant 0 : i32
          %dma_wait3A_435 = tpu.memref_slice %arg8[%dma_wait3A_429, %dma_wait3A_433, %dma_wait3A_434] : memref<6x128x64xbf16, #tpu.memory_space<vmem>> -> memref<1x128x64xbf16, #tpu.memory_space<vmem>>
          %dma_wait3A_436 = tpu.memref_squeeze %dma_wait3A_435 : memref<1x128x64xbf16, #tpu.memory_space<vmem>> -> memref<128x64xbf16, #tpu.memory_space<vmem>>
          %dma_wait3A_437 = arith.constant 0 : i32
          %dma_wait3A_438 = tpu.memref_slice %arg6[%dma_wait3A_430, %dma_wait3A_431, %dma_wait3A_437] : memref<78x2x128xi32, #tpu.memory_space<vmem>> -> memref<1x1x128xi32, #tpu.memory_space<vmem>>
          %dma_wait3A_439 = tpu.memref_squeeze %dma_wait3A_438 : memref<1x1x128xi32, #tpu.memory_space<vmem>> -> memref<128xi32, #tpu.memory_space<vmem>>
          %dma_wait3A_440 = arith.constant 0 : i32
          %dma_wait3A_441 = arith.constant 0 : i32
          %dma_wait3A_442 = tpu.memref_slice %arg10[%dma_wait3A_440, %dma_wait3A_441] : memref<10240x64xbf16, #tpu.memory_space<vmem_shared>> -> memref<10240x64xbf16, #tpu.memory_space<vmem_shared>>
          %dma_wait3A_443 = tpu.memref_slice %arg13[%dma_wait3A_432] : memref<6x!tpu.dma_semaphore, #tpu.memory_space<semaphore_mem>> -> memref<1x!tpu.dma_semaphore, #tpu.memory_space<semaphore_mem>>
          %dma_wait3A_444 = tpu.memref_squeeze %dma_wait3A_443 : memref<1x!tpu.dma_semaphore, #tpu.memory_space<semaphore_mem>> -> memref<!tpu.dma_semaphore, #tpu.memory_space<semaphore_mem>>
          tpu.wait_indirect_dma semaphore(%dma_wait3A_444 : memref<!tpu.dma_semaphore, #tpu.memory_space<semaphore_mem>>) src(%dma_wait3A_436 : memref<128x64xbf16, #tpu.memory_space<vmem>>) dst(%dma_wait3A_442 : memref<10240x64xbf16, #tpu.memory_space<vmem_shared>>)
        } else {
        }
        %add3A_412 = arith.constant 2 : i32
        %add3A_413 = arith.addi %add3A_242, %add3A_412 : i32
        %dma_start3A_414 = arith.constant 0 : i32
        %dma_start3A_415 = arith.constant 4 : i32
        %dma_start3A_416 = arith.constant 4 : i32
        %dma_start3A_417 = arith.constant 0 : i32
        %dma_start3A_418 = arith.constant 0 : i32
        %dma_start3A_419 = tpu.memref_slice %arg8[%dma_start3A_415, %dma_start3A_417, %dma_start3A_418] : memref<6x128x64xbf16, #tpu.memory_space<vmem>> -> memref<1x128x64xbf16, #tpu.memory_space<vmem>>
        %dma_start3A_420 = tpu.memref_squeeze %dma_start3A_419 : memref<1x128x64xbf16, #tpu.memory_space<vmem>> -> memref<128x64xbf16, #tpu.memory_space<vmem>>
        %dma_start3A_421 = arith.constant 0 : i32
        %dma_start3A_422 = tpu.memref_slice %arg6[%add3A_413, %dma_start3A_414, %dma_start3A_421] : memref<78x2x128xi32, #tpu.memory_space<vmem>> -> memref<1x1x128xi32, #tpu.memory_space<vmem>>
        %dma_start3A_423 = tpu.memref_squeeze %dma_start3A_422 : memref<1x1x128xi32, #tpu.memory_space<vmem>> -> memref<128xi32, #tpu.memory_space<vmem>>
        %dma_start3A_424 = arith.constant 0 : i32
        %dma_start3A_425 = arith.constant 0 : i32
        %dma_start3A_426 = tpu.memref_slice %arg11[%dma_start3A_424, %dma_start3A_425] : memref<10240x64xbf16, #tpu.memory_space<vmem_shared>> -> memref<10240x64xbf16, #tpu.memory_space<vmem_shared>>
        %dma_start3A_427 = tpu.memref_slice %arg12[%dma_start3A_416] : memref<6x!tpu.dma_semaphore, #tpu.memory_space<semaphore_mem>> -> memref<1x!tpu.dma_semaphore, #tpu.memory_space<semaphore_mem>>
        %dma_start3A_428 = tpu.memref_squeeze %dma_start3A_427 : memref<1x!tpu.dma_semaphore, #tpu.memory_space<semaphore_mem>> -> memref<!tpu.dma_semaphore, #tpu.memory_space<semaphore_mem>>
        tpu.enqueue_indirect_dma source(%dma_start3A_426 : memref<10240x64xbf16, #tpu.memory_space<vmem_shared>>) target(%dma_start3A_420 : memref<128x64xbf16, #tpu.memory_space<vmem>>) offsets(%dma_start3A_423 : memref<128xi32, #tpu.memory_space<vmem>>) semaphore(%dma_start3A_428 : memref<!tpu.dma_semaphore, #tpu.memory_space<semaphore_mem>>)
      } else {
      }
      %mul3A_281 = arith.constant 6 : i32
      %mul3A_282 = arith.muli %scan3A_153, %mul3A_281 : i32
      %add3A_283 = arith.constant 3 : i32
      %add3A_284 = arith.addi %mul3A_282, %add3A_283 : i32
      %dma_wait3A_285 = arith.constant 0 : i32
      %dma_wait3A_286 = arith.constant 0 : i32
      %dma_wait3A_287 = arith.constant 3 : i32
      %dma_wait3A_288 = arith.constant 3 : i32
      %dma_wait3A_289 = arith.constant 0 : i32
      %dma_wait3A_290 = arith.constant 0 : i32
      %dma_wait3A_291 = tpu.memref_slice %arg8[%dma_wait3A_287, %dma_wait3A_289, %dma_wait3A_290] : memref<6x128x64xbf16, #tpu.memory_space<vmem>> -> memref<1x128x64xbf16, #tpu.memory_space<vmem>>
      %dma_wait3A_292 = tpu.memref_squeeze %dma_wait3A_291 : memref<1x128x64xbf16, #tpu.memory_space<vmem>> -> memref<128x64xbf16, #tpu.memory_space<vmem>>
      %dma_wait3A_293 = arith.constant 0 : i32
      %dma_wait3A_294 = tpu.memref_slice %arg6[%dma_wait3A_285, %dma_wait3A_286, %dma_wait3A_293] : memref<78x2x128xi32, #tpu.memory_space<vmem>> -> memref<1x1x128xi32, #tpu.memory_space<vmem>>
      %dma_wait3A_295 = tpu.memref_squeeze %dma_wait3A_294 : memref<1x1x128xi32, #tpu.memory_space<vmem>> -> memref<128xi32, #tpu.memory_space<vmem>>
      %dma_wait3A_296 = arith.constant 0 : i32
      %dma_wait3A_297 = arith.constant 0 : i32
      %dma_wait3A_298 = tpu.memref_slice %arg3[%dma_wait3A_296, %dma_wait3A_297] : memref<10000x64xbf16, #tpu.memory_space<hbm>> -> memref<10000x64xbf16, #tpu.memory_space<hbm>>
      %dma_wait3A_299 = tpu.memref_slice %arg12[%dma_wait3A_288] : memref<6x!tpu.dma_semaphore, #tpu.memory_space<semaphore_mem>> -> memref<1x!tpu.dma_semaphore, #tpu.memory_space<semaphore_mem>>
      %dma_wait3A_300 = tpu.memref_squeeze %dma_wait3A_299 : memref<1x!tpu.dma_semaphore, #tpu.memory_space<semaphore_mem>> -> memref<!tpu.dma_semaphore, #tpu.memory_space<semaphore_mem>>
      tpu.wait_indirect_dma semaphore(%dma_wait3A_300 : memref<!tpu.dma_semaphore, #tpu.memory_space<semaphore_mem>>) src(%dma_wait3A_298 : memref<10000x64xbf16, #tpu.memory_space<hbm>>) dst(%dma_wait3A_292 : memref<128x64xbf16, #tpu.memory_space<vmem>>)
      %dma_start3A_301 = arith.constant 3 : i32
      %dma_start3A_302 = arith.constant 1 : i32
      %dma_start3A_303 = arith.constant 3 : i32
      %dma_start3A_304 = arith.constant 0 : i32
      %dma_start3A_305 = arith.constant 0 : i32
      %dma_start3A_306 = tpu.memref_slice %arg8[%dma_start3A_301, %dma_start3A_304, %dma_start3A_305] : memref<6x128x64xbf16, #tpu.memory_space<vmem>> -> memref<1x128x64xbf16, #tpu.memory_space<vmem>>
      %dma_start3A_307 = tpu.memref_squeeze %dma_start3A_306 : memref<1x128x64xbf16, #tpu.memory_space<vmem>> -> memref<128x64xbf16, #tpu.memory_space<vmem>>
      %dma_start3A_308 = arith.constant 0 : i32
      %dma_start3A_309 = tpu.memref_slice %arg6[%add3A_284, %dma_start3A_302, %dma_start3A_308] : memref<78x2x128xi32, #tpu.memory_space<vmem>> -> memref<1x1x128xi32, #tpu.memory_space<vmem>>
      %dma_start3A_310 = tpu.memref_squeeze %dma_start3A_309 : memref<1x1x128xi32, #tpu.memory_space<vmem>> -> memref<128xi32, #tpu.memory_space<vmem>>
      %dma_start3A_311 = arith.constant 0 : i32
      %dma_start3A_312 = arith.constant 0 : i32
      %dma_start3A_313 = tpu.memref_slice %arg10[%dma_start3A_311, %dma_start3A_312] : memref<10240x64xbf16, #tpu.memory_space<vmem_shared>> -> memref<10240x64xbf16, #tpu.memory_space<vmem_shared>>
      %dma_start3A_314 = tpu.memref_slice %arg13[%dma_start3A_303] : memref<6x!tpu.dma_semaphore, #tpu.memory_space<semaphore_mem>> -> memref<1x!tpu.dma_semaphore, #tpu.memory_space<semaphore_mem>>
      %dma_start3A_315 = tpu.memref_squeeze %dma_start3A_314 : memref<1x!tpu.dma_semaphore, #tpu.memory_space<semaphore_mem>> -> memref<!tpu.dma_semaphore, #tpu.memory_space<semaphore_mem>>
      tpu.enqueue_indirect_dma source(%dma_start3A_307 : memref<128x64xbf16, #tpu.memory_space<vmem>>) target(%dma_start3A_313 : memref<10240x64xbf16, #tpu.memory_space<vmem_shared>>) offsets(%dma_start3A_310 : memref<128xi32, #tpu.memory_space<vmem>>) semaphore(%dma_start3A_315 : memref<!tpu.dma_semaphore, #tpu.memory_space<semaphore_mem>>) {add = true}
      %add3A_316 = arith.constant 2 : i32
      %add3A_317 = arith.addi %add3A_284, %add3A_316 : i32
      %lt3A_318 = arith.constant 78 : i32
      %lt3A_319 = arith.cmpi slt, %add3A_317, %lt3A_318 : i32
      %convert_element_type3A_320 = arith.extui %lt3A_319 : i1 to i32
      %cond3A_321 = arith.constant 0 : i32
      %cond3A_322 = arith.cmpi ne, %convert_element_type3A_320, %cond3A_321 : i32
      scf.if %cond3A_322 {
        %ge3A = arith.constant 4 : i32
        %ge3A_408 = arith.cmpi sge, %add3A_284, %ge3A : i32
        %convert_element_type3A_409 = arith.extui %ge3A_408 : i1 to i32
        %cond3A_410 = arith.constant 0 : i32
        %cond3A_411 = arith.cmpi ne, %convert_element_type3A_409, %cond3A_410 : i32
        scf.if %cond3A_411 {
          %dma_wait3A_429 = arith.constant 5 : i32
          %dma_wait3A_430 = arith.constant 0 : i32
          %dma_wait3A_431 = arith.constant 1 : i32
          %dma_wait3A_432 = arith.constant 5 : i32
          %dma_wait3A_433 = arith.constant 0 : i32
          %dma_wait3A_434 = arith.constant 0 : i32
          %dma_wait3A_435 = tpu.memref_slice %arg8[%dma_wait3A_429, %dma_wait3A_433, %dma_wait3A_434] : memref<6x128x64xbf16, #tpu.memory_space<vmem>> -> memref<1x128x64xbf16, #tpu.memory_space<vmem>>
          %dma_wait3A_436 = tpu.memref_squeeze %dma_wait3A_435 : memref<1x128x64xbf16, #tpu.memory_space<vmem>> -> memref<128x64xbf16, #tpu.memory_space<vmem>>
          %dma_wait3A_437 = arith.constant 0 : i32
          %dma_wait3A_438 = tpu.memref_slice %arg6[%dma_wait3A_430, %dma_wait3A_431, %dma_wait3A_437] : memref<78x2x128xi32, #tpu.memory_space<vmem>> -> memref<1x1x128xi32, #tpu.memory_space<vmem>>
          %dma_wait3A_439 = tpu.memref_squeeze %dma_wait3A_438 : memref<1x1x128xi32, #tpu.memory_space<vmem>> -> memref<128xi32, #tpu.memory_space<vmem>>
          %dma_wait3A_440 = arith.constant 0 : i32
          %dma_wait3A_441 = arith.constant 0 : i32
          %dma_wait3A_442 = tpu.memref_slice %arg10[%dma_wait3A_440, %dma_wait3A_441] : memref<10240x64xbf16, #tpu.memory_space<vmem_shared>> -> memref<10240x64xbf16, #tpu.memory_space<vmem_shared>>
          %dma_wait3A_443 = tpu.memref_slice %arg13[%dma_wait3A_432] : memref<6x!tpu.dma_semaphore, #tpu.memory_space<semaphore_mem>> -> memref<1x!tpu.dma_semaphore, #tpu.memory_space<semaphore_mem>>
          %dma_wait3A_444 = tpu.memref_squeeze %dma_wait3A_443 : memref<1x!tpu.dma_semaphore, #tpu.memory_space<semaphore_mem>> -> memref<!tpu.dma_semaphore, #tpu.memory_space<semaphore_mem>>
          tpu.wait_indirect_dma semaphore(%dma_wait3A_444 : memref<!tpu.dma_semaphore, #tpu.memory_space<semaphore_mem>>) src(%dma_wait3A_436 : memref<128x64xbf16, #tpu.memory_space<vmem>>) dst(%dma_wait3A_442 : memref<10240x64xbf16, #tpu.memory_space<vmem_shared>>)
        } else {
        }
        %add3A_412 = arith.constant 2 : i32
        %add3A_413 = arith.addi %add3A_284, %add3A_412 : i32
        %dma_start3A_414 = arith.constant 0 : i32
        %dma_start3A_415 = arith.constant 5 : i32
        %dma_start3A_416 = arith.constant 5 : i32
        %dma_start3A_417 = arith.constant 0 : i32
        %dma_start3A_418 = arith.constant 0 : i32
        %dma_start3A_419 = tpu.memref_slice %arg8[%dma_start3A_415, %dma_start3A_417, %dma_start3A_418] : memref<6x128x64xbf16, #tpu.memory_space<vmem>> -> memref<1x128x64xbf16, #tpu.memory_space<vmem>>
        %dma_start3A_420 = tpu.memref_squeeze %dma_start3A_419 : memref<1x128x64xbf16, #tpu.memory_space<vmem>> -> memref<128x64xbf16, #tpu.memory_space<vmem>>
        %dma_start3A_421 = arith.constant 0 : i32
        %dma_start3A_422 = tpu.memref_slice %arg6[%add3A_413, %dma_start3A_414, %dma_start3A_421] : memref<78x2x128xi32, #tpu.memory_space<vmem>> -> memref<1x1x128xi32, #tpu.memory_space<vmem>>
        %dma_start3A_423 = tpu.memref_squeeze %dma_start3A_422 : memref<1x1x128xi32, #tpu.memory_space<vmem>> -> memref<128xi32, #tpu.memory_space<vmem>>
        %dma_start3A_424 = arith.constant 0 : i32
        %dma_start3A_425 = arith.constant 0 : i32
        %dma_start3A_426 = tpu.memref_slice %arg11[%dma_start3A_424, %dma_start3A_425] : memref<10240x64xbf16, #tpu.memory_space<vmem_shared>> -> memref<10240x64xbf16, #tpu.memory_space<vmem_shared>>
        %dma_start3A_427 = tpu.memref_slice %arg12[%dma_start3A_416] : memref<6x!tpu.dma_semaphore, #tpu.memory_space<semaphore_mem>> -> memref<1x!tpu.dma_semaphore, #tpu.memory_space<semaphore_mem>>
        %dma_start3A_428 = tpu.memref_squeeze %dma_start3A_427 : memref<1x!tpu.dma_semaphore, #tpu.memory_space<semaphore_mem>> -> memref<!tpu.dma_semaphore, #tpu.memory_space<semaphore_mem>>
        tpu.enqueue_indirect_dma source(%dma_start3A_426 : memref<10240x64xbf16, #tpu.memory_space<vmem_shared>>) target(%dma_start3A_420 : memref<128x64xbf16, #tpu.memory_space<vmem>>) offsets(%dma_start3A_423 : memref<128xi32, #tpu.memory_space<vmem>>) semaphore(%dma_start3A_428 : memref<!tpu.dma_semaphore, #tpu.memory_space<semaphore_mem>>)
      } else {
      }
      %mul3A_323 = arith.constant 6 : i32
      %mul3A_324 = arith.muli %scan3A_153, %mul3A_323 : i32
      %add3A_325 = arith.constant 4 : i32
      %add3A_326 = arith.addi %mul3A_324, %add3A_325 : i32
      %dma_wait3A_327 = arith.constant 0 : i32
      %dma_wait3A_328 = arith.constant 0 : i32
      %dma_wait3A_329 = arith.constant 4 : i32
      %dma_wait3A_330 = arith.constant 4 : i32
      %dma_wait3A_331 = arith.constant 0 : i32
      %dma_wait3A_332 = arith.constant 0 : i32
      %dma_wait3A_333 = tpu.memref_slice %arg8[%dma_wait3A_329, %dma_wait3A_331, %dma_wait3A_332] : memref<6x128x64xbf16, #tpu.memory_space<vmem>> -> memref<1x128x64xbf16, #tpu.memory_space<vmem>>
      %dma_wait3A_334 = tpu.memref_squeeze %dma_wait3A_333 : memref<1x128x64xbf16, #tpu.memory_space<vmem>> -> memref<128x64xbf16, #tpu.memory_space<vmem>>
      %dma_wait3A_335 = arith.constant 0 : i32
      %dma_wait3A_336 = tpu.memref_slice %arg6[%dma_wait3A_327, %dma_wait3A_328, %dma_wait3A_335] : memref<78x2x128xi32, #tpu.memory_space<vmem>> -> memref<1x1x128xi32, #tpu.memory_space<vmem>>
      %dma_wait3A_337 = tpu.memref_squeeze %dma_wait3A_336 : memref<1x1x128xi32, #tpu.memory_space<vmem>> -> memref<128xi32, #tpu.memory_space<vmem>>
      %dma_wait3A_338 = arith.constant 0 : i32
      %dma_wait3A_339 = arith.constant 0 : i32
      %dma_wait3A_340 = tpu.memref_slice %arg3[%dma_wait3A_338, %dma_wait3A_339] : memref<10000x64xbf16, #tpu.memory_space<hbm>> -> memref<10000x64xbf16, #tpu.memory_space<hbm>>
      %dma_wait3A_341 = tpu.memref_slice %arg12[%dma_wait3A_330] : memref<6x!tpu.dma_semaphore, #tpu.memory_space<semaphore_mem>> -> memref<1x!tpu.dma_semaphore, #tpu.memory_space<semaphore_mem>>
      %dma_wait3A_342 = tpu.memref_squeeze %dma_wait3A_341 : memref<1x!tpu.dma_semaphore, #tpu.memory_space<semaphore_mem>> -> memref<!tpu.dma_semaphore, #tpu.memory_space<semaphore_mem>>
      tpu.wait_indirect_dma semaphore(%dma_wait3A_342 : memref<!tpu.dma_semaphore, #tpu.memory_space<semaphore_mem>>) src(%dma_wait3A_340 : memref<10000x64xbf16, #tpu.memory_space<hbm>>) dst(%dma_wait3A_334 : memref<128x64xbf16, #tpu.memory_space<vmem>>)
      %dma_start3A_343 = arith.constant 4 : i32
      %dma_start3A_344 = arith.constant 1 : i32
      %dma_start3A_345 = arith.constant 4 : i32
      %dma_start3A_346 = arith.constant 0 : i32
      %dma_start3A_347 = arith.constant 0 : i32
      %dma_start3A_348 = tpu.memref_slice %arg8[%dma_start3A_343, %dma_start3A_346, %dma_start3A_347] : memref<6x128x64xbf16, #tpu.memory_space<vmem>> -> memref<1x128x64xbf16, #tpu.memory_space<vmem>>
      %dma_start3A_349 = tpu.memref_squeeze %dma_start3A_348 : memref<1x128x64xbf16, #tpu.memory_space<vmem>> -> memref<128x64xbf16, #tpu.memory_space<vmem>>
      %dma_start3A_350 = arith.constant 0 : i32
      %dma_start3A_351 = tpu.memref_slice %arg6[%add3A_326, %dma_start3A_344, %dma_start3A_350] : memref<78x2x128xi32, #tpu.memory_space<vmem>> -> memref<1x1x128xi32, #tpu.memory_space<vmem>>
      %dma_start3A_352 = tpu.memref_squeeze %dma_start3A_351 : memref<1x1x128xi32, #tpu.memory_space<vmem>> -> memref<128xi32, #tpu.memory_space<vmem>>
      %dma_start3A_353 = arith.constant 0 : i32
      %dma_start3A_354 = arith.constant 0 : i32
      %dma_start3A_355 = tpu.memref_slice %arg10[%dma_start3A_353, %dma_start3A_354] : memref<10240x64xbf16, #tpu.memory_space<vmem_shared>> -> memref<10240x64xbf16, #tpu.memory_space<vmem_shared>>
      %dma_start3A_356 = tpu.memref_slice %arg13[%dma_start3A_345] : memref<6x!tpu.dma_semaphore, #tpu.memory_space<semaphore_mem>> -> memref<1x!tpu.dma_semaphore, #tpu.memory_space<semaphore_mem>>
      %dma_start3A_357 = tpu.memref_squeeze %dma_start3A_356 : memref<1x!tpu.dma_semaphore, #tpu.memory_space<semaphore_mem>> -> memref<!tpu.dma_semaphore, #tpu.memory_space<semaphore_mem>>
      tpu.enqueue_indirect_dma source(%dma_start3A_349 : memref<128x64xbf16, #tpu.memory_space<vmem>>) target(%dma_start3A_355 : memref<10240x64xbf16, #tpu.memory_space<vmem_shared>>) offsets(%dma_start3A_352 : memref<128xi32, #tpu.memory_space<vmem>>) semaphore(%dma_start3A_357 : memref<!tpu.dma_semaphore, #tpu.memory_space<semaphore_mem>>) {add = true}
      %add3A_358 = arith.constant 2 : i32
      %add3A_359 = arith.addi %add3A_326, %add3A_358 : i32
      %lt3A_360 = arith.constant 78 : i32
      %lt3A_361 = arith.cmpi slt, %add3A_359, %lt3A_360 : i32
      %convert_element_type3A_362 = arith.extui %lt3A_361 : i1 to i32
      %cond3A_363 = arith.constant 0 : i32
      %cond3A_364 = arith.cmpi ne, %convert_element_type3A_362, %cond3A_363 : i32
      scf.if %cond3A_364 {
        %ge3A = arith.constant 4 : i32
        %ge3A_408 = arith.cmpi sge, %add3A_326, %ge3A : i32
        %convert_element_type3A_409 = arith.extui %ge3A_408 : i1 to i32
        %cond3A_410 = arith.constant 0 : i32
        %cond3A_411 = arith.cmpi ne, %convert_element_type3A_409, %cond3A_410 : i32
        scf.if %cond3A_411 {
          %dma_wait3A_429 = arith.constant 0 : i32
          %dma_wait3A_430 = arith.constant 0 : i32
          %dma_wait3A_431 = arith.constant 1 : i32
          %dma_wait3A_432 = arith.constant 0 : i32
          %dma_wait3A_433 = arith.constant 0 : i32
          %dma_wait3A_434 = arith.constant 0 : i32
          %dma_wait3A_435 = tpu.memref_slice %arg8[%dma_wait3A_429, %dma_wait3A_433, %dma_wait3A_434] : memref<6x128x64xbf16, #tpu.memory_space<vmem>> -> memref<1x128x64xbf16, #tpu.memory_space<vmem>>
          %dma_wait3A_436 = tpu.memref_squeeze %dma_wait3A_435 : memref<1x128x64xbf16, #tpu.memory_space<vmem>> -> memref<128x64xbf16, #tpu.memory_space<vmem>>
          %dma_wait3A_437 = arith.constant 0 : i32
          %dma_wait3A_438 = tpu.memref_slice %arg6[%dma_wait3A_430, %dma_wait3A_431, %dma_wait3A_437] : memref<78x2x128xi32, #tpu.memory_space<vmem>> -> memref<1x1x128xi32, #tpu.memory_space<vmem>>
          %dma_wait3A_439 = tpu.memref_squeeze %dma_wait3A_438 : memref<1x1x128xi32, #tpu.memory_space<vmem>> -> memref<128xi32, #tpu.memory_space<vmem>>
          %dma_wait3A_440 = arith.constant 0 : i32
          %dma_wait3A_441 = arith.constant 0 : i32
          %dma_wait3A_442 = tpu.memref_slice %arg10[%dma_wait3A_440, %dma_wait3A_441] : memref<10240x64xbf16, #tpu.memory_space<vmem_shared>> -> memref<10240x64xbf16, #tpu.memory_space<vmem_shared>>
          %dma_wait3A_443 = tpu.memref_slice %arg13[%dma_wait3A_432] : memref<6x!tpu.dma_semaphore, #tpu.memory_space<semaphore_mem>> -> memref<1x!tpu.dma_semaphore, #tpu.memory_space<semaphore_mem>>
          %dma_wait3A_444 = tpu.memref_squeeze %dma_wait3A_443 : memref<1x!tpu.dma_semaphore, #tpu.memory_space<semaphore_mem>> -> memref<!tpu.dma_semaphore, #tpu.memory_space<semaphore_mem>>
          tpu.wait_indirect_dma semaphore(%dma_wait3A_444 : memref<!tpu.dma_semaphore, #tpu.memory_space<semaphore_mem>>) src(%dma_wait3A_436 : memref<128x64xbf16, #tpu.memory_space<vmem>>) dst(%dma_wait3A_442 : memref<10240x64xbf16, #tpu.memory_space<vmem_shared>>)
        } else {
        }
        %add3A_412 = arith.constant 2 : i32
        %add3A_413 = arith.addi %add3A_326, %add3A_412 : i32
        %dma_start3A_414 = arith.constant 0 : i32
        %dma_start3A_415 = arith.constant 0 : i32
        %dma_start3A_416 = arith.constant 0 : i32
        %dma_start3A_417 = arith.constant 0 : i32
        %dma_start3A_418 = arith.constant 0 : i32
        %dma_start3A_419 = tpu.memref_slice %arg8[%dma_start3A_415, %dma_start3A_417, %dma_start3A_418] : memref<6x128x64xbf16, #tpu.memory_space<vmem>> -> memref<1x128x64xbf16, #tpu.memory_space<vmem>>
        %dma_start3A_420 = tpu.memref_squeeze %dma_start3A_419 : memref<1x128x64xbf16, #tpu.memory_space<vmem>> -> memref<128x64xbf16, #tpu.memory_space<vmem>>
        %dma_start3A_421 = arith.constant 0 : i32
        %dma_start3A_422 = tpu.memref_slice %arg6[%add3A_413, %dma_start3A_414, %dma_start3A_421] : memref<78x2x128xi32, #tpu.memory_space<vmem>> -> memref<1x1x128xi32, #tpu.memory_space<vmem>>
        %dma_start3A_423 = tpu.memref_squeeze %dma_start3A_422 : memref<1x1x128xi32, #tpu.memory_space<vmem>> -> memref<128xi32, #tpu.memory_space<vmem>>
        %dma_start3A_424 = arith.constant 0 : i32
        %dma_start3A_425 = arith.constant 0 : i32
        %dma_start3A_426 = tpu.memref_slice %arg11[%dma_start3A_424, %dma_start3A_425] : memref<10240x64xbf16, #tpu.memory_space<vmem_shared>> -> memref<10240x64xbf16, #tpu.memory_space<vmem_shared>>
        %dma_start3A_427 = tpu.memref_slice %arg12[%dma_start3A_416] : memref<6x!tpu.dma_semaphore, #tpu.memory_space<semaphore_mem>> -> memref<1x!tpu.dma_semaphore, #tpu.memory_space<semaphore_mem>>
        %dma_start3A_428 = tpu.memref_squeeze %dma_start3A_427 : memref<1x!tpu.dma_semaphore, #tpu.memory_space<semaphore_mem>> -> memref<!tpu.dma_semaphore, #tpu.memory_space<semaphore_mem>>
        tpu.enqueue_indirect_dma source(%dma_start3A_426 : memref<10240x64xbf16, #tpu.memory_space<vmem_shared>>) target(%dma_start3A_420 : memref<128x64xbf16, #tpu.memory_space<vmem>>) offsets(%dma_start3A_423 : memref<128xi32, #tpu.memory_space<vmem>>) semaphore(%dma_start3A_428 : memref<!tpu.dma_semaphore, #tpu.memory_space<semaphore_mem>>)
      } else {
      }
      %mul3A_365 = arith.constant 6 : i32
      %mul3A_366 = arith.muli %scan3A_153, %mul3A_365 : i32
      %add3A_367 = arith.constant 5 : i32
      %add3A_368 = arith.addi %mul3A_366, %add3A_367 : i32
      %dma_wait3A_369 = arith.constant 0 : i32
      %dma_wait3A_370 = arith.constant 0 : i32
      %dma_wait3A_371 = arith.constant 5 : i32
      %dma_wait3A_372 = arith.constant 5 : i32
      %dma_wait3A_373 = arith.constant 0 : i32
      %dma_wait3A_374 = arith.constant 0 : i32
      %dma_wait3A_375 = tpu.memref_slice %arg8[%dma_wait3A_371, %dma_wait3A_373, %dma_wait3A_374] : memref<6x128x64xbf16, #tpu.memory_space<vmem>> -> memref<1x128x64xbf16, #tpu.memory_space<vmem>>
      %dma_wait3A_376 = tpu.memref_squeeze %dma_wait3A_375 : memref<1x128x64xbf16, #tpu.memory_space<vmem>> -> memref<128x64xbf16, #tpu.memory_space<vmem>>
      %dma_wait3A_377 = arith.constant 0 : i32
      %dma_wait3A_378 = tpu.memref_slice %arg6[%dma_wait3A_369, %dma_wait3A_370, %dma_wait3A_377] : memref<78x2x128xi32, #tpu.memory_space<vmem>> -> memref<1x1x128xi32, #tpu.memory_space<vmem>>
      %dma_wait3A_379 = tpu.memref_squeeze %dma_wait3A_378 : memref<1x1x128xi32, #tpu.memory_space<vmem>> -> memref<128xi32, #tpu.memory_space<vmem>>
      %dma_wait3A_380 = arith.constant 0 : i32
      %dma_wait3A_381 = arith.constant 0 : i32
      %dma_wait3A_382 = tpu.memref_slice %arg3[%dma_wait3A_380, %dma_wait3A_381] : memref<10000x64xbf16, #tpu.memory_space<hbm>> -> memref<10000x64xbf16, #tpu.memory_space<hbm>>
      %dma_wait3A_383 = tpu.memref_slice %arg12[%dma_wait3A_372] : memref<6x!tpu.dma_semaphore, #tpu.memory_space<semaphore_mem>> -> memref<1x!tpu.dma_semaphore, #tpu.memory_space<semaphore_mem>>
      %dma_wait3A_384 = tpu.memref_squeeze %dma_wait3A_383 : memref<1x!tpu.dma_semaphore, #tpu.memory_space<semaphore_mem>> -> memref<!tpu.dma_semaphore, #tpu.memory_space<semaphore_mem>>
      tpu.wait_indirect_dma semaphore(%dma_wait3A_384 : memref<!tpu.dma_semaphore, #tpu.memory_space<semaphore_mem>>) src(%dma_wait3A_382 : memref<10000x64xbf16, #tpu.memory_space<hbm>>) dst(%dma_wait3A_376 : memref<128x64xbf16, #tpu.memory_space<vmem>>)
      %dma_start3A_385 = arith.constant 5 : i32
      %dma_start3A_386 = arith.constant 1 : i32
      %dma_start3A_387 = arith.constant 5 : i32
      %dma_start3A_388 = arith.constant 0 : i32
      %dma_start3A_389 = arith.constant 0 : i32
      %dma_start3A_390 = tpu.memref_slice %arg8[%dma_start3A_385, %dma_start3A_388, %dma_start3A_389] : memref<6x128x64xbf16, #tpu.memory_space<vmem>> -> memref<1x128x64xbf16, #tpu.memory_space<vmem>>
      %dma_start3A_391 = tpu.memref_squeeze %dma_start3A_390 : memref<1x128x64xbf16, #tpu.memory_space<vmem>> -> memref<128x64xbf16, #tpu.memory_space<vmem>>
      %dma_start3A_392 = arith.constant 0 : i32
      %dma_start3A_393 = tpu.memref_slice %arg6[%add3A_368, %dma_start3A_386, %dma_start3A_392] : memref<78x2x128xi32, #tpu.memory_space<vmem>> -> memref<1x1x128xi32, #tpu.memory_space<vmem>>
      %dma_start3A_394 = tpu.memref_squeeze %dma_start3A_393 : memref<1x1x128xi32, #tpu.memory_space<vmem>> -> memref<128xi32, #tpu.memory_space<vmem>>
      %dma_start3A_395 = arith.constant 0 : i32
      %dma_start3A_396 = arith.constant 0 : i32
      %dma_start3A_397 = tpu.memref_slice %arg10[%dma_start3A_395, %dma_start3A_396] : memref<10240x64xbf16, #tpu.memory_space<vmem_shared>> -> memref<10240x64xbf16, #tpu.memory_space<vmem_shared>>
      %dma_start3A_398 = tpu.memref_slice %arg13[%dma_start3A_387] : memref<6x!tpu.dma_semaphore, #tpu.memory_space<semaphore_mem>> -> memref<1x!tpu.dma_semaphore, #tpu.memory_space<semaphore_mem>>
      %dma_start3A_399 = tpu.memref_squeeze %dma_start3A_398 : memref<1x!tpu.dma_semaphore, #tpu.memory_space<semaphore_mem>> -> memref<!tpu.dma_semaphore, #tpu.memory_space<semaphore_mem>>
      tpu.enqueue_indirect_dma source(%dma_start3A_391 : memref<128x64xbf16, #tpu.memory_space<vmem>>) target(%dma_start3A_397 : memref<10240x64xbf16, #tpu.memory_space<vmem_shared>>) offsets(%dma_start3A_394 : memref<128xi32, #tpu.memory_space<vmem>>) semaphore(%dma_start3A_399 : memref<!tpu.dma_semaphore, #tpu.memory_space<semaphore_mem>>) {add = true}
      %add3A_400 = arith.constant 2 : i32
      %add3A_401 = arith.addi %add3A_368, %add3A_400 : i32
      %lt3A_402 = arith.constant 78 : i32
      %lt3A_403 = arith.cmpi slt, %add3A_401, %lt3A_402 : i32
      %convert_element_type3A_404 = arith.extui %lt3A_403 : i1 to i32
      %cond3A_405 = arith.constant 0 : i32
      %cond3A_406 = arith.cmpi ne, %convert_element_type3A_404, %cond3A_405 : i32
      scf.if %cond3A_406 {
        %ge3A = arith.constant 4 : i32
        %ge3A_408 = arith.cmpi sge, %add3A_368, %ge3A : i32
        %convert_element_type3A_409 = arith.extui %ge3A_408 : i1 to i32
        %cond3A_410 = arith.constant 0 : i32
        %cond3A_411 = arith.cmpi ne, %convert_element_type3A_409, %cond3A_410 : i32
        scf.if %cond3A_411 {
          %dma_wait3A_429 = arith.constant 1 : i32
          %dma_wait3A_430 = arith.constant 0 : i32
          %dma_wait3A_431 = arith.constant 1 : i32
          %dma_wait3A_432 = arith.constant 1 : i32
          %dma_wait3A_433 = arith.constant 0 : i32
          %dma_wait3A_434 = arith.constant 0 : i32
          %dma_wait3A_435 = tpu.memref_slice %arg8[%dma_wait3A_429, %dma_wait3A_433, %dma_wait3A_434] : memref<6x128x64xbf16, #tpu.memory_space<vmem>> -> memref<1x128x64xbf16, #tpu.memory_space<vmem>>
          %dma_wait3A_436 = tpu.memref_squeeze %dma_wait3A_435 : memref<1x128x64xbf16, #tpu.memory_space<vmem>> -> memref<128x64xbf16, #tpu.memory_space<vmem>>
          %dma_wait3A_437 = arith.constant 0 : i32
          %dma_wait3A_438 = tpu.memref_slice %arg6[%dma_wait3A_430, %dma_wait3A_431, %dma_wait3A_437] : memref<78x2x128xi32, #tpu.memory_space<vmem>> -> memref<1x1x128xi32, #tpu.memory_space<vmem>>
          %dma_wait3A_439 = tpu.memref_squeeze %dma_wait3A_438 : memref<1x1x128xi32, #tpu.memory_space<vmem>> -> memref<128xi32, #tpu.memory_space<vmem>>
          %dma_wait3A_440 = arith.constant 0 : i32
          %dma_wait3A_441 = arith.constant 0 : i32
          %dma_wait3A_442 = tpu.memref_slice %arg10[%dma_wait3A_440, %dma_wait3A_441] : memref<10240x64xbf16, #tpu.memory_space<vmem_shared>> -> memref<10240x64xbf16, #tpu.memory_space<vmem_shared>>
          %dma_wait3A_443 = tpu.memref_slice %arg13[%dma_wait3A_432] : memref<6x!tpu.dma_semaphore, #tpu.memory_space<semaphore_mem>> -> memref<1x!tpu.dma_semaphore, #tpu.memory_space<semaphore_mem>>
          %dma_wait3A_444 = tpu.memref_squeeze %dma_wait3A_443 : memref<1x!tpu.dma_semaphore, #tpu.memory_space<semaphore_mem>> -> memref<!tpu.dma_semaphore, #tpu.memory_space<semaphore_mem>>
          tpu.wait_indirect_dma semaphore(%dma_wait3A_444 : memref<!tpu.dma_semaphore, #tpu.memory_space<semaphore_mem>>) src(%dma_wait3A_436 : memref<128x64xbf16, #tpu.memory_space<vmem>>) dst(%dma_wait3A_442 : memref<10240x64xbf16, #tpu.memory_space<vmem_shared>>)
        } else {
        }
        %add3A_412 = arith.constant 2 : i32
        %add3A_413 = arith.addi %add3A_368, %add3A_412 : i32
        %dma_start3A_414 = arith.constant 0 : i32
        %dma_start3A_415 = arith.constant 1 : i32
        %dma_start3A_416 = arith.constant 1 : i32
        %dma_start3A_417 = arith.constant 0 : i32
        %dma_start3A_418 = arith.constant 0 : i32
        %dma_start3A_419 = tpu.memref_slice %arg8[%dma_start3A_415, %dma_start3A_417, %dma_start3A_418] : memref<6x128x64xbf16, #tpu.memory_space<vmem>> -> memref<1x128x64xbf16, #tpu.memory_space<vmem>>
        %dma_start3A_420 = tpu.memref_squeeze %dma_start3A_419 : memref<1x128x64xbf16, #tpu.memory_space<vmem>> -> memref<128x64xbf16, #tpu.memory_space<vmem>>
        %dma_start3A_421 = arith.constant 0 : i32
        %dma_start3A_422 = tpu.memref_slice %arg6[%add3A_413, %dma_start3A_414, %dma_start3A_421] : memref<78x2x128xi32, #tpu.memory_space<vmem>> -> memref<1x1x128xi32, #tpu.memory_space<vmem>>
        %dma_start3A_423 = tpu.memref_squeeze %dma_start3A_422 : memref<1x1x128xi32, #tpu.memory_space<vmem>> -> memref<128xi32, #tpu.memory_space<vmem>>
        %dma_start3A_424 = arith.constant 0 : i32
        %dma_start3A_425 = arith.constant 0 : i32
        %dma_start3A_426 = tpu.memref_slice %arg11[%dma_start3A_424, %dma_start3A_425] : memref<10240x64xbf16, #tpu.memory_space<vmem_shared>> -> memref<10240x64xbf16, #tpu.memory_space<vmem_shared>>
        %dma_start3A_427 = tpu.memref_slice %arg12[%dma_start3A_416] : memref<6x!tpu.dma_semaphore, #tpu.memory_space<semaphore_mem>> -> memref<1x!tpu.dma_semaphore, #tpu.memory_space<semaphore_mem>>
        %dma_start3A_428 = tpu.memref_squeeze %dma_start3A_427 : memref<1x!tpu.dma_semaphore, #tpu.memory_space<semaphore_mem>> -> memref<!tpu.dma_semaphore, #tpu.memory_space<semaphore_mem>>
        tpu.enqueue_indirect_dma source(%dma_start3A_426 : memref<10240x64xbf16, #tpu.memory_space<vmem_shared>>) target(%dma_start3A_420 : memref<128x64xbf16, #tpu.memory_space<vmem>>) offsets(%dma_start3A_423 : memref<128xi32, #tpu.memory_space<vmem>>) semaphore(%dma_start3A_428 : memref<!tpu.dma_semaphore, #tpu.memory_space<semaphore_mem>>)
      } else {
      }
      %scan3A_407 = arith.constant 0 : i32
      scf.yield %scan3A_407 : i32
    }
    %scan3A_47 = arith.constant 13 : i32
    %dma_wait3A = arith.constant 0 : i32
    %dma_wait3A_48 = arith.constant 0 : i32
    %dma_wait3A_49 = arith.constant 1 : i32
    %dma_wait3A_50 = arith.constant 0 : i32
    %dma_wait3A_51 = arith.constant 0 : i32
    %dma_wait3A_52 = arith.constant 0 : i32
    %dma_wait3A_53 = tpu.memref_slice %arg8[%dma_wait3A, %dma_wait3A_51, %dma_wait3A_52] : memref<6x128x64xbf16, #tpu.memory_space<vmem>> -> memref<1x128x64xbf16, #tpu.memory_space<vmem>>
    %dma_wait3A_54 = tpu.memref_squeeze %dma_wait3A_53 : memref<1x128x64xbf16, #tpu.memory_space<vmem>> -> memref<128x64xbf16, #tpu.memory_space<vmem>>
    %dma_wait3A_55 = arith.constant 0 : i32
    %dma_wait3A_56 = tpu.memref_slice %arg6[%dma_wait3A_48, %dma_wait3A_49, %dma_wait3A_55] : memref<78x2x128xi32, #tpu.memory_space<vmem>> -> memref<1x1x128xi32, #tpu.memory_space<vmem>>
    %dma_wait3A_57 = tpu.memref_squeeze %dma_wait3A_56 : memref<1x1x128xi32, #tpu.memory_space<vmem>> -> memref<128xi32, #tpu.memory_space<vmem>>
    %dma_wait3A_58 = arith.constant 0 : i32
    %dma_wait3A_59 = arith.constant 0 : i32
    %dma_wait3A_60 = tpu.memref_slice %arg10[%dma_wait3A_58, %dma_wait3A_59] : memref<10240x64xbf16, #tpu.memory_space<vmem_shared>> -> memref<10240x64xbf16, #tpu.memory_space<vmem_shared>>
    %dma_wait3A_61 = tpu.memref_slice %arg13[%dma_wait3A_50] : memref<6x!tpu.dma_semaphore, #tpu.memory_space<semaphore_mem>> -> memref<1x!tpu.dma_semaphore, #tpu.memory_space<semaphore_mem>>
    %dma_wait3A_62 = tpu.memref_squeeze %dma_wait3A_61 : memref<1x!tpu.dma_semaphore, #tpu.memory_space<semaphore_mem>> -> memref<!tpu.dma_semaphore, #tpu.memory_space<semaphore_mem>>
    tpu.wait_indirect_dma semaphore(%dma_wait3A_62 : memref<!tpu.dma_semaphore, #tpu.memory_space<semaphore_mem>>) src(%dma_wait3A_54 : memref<128x64xbf16, #tpu.memory_space<vmem>>) dst(%dma_wait3A_60 : memref<10240x64xbf16, #tpu.memory_space<vmem_shared>>)
    %dma_wait3A_63 = arith.constant 1 : i32
    %dma_wait3A_64 = arith.constant 0 : i32
    %dma_wait3A_65 = arith.constant 1 : i32
    %dma_wait3A_66 = arith.constant 1 : i32
    %dma_wait3A_67 = arith.constant 0 : i32
    %dma_wait3A_68 = arith.constant 0 : i32
    %dma_wait3A_69 = tpu.memref_slice %arg8[%dma_wait3A_63, %dma_wait3A_67, %dma_wait3A_68] : memref<6x128x64xbf16, #tpu.memory_space<vmem>> -> memref<1x128x64xbf16, #tpu.memory_space<vmem>>
    %dma_wait3A_70 = tpu.memref_squeeze %dma_wait3A_69 : memref<1x128x64xbf16, #tpu.memory_space<vmem>> -> memref<128x64xbf16, #tpu.memory_space<vmem>>
    %dma_wait3A_71 = arith.constant 0 : i32
    %dma_wait3A_72 = tpu.memref_slice %arg6[%dma_wait3A_64, %dma_wait3A_65, %dma_wait3A_71] : memref<78x2x128xi32, #tpu.memory_space<vmem>> -> memref<1x1x128xi32, #tpu.memory_space<vmem>>
    %dma_wait3A_73 = tpu.memref_squeeze %dma_wait3A_72 : memref<1x1x128xi32, #tpu.memory_space<vmem>> -> memref<128xi32, #tpu.memory_space<vmem>>
    %dma_wait3A_74 = arith.constant 0 : i32
    %dma_wait3A_75 = arith.constant 0 : i32
    %dma_wait3A_76 = tpu.memref_slice %arg10[%dma_wait3A_74, %dma_wait3A_75] : memref<10240x64xbf16, #tpu.memory_space<vmem_shared>> -> memref<10240x64xbf16, #tpu.memory_space<vmem_shared>>
    %dma_wait3A_77 = tpu.memref_slice %arg13[%dma_wait3A_66] : memref<6x!tpu.dma_semaphore, #tpu.memory_space<semaphore_mem>> -> memref<1x!tpu.dma_semaphore, #tpu.memory_space<semaphore_mem>>
    %dma_wait3A_78 = tpu.memref_squeeze %dma_wait3A_77 : memref<1x!tpu.dma_semaphore, #tpu.memory_space<semaphore_mem>> -> memref<!tpu.dma_semaphore, #tpu.memory_space<semaphore_mem>>
    tpu.wait_indirect_dma semaphore(%dma_wait3A_78 : memref<!tpu.dma_semaphore, #tpu.memory_space<semaphore_mem>>) src(%dma_wait3A_70 : memref<128x64xbf16, #tpu.memory_space<vmem>>) dst(%dma_wait3A_76 : memref<10240x64xbf16, #tpu.memory_space<vmem_shared>>)
    %dma_wait3A_79 = arith.constant 2 : i32
    %dma_wait3A_80 = arith.constant 0 : i32
    %dma_wait3A_81 = arith.constant 1 : i32
    %dma_wait3A_82 = arith.constant 2 : i32
    %dma_wait3A_83 = arith.constant 0 : i32
    %dma_wait3A_84 = arith.constant 0 : i32
    %dma_wait3A_85 = tpu.memref_slice %arg8[%dma_wait3A_79, %dma_wait3A_83, %dma_wait3A_84] : memref<6x128x64xbf16, #tpu.memory_space<vmem>> -> memref<1x128x64xbf16, #tpu.memory_space<vmem>>
    %dma_wait3A_86 = tpu.memref_squeeze %dma_wait3A_85 : memref<1x128x64xbf16, #tpu.memory_space<vmem>> -> memref<128x64xbf16, #tpu.memory_space<vmem>>
    %dma_wait3A_87 = arith.constant 0 : i32
    %dma_wait3A_88 = tpu.memref_slice %arg6[%dma_wait3A_80, %dma_wait3A_81, %dma_wait3A_87] : memref<78x2x128xi32, #tpu.memory_space<vmem>> -> memref<1x1x128xi32, #tpu.memory_space<vmem>>
    %dma_wait3A_89 = tpu.memref_squeeze %dma_wait3A_88 : memref<1x1x128xi32, #tpu.memory_space<vmem>> -> memref<128xi32, #tpu.memory_space<vmem>>
    %dma_wait3A_90 = arith.constant 0 : i32
    %dma_wait3A_91 = arith.constant 0 : i32
    %dma_wait3A_92 = tpu.memref_slice %arg10[%dma_wait3A_90, %dma_wait3A_91] : memref<10240x64xbf16, #tpu.memory_space<vmem_shared>> -> memref<10240x64xbf16, #tpu.memory_space<vmem_shared>>
    %dma_wait3A_93 = tpu.memref_slice %arg13[%dma_wait3A_82] : memref<6x!tpu.dma_semaphore, #tpu.memory_space<semaphore_mem>> -> memref<1x!tpu.dma_semaphore, #tpu.memory_space<semaphore_mem>>
    %dma_wait3A_94 = tpu.memref_squeeze %dma_wait3A_93 : memref<1x!tpu.dma_semaphore, #tpu.memory_space<semaphore_mem>> -> memref<!tpu.dma_semaphore, #tpu.memory_space<semaphore_mem>>
    tpu.wait_indirect_dma semaphore(%dma_wait3A_94 : memref<!tpu.dma_semaphore, #tpu.memory_space<semaphore_mem>>) src(%dma_wait3A_86 : memref<128x64xbf16, #tpu.memory_space<vmem>>) dst(%dma_wait3A_92 : memref<10240x64xbf16, #tpu.memory_space<vmem_shared>>)
    %dma_wait3A_95 = arith.constant 3 : i32
    %dma_wait3A_96 = arith.constant 0 : i32
    %dma_wait3A_97 = arith.constant 1 : i32
    %dma_wait3A_98 = arith.constant 3 : i32
    %dma_wait3A_99 = arith.constant 0 : i32
    %dma_wait3A_100 = arith.constant 0 : i32
    %dma_wait3A_101 = tpu.memref_slice %arg8[%dma_wait3A_95, %dma_wait3A_99, %dma_wait3A_100] : memref<6x128x64xbf16, #tpu.memory_space<vmem>> -> memref<1x128x64xbf16, #tpu.memory_space<vmem>>
    %dma_wait3A_102 = tpu.memref_squeeze %dma_wait3A_101 : memref<1x128x64xbf16, #tpu.memory_space<vmem>> -> memref<128x64xbf16, #tpu.memory_space<vmem>>
    %dma_wait3A_103 = arith.constant 0 : i32
    %dma_wait3A_104 = tpu.memref_slice %arg6[%dma_wait3A_96, %dma_wait3A_97, %dma_wait3A_103] : memref<78x2x128xi32, #tpu.memory_space<vmem>> -> memref<1x1x128xi32, #tpu.memory_space<vmem>>
    %dma_wait3A_105 = tpu.memref_squeeze %dma_wait3A_104 : memref<1x1x128xi32, #tpu.memory_space<vmem>> -> memref<128xi32, #tpu.memory_space<vmem>>
    %dma_wait3A_106 = arith.constant 0 : i32
    %dma_wait3A_107 = arith.constant 0 : i32
    %dma_wait3A_108 = tpu.memref_slice %arg10[%dma_wait3A_106, %dma_wait3A_107] : memref<10240x64xbf16, #tpu.memory_space<vmem_shared>> -> memref<10240x64xbf16, #tpu.memory_space<vmem_shared>>
    %dma_wait3A_109 = tpu.memref_slice %arg13[%dma_wait3A_98] : memref<6x!tpu.dma_semaphore, #tpu.memory_space<semaphore_mem>> -> memref<1x!tpu.dma_semaphore, #tpu.memory_space<semaphore_mem>>
    %dma_wait3A_110 = tpu.memref_squeeze %dma_wait3A_109 : memref<1x!tpu.dma_semaphore, #tpu.memory_space<semaphore_mem>> -> memref<!tpu.dma_semaphore, #tpu.memory_space<semaphore_mem>>
    tpu.wait_indirect_dma semaphore(%dma_wait3A_110 : memref<!tpu.dma_semaphore, #tpu.memory_space<semaphore_mem>>) src(%dma_wait3A_102 : memref<128x64xbf16, #tpu.memory_space<vmem>>) dst(%dma_wait3A_108 : memref<10240x64xbf16, #tpu.memory_space<vmem_shared>>)
    %dma_wait3A_111 = arith.constant 4 : i32
    %dma_wait3A_112 = arith.constant 0 : i32
    %dma_wait3A_113 = arith.constant 1 : i32
    %dma_wait3A_114 = arith.constant 4 : i32
    %dma_wait3A_115 = arith.constant 0 : i32
    %dma_wait3A_116 = arith.constant 0 : i32
    %dma_wait3A_117 = tpu.memref_slice %arg8[%dma_wait3A_111, %dma_wait3A_115, %dma_wait3A_116] : memref<6x128x64xbf16, #tpu.memory_space<vmem>> -> memref<1x128x64xbf16, #tpu.memory_space<vmem>>
    %dma_wait3A_118 = tpu.memref_squeeze %dma_wait3A_117 : memref<1x128x64xbf16, #tpu.memory_space<vmem>> -> memref<128x64xbf16, #tpu.memory_space<vmem>>
    %dma_wait3A_119 = arith.constant 0 : i32
    %dma_wait3A_120 = tpu.memref_slice %arg6[%dma_wait3A_112, %dma_wait3A_113, %dma_wait3A_119] : memref<78x2x128xi32, #tpu.memory_space<vmem>> -> memref<1x1x128xi32, #tpu.memory_space<vmem>>
    %dma_wait3A_121 = tpu.memref_squeeze %dma_wait3A_120 : memref<1x1x128xi32, #tpu.memory_space<vmem>> -> memref<128xi32, #tpu.memory_space<vmem>>
    %dma_wait3A_122 = arith.constant 0 : i32
    %dma_wait3A_123 = arith.constant 0 : i32
    %dma_wait3A_124 = tpu.memref_slice %arg10[%dma_wait3A_122, %dma_wait3A_123] : memref<10240x64xbf16, #tpu.memory_space<vmem_shared>> -> memref<10240x64xbf16, #tpu.memory_space<vmem_shared>>
    %dma_wait3A_125 = tpu.memref_slice %arg13[%dma_wait3A_114] : memref<6x!tpu.dma_semaphore, #tpu.memory_space<semaphore_mem>> -> memref<1x!tpu.dma_semaphore, #tpu.memory_space<semaphore_mem>>
    %dma_wait3A_126 = tpu.memref_squeeze %dma_wait3A_125 : memref<1x!tpu.dma_semaphore, #tpu.memory_space<semaphore_mem>> -> memref<!tpu.dma_semaphore, #tpu.memory_space<semaphore_mem>>
    tpu.wait_indirect_dma semaphore(%dma_wait3A_126 : memref<!tpu.dma_semaphore, #tpu.memory_space<semaphore_mem>>) src(%dma_wait3A_118 : memref<128x64xbf16, #tpu.memory_space<vmem>>) dst(%dma_wait3A_124 : memref<10240x64xbf16, #tpu.memory_space<vmem_shared>>)
    %dma_wait3A_127 = arith.constant 5 : i32
    %dma_wait3A_128 = arith.constant 0 : i32
    %dma_wait3A_129 = arith.constant 1 : i32
    %dma_wait3A_130 = arith.constant 5 : i32
    %dma_wait3A_131 = arith.constant 0 : i32
    %dma_wait3A_132 = arith.constant 0 : i32
    %dma_wait3A_133 = tpu.memref_slice %arg8[%dma_wait3A_127, %dma_wait3A_131, %dma_wait3A_132] : memref<6x128x64xbf16, #tpu.memory_space<vmem>> -> memref<1x128x64xbf16, #tpu.memory_space<vmem>>
    %dma_wait3A_134 = tpu.memref_squeeze %dma_wait3A_133 : memref<1x128x64xbf16, #tpu.memory_space<vmem>> -> memref<128x64xbf16, #tpu.memory_space<vmem>>
    %dma_wait3A_135 = arith.constant 0 : i32
    %dma_wait3A_136 = tpu.memref_slice %arg6[%dma_wait3A_128, %dma_wait3A_129, %dma_wait3A_135] : memref<78x2x128xi32, #tpu.memory_space<vmem>> -> memref<1x1x128xi32, #tpu.memory_space<vmem>>
    %dma_wait3A_137 = tpu.memref_squeeze %dma_wait3A_136 : memref<1x1x128xi32, #tpu.memory_space<vmem>> -> memref<128xi32, #tpu.memory_space<vmem>>
    %dma_wait3A_138 = arith.constant 0 : i32
    %dma_wait3A_139 = arith.constant 0 : i32
    %dma_wait3A_140 = tpu.memref_slice %arg10[%dma_wait3A_138, %dma_wait3A_139] : memref<10240x64xbf16, #tpu.memory_space<vmem_shared>> -> memref<10240x64xbf16, #tpu.memory_space<vmem_shared>>
    %dma_wait3A_141 = tpu.memref_slice %arg13[%dma_wait3A_130] : memref<6x!tpu.dma_semaphore, #tpu.memory_space<semaphore_mem>> -> memref<1x!tpu.dma_semaphore, #tpu.memory_space<semaphore_mem>>
    %dma_wait3A_142 = tpu.memref_squeeze %dma_wait3A_141 : memref<1x!tpu.dma_semaphore, #tpu.memory_space<semaphore_mem>> -> memref<!tpu.dma_semaphore, #tpu.memory_space<semaphore_mem>>
    tpu.wait_indirect_dma semaphore(%dma_wait3A_142 : memref<!tpu.dma_semaphore, #tpu.memory_space<semaphore_mem>>) src(%dma_wait3A_134 : memref<128x64xbf16, #tpu.memory_space<vmem>>) dst(%dma_wait3A_140 : memref<10240x64xbf16, #tpu.memory_space<vmem_shared>>)
    %lt3A_143 = arith.constant 4 : i32
    %lt3A_144 = arith.cmpi slt, %add3A, %lt3A_143 : i32
    %convert_element_type3A_145 = arith.extui %lt3A_144 : i1 to i32
    %cond3A_146 = arith.constant 0 : i32
    %cond3A_147 = arith.cmpi ne, %convert_element_type3A_145, %cond3A_146 : i32
    scf.if %cond3A_147 {
      %add3A_153 = arith.constant 2496 : i32
      %add3A_154 = arith.addi %add3A_153, %add3A : i32
      "tpu.region"() ({
        %run_scoped3A_186 = tpu.sem_alloc : memref<!tpu.dma_semaphore, #tpu.memory_space<semaphore_mem>>
        %dma_start3A_187 = arith.constant 0 : i32
        %dma_start3A_188 = arith.constant 0 : i32
        %dma_start3A_189 = tpu.memref_slice %arg2[%add3A_154, %dma_start3A_187, %dma_start3A_188] : memref<2500x2x128xi32, #tpu.memory_space<hbm>> -> memref<1x2x128xi32, #tpu.memory_space<hbm>>
        %dma_start3A_190 = tpu.memref_squeeze %dma_start3A_189 : memref<1x2x128xi32, #tpu.memory_space<hbm>> -> memref<2x128xi32, #tpu.memory_space<hbm>>
        %dma_start3A_191 = arith.constant 0 : i32
        %dma_start3A_192 = arith.constant 0 : i32
        %dma_start3A_193 = tpu.memref_slice %arg2[%add3A_154, %dma_start3A_191, %dma_start3A_192] : memref<2500x2x128xi32, #tpu.memory_space<hbm>> -> memref<1x2x128xi32, #tpu.memory_space<hbm>>
        %dma_start3A_194 = tpu.memref_squeeze %dma_start3A_193 : memref<1x2x128xi32, #tpu.memory_space<hbm>> -> memref<2x128xi32, #tpu.memory_space<hbm>>
        tpu.enqueue_dma source(%dma_start3A_194 : memref<2x128xi32, #tpu.memory_space<hbm>>) target(%arg7 : memref<2x128xi32, #tpu.memory_space<vmem>>) target_semaphore(%run_scoped3A_186 : memref<!tpu.dma_semaphore, #tpu.memory_space<semaphore_mem>>)
        %dma_wait3A_195 = arith.constant 0 : i32
        %dma_wait3A_196 = arith.constant 0 : i32
        %dma_wait3A_197 = tpu.memref_slice %arg2[%add3A_154, %dma_wait3A_195, %dma_wait3A_196] : memref<2500x2x128xi32, #tpu.memory_space<hbm>> -> memref<1x2x128xi32, #tpu.memory_space<hbm>>
        %dma_wait3A_198 = tpu.memref_squeeze %dma_wait3A_197 : memref<1x2x128xi32, #tpu.memory_space<hbm>> -> memref<2x128xi32, #tpu.memory_space<hbm>>
        %dma_wait3A_199 = arith.constant 0 : i32
        %dma_wait3A_200 = arith.constant 0 : i32
        %dma_wait3A_201 = tpu.memref_slice %arg2[%add3A_154, %dma_wait3A_199, %dma_wait3A_200] : memref<2500x2x128xi32, #tpu.memory_space<hbm>> -> memref<1x2x128xi32, #tpu.memory_space<hbm>>
        %dma_wait3A_202 = tpu.memref_squeeze %dma_wait3A_201 : memref<1x2x128xi32, #tpu.memory_space<hbm>> -> memref<2x128xi32, #tpu.memory_space<hbm>>
        tpu.wait_dma2 semaphore(%run_scoped3A_186 : memref<!tpu.dma_semaphore, #tpu.memory_space<semaphore_mem>>) src(%dma_wait3A_202 : memref<2x128xi32, #tpu.memory_space<hbm>>) dst(%arg7 : memref<2x128xi32, #tpu.memory_space<vmem>>)
        tpu.yield
      }) : () -> ()
      %dma_start3A_155 = arith.constant 0 : i32
      %dma_start3A_156 = arith.constant 0 : i32
      %dma_start3A_157 = arith.constant 0 : i32
      %dma_start3A_158 = arith.constant 0 : i32
      %dma_start3A_159 = arith.constant 0 : i32
      %dma_start3A_160 = tpu.memref_slice %arg8[%dma_start3A_156, %dma_start3A_158, %dma_start3A_159] : memref<6x128x64xbf16, #tpu.memory_space<vmem>> -> memref<1x128x64xbf16, #tpu.memory_space<vmem>>
      %dma_start3A_161 = tpu.memref_squeeze %dma_start3A_160 : memref<1x128x64xbf16, #tpu.memory_space<vmem>> -> memref<128x64xbf16, #tpu.memory_space<vmem>>
      %dma_start3A_162 = arith.constant 0 : i32
      %dma_start3A_163 = tpu.memref_slice %arg7[%dma_start3A_155, %dma_start3A_162] : memref<2x128xi32, #tpu.memory_space<vmem>> -> memref<1x128xi32, #tpu.memory_space<vmem>>
      %dma_start3A_164 = tpu.memref_squeeze %dma_start3A_163 : memref<1x128xi32, #tpu.memory_space<vmem>> -> memref<128xi32, #tpu.memory_space<vmem>>
      %dma_start3A_165 = arith.constant 0 : i32
      %dma_start3A_166 = arith.constant 0 : i32
      %dma_start3A_167 = tpu.memref_slice %arg11[%dma_start3A_165, %dma_start3A_166] : memref<10240x64xbf16, #tpu.memory_space<vmem_shared>> -> memref<10240x64xbf16, #tpu.memory_space<vmem_shared>>
      %dma_start3A_168 = tpu.memref_slice %arg12[%dma_start3A_157] : memref<6x!tpu.dma_semaphore, #tpu.memory_space<semaphore_mem>> -> memref<1x!tpu.dma_semaphore, #tpu.memory_space<semaphore_mem>>
      %dma_start3A_169 = tpu.memref_squeeze %dma_start3A_168 : memref<1x!tpu.dma_semaphore, #tpu.memory_space<semaphore_mem>> -> memref<!tpu.dma_semaphore, #tpu.memory_space<semaphore_mem>>
      tpu.enqueue_indirect_dma source(%dma_start3A_167 : memref<10240x64xbf16, #tpu.memory_space<vmem_shared>>) target(%dma_start3A_161 : memref<128x64xbf16, #tpu.memory_space<vmem>>) offsets(%dma_start3A_164 : memref<128xi32, #tpu.memory_space<vmem>>) semaphore(%dma_start3A_169 : memref<!tpu.dma_semaphore, #tpu.memory_space<semaphore_mem>>)
      %dma_wait3A_170 = arith.constant 0 : i32
      %dma_wait3A_171 = arith.constant 0 : i32
      %dma_wait3A_172 = arith.constant 0 : i32
      %dma_wait3A_173 = arith.constant 0 : i32
      %dma_wait3A_174 = arith.constant 0 : i32
      %dma_wait3A_175 = tpu.memref_slice %arg8[%dma_wait3A_171, %dma_wait3A_173, %dma_wait3A_174] : memref<6x128x64xbf16, #tpu.memory_space<vmem>> -> memref<1x128x64xbf16, #tpu.memory_space<vmem>>
      %dma_wait3A_176 = tpu.memref_squeeze %dma_wait3A_175 : memref<1x128x64xbf16, #tpu.memory_space<vmem>> -> memref<128x64xbf16, #tpu.memory_space<vmem>>
      %dma_wait3A_177 = arith.constant 0 : i32
      %dma_wait3A_178 = tpu.memref_slice %arg7[%dma_wait3A_170, %dma_wait3A_177] : memref<2x128xi32, #tpu.memory_space<vmem>> -> memref<1x128xi32, #tpu.memory_space<vmem>>
      %dma_wait3A_179 = tpu.memref_squeeze %dma_wait3A_178 : memref<1x128xi32, #tpu.memory_space<vmem>> -> memref<128xi32, #tpu.memory_space<vmem>>
      %dma_wait3A_180 = arith.constant 0 : i32
      %dma_wait3A_181 = arith.constant 0 : i32
      %dma_wait3A_182 = tpu.memref_slice %arg11[%dma_wait3A_180, %dma_wait3A_181] : memref<10240x64xbf16, #tpu.memory_space<vmem_shared>> -> memref<10240x64xbf16, #tpu.memory_space<vmem_shared>>
      %dma_wait3A_183 = tpu.memref_slice %arg12[%dma_wait3A_172] : memref<6x!tpu.dma_semaphore, #tpu.memory_space<semaphore_mem>> -> memref<1x!tpu.dma_semaphore, #tpu.memory_space<semaphore_mem>>
      %dma_wait3A_184 = tpu.memref_squeeze %dma_wait3A_183 : memref<1x!tpu.dma_semaphore, #tpu.memory_space<semaphore_mem>> -> memref<!tpu.dma_semaphore, #tpu.memory_space<semaphore_mem>>
      tpu.wait_indirect_dma semaphore(%dma_wait3A_184 : memref<!tpu.dma_semaphore, #tpu.memory_space<semaphore_mem>>) src(%dma_wait3A_182 : memref<10240x64xbf16, #tpu.memory_space<vmem_shared>>) dst(%dma_wait3A_176 : memref<128x64xbf16, #tpu.memory_space<vmem>>)
      %run_scoped3A = arith.constant 0 : i32
      %run_scoped3A_185 = arith.constant 1 : i32
      "tpu.region"() ({
        %run_scoped3A_186 = tpu.sem_alloc : memref<!tpu.dma_semaphore, #tpu.memory_space<semaphore_mem>>
        %dma_start3A_187 = arith.constant 0 : i32
        %dma_start3A_188 = arith.constant 0 : i32
        %dma_start3A_189 = tpu.memref_slice %arg8[%run_scoped3A, %dma_start3A_187, %dma_start3A_188] : memref<6x128x64xbf16, #tpu.memory_space<vmem>> -> memref<1x128x64xbf16, #tpu.memory_space<vmem>>
        %dma_start3A_190 = tpu.memref_squeeze %dma_start3A_189 : memref<1x128x64xbf16, #tpu.memory_space<vmem>> -> memref<128x64xbf16, #tpu.memory_space<vmem>>
        %dma_start3A_191 = arith.constant 0 : i32
        %dma_start3A_192 = tpu.memref_slice %arg7[%run_scoped3A_185, %dma_start3A_191] : memref<2x128xi32, #tpu.memory_space<vmem>> -> memref<1x128xi32, #tpu.memory_space<vmem>>
        %dma_start3A_193 = tpu.memref_squeeze %dma_start3A_192 : memref<1x128xi32, #tpu.memory_space<vmem>> -> memref<128xi32, #tpu.memory_space<vmem>>
        %dma_start3A_194 = arith.constant 0 : i32
        %dma_start3A_195 = arith.constant 0 : i32
        %dma_start3A_196 = tpu.memref_slice %arg10[%dma_start3A_194, %dma_start3A_195] : memref<10240x64xbf16, #tpu.memory_space<vmem_shared>> -> memref<10240x64xbf16, #tpu.memory_space<vmem_shared>>
        tpu.enqueue_indirect_dma source(%dma_start3A_190 : memref<128x64xbf16, #tpu.memory_space<vmem>>) target(%dma_start3A_196 : memref<10240x64xbf16, #tpu.memory_space<vmem_shared>>) offsets(%dma_start3A_193 : memref<128xi32, #tpu.memory_space<vmem>>) semaphore(%run_scoped3A_186 : memref<!tpu.dma_semaphore, #tpu.memory_space<semaphore_mem>>) {add = true}
        %dma_wait3A_197 = arith.constant 0 : i32
        %dma_wait3A_198 = arith.constant 0 : i32
        %dma_wait3A_199 = tpu.memref_slice %arg8[%run_scoped3A, %dma_wait3A_197, %dma_wait3A_198] : memref<6x128x64xbf16, #tpu.memory_space<vmem>> -> memref<1x128x64xbf16, #tpu.memory_space<vmem>>
        %dma_wait3A_200 = tpu.memref_squeeze %dma_wait3A_199 : memref<1x128x64xbf16, #tpu.memory_space<vmem>> -> memref<128x64xbf16, #tpu.memory_space<vmem>>
        %dma_wait3A_201 = arith.constant 0 : i32
        %dma_wait3A_202 = tpu.memref_slice %arg7[%run_scoped3A_185, %dma_wait3A_201] : memref<2x128xi32, #tpu.memory_space<vmem>> -> memref<1x128xi32, #tpu.memory_space<vmem>>
        %dma_wait3A_203 = tpu.memref_squeeze %dma_wait3A_202 : memref<1x128xi32, #tpu.memory_space<vmem>> -> memref<128xi32, #tpu.memory_space<vmem>>
        %dma_wait3A_204 = arith.constant 0 : i32
        %dma_wait3A_205 = arith.constant 0 : i32
        %dma_wait3A_206 = tpu.memref_slice %arg10[%dma_wait3A_204, %dma_wait3A_205] : memref<10240x64xbf16, #tpu.memory_space<vmem_shared>> -> memref<10240x64xbf16, #tpu.memory_space<vmem_shared>>
        tpu.wait_indirect_dma semaphore(%run_scoped3A_186 : memref<!tpu.dma_semaphore, #tpu.memory_space<semaphore_mem>>) src(%dma_wait3A_200 : memref<128x64xbf16, #tpu.memory_space<vmem>>) dst(%dma_wait3A_206 : memref<10240x64xbf16, #tpu.memory_space<vmem_shared>>)
        tpu.yield
      }) : () -> ()
    } else {
    }
    %barrier3A_148 = arith.constant 0 : index
    tpu.barrier barrier_id(%barrier3A_148)
    %mul3A_149 = arith.constant 640 : i32
    %mul3A_150 = arith.muli %arg1, %mul3A_149 : i32
    "tpu.region"() ({
      %run_scoped3A = tpu.sem_alloc : memref<!tpu.dma_semaphore, #tpu.memory_space<semaphore_mem>>
      %dma_start3A_153 = arith.constant 0 : i32
      %dma_start3A_154 = tpu.memref_slice %arg10[%mul3A_150, %dma_start3A_153] : memref<10240x64xbf16, #tpu.memory_space<vmem_shared>> -> memref<640x64xbf16, #tpu.memory_space<vmem_shared>>
      %dma_start3A_155 = arith.constant 0 : i32
      %dma_start3A_156 = tpu.memref_slice %arg10[%mul3A_150, %dma_start3A_155] : memref<10240x64xbf16, #tpu.memory_space<vmem_shared>> -> memref<640x64xbf16, #tpu.memory_space<vmem_shared>>
      tpu.enqueue_dma source(%dma_start3A_156 : memref<640x64xbf16, #tpu.memory_space<vmem_shared>>) target(%arg9 : memref<640x64xbf16, #tpu.memory_space<vmem>>) target_semaphore(%run_scoped3A : memref<!tpu.dma_semaphore, #tpu.memory_space<semaphore_mem>>)
      %dma_wait3A_157 = arith.constant 0 : i32
      %dma_wait3A_158 = tpu.memref_slice %arg10[%mul3A_150, %dma_wait3A_157] : memref<10240x64xbf16, #tpu.memory_space<vmem_shared>> -> memref<640x64xbf16, #tpu.memory_space<vmem_shared>>
      %dma_wait3A_159 = arith.constant 0 : i32
      %dma_wait3A_160 = tpu.memref_slice %arg10[%mul3A_150, %dma_wait3A_159] : memref<10240x64xbf16, #tpu.memory_space<vmem_shared>> -> memref<640x64xbf16, #tpu.memory_space<vmem_shared>>
      tpu.wait_dma2 semaphore(%run_scoped3A : memref<!tpu.dma_semaphore, #tpu.memory_space<semaphore_mem>>) src(%dma_wait3A_160 : memref<640x64xbf16, #tpu.memory_space<vmem_shared>>) dst(%arg9 : memref<640x64xbf16, #tpu.memory_space<vmem>>)
      tpu.yield
    }) : () -> ()
    %mul3A_151 = arith.constant 640 : i32
    %mul3A_152 = arith.muli %arg1, %mul3A_151 : i32
    "tpu.region"() ({
      %run_scoped3A = tpu.sem_alloc : memref<!tpu.dma_semaphore, #tpu.memory_space<semaphore_mem>>
      %dma_start3A_153 = arith.constant 0 : i32
      %dma_start3A_154 = tpu.memref_slice %arg5[%arg0, %mul3A_152, %dma_start3A_153] : memref<2x10240x64xbf16, #tpu.memory_space<hbm>> -> memref<1x640x64xbf16, #tpu.memory_space<hbm>>
      %dma_start3A_155 = tpu.memref_squeeze %dma_start3A_154 : memref<1x640x64xbf16, #tpu.memory_space<hbm>> -> memref<640x64xbf16, #tpu.memory_space<hbm>>
      %dma_start3A_156 = arith.constant 0 : i32
      %dma_start3A_157 = tpu.memref_slice %arg5[%arg0, %mul3A_152, %dma_start3A_156] : memref<2x10240x64xbf16, #tpu.memory_space<hbm>> -> memref<1x640x64xbf16, #tpu.memory_space<hbm>>
      %dma_start3A_158 = tpu.memref_squeeze %dma_start3A_157 : memref<1x640x64xbf16, #tpu.memory_space<hbm>> -> memref<640x64xbf16, #tpu.memory_space<hbm>>
      tpu.enqueue_dma source(%arg9 : memref<640x64xbf16, #tpu.memory_space<vmem>>) target(%dma_start3A_158 : memref<640x64xbf16, #tpu.memory_space<hbm>>) target_semaphore(%run_scoped3A : memref<!tpu.dma_semaphore, #tpu.memory_space<semaphore_mem>>)
      %dma_wait3A_159 = arith.constant 0 : i32
      %dma_wait3A_160 = tpu.memref_slice %arg5[%arg0, %mul3A_152, %dma_wait3A_159] : memref<2x10240x64xbf16, #tpu.memory_space<hbm>> -> memref<1x640x64xbf16, #tpu.memory_space<hbm>>
      %dma_wait3A_161 = tpu.memref_squeeze %dma_wait3A_160 : memref<1x640x64xbf16, #tpu.memory_space<hbm>> -> memref<640x64xbf16, #tpu.memory_space<hbm>>
      %dma_wait3A_162 = arith.constant 0 : i32
      %dma_wait3A_163 = tpu.memref_slice %arg5[%arg0, %mul3A_152, %dma_wait3A_162] : memref<2x10240x64xbf16, #tpu.memory_space<hbm>> -> memref<1x640x64xbf16, #tpu.memory_space<hbm>>
      %dma_wait3A_164 = tpu.memref_squeeze %dma_wait3A_163 : memref<1x640x64xbf16, #tpu.memory_space<hbm>> -> memref<640x64xbf16, #tpu.memory_space<hbm>>
      tpu.wait_dma2 semaphore(%run_scoped3A : memref<!tpu.dma_semaphore, #tpu.memory_space<semaphore_mem>>) src(%arg9 : memref<640x64xbf16, #tpu.memory_space<vmem>>) dst(%dma_wait3A_164 : memref<640x64xbf16, #tpu.memory_space<hbm>>)
      tpu.yield
    }) : () -> ()
    return
  }
}

module attributes {stable_mosaic.version = 14 : i64} {
  func.func @_tc1_body(%arg0: i32, %arg1: memref<5000x2xf32, #tpu.memory_space<vmem>>, %arg2: memref<5000x128xf32, #tpu.memory_space<vmem>>, %arg3: memref<128x64xf32, #tpu.memory_space<vmem>>, %arg4: memref<5000x64xbf16, #tpu.memory_space<vmem>>, %arg5: memref<5000x1xf32, #tpu.memory_space<vmem>>) attributes {dimension_semantics = [#tpu.dimension_semantics<arbitrary>], iteration_bounds = array<i64: 2>, scalar_prefetch = 0 : i64, scratch_operands = 0 : i64, tpu.core_type = #tpu.core_type<tc>, window_params = [{transform_indices = @transform_0, window_bounds = array<i64: 5000, 2>}, {transform_indices = @transform_1, window_bounds = array<i64: 5000, 128>}, {pipeline_mode = #tpu.pipeline_mode<synchronous>, transform_indices = @transform_2, window_bounds = array<i64: 128, 64>}, {transform_indices = @transform_3, window_bounds = array<i64: 5000, 64>}, {transform_indices = @transform_4, window_bounds = array<i64: 5000, 1>}]} {
    %get3A = arith.constant 0 : index
    %get3A_0 = arith.constant 0 : index
    %get3A_1 = vector.load %arg1[%get3A, %get3A_0] : memref<5000x2xf32, #tpu.memory_space<vmem>>, vector<5000x2xf32>
    %slice3A = vector.extract_strided_slice %get3A_1 {offsets = [0, 0], sizes = [5000, 1], strides = [1, 1]} : vector<5000x2xf32> to vector<5000x1xf32>
    %slice3A_2 = vector.extract_strided_slice %get3A_1 {offsets = [0, 1], sizes = [5000, 1], strides = [1, 1]} : vector<5000x2xf32> to vector<5000x1xf32>
    %add3A = arith.addf %slice3A, %slice3A_2 : vector<5000x1xf32>
    %add3A_3 = arith.constant 1.000000e+00 : f32
    %add3A_4 = vector.broadcast %add3A_3 : f32 to vector<5000x1xf32>
    %add3A_5 = arith.addf %add3A, %add3A_4 : vector<5000x1xf32>
    %rsqrt3A = math.rsqrt %add3A_5 : vector<5000x1xf32>
    %get3A_6 = arith.constant 0 : index
    %get3A_7 = arith.constant 0 : index
    %get3A_8 = vector.load %arg2[%get3A_6, %get3A_7] : memref<5000x128xf32, #tpu.memory_space<vmem>>, vector<5000x128xf32>
    %get3A_9 = arith.constant 0 : index
    %get3A_10 = arith.constant 0 : index
    %get3A_11 = vector.load %arg3[%get3A_9, %get3A_10] : memref<128x64xf32, #tpu.memory_space<vmem>>, vector<128x64xf32>
    %dot_general3A = arith.constant dense<0.000000e+00> : vector<5000x64xf32>
    %dot_general3A_12 = tpu.matmul %get3A_8, %get3A_11, %dot_general3A {dimension_numbers = #tpu.dot_dimension_numbers<[1], [0], [0], [1], [0, 0, 1, 1], [], []>, transpose_lhs_hint = false} : vector<5000x128xf32>, vector<128x64xf32>, vector<5000x64xf32> -> vector<5000x64xf32>
    %mul3A = vector.broadcast %rsqrt3A : vector<5000x1xf32> to vector<5000x64xf32>
    %mul3A_13 = arith.mulf %dot_general3A_12, %mul3A : vector<5000x64xf32>
    %convert_element_type3A = arith.truncf %mul3A_13 : vector<5000x64xf32> to vector<5000x64xbf16>
    %swap3A = arith.constant 0 : index
    %swap3A_14 = arith.constant 0 : index
    %swap3A_15 = vector.load %arg4[%swap3A, %swap3A_14] : memref<5000x64xbf16, #tpu.memory_space<vmem>>, vector<5000x64xbf16>
    tpu.vector_store %arg4[%swap3A, %swap3A_14], %convert_element_type3A {strides = array<i32>} : memref<5000x64xbf16, #tpu.memory_space<vmem>>, vector<5000x64xbf16>,
    %swap3A_16 = arith.constant 0 : index
    %swap3A_17 = arith.constant 0 : index
    %swap3A_18 = vector.load %arg5[%swap3A_16, %swap3A_17] : memref<5000x1xf32, #tpu.memory_space<vmem>>, vector<5000x1xf32>
    tpu.vector_store %arg5[%swap3A_16, %swap3A_17], %rsqrt3A {strides = array<i32>} : memref<5000x1xf32, #tpu.memory_space<vmem>>, vector<5000x1xf32>,
    return
  }
  func.func @transform_0(%arg0: i32) -> (i32, i32) {
    %c0_i32 = arith.constant 0 : i32
    %c0_i32_0 = arith.constant 0 : i32
    return %arg0, %c0_i32 : i32, i32
  }
  func.func @transform_1(%arg0: i32) -> (i32, i32) {
    %c0_i32 = arith.constant 0 : i32
    %c0_i32_0 = arith.constant 0 : i32
    return %arg0, %c0_i32 : i32, i32
  }
  func.func @transform_2(%arg0: i32) -> (i32, i32) {
    %c0_i32 = arith.constant 0 : i32
    %c0_i32_0 = arith.constant 0 : i32
    %c0_i32_1 = arith.constant 0 : i32
    return %c0_i32, %c0_i32_0 : i32, i32
  }
  func.func @transform_3(%arg0: i32) -> (i32, i32) {
    %c0_i32 = arith.constant 0 : i32
    %c0_i32_0 = arith.constant 0 : i32
    return %arg0, %c0_i32 : i32, i32
  }
  func.func @transform_4(%arg0: i32) -> (i32, i32) {
    %c0_i32 = arith.constant 0 : i32
    %c0_i32_0 = arith.constant 0 : i32
    return %arg0, %c0_i32 : i32, i32
  }
}

module attributes {stable_mosaic.version = 14 : i64} {
  func.func @_tc2_body(%arg0: i32, %arg1: memref<2x5000x64xbf16, #tpu.memory_space<vmem>>, %arg2: memref<5000x64xbf16, #tpu.memory_space<vmem>>, %arg3: memref<5000x1xf32, #tpu.memory_space<vmem>>, %arg4: memref<1x64xf32, #tpu.memory_space<vmem>>, %arg5: memref<64x32xf32, #tpu.memory_space<vmem>>, %arg6: memref<5000x32xbf16, #tpu.memory_space<vmem>>) attributes {dimension_semantics = [#tpu.dimension_semantics<arbitrary>], iteration_bounds = array<i64: 2>, scalar_prefetch = 0 : i64, scratch_operands = 0 : i64, tpu.core_type = #tpu.core_type<tc>, window_params = [{transform_indices = @transform_0, window_bounds = array<i64: 2, 5000, 64>}, {transform_indices = @transform_1, window_bounds = array<i64: 5000, 64>}, {transform_indices = @transform_2, window_bounds = array<i64: 5000, 1>}, {pipeline_mode = #tpu.pipeline_mode<synchronous>, transform_indices = @transform_3, window_bounds = array<i64: 1, 64>}, {pipeline_mode = #tpu.pipeline_mode<synchronous>, transform_indices = @transform_4, window_bounds = array<i64: 64, 32>}, {transform_indices = @transform_5, window_bounds = array<i64: 5000, 32>}]} {
    %get3A = arith.constant 0 : index
    %get3A_0 = arith.constant 0 : index
    %get3A_1 = vector.load %arg3[%get3A, %get3A_0] : memref<5000x1xf32, #tpu.memory_space<vmem>>, vector<5000x1xf32>
    %get3A_2 = arith.constant 0 : index
    %get3A_3 = arith.constant 0 : index
    %get3A_4 = arith.constant 0 : index
    %get3A_5 = vector.load %arg1[%get3A_2, %get3A_3, %get3A_4] : memref<2x5000x64xbf16, #tpu.memory_space<vmem>>, vector<1x5000x64xbf16>
    %get3A_6 = vector.shape_cast %get3A_5 : vector<1x5000x64xbf16> to vector<5000x64xbf16>
    %convert_element_type3A = arith.extf %get3A_6 : vector<5000x64xbf16> to vector<5000x64xf32>
    %get3A_7 = arith.constant 1 : index
    %get3A_8 = arith.constant 0 : index
    %get3A_9 = arith.constant 0 : index
    %get3A_10 = vector.load %arg1[%get3A_7, %get3A_8, %get3A_9] : memref<2x5000x64xbf16, #tpu.memory_space<vmem>>, vector<1x5000x64xbf16>
    %get3A_11 = vector.shape_cast %get3A_10 : vector<1x5000x64xbf16> to vector<5000x64xbf16>
    %convert_element_type3A_12 = arith.extf %get3A_11 : vector<5000x64xbf16> to vector<5000x64xf32>
    %add3A = arith.addf %convert_element_type3A, %convert_element_type3A_12 : vector<5000x64xf32>
    %get3A_13 = arith.constant 0 : index
    %get3A_14 = arith.constant 0 : index
    %get3A_15 = vector.load %arg2[%get3A_13, %get3A_14] : memref<5000x64xbf16, #tpu.memory_space<vmem>>, vector<5000x64xbf16>
    %convert_element_type3A_16 = arith.extf %get3A_15 : vector<5000x64xbf16> to vector<5000x64xf32>
    %add3A_17 = arith.addf %add3A, %convert_element_type3A_16 : vector<5000x64xf32>
    %mul3A = vector.broadcast %get3A_1 : vector<5000x1xf32> to vector<5000x64xf32>
    %mul3A_18 = arith.mulf %add3A_17, %mul3A : vector<5000x64xf32>
    %get3A_19 = arith.constant 0 : index
    %get3A_20 = arith.constant 0 : index
    %get3A_21 = vector.load %arg4[%get3A_19, %get3A_20] : memref<1x64xf32, #tpu.memory_space<vmem>>, vector<1x64xf32>
    %add3A_22 = vector.broadcast %get3A_21 : vector<1x64xf32> to vector<5000x64xf32>
    %add3A_23 = arith.addf %mul3A_18, %add3A_22 : vector<5000x64xf32>
    %max3A = arith.constant 0.000000e+00 : f32
    %max3A_24 = vector.broadcast %max3A : f32 to vector<5000x64xf32>
    %max3A_25 = arith.maximumf %add3A_23, %max3A_24 : vector<5000x64xf32>
    %get3A_26 = arith.constant 0 : index
    %get3A_27 = arith.constant 0 : index
    %get3A_28 = vector.load %arg5[%get3A_26, %get3A_27] : memref<64x32xf32, #tpu.memory_space<vmem>>, vector<64x32xf32>
    %dot_general3A = arith.constant dense<0.000000e+00> : vector<5000x32xf32>
    %dot_general3A_29 = tpu.matmul %max3A_25, %get3A_28, %dot_general3A {dimension_numbers = #tpu.dot_dimension_numbers<[1], [0], [0], [1], [0, 0, 1, 1], [], []>, transpose_lhs_hint = false} : vector<5000x64xf32>, vector<64x32xf32>, vector<5000x32xf32> -> vector<5000x32xf32>
    %mul3A_30 = vector.broadcast %get3A_1 : vector<5000x1xf32> to vector<5000x32xf32>
    %mul3A_31 = arith.mulf %dot_general3A_29, %mul3A_30 : vector<5000x32xf32>
    %convert_element_type3A_32 = arith.truncf %mul3A_31 : vector<5000x32xf32> to vector<5000x32xbf16>
    %swap3A = arith.constant 0 : index
    %swap3A_33 = arith.constant 0 : index
    %swap3A_34 = vector.load %arg6[%swap3A, %swap3A_33] : memref<5000x32xbf16, #tpu.memory_space<vmem>>, vector<5000x32xbf16>
    tpu.vector_store %arg6[%swap3A, %swap3A_33], %convert_element_type3A_32 {strides = array<i32>} : memref<5000x32xbf16, #tpu.memory_space<vmem>>, vector<5000x32xbf16>,
    return
  }
  func.func @transform_0(%arg0: i32) -> (i32, i32, i32) {
    %c0_i32 = arith.constant 0 : i32
    %c0_i32_0 = arith.constant 0 : i32
    %c0_i32_1 = arith.constant 0 : i32
    return %c0_i32, %arg0, %c0_i32_0 : i32, i32, i32
  }
  func.func @transform_1(%arg0: i32) -> (i32, i32) {
    %c0_i32 = arith.constant 0 : i32
    %c0_i32_0 = arith.constant 0 : i32
    return %arg0, %c0_i32 : i32, i32
  }
  func.func @transform_2(%arg0: i32) -> (i32, i32) {
    %c0_i32 = arith.constant 0 : i32
    %c0_i32_0 = arith.constant 0 : i32
    return %arg0, %c0_i32 : i32, i32
  }
  func.func @transform_3(%arg0: i32) -> (i32, i32) {
    %c0_i32 = arith.constant 0 : i32
    %c0_i32_0 = arith.constant 0 : i32
    %c0_i32_1 = arith.constant 0 : i32
    return %c0_i32, %c0_i32_0 : i32, i32
  }
  func.func @transform_4(%arg0: i32) -> (i32, i32) {
    %c0_i32 = arith.constant 0 : i32
    %c0_i32_0 = arith.constant 0 : i32
    %c0_i32_1 = arith.constant 0 : i32
    return %c0_i32, %c0_i32_0 : i32, i32
  }
  func.func @transform_5(%arg0: i32) -> (i32, i32) {
    %c0_i32 = arith.constant 0 : i32
    %c0_i32_0 = arith.constant 0 : i32
    return %arg0, %c0_i32 : i32, i32
  }
}

module attributes {stable_mosaic.version = 14 : i64} {
  func.func @_tc3_body(%arg0: i32, %arg1: memref<2x5000x32xbf16, #tpu.memory_space<vmem>>, %arg2: memref<5000x32xbf16, #tpu.memory_space<vmem>>, %arg3: memref<5000x1xf32, #tpu.memory_space<vmem>>, %arg4: memref<1x32xf32, #tpu.memory_space<vmem>>, %arg5: memref<1x1x5000xi32, #tpu.memory_space<vmem>>, %arg6: memref<32x10xf32, #tpu.memory_space<vmem>>, %arg7: memref<1x10xf32, #tpu.memory_space<vmem>>, %arg8: memref<256x10xf32, #tpu.memory_space<vmem>>, %arg9: memref<256x32xf32, #tpu.memory_space<vmem>>, %arg10: memref<256x1xf32, #tpu.memory_space<vmem>>) attributes {dimension_semantics = [#tpu.dimension_semantics<arbitrary>], iteration_bounds = array<i64: 2>, scalar_prefetch = 0 : i64, scratch_operands = 2 : i64, tpu.core_type = #tpu.core_type<tc>, window_params = [{transform_indices = @transform_0, window_bounds = array<i64: 2, 5000, 32>}, {transform_indices = @transform_1, window_bounds = array<i64: 5000, 32>}, {transform_indices = @transform_2, window_bounds = array<i64: 5000, 1>}, {pipeline_mode = #tpu.pipeline_mode<synchronous>, transform_indices = @transform_3, window_bounds = array<i64: 1, 32>}, {transform_indices = @transform_4, window_bounds = array<i64: 1, 1, 5000>}, {pipeline_mode = #tpu.pipeline_mode<synchronous>, transform_indices = @transform_5, window_bounds = array<i64: 32, 10>}, {pipeline_mode = #tpu.pipeline_mode<synchronous>, transform_indices = @transform_6, window_bounds = array<i64: 1, 10>}, {pipeline_mode = #tpu.pipeline_mode<synchronous>, transform_indices = @transform_7, window_bounds = array<i64: 256, 10>}]} {
    %eq3A = arith.constant 0 : i32
    %eq3A_0 = arith.cmpi eq, %arg0, %eq3A : i32
    %convert_element_type3A = arith.extui %eq3A_0 : i1 to i32
    %cond3A = arith.constant 0 : i32
    %cond3A_1 = arith.cmpi ne, %convert_element_type3A, %cond3A : i32
    scf.if %cond3A_1 {
      %broadcast_in_dim3A_58 = arith.constant 0.000000e+00 : f32
      %broadcast_in_dim3A_59 = vector.broadcast %broadcast_in_dim3A_58 : f32 to vector<256x32xf32>
      %swap3A_60 = arith.constant 0 : index
      %swap3A_61 = arith.constant 0 : index
      %swap3A_62 = vector.load %arg9[%swap3A_60, %swap3A_61] : memref<256x32xf32, #tpu.memory_space<vmem>>, vector<256x32xf32>
      tpu.vector_store %arg9[%swap3A_60, %swap3A_61], %broadcast_in_dim3A_59 {strides = array<i32>} : memref<256x32xf32, #tpu.memory_space<vmem>>, vector<256x32xf32>,
      %broadcast_in_dim3A_63 = arith.constant 0.000000e+00 : f32
      %broadcast_in_dim3A_64 = vector.broadcast %broadcast_in_dim3A_63 : f32 to vector<256x1xf32>
      %swap3A_65 = arith.constant 0 : index
      %swap3A_66 = arith.constant 0 : index
      %swap3A_67 = vector.load %arg10[%swap3A_65, %swap3A_66] : memref<256x1xf32, #tpu.memory_space<vmem>>, vector<256x1xf32>
      tpu.vector_store %arg10[%swap3A_65, %swap3A_66], %broadcast_in_dim3A_64 {strides = array<i32>} : memref<256x1xf32, #tpu.memory_space<vmem>>, vector<256x1xf32>,
    } else {
    }
    %get3A = arith.constant 0 : index
    %get3A_2 = arith.constant 0 : index
    %get3A_3 = vector.load %arg3[%get3A, %get3A_2] : memref<5000x1xf32, #tpu.memory_space<vmem>>, vector<5000x1xf32>
    %get3A_4 = arith.constant 0 : index
    %get3A_5 = arith.constant 0 : index
    %get3A_6 = arith.constant 0 : index
    %get3A_7 = vector.load %arg1[%get3A_4, %get3A_5, %get3A_6] : memref<2x5000x32xbf16, #tpu.memory_space<vmem>>, vector<1x5000x32xbf16>
    %get3A_8 = vector.shape_cast %get3A_7 : vector<1x5000x32xbf16> to vector<5000x32xbf16>
    %convert_element_type3A_9 = arith.extf %get3A_8 : vector<5000x32xbf16> to vector<5000x32xf32>
    %get3A_10 = arith.constant 1 : index
    %get3A_11 = arith.constant 0 : index
    %get3A_12 = arith.constant 0 : index
    %get3A_13 = vector.load %arg1[%get3A_10, %get3A_11, %get3A_12] : memref<2x5000x32xbf16, #tpu.memory_space<vmem>>, vector<1x5000x32xbf16>
    %get3A_14 = vector.shape_cast %get3A_13 : vector<1x5000x32xbf16> to vector<5000x32xbf16>
    %convert_element_type3A_15 = arith.extf %get3A_14 : vector<5000x32xbf16> to vector<5000x32xf32>
    %add3A = arith.addf %convert_element_type3A_9, %convert_element_type3A_15 : vector<5000x32xf32>
    %get3A_16 = arith.constant 0 : index
    %get3A_17 = arith.constant 0 : index
    %get3A_18 = vector.load %arg2[%get3A_16, %get3A_17] : memref<5000x32xbf16, #tpu.memory_space<vmem>>, vector<5000x32xbf16>
    %convert_element_type3A_19 = arith.extf %get3A_18 : vector<5000x32xbf16> to vector<5000x32xf32>
    %add3A_20 = arith.addf %add3A, %convert_element_type3A_19 : vector<5000x32xf32>
    %mul3A = vector.broadcast %get3A_3 : vector<5000x1xf32> to vector<5000x32xf32>
    %mul3A_21 = arith.mulf %add3A_20, %mul3A : vector<5000x32xf32>
    %get3A_22 = arith.constant 0 : index
    %get3A_23 = arith.constant 0 : index
    %get3A_24 = vector.load %arg4[%get3A_22, %get3A_23] : memref<1x32xf32, #tpu.memory_space<vmem>>, vector<1x32xf32>
    %add3A_25 = vector.broadcast %get3A_24 : vector<1x32xf32> to vector<5000x32xf32>
    %add3A_26 = arith.addf %mul3A_21, %add3A_25 : vector<5000x32xf32>
    %max3A = arith.constant 0.000000e+00 : f32
    %max3A_27 = vector.broadcast %max3A : f32 to vector<5000x32xf32>
    %max3A_28 = arith.maximumf %add3A_26, %max3A_27 : vector<5000x32xf32>
    %iota3A = tpu.iota {dimensions = array<i32: 0>} : vector<256x5000xi32>
    %get3A_29 = arith.constant 0 : index
    %get3A_30 = arith.constant 0 : index
    %get3A_31 = arith.constant 0 : index
    %get3A_32 = vector.load %arg5[%get3A_29, %get3A_30, %get3A_31] : memref<1x1x5000xi32, #tpu.memory_space<vmem>>, vector<1x1x5000xi32>
    %get3A_33 = vector.shape_cast %get3A_32 : vector<1x1x5000xi32> to vector<1x5000xi32>
    %eq3A_34 = vector.broadcast %get3A_33 : vector<1x5000xi32> to vector<256x5000xi32>
    %eq3A_35 = arith.cmpi eq, %iota3A, %eq3A_34 : vector<256x5000xi32>
    %convert_element_type3A_36 = arith.extui %eq3A_35 : vector<256x5000xi1> to vector<256x5000xi32>
    %convert_element_type3A_37 = arith.sitofp %convert_element_type3A_36 : vector<256x5000xi32> to vector<256x5000xf32>
    %get3A_38 = arith.constant 0 : index
    %get3A_39 = arith.constant 0 : index
    %get3A_40 = vector.load %arg9[%get3A_38, %get3A_39] : memref<256x32xf32, #tpu.memory_space<vmem>>, vector<256x32xf32>
    %dot_general3A = arith.constant dense<0.000000e+00> : vector<256x32xf32>
    %dot_general3A_41 = tpu.matmul %convert_element_type3A_37, %max3A_28, %dot_general3A {dimension_numbers = #tpu.dot_dimension_numbers<[1], [0], [0], [1], [0, 0, 1, 1], [], []>, transpose_lhs_hint = false} : vector<256x5000xf32>, vector<5000x32xf32>, vector<256x32xf32> -> vector<256x32xf32>
    %add3A_42 = arith.addf %get3A_40, %dot_general3A_41 : vector<256x32xf32>
    %swap3A = arith.constant 0 : index
    %swap3A_43 = arith.constant 0 : index
    %swap3A_44 = vector.load %arg9[%swap3A, %swap3A_43] : memref<256x32xf32, #tpu.memory_space<vmem>>, vector<256x32xf32>
    tpu.vector_store %arg9[%swap3A, %swap3A_43], %add3A_42 {strides = array<i32>} : memref<256x32xf32, #tpu.memory_space<vmem>>, vector<256x32xf32>,
    %get3A_45 = arith.constant 0 : index
    %get3A_46 = arith.constant 0 : index
    %get3A_47 = vector.load %arg10[%get3A_45, %get3A_46] : memref<256x1xf32, #tpu.memory_space<vmem>>, vector<256x1xf32>
    %reduce_sum3A = arith.constant dense<0.000000e+00> : vector<256xf32>
    %reduce_sum3A_48 = vector.multi_reduction <add>, %convert_element_type3A_37, %reduce_sum3A [1] : vector<256x5000xf32> to vector<256xf32>
    %broadcast_in_dim3A = vector.shape_cast %reduce_sum3A_48 : vector<256xf32> to vector<256x1xf32>
    %add3A_49 = arith.addf %get3A_47, %broadcast_in_dim3A : vector<256x1xf32>
    %swap3A_50 = arith.constant 0 : index
    %swap3A_51 = arith.constant 0 : index
    %swap3A_52 = vector.load %arg10[%swap3A_50, %swap3A_51] : memref<256x1xf32, #tpu.memory_space<vmem>>, vector<256x1xf32>
    tpu.vector_store %arg10[%swap3A_50, %swap3A_51], %add3A_49 {strides = array<i32>} : memref<256x1xf32, #tpu.memory_space<vmem>>, vector<256x1xf32>,
    %eq3A_53 = arith.constant 1 : i32
    %eq3A_54 = arith.cmpi eq, %arg0, %eq3A_53 : i32
    %convert_element_type3A_55 = arith.extui %eq3A_54 : i1 to i32
    %cond3A_56 = arith.constant 0 : i32
    %cond3A_57 = arith.cmpi ne, %convert_element_type3A_55, %cond3A_56 : i32
    scf.if %cond3A_57 {
      %get3A_58 = arith.constant 0 : index
      %get3A_59 = arith.constant 0 : index
      %get3A_60 = vector.load %arg9[%get3A_58, %get3A_59] : memref<256x32xf32, #tpu.memory_space<vmem>>, vector<256x32xf32>
      %get3A_61 = arith.constant 0 : index
      %get3A_62 = arith.constant 0 : index
      %get3A_63 = vector.load %arg10[%get3A_61, %get3A_62] : memref<256x1xf32, #tpu.memory_space<vmem>>, vector<256x1xf32>
      %max3A_64 = arith.constant 1.000000e+00 : f32
      %max3A_65 = vector.broadcast %max3A_64 : f32 to vector<256x1xf32>
      %max3A_66 = arith.maximumf %get3A_63, %max3A_65 : vector<256x1xf32>
      %div3A = vector.broadcast %max3A_66 : vector<256x1xf32> to vector<256x32xf32>
      %div3A_67 = arith.divf %get3A_60, %div3A : vector<256x32xf32>
      %get3A_68 = arith.constant 0 : index
      %get3A_69 = arith.constant 0 : index
      %get3A_70 = vector.load %arg6[%get3A_68, %get3A_69] : memref<32x10xf32, #tpu.memory_space<vmem>>, vector<32x10xf32>
      %dot_general3A_71 = arith.constant dense<0.000000e+00> : vector<256x10xf32>
      %dot_general3A_72 = tpu.matmul %div3A_67, %get3A_70, %dot_general3A_71 {dimension_numbers = #tpu.dot_dimension_numbers<[1], [0], [0], [1], [0, 0, 1, 1], [], []>, transpose_lhs_hint = false} : vector<256x32xf32>, vector<32x10xf32>, vector<256x10xf32> -> vector<256x10xf32>
      %get3A_73 = arith.constant 0 : index
      %get3A_74 = arith.constant 0 : index
      %get3A_75 = vector.load %arg7[%get3A_73, %get3A_74] : memref<1x10xf32, #tpu.memory_space<vmem>>, vector<1x10xf32>
      %add3A_76 = vector.broadcast %get3A_75 : vector<1x10xf32> to vector<256x10xf32>
      %add3A_77 = arith.addf %dot_general3A_72, %add3A_76 : vector<256x10xf32>
      %swap3A_78 = arith.constant 0 : index
      %swap3A_79 = arith.constant 0 : index
      %swap3A_80 = vector.load %arg8[%swap3A_78, %swap3A_79] : memref<256x10xf32, #tpu.memory_space<vmem>>, vector<256x10xf32>
      tpu.vector_store %arg8[%swap3A_78, %swap3A_79], %add3A_77 {strides = array<i32>} : memref<256x10xf32, #tpu.memory_space<vmem>>, vector<256x10xf32>,
    } else {
    }
    return
  }
  func.func @transform_0(%arg0: i32) -> (i32, i32, i32) {
    %c0_i32 = arith.constant 0 : i32
    %c0_i32_0 = arith.constant 0 : i32
    %c0_i32_1 = arith.constant 0 : i32
    return %c0_i32, %arg0, %c0_i32_0 : i32, i32, i32
  }
  func.func @transform_1(%arg0: i32) -> (i32, i32) {
    %c0_i32 = arith.constant 0 : i32
    %c0_i32_0 = arith.constant 0 : i32
    return %arg0, %c0_i32 : i32, i32
  }
  func.func @transform_2(%arg0: i32) -> (i32, i32) {
    %c0_i32 = arith.constant 0 : i32
    %c0_i32_0 = arith.constant 0 : i32
    return %arg0, %c0_i32 : i32, i32
  }
  func.func @transform_3(%arg0: i32) -> (i32, i32) {
    %c0_i32 = arith.constant 0 : i32
    %c0_i32_0 = arith.constant 0 : i32
    %c0_i32_1 = arith.constant 0 : i32
    return %c0_i32, %c0_i32_0 : i32, i32
  }
  func.func @transform_4(%arg0: i32) -> (i32, i32, i32) {
    %c0_i32 = arith.constant 0 : i32
    %c0_i32_0 = arith.constant 0 : i32
    %c0_i32_1 = arith.constant 0 : i32
    return %arg0, %c0_i32, %c0_i32_0 : i32, i32, i32
  }
  func.func @transform_5(%arg0: i32) -> (i32, i32) {
    %c0_i32 = arith.constant 0 : i32
    %c0_i32_0 = arith.constant 0 : i32
    %c0_i32_1 = arith.constant 0 : i32
    return %c0_i32, %c0_i32_0 : i32, i32
  }
  func.func @transform_6(%arg0: i32) -> (i32, i32) {
    %c0_i32 = arith.constant 0 : i32
    %c0_i32_0 = arith.constant 0 : i32
    %c0_i32_1 = arith.constant 0 : i32
    return %c0_i32, %c0_i32_0 : i32, i32
  }
  func.func @transform_7(%arg0: i32) -> (i32, i32) {
    %c0_i32 = arith.constant 0 : i32
    %c0_i32_0 = arith.constant 0 : i32
    %c0_i32_1 = arith.constant 0 : i32
    return %c0_i32, %c0_i32_0 : i32, i32
  }
}

</mosaic_0001>

<sc_bundles>
// kernel: kernel.11.cloned.1.call-start
scs
__scs_entry_jumppad:
0x0: {  	(pc) =	sbr.rel $0x88, $3  }
0x1: {  	(tag) =	ssettag $0x0;
	lr =	simm.s32 $0x1  }
0x2: {  	[smem:$0x3F98] =	sst lr;
	_ =	strace $0xD0000000  }
0x3: {  	_ = 	snop  }
0x4: {  	_ = 	snop  }
0x5: {  	_ = 	snop  }
0x6: {  	_ = 	snop  }
0x7: {  	_ = 	snop  }
__scs_overlays_trampoline_lowered:
0x8: {  	[smem:$0x3FA7] =	sst s0  }
0x9: {  	[smem:$0x3FA8] =	sst s1  }
0xa: {  	[smem:$0x3FA9] =	sst s2  }
0xb: {  	[smem:$0x3FAA] =	sst s3  }
0xc: {  	[smem:$0x3FAB] =	sst s4  }
0xd: {  	[smem:$0x3FAC] =	sst s5  }
0xe: {  	[smem:$0x3FAD] =	sst s6  }
0xf: {  	[smem:$0x3FAE] =	sst s7  }
0x10: {  	[smem:$0x3FAF] =	sst s8  }
0x11: {  	[smem:$0x3FB0] =	sst s9;
	s0 =	simm.s32 @!p0 $0x0  }
0x12: {  	s1 =	sld [smem:$0x3F96];
	s0 =	simm.s32 @p0 $0x1  }
0x13: {  	[smem:$0x3FB1] =	sst s0;
	s0 =	simm.s32 @!p1 $0x0  }
0x14: {  	s2 =	sld [smem:$0x3F95];
	s0 =	simm.s32 @p1 $0x1  }
0x15: {  	[smem:$0x3FB2] =	sst s0;
	s0 =	simm.s32 @!p2 $0x0  }
0x16: {  	s3 =	sld [smem:$0x3FDB];
	s0 =	simm.s32 @p2 $0x1  }
0x17: {  	s4 =	simm.s32 $0x1BF5;
	[smem:$0x3FB4] =	sst s0  }
0x18: {  	s0 =	sld [smem:$0x3F97];
	_ =	swait.ge [sflag:s4], $0x0  }
0x19: {  	s7 =	sld [smem:$0x3F98]  }
0x1a: {  	s8 =	sadd.s32 $0xFFFFE003, lr  }
0x1b: {  	s9 =	sadd.s32 $0xFFFFFEF7, lr;
	s5 =	simm.s32 $0xFFFFFFFF;
	p2 =	slt.u32 s8, $0xFFFFF086  }
0x1c: {  	p1 =	slt.u32 s9, $0xF7A;
	s5 =	simm.s32 @!p2 $0x0  }
0x1d: {  	s5 =	simm.s32 @p1 $0x1;
	p0 =	seq.s32 s7, s2  }
0x1e: {  	s7 =	smul.u32 @!p0 $0xF7A, s2;
	p2 =	seq.s32 @!p0 s5, $0x0  }
0x1f: {  	s9 =	smul.u32 $0xF7A, s1;
	s8 =	simm.s32 @!p0 $0x1BF5;
	p2 =	por !p2, p0  }
0x20: {  	[sflag:s8] =	ssyncset.s32 @!p0 $0xFFFFF086;
	s6 =	sadd.s32 @!p0 s3, s7;
	s7 =	simm.s32 @!p0 $0x108  }
0x21: {  	s3 =	sadd.s32 s3, s9;
	s6 =	sadd.s32 @!p0 $0x88, s6;
	s7 =	simm.s32 @p2 $0x1082  }
0x22: {  	[simem:s7], [sflag:s8] =	dma.local @!p0 [hbm:s6], $0xF7A  }
0x23: {  	s9 =	sor.u32 $0xD0000000, s2;
	s6 =	simm.s32 $0x108;
	_ =	swait.ge @!p0 [sflag:s8], $0x0  }
0x24: {  	s3 =	sadd.s32 $0x88, s3;
	s6 =	simm.s32 @!p1 $0x1082;
	[sflag:s4] =	ssyncset.s32 $0xFFFFF086  }
0x25: {  	[simem:s6], [sflag:s4] =	dma.local [hbm:s3], $0xF7A  }
0x26: {  	[smem:$0x3F98] =	sst s1;
	(tag) =	ssettag s2;
	_ =	strace s9  }
0x27: {  	s1 =	sld [smem:$0x3FA8]  }
0x28: {  	s2 =	sld [smem:$0x3FA9]  }
0x29: {  	s4 =	sld [smem:$0x3FAB]  }
0x2a: {  	p0 =	seq.s32 s5, $0x0;
	s5 =	sld [smem:$0x3FAC]  }
0x2b: {  	s6 =	sld [smem:$0x3FAD]  }
0x2c: {  	s7 =	sld [smem:$0x3FAE]  }
0x2d: {  	s3 =	simm.s32 $0x108;
	s8 =	sld [smem:$0x3FAF]  }
0x2e: {  	s3 =	simm.s32 @!p0 $0x1082;
	s9 =	sld [smem:$0x3FB0]  }
0x2f: {  	lr =	sadd.s32 s0, s3;
	s0 =	sld [smem:$0x3FA7]  }
0x30: {  	s3 =	sld [smem:$0x3FAA]  }
0x31: {  	[smem:$0x3FB3] =	sst s10  }
0x32: {  	s10 =	sld [smem:$0x3FB1];
	_ =	sdelay $0x3  }
0x33: {  	p0 =	seq.s32 s10, $0x1;
	s10 =	sld [smem:$0x3FB3];
	_ =	sdelay $0x3  }
0x34: {  	[smem:$0x3FB3] =	sst s10  }
0x35: {  	s10 =	sld [smem:$0x3FB2];
	_ =	sdelay $0x3  }
0x36: {  	p1 =	seq.s32 s10, $0x1;
	s10 =	sld [smem:$0x3FB3];
	_ =	sdelay $0x3  }
0x37: {  	[smem:$0x3FB3] =	sst s10  }
0x38: {  	s10 =	sld [smem:$0x3FB4]  }
0x39: {  	_ = 	snop;
	(pc) =	sbr.ind lr, $3  }
0x3a: {  	_ = 	snop  }
0x3b: {  	_ = 	snop  }
0x3c: {  	p2 =	seq.s32 s10, $0x1;
	s10 =	sld [smem:$0x3FB3]  }
0x3d: {  	_ =	shalt  }
0x3e: {  	_ =	shalt  }
0x3f: {  	_ =	shalt  }
0x40: {  	_ =	shalt  }
0x41: {  	_ =	shalt  }
0x42: {  	_ =	shalt  }
0x43: {  	_ =	shalt  }
0x44: {  	_ =	shalt  }
0x45: {  	_ =	shalt  }
0x46: {  	_ =	shalt  }
0x47: {  	_ =	shalt  }
0x48: {  	_ =	shalt  }
0x49: {  	_ =	shalt  }
0x4a: {  	_ =	shalt  }
0x4b: {  	_ =	shalt  }
0x4c: {  	_ =	shalt  }
0x4d: {  	_ =	shalt  }
0x4e: {  	_ =	shalt  }
0x4f: {  	_ =	shalt  }
0x50: {  	_ =	shalt  }
0x51: {  	_ =	shalt  }
0x52: {  	_ =	shalt  }
0x53: {  	_ =	shalt  }
0x54: {  	_ =	shalt  }
0x55: {  	_ =	shalt  }
0x56: {  	_ =	shalt  }
0x57: {  	_ =	shalt  }
0x58: {  	_ =	shalt  }
0x59: {  	_ =	shalt  }
0x5a: {  	_ =	shalt  }
0x5b: {  	_ =	shalt  }
0x5c: {  	_ =	shalt  }
0x5d: {  	_ =	shalt  }
0x5e: {  	_ =	shalt  }
0x5f: {  	_ =	shalt  }
0x60: {  	_ =	shalt  }
0x61: {  	_ =	shalt  }
0x62: {  	_ =	shalt  }
0x63: {  	_ =	shalt  }
0x64: {  	_ =	shalt  }
0x65: {  	_ =	shalt  }
0x66: {  	_ =	shalt  }
0x67: {  	_ =	shalt  }
0x68: {  	_ =	shalt  }
0x69: {  	_ =	shalt  }
0x6a: {  	_ =	shalt  }
0x6b: {  	_ =	shalt  }
0x6c: {  	_ =	shalt  }
0x6d: {  	_ =	shalt  }
0x6e: {  	_ =	shalt  }
0x6f: {  	_ =	shalt  }
0x70: {  	_ =	shalt  }
0x71: {  	_ =	shalt  }
0x72: {  	_ =	shalt  }
0x73: {  	_ =	shalt  }
0x74: {  	_ =	shalt  }
0x75: {  	_ =	shalt  }
0x76: {  	_ =	shalt  }
0x77: {  	_ =	shalt  }
0x78: {  	_ =	shalt  }
0x79: {  	_ =	shalt  }
0x7a: {  	_ =	shalt  }
0x7b: {  	_ =	shalt  }
0x7c: {  	_ =	shalt  }
0x7d: {  	_ =	shalt  }
0x7e: {  	_ =	shalt  }
0x7f: {  	_ =	shalt  }
0x80: {  	_ =	shalt  }
0x81: {  	_ =	shalt  }
0x82: {  	_ =	shalt  }
0x83: {  	_ =	shalt  }
0x84: {  	_ =	shalt  }
0x85: {  	_ =	shalt  }
0x86: {  	_ =	shalt  }
0x87: {  	_ =	shalt  }
.Lfunc_end0:
.L_simem_size_0:
called_computation.1_lowered:
.L_overlay_start_0:
0x88: {  	s2 =	sld [smem:$0x3FD9]  }
0x89: {  	s3 =	sld [smem:$0x3FFE];
	_ =	sdelay $0x1  }
0x8a: {  	s1 =	srdreg.scid  }
0x8b: {  	s0 =	sand.u32 $0x1, s1  }
0x8c: {  	s17 =	sshll.u32 s0, $0xA;
	s2 =	sadd.s32 s3, s2  }
0x8d: {  	s2 =	sadd.s32 s2, s17  }
0x8e: {  	[smem:$0x3FBF] =	sst s2  }
0x8f: {  	_ = 	snop  }
0x90: {  	s2 =	sld [smem:$0x3FC8];
	(tm) =	ssettm $0x1  }
0x91: {  	s18 =	sld [smem:$0x3FFB];
	_ =	sdelay $0x3  }
0x92: {  	_ =	strace s18  }
0x93: {  	s3 =	sld [smem:$0x3FFC];
	_ =	sdelay $0x3  }
0x94: {  	_ =	strace s3  }
0x95: {  	s3 =	sld [smem:$0x3FFD];
	_ =	sdelay $0x3  }
0x96: {  	_ =	strace s3  }
0x97: {  	_ =	strace $0x8FFFFFFF  }
0x98: {  	s19 =	sld [smem:$0x3FDB];
	_ =	sdelay $0x1  }
0x99: {  	s4 =	simm.s32 $_scs_section_size  }
0x9a: {  	s5 =	simm.s32 $_size__tile_overlayer_lowered;
	s6 =	simm.s32 $_tile_overlayer_lowered  }
0x9b: {  	s22 =	simm.s32 $0x1BFF;
	s21 =	sshll.u32 s6, $0x1;
	s3 =	sadd.s32 s4, s19  }
0x9c: {  	s7 =	simm.s32 $0x0;
	s20 =	sshll.u32 s5, $0x1;
	s5 =	sadd.s32 s21, s3  }
0x9d: {  	[timem:s7], [sflag:s22] =	dma.local [hbm:s5], s20  }
0x9e: {  	_ =	swait.ge [sflag:s22], s20  }
0x9f: {  	s4 =	ssub.s32 $0x0, s20;
	[sflag:s22] =	ssyncset.done $0x0  }
0xa0: {  	[sflag:s22] =	ssyncadd.s32 s4;
	_ =	sdelay $0x1  }
0xa1: {  	s23 =	simm.s32 $0x1B8B  }
0xa2: {  	_ =	swait.ge [sflag:s23], $0x1  }
0xa3: {  	[sflag:s23] =	ssyncset.done $0x0  }
0xa4: {  	s25 =	simm.s32 $0x1B8E;
	s24 =	sld [smem:$0x3FFE];
	[sflag:s23] =	ssyncadd.s32 $0xFFFFFFFF  }
0xa5: {  	s26 =	simm.s32 $execute0_lowered;
	[smem:$0x3FD2] =	sst s25  }
0xa6: {  	s5 =	sshll.u32 s26, $0x1;
	_ =	strace $0x80000049;
	[dreg:$0x1] =	wrdreg $0xFFFFFFFF  }
0xa7: {  	s28 =	simm.s32 $_size_execute0_lowered;
	s3 =	sadd.s32 s3, s5;
	[dreg:$0x0] =	wrdreg $0x0  }
0xa8: {  	s5 =	sshll.u32 s28, $0x1;
	[dreg:$0x2] =	wrdreg s3  }
0xa9: {  	[dreg:$0x3] =	wrdreg s5  }
0xaa: {  	[dreg:$0x4] =	wrdreg $0xC0  }
0xab: {  	_ =	task [dreg:s7], $0x5FFFF  }
0xac: {  	[dreg:$0x1] =	wrdreg $0xFFFFFFFF  }
0xad: {  	[dreg:$0x0] =	wrdreg $0x60  }
0xae: {  	[dreg:$0x2] =	wrdreg s2  }
0xaf: {  	[dreg:$0x3] =	wrdreg s24  }
0xb0: {  	[dreg:$0x4] =	wrdreg $0x14F000  }
0xb1: {  	[dreg:$0x5] =	wrdreg $0xFF000  }
0xb2: {  	[dreg:$0x6] =	wrdreg $0x9  }
0xb3: {  	_ =	task.clear_ibuf [dreg:s7], $0x7FFFF;
	_ =	strace $0x90000049  }
0xb4: {  	s29 =	simm.s32 $0x9;
	_ =	strace $0x8000004B  }
0xb5: {  	_ =	swait.ge [sflag:s29], $0x1  }
0xb6: {  	[sflag:s29] =	ssyncadd.s32 $0xFFFFFFFF  }
0xb7: {  	_ =	strace $0x9000004B  }
0xb8: {  	_ =	sfence  }
0xb9: {  	s30 =	sld [smem:$0x0];
	_ =	sdelay $0x2  }
0xba: {  	s31 =	sshll.u32 s1, $0xD;
	s1 =	sshrl.u32 s1, $0x2  }
0xbb: {  	s3 =	sand.u32 $0x4000, s31;
	s1 =	sadd.s32 s1, s30  }
0xbc: {  	s0 =	sor.u32 s3, s0;
	s1 =	sshll.u32 s1, $0x11  }
0xbd: {  	s0 =	sor.u32 s1, s0  }
0xbe: {  	s0 =	sadd.s32 $0x8F2B, s0  }
0xbf: {  	[sflag:s0] =	ssyncadd.remote.s32 $0x1  }
0xc0: {  	_ =	sfence.sel $0xFFFF  }
0xc1: {  	[dreg:$0x0] =	wrdreg $0xFFFFFFFF;
	(pc) =	sbr.abs _section_cstart, $3  }
0xc2: {  	[dreg:$0x1] =	wrdreg $0xFFFFFFFF  }
0xc3: {  	_ =	task.clear_ibuf [dreg:s7], $0x2FFFF;
	_ =	strace $0x9FFFFFFF  }
0xc4: {  	(tm) =	ssettm $0x7FFFFFFF  }
0xc5: {  	_ =	shalt  }
tec
execute0_lowered:
.L_overlay_start_1:
0x0: {  	(tag) =	ssettag $0x1  }
0x1: {  	s0 =	rddreg [dreg:$0x0]  }
0x2: {  	s1 =	rddreg [dreg:$0x1]  }
0x3: {  	s2 =	rddreg [dreg:$0x2]  }
0x4: {  	s3 =	rddreg [dreg:$0x3]  }
0x5: {  	s12 =	stileid.u32;
	s6 =	srdreg.scid  }
0x6: {  	s4 =	simm.s32 $0x0;
	s15 =	simm.s32 $0xD;
	s16 =	simm.s32 $0xAF00  }
0x7: {  	s17 =	simm.s32 $0x80;
	s18 =	simm.s32 $0x4F00;
	s20 =	simm.s32 $0x5F00  }
0x8: {  	s28 =	simm.s32 $0x7F00;
	s29 =	simm.s32 $0x3;
	s31 =	simm.s32 $0x7  }
0x9: {  	s19 =	simm.s32 $0x8;
	s30 =	simm.s32 $0x9;
	s5 =	smul.u32 $0xA000, s12  }
0xa: {  	s6 =	sand.u32 $0x1, s6;
	[smem:$0x7FF] =	sst s4;
	s9 =	sshll.u32 s12, $0x1  }
0xb: {  	s13 =	sadd.s32 $0x2800, s1;
	s25 =	sadd.s32 $0x4B000, s2;
	p0 =	seq.s32 s12, $0xF  }
0xc: {  	p1 =	sgt.u32 s12, $0x1;
	s8 =	smul.u32 $0xA0000, s6;
	_ =	strace $0x8000004A  }
0xd: {  	s10 =	ssub.s32 $0x2, s6;
	s6 =	sor.u32 s6, s9;
	[dreg:$0x5] =	wrdreg s13  }
0xe: {  	[dreg:$0xa] =	wrdreg s25;
	s25 =	simm.s32 $0x9F00;
	s7 =	sshrl.u32 s5, $0x4  }
0xf: {  	s21 =	sshrl.u32 s10, $0x1;
	s11 =	smul.u32 $0x9C0, s6;
	s24 =	sshll.u32 s6, $0x5  }
0x10: {  	s6 =	simm.s32 $0xB;
	s7 =	sadd.s32 s7, s1;
	s8 =	sadd.s32 s5, s8  }
0x11: {  	s9 =	ssub.s32 s10, s21;
	s5 =	sshrl.u32 s5, $0x1;
	s21 =	simm.s32 $0x1  }
0x12: {  	s8 =	sshrl.u32 s8, $0x4;
	s22 =	sadd.s32 s0, s11;
	s7 =	sadd.s32 $0x3200, s7  }
0x13: {  	s23 =	sadd.s32 s5, s2;
	s11 =	sadd.s32 s5, s3;
	s0 =	sadd.s32 s24, s0  }
0x14: {  	s14 =	smax.u32 s9, $0x1;
	s24 =	simm.s32 $0x2;
	[dreg:$0x6] =	wrdreg s22  }
0x15: {  	s5 =	simm.s32 $0xA;
	s8 =	sadd.s32 s8, s1;
	[dreg:$0x7] =	wrdreg s7  }
.Ltmp0:
0x16: {  	[dreg:$0x8] =	wrdreg s23;
	s1 =	sadd.s32 $0xC800, s1;
	(pc) =	sbr.rel .LBB2_1-.Ltmp0, $4  }
0x17: {  	s0 =	sadd.s32 $0x13800, s0;
	s23 =	simm.s32 $0x6F00;
	[dreg:$0x9] =	wrdreg s1  }
0x18: {  	s22 =	simm.s32 $0x6;
	s7 =	simm.s32 $0xC;
	[dreg:$0xb] =	wrdreg s0  }
0x19: {  	s26 =	sadd.s32 $0xD000, s8;
	s1 =	simm.s32 $0x8F00;
	s0 =	simm.s32 $0x4  }
0x1a: {  	s8 =	simm.s32 $0x0;
	[dreg:$0xc] =	wrdreg s26;
	s26 =	simm.s32 $0x5  }
.LBB2_4:
0x1b: {  	_ =	swait.ge [sflag:s22], $0x1000  }
0x1c: {  	[sflag:s22] =	ssyncset.done $0x0  }
0x1d: {  	[sflag:s22] =	ssyncadd.s32 $0xFFFFF000  }
0x1e: {  	[spmem:s3] =	stream.indirect.scatter.add.bf16 [tilespmem:s25], [sflag:$0xC], $0x20, s12, s17, $0xb8;
	[tilespmem:$0x19F00] =	vst v63  }
0x1f: {  	_ =	swait.ge [sflag:s31], $0x1000  }
0x20: {  	[sflag:s31] =	ssyncset.done $0x0  }
0x21: {  	[sflag:s31] =	ssyncadd.s32 $0xFFFFF000  }
0x22: {  	_ =	swait.ge [sflag:s19], $0x1000  }
0x23: {  	[sflag:s19] =	ssyncset.done $0x0  }
0x24: {  	[sflag:s19] =	ssyncadd.s32 $0xFFFFF000  }
0x25: {  	_ =	swait.ge [sflag:s30], $0x1000  }
0x26: {  	[sflag:s30] =	ssyncset.done $0x0  }
0x27: {  	[sflag:s30] =	ssyncadd.s32 $0xFFFFF000  }
0x28: {  	_ =	swait.ge [sflag:s5], $0x1000  }
0x29: {  	[sflag:s5] =	ssyncset.done $0x0  }
0x2a: {  	[sflag:s5] =	ssyncadd.s32 $0xFFFFF000  }
0x2b: {  	_ =	swait.ge [sflag:s6], $0x1000  }
0x2c: {  	[sflag:s6] =	ssyncset.done $0x0  }
0x2d: {  	[sflag:s6] =	ssyncadd.s32 $0xFFFFF000  }
0x2e: {  	_ =	swait.ge [sflag:s7], $0x1000  }
0x2f: {  	s9 =	simm.s32 @!p1 $0x0;
	[sflag:s7] =	ssyncset.done $0x0  }
0x30: {  	s10 =	simm.s32 @!p1 $0x4E00;
	s12 =	rddreg [dreg:$0xb];
	[sflag:s7] =	ssyncadd.s32 $0xFFFFF000  }
0x31: {  	[tilespmem:s10], [sflag:$0xD] =	stream.linear.gather @!p1 [hbm4b:s12+s9], $0x100, $0x38;
	[tilespmem:$0x19F00] =	vst v63  }
0x32: {  	s9 =	simm.s32 @!p1 $0xD  }
0x33: {  	_ =	swait.ge @!p1 [sflag:s9], $0x100  }
0x34: {  	[sflag:s9] =	ssyncset.done @!p1 $0x0  }
0x35: {  	s13 =	simm.s32 @!p1 $0x4F00;
	s12 =	simm.s32 @!p1 $0x80;
	[sflag:s9] =	ssyncadd.s32 @!p1 $0xFFFFFF00  }
0x36: {  	[tilespmem:s13], [sflag:$0x1] =	stream.indirect.gather @!p1 [spmem:s2], $0x20, s10, s12, $0xb8;
	[tilespmem:$0x19F00] =	vst v63  }
0x37: {  	s10 =	simm.s32 @!p1 $0x1  }
0x38: {  	_ =	swait.ge @!p1 [sflag:s10], $0x1000  }
0x39: {  	[sflag:s10] =	ssyncset.done @!p1 $0x0  }
0x3a: {  	[sflag:s10] =	ssyncadd.s32 @!p1 $0xFFFFF000;
	s10 =	simm.s32 @!p1 $0x4E80  }
0x3b: {  	[spmem:s3] =	stream.indirect.scatter.add.bf16 @!p1 [tilespmem:s13], [sflag:$0xD], $0x20, s10, s12, $0xb8;
	[tilespmem:$0x19F00] =	vst v63  }
0x3c: {  	_ =	swait.ge @!p1 [sflag:s9], $0x1000  }
0x3d: {  	[sflag:s9] =	ssyncset.done @!p1 $0x0  }
0x3e: {  	[sflag:s9] =	ssyncadd.s32 @!p1 $0xFFFFF000  }
0x3f: {  	[bflag:$0x0] =	sbarrier.arrive $0xFFFF  }
0x40: {  	[tilespmem:s16], [sflag:$0xD] =	stream.linear.gather [spmem:s11], $0x5000, $0x38;
	[tilespmem:$0x19F00] =	vst v63  }
0x41: {  	s8 =	sadd.s32 $0x1, s8;
	_ =	swait.ge [sflag:s15], $0x5000  }
0x42: {  	p2 =	sne.s32 s8, s14;
	[sflag:s15] =	ssyncset.done $0x0  }
.Ltmp1:
0x43: {  	s13 =	rddreg [dreg:$0xc];
	[sflag:s15] =	ssyncadd.s32 $0xFFFFB000;
	(pc) =	sbr.rel @!p2 .LBB2_5-.Ltmp1, $4  }
0x44: {  	[hbm4b:s13+s4] =	stream.linear.scatter [tilespmem:s16], [sflag:$0xD], $0x5000, $0x38;
	[tilespmem:$0x19F00] =	vst v63  }
0x45: {  	_ =	swait.ge [sflag:s15], $0x5000  }
0x46: {  	[sflag:s15] =	ssyncset.done $0x0  }
0x47: {  	[sflag:s15] =	ssyncadd.s32 $0xFFFFB000  }
.LBB2_1:
0x48: {  	s9 =	rddreg [dreg:$0x6]  }
0x49: {  	[tilespmem:s4], [sflag:$0xD] =	stream.linear.gather [hbm4b:s9+s4], $0x4E00, $0x38;
	[tilespmem:$0x19F00] =	vst v63  }
0x4a: {  	_ =	swait.ge [sflag:s15], $0x4E00  }
0x4b: {  	s10 =	simm.s32 @p0 $0xAF00;
	[sflag:s15] =	ssyncset.done $0x0  }
0x4c: {  	s9 =	simm.s32 @p0 $0x0;
	s12 =	rddreg [dreg:$0x9];
	[sflag:s15] =	ssyncadd.s32 $0xFFFFB200  }
0x4d: {  	[tilespmem:s10], [sflag:$0xD] =	stream.linear.gather @p0 [hbm4b:s12+s9], $0x3200, $0x38;
	[tilespmem:$0x19F00] =	vst v63  }
0x4e: {  	s9 =	simm.s32 @p0 $0xD  }
0x4f: {  	_ =	swait.ge @p0 [sflag:s9], $0x3200  }
0x50: {  	[sflag:s9] =	ssyncset.done @p0 $0x0  }
0x51: {  	s12 =	rddreg [dreg:$0xa];
	[sflag:s9] =	ssyncadd.s32 @p0 $0xFFFFCE00  }
0x52: {  	[spmem:s12] =	stream.linear.scatter @p0 [tilespmem:s10], [sflag:$0xD], $0x3200, $0x38;
	[tilespmem:$0x19F00] =	vst v63  }
0x53: {  	_ =	swait.ge @p0 [sflag:s9], $0x3200  }
0x54: {  	s10 =	simm.s32 @!p0 $0xAF00;
	[sflag:s9] =	ssyncset.done @p0 $0x0  }
0x55: {  	s12 =	rddreg [dreg:$0x7];
	[sflag:s9] =	ssyncadd.s32 @p0 $0xFFFFCE00;
	s9 =	simm.s32 @!p0 $0x0  }
0x56: {  	[tilespmem:s10], [sflag:$0xD] =	stream.linear.gather @!p0 [hbm4b:s12+s9], $0x5000, $0x38;
	[tilespmem:$0x19F00] =	vst v63  }
0x57: {  	s9 =	simm.s32 @!p0 $0xD  }
0x58: {  	_ =	swait.ge @!p0 [sflag:s9], $0x5000  }
0x59: {  	[sflag:s9] =	ssyncset.done @!p0 $0x0  }
0x5a: {  	s12 =	rddreg [dreg:$0x8];
	[sflag:s9] =	ssyncadd.s32 @!p0 $0xFFFFB000  }
0x5b: {  	[spmem:s12] =	stream.linear.scatter @!p0 [tilespmem:s10], [sflag:$0xD], $0x5000, $0x38;
	[tilespmem:$0x19F00] =	vst v63  }
0x5c: {  	_ =	swait.ge @!p0 [sflag:s9], $0x5000  }
0x5d: {  	[sflag:s9] =	ssyncset.done @!p0 $0x0  }
0x5e: {  	s13 =	rddreg [dreg:$0x5];
	[sflag:s9] =	ssyncadd.s32 @!p0 $0xFFFFB000  }
0x5f: {  	[tilespmem:s16], [sflag:$0xD] =	stream.linear.gather [hbm4b:s13+s4], $0x5000, $0x38;
	[tilespmem:$0x19F00] =	vst v63  }
0x60: {  	_ =	swait.ge [sflag:s15], $0x5000  }
0x61: {  	[sflag:s15] =	ssyncset.done $0x0  }
0x62: {  	[sflag:s15] =	ssyncadd.s32 $0xFFFFB000  }
0x63: {  	[spmem:s11] =	stream.linear.scatter [tilespmem:s16], [sflag:$0xD], $0x5000, $0x38;
	[tilespmem:$0x19F00] =	vst v63  }
0x64: {  	_ =	swait.ge [sflag:s15], $0x5000  }
0x65: {  	[sflag:s15] =	ssyncset.done $0x0  }
0x66: {  	[sflag:s15] =	ssyncadd.s32 $0xFFFFB000  }
0x67: {  	[bflag:$0x0] =	sbarrier.arrive $0xFFFF  }
0x68: {  	[tilespmem:s18], [sflag:$0x1] =	stream.indirect.gather [spmem:s2], $0x20, s4, s17, $0xb8;
	[tilespmem:$0x19F00] =	vst v63  }
0x69: {  	s10 =	simm.s32 $0x100  }
0x6a: {  	[tilespmem:s20], [sflag:$0x2] =	stream.indirect.gather [spmem:s2], $0x20, s10, s17, $0xb8;
	[tilespmem:$0x19F00] =	vst v63  }
0x6b: {  	_ =	swait.ge [sflag:s21], $0x1000  }
0x6c: {  	[sflag:s21] =	ssyncset.done $0x0  }
0x6d: {  	[sflag:s21] =	ssyncadd.s32 $0xFFFFF000  }
0x6e: {  	[spmem:s3] =	stream.indirect.scatter.add.bf16 [tilespmem:s18], [sflag:$0x7], $0x20, s17, s17, $0xb8;
	[tilespmem:$0x19F00] =	vst v63  }
0x6f: {  	s12 =	simm.s32 $0x200  }
0x70: {  	[tilespmem:s23], [sflag:$0x3] =	stream.indirect.gather [spmem:s2], $0x20, s12, s17, $0xb8;
	[tilespmem:$0x19F00] =	vst v63  }
0x71: {  	_ =	swait.ge [sflag:s24], $0x1000  }
0x72: {  	[sflag:s24] =	ssyncset.done $0x0  }
0x73: {  	s13 =	simm.s32 $0x180;
	[sflag:s24] =	ssyncadd.s32 $0xFFFFF000  }
0x74: {  	[spmem:s3] =	stream.indirect.scatter.add.bf16 [tilespmem:s20], [sflag:$0x8], $0x20, s13, s17, $0xb8;
	[tilespmem:$0x19F00] =	vst v63  }
0x75: {  	s10 =	simm.s32 $0x300  }
0x76: {  	[tilespmem:s28], [sflag:$0x4] =	stream.indirect.gather [spmem:s2], $0x20, s10, s17, $0xb8;
	[tilespmem:$0x19F00] =	vst v63  }
0x77: {  	_ =	swait.ge [sflag:s29], $0x1000  }
0x78: {  	[sflag:s29] =	ssyncset.done $0x0  }
0x79: {  	s12 =	simm.s32 $0x280;
	[sflag:s29] =	ssyncadd.s32 $0xFFFFF000  }
0x7a: {  	[spmem:s3] =	stream.indirect.scatter.add.bf16 [tilespmem:s23], [sflag:$0x9], $0x20, s12, s17, $0xb8;
	[tilespmem:$0x19F00] =	vst v63  }
0x7b: {  	s13 =	simm.s32 $0x400  }
0x7c: {  	[tilespmem:s1], [sflag:$0x5] =	stream.indirect.gather [spmem:s2], $0x20, s13, s17, $0xb8;
	[tilespmem:$0x19F00] =	vst v63  }
0x7d: {  	_ =	swait.ge [sflag:s0], $0x1000  }
0x7e: {  	[sflag:s0] =	ssyncset.done $0x0  }
0x7f: {  	s10 =	simm.s32 $0x380;
	[sflag:s0] =	ssyncadd.s32 $0xFFFFF000  }
0x80: {  	[spmem:s3] =	stream.indirect.scatter.add.bf16 [tilespmem:s28], [sflag:$0xA], $0x20, s10, s17, $0xb8;
	[tilespmem:$0x19F00] =	vst v63  }
0x81: {  	s12 =	simm.s32 $0x500  }
0x82: {  	[tilespmem:s25], [sflag:$0x6] =	stream.indirect.gather [spmem:s2], $0x20, s12, s17, $0xb8;
	[tilespmem:$0x19F00] =	vst v63  }
0x83: {  	_ =	swait.ge [sflag:s26], $0x1000  }
0x84: {  	[sflag:s26] =	ssyncset.done $0x0  }
0x85: {  	s13 =	simm.s32 $0x480;
	[sflag:s26] =	ssyncadd.s32 $0xFFFFF000  }
0x86: {  	[spmem:s3] =	stream.indirect.scatter.add.bf16 [tilespmem:s1], [sflag:$0xB], $0x20, s13, s17, $0xb8;
	[tilespmem:$0x19F00] =	vst v63  }
0x87: {  	_ =	swait.ge [sflag:s31], $0x1000  }
0x88: {  	[sflag:s31] =	ssyncset.done $0x0  }
0x89: {  	s10 =	simm.s32 $0x600;
	[sflag:s31] =	ssyncadd.s32 $0xFFFFF000  }
0x8a: {  	[tilespmem:s18], [sflag:$0x1] =	stream.indirect.gather [spmem:s2], $0x20, s10, s17, $0xb8;
	[tilespmem:$0x19F00] =	vst v63  }
0x8b: {  	_ =	swait.ge [sflag:s22], $0x1000  }
0x8c: {  	[sflag:s22] =	ssyncset.done $0x0  }
0x8d: {  	s12 =	simm.s32 $0x580;
	[sflag:s22] =	ssyncadd.s32 $0xFFFFF000  }
0x8e: {  	[spmem:s3] =	stream.indirect.scatter.add.bf16 [tilespmem:s25], [sflag:$0xC], $0x20, s12, s17, $0xb8;
	[tilespmem:$0x19F00] =	vst v63  }
0x8f: {  	_ =	swait.ge [sflag:s19], $0x1000  }
0x90: {  	[sflag:s19] =	ssyncset.done $0x0  }
0x91: {  	s9 =	simm.s32 $0x0;
	s13 =	simm.s32 $0x700;
	[sflag:s19] =	ssyncadd.s32 $0xFFFFF000  }
0x92: {  	[tilespmem:s20], [sflag:$0x2] =	stream.indirect.gather [spmem:s2], $0x20, s13, s17, $0xb8;
	[tilespmem:$0x19F00] =	vst v63  }
.LBB2_2:
0x93: {  	_ =	swait.ge [sflag:s21], $0x1000  }
0x94: {  	s10 =	sshra.s32 s9, $0x2;
	[sflag:s21] =	ssyncset.done $0x0  }
0x95: {  	s12 =	sadd.s32 $0x680, s10;
	[sflag:s21] =	ssyncadd.s32 $0xFFFFF000  }
0x96: {  	[spmem:s3] =	stream.indirect.scatter.add.bf16 [tilespmem:s18], [sflag:$0x7], $0x20, s12, s17, $0xb8;
	[tilespmem:$0x19F00] =	vst v63  }
0x97: {  	_ =	swait.ge [sflag:s30], $0x1000  }
0x98: {  	[sflag:s30] =	ssyncset.done $0x0  }
0x99: {  	s13 =	sadd.s32 $0x800, s10;
	[sflag:s30] =	ssyncadd.s32 $0xFFFFF000  }
0x9a: {  	[tilespmem:s23], [sflag:$0x3] =	stream.indirect.gather [spmem:s2], $0x20, s13, s17, $0xb8;
	[tilespmem:$0x19F00] =	vst v63  }
0x9b: {  	_ =	swait.ge [sflag:s24], $0x1000  }
0x9c: {  	[sflag:s24] =	ssyncset.done $0x0  }
0x9d: {  	s13 =	sadd.s32 $0x780, s10;
	[sflag:s24] =	ssyncadd.s32 $0xFFFFF000  }
0x9e: {  	[spmem:s3] =	stream.indirect.scatter.add.bf16 [tilespmem:s20], [sflag:$0x8], $0x20, s13, s17, $0xb8;
	[tilespmem:$0x19F00] =	vst v63  }
0x9f: {  	_ =	swait.ge [sflag:s5], $0x1000  }
0xa0: {  	[sflag:s5] =	ssyncset.done $0x0  }
0xa1: {  	s13 =	sadd.s32 $0x900, s10;
	[sflag:s5] =	ssyncadd.s32 $0xFFFFF000  }
0xa2: {  	[tilespmem:s28], [sflag:$0x4] =	stream.indirect.gather [spmem:s2], $0x20, s13, s17, $0xb8;
	[tilespmem:$0x19F00] =	vst v63  }
0xa3: {  	_ =	swait.ge [sflag:s29], $0x1000  }
0xa4: {  	[sflag:s29] =	ssyncset.done $0x0  }
0xa5: {  	s13 =	sadd.s32 $0x880, s10;
	[sflag:s29] =	ssyncadd.s32 $0xFFFFF000  }
0xa6: {  	[spmem:s3] =	stream.indirect.scatter.add.bf16 [tilespmem:s23], [sflag:$0x9], $0x20, s13, s17, $0xb8;
	[tilespmem:$0x19F00] =	vst v63  }
0xa7: {  	_ =	swait.ge [sflag:s6], $0x1000  }
0xa8: {  	[sflag:s6] =	ssyncset.done $0x0  }
0xa9: {  	s13 =	sadd.s32 $0xA00, s10;
	[sflag:s6] =	ssyncadd.s32 $0xFFFFF000  }
0xaa: {  	[tilespmem:s1], [sflag:$0x5] =	stream.indirect.gather [spmem:s2], $0x20, s13, s17, $0xb8;
	[tilespmem:$0x19F00] =	vst v63  }
0xab: {  	_ =	swait.ge [sflag:s0], $0x1000  }
0xac: {  	[sflag:s0] =	ssyncset.done $0x0  }
0xad: {  	s13 =	sadd.s32 $0x980, s10;
	[sflag:s0] =	ssyncadd.s32 $0xFFFFF000  }
0xae: {  	[spmem:s3] =	stream.indirect.scatter.add.bf16 [tilespmem:s28], [sflag:$0xA], $0x20, s13, s17, $0xb8;
	[tilespmem:$0x19F00] =	vst v63  }
0xaf: {  	_ =	swait.ge [sflag:s7], $0x1000  }
0xb0: {  	[sflag:s7] =	ssyncset.done $0x0  }
0xb1: {  	p2 =	seq.s32 s9, $0x10800;
	s13 =	sadd.s32 $0xB00, s10;
	[sflag:s7] =	ssyncadd.s32 $0xFFFFF000  }
0xb2: {  	[tilespmem:s25], [sflag:$0x6] =	stream.indirect.gather [spmem:s2], $0x20, s13, s17, $0xb8;
	[tilespmem:$0x19F00] =	vst v63  }
.Ltmp2:
0xb3: {  	_ = 	snop;
	(pc) =	sbr.rel @p2 .LBB2_4-.Ltmp2, $4  }
0xb4: {  	_ =	swait.ge [sflag:s26], $0x1000  }
0xb5: {  	[sflag:s26] =	ssyncset.done $0x0  }
0xb6: {  	s12 =	sadd.s32 $0xB80, s10;
	s13 =	sadd.s32 $0xA80, s10;
	[sflag:s26] =	ssyncadd.s32 $0xFFFFF000  }
0xb7: {  	[spmem:s3] =	stream.indirect.scatter.add.bf16 [tilespmem:s1], [sflag:$0xB], $0x20, s13, s17, $0xb8;
	[tilespmem:$0x19F00] =	vst v63  }
0xb8: {  	_ =	swait.ge [sflag:s31], $0x1000  }
0xb9: {  	[sflag:s31] =	ssyncset.done $0x0  }
0xba: {  	s13 =	sadd.s32 $0xC00, s10;
	[sflag:s31] =	ssyncadd.s32 $0xFFFFF000  }
0xbb: {  	[tilespmem:s18], [sflag:$0x1] =	stream.indirect.gather [spmem:s2], $0x20, s13, s17, $0xb8;
	[tilespmem:$0x19F00] =	vst v63  }
0xbc: {  	_ =	swait.ge [sflag:s22], $0x1000  }
0xbd: {  	[sflag:s22] =	ssyncset.done $0x0  }
0xbe: {  	[sflag:s22] =	ssyncadd.s32 $0xFFFFF000  }
0xbf: {  	[spmem:s3] =	stream.indirect.scatter.add.bf16 [tilespmem:s25], [sflag:$0xC], $0x20, s12, s17, $0xb8;
	[tilespmem:$0x19F00] =	vst v63  }
.Ltmp3:
0xc0: {  	_ = 	snop;
	(pc) =	sbr.rel .LBB2_2-.Ltmp3, $4  }
0xc1: {  	_ =	swait.ge [sflag:s19], $0x1000  }
0xc2: {  	[sflag:s19] =	ssyncset.done $0x0  }
0xc3: {  	s9 =	sadd.s32 $0x1800, s9;
	s13 =	sadd.s32 $0xD00, s10;
	[sflag:s19] =	ssyncadd.s32 $0xFFFFF000  }
0xc4: {  	[tilespmem:s20], [sflag:$0x2] =	stream.indirect.gather [spmem:s2], $0x20, s13, s17, $0xb8;
	[tilespmem:$0x19F00] =	vst v63  }
.LBB2_5:
0xc5: {  	_ =	sfence.sel $0x180000  }
0xc6: {  	[bflag:$0x0] =	sbarrier.arrive $0xFFFF  }
0xc7: {  	_ =	strace $0x9000004A  }
0xc8: {  	s0 =	stileid.u32;
	[bflag:$0x2] =	sbarrier.arrive $0xFFFF  }
0xc9: {  	p0 =	sne.s32 s0, $0x0;
	s0 =	rddreg [dreg:$0x4]  }
0xca: {  	s0 =	sadd.s32 @!p0 $0x100000, s0  }
0xcb: {  	[sflag:s0] =	ssyncadd.tile.s32 @!p0 $0x1;
	_ =	shalt  }
.Lfunc_end2:
_tile_overlayer_lowered:
.L_overlay_start_2:
0xcc: {  	(tag) =	ssettag $0x2  }
0xcd: {  	s0 =	rddreg [dreg:$0x0];
	s2 =	stileid.u32  }
0xce: {  	s1 =	rddreg [dreg:$0x1];
	p0 =	sne.s32 s2, $0x0  }
0xcf: {  	s3 =	rddreg [dreg:$0x2];
	[bflag:$0x3] =	sbarrier.arrive $0xFFFF;
	s2 =	simm.s32 @!p0 $0x1C0D  }
0xd0: {  	[timem:s3], [sflag:s2] =	dma.local @!p0 [hbm:s0], s1  }
0xd1: {  	s0 =	simm.s32 @!p0 $0xD  }
0xd2: {  	_ =	swait.ge @!p0 [sflag:s0], s1  }
0xd3: {  	s1 =	ssub.s32 @!p0 $0x0, s1;
	[sflag:s0] =	ssyncset.done @!p0 $0x0  }
0xd4: {  	[sflag:s0] =	ssyncadd.s32 @!p0 s1  }
0xd5: {  	[bflag:$0x3] =	sbarrier.arrive $0xFFFF  }
0xd6: {  	_ =	shalt  }

// kernel: kernel.14.cloned.1.call-start
scs
__scs_entry_jumppad:
0x0: {  	(pc) =	sbr.rel $0x88, $3  }
0x1: {  	(tag) =	ssettag $0x0;
	lr =	simm.s32 $0x1  }
0x2: {  	[smem:$0x3F98] =	sst lr;
	_ =	strace $0xD0000000  }
0x3: {  	_ = 	snop  }
0x4: {  	_ = 	snop  }
0x5: {  	_ = 	snop  }
0x6: {  	_ = 	snop  }
0x7: {  	_ = 	snop  }
__scs_overlays_trampoline_lowered:
0x8: {  	[smem:$0x3FA7] =	sst s0  }
0x9: {  	[smem:$0x3FA8] =	sst s1  }
0xa: {  	[smem:$0x3FA9] =	sst s2  }
0xb: {  	[smem:$0x3FAA] =	sst s3  }
0xc: {  	[smem:$0x3FAB] =	sst s4  }
0xd: {  	[smem:$0x3FAC] =	sst s5  }
0xe: {  	[smem:$0x3FAD] =	sst s6  }
0xf: {  	[smem:$0x3FAE] =	sst s7  }
0x10: {  	[smem:$0x3FAF] =	sst s8  }
0x11: {  	[smem:$0x3FB0] =	sst s9;
	s0 =	simm.s32 @!p0 $0x0  }
0x12: {  	s1 =	sld [smem:$0x3F96];
	s0 =	simm.s32 @p0 $0x1  }
0x13: {  	[smem:$0x3FB1] =	sst s0;
	s0 =	simm.s32 @!p1 $0x0  }
0x14: {  	s2 =	sld [smem:$0x3F95];
	s0 =	simm.s32 @p1 $0x1  }
0x15: {  	[smem:$0x3FB2] =	sst s0;
	s0 =	simm.s32 @!p2 $0x0  }
0x16: {  	s3 =	sld [smem:$0x3FDB];
	s0 =	simm.s32 @p2 $0x1  }
0x17: {  	s4 =	simm.s32 $0x1BF5;
	[smem:$0x3FB4] =	sst s0  }
0x18: {  	s0 =	sld [smem:$0x3F97];
	_ =	swait.ge [sflag:s4], $0x0  }
0x19: {  	s7 =	sld [smem:$0x3F98]  }
0x1a: {  	s8 =	sadd.s32 $0xFFFFE003, lr  }
0x1b: {  	s9 =	sadd.s32 $0xFFFFFEF7, lr;
	s5 =	simm.s32 $0xFFFFFFFF;
	p2 =	slt.u32 s8, $0xFFFFF086  }
0x1c: {  	p1 =	slt.u32 s9, $0xF7A;
	s5 =	simm.s32 @!p2 $0x0  }
0x1d: {  	s5 =	simm.s32 @p1 $0x1;
	p0 =	seq.s32 s7, s2  }
0x1e: {  	s7 =	smul.u32 @!p0 $0xF7A, s2;
	p2 =	seq.s32 @!p0 s5, $0x0  }
0x1f: {  	s9 =	smul.u32 $0xF7A, s1;
	s8 =	simm.s32 @!p0 $0x1BF5;
	p2 =	por !p2, p0  }
0x20: {  	[sflag:s8] =	ssyncset.s32 @!p0 $0xFFFFF086;
	s6 =	sadd.s32 @!p0 s3, s7;
	s7 =	simm.s32 @!p0 $0x108  }
0x21: {  	s3 =	sadd.s32 s3, s9;
	s6 =	sadd.s32 @!p0 $0x88, s6;
	s7 =	simm.s32 @p2 $0x1082  }
0x22: {  	[simem:s7], [sflag:s8] =	dma.local @!p0 [hbm:s6], $0xF7A  }
0x23: {  	s9 =	sor.u32 $0xD0000000, s2;
	s6 =	simm.s32 $0x108;
	_ =	swait.ge @!p0 [sflag:s8], $0x0  }
0x24: {  	s3 =	sadd.s32 $0x88, s3;
	s6 =	simm.s32 @!p1 $0x1082;
	[sflag:s4] =	ssyncset.s32 $0xFFFFF086  }
0x25: {  	[simem:s6], [sflag:s4] =	dma.local [hbm:s3], $0xF7A  }
0x26: {  	[smem:$0x3F98] =	sst s1;
	(tag) =	ssettag s2;
	_ =	strace s9  }
0x27: {  	s1 =	sld [smem:$0x3FA8]  }
0x28: {  	s2 =	sld [smem:$0x3FA9]  }
0x29: {  	s4 =	sld [smem:$0x3FAB]  }
0x2a: {  	p0 =	seq.s32 s5, $0x0;
	s5 =	sld [smem:$0x3FAC]  }
0x2b: {  	s6 =	sld [smem:$0x3FAD]  }
0x2c: {  	s7 =	sld [smem:$0x3FAE]  }
0x2d: {  	s3 =	simm.s32 $0x108;
	s8 =	sld [smem:$0x3FAF]  }
0x2e: {  	s3 =	simm.s32 @!p0 $0x1082;
	s9 =	sld [smem:$0x3FB0]  }
0x2f: {  	lr =	sadd.s32 s0, s3;
	s0 =	sld [smem:$0x3FA7]  }
0x30: {  	s3 =	sld [smem:$0x3FAA]  }
0x31: {  	[smem:$0x3FB3] =	sst s10  }
0x32: {  	s10 =	sld [smem:$0x3FB1];
	_ =	sdelay $0x3  }
0x33: {  	p0 =	seq.s32 s10, $0x1;
	s10 =	sld [smem:$0x3FB3];
	_ =	sdelay $0x3  }
0x34: {  	[smem:$0x3FB3] =	sst s10  }
0x35: {  	s10 =	sld [smem:$0x3FB2];
	_ =	sdelay $0x3  }
0x36: {  	p1 =	seq.s32 s10, $0x1;
	s10 =	sld [smem:$0x3FB3];
	_ =	sdelay $0x3  }
0x37: {  	[smem:$0x3FB3] =	sst s10  }
0x38: {  	s10 =	sld [smem:$0x3FB4]  }
0x39: {  	_ = 	snop;
	(pc) =	sbr.ind lr, $3  }
0x3a: {  	_ = 	snop  }
0x3b: {  	_ = 	snop  }
0x3c: {  	p2 =	seq.s32 s10, $0x1;
	s10 =	sld [smem:$0x3FB3]  }
0x3d: {  	_ =	shalt  }
0x3e: {  	_ =	shalt  }
0x3f: {  	_ =	shalt  }
0x40: {  	_ =	shalt  }
0x41: {  	_ =	shalt  }
0x42: {  	_ =	shalt  }
0x43: {  	_ =	shalt  }
0x44: {  	_ =	shalt  }
0x45: {  	_ =	shalt  }
0x46: {  	_ =	shalt  }
0x47: {  	_ =	shalt  }
0x48: {  	_ =	shalt  }
0x49: {  	_ =	shalt  }
0x4a: {  	_ =	shalt  }
0x4b: {  	_ =	shalt  }
0x4c: {  	_ =	shalt  }
0x4d: {  	_ =	shalt  }
0x4e: {  	_ =	shalt  }
0x4f: {  	_ =	shalt  }
0x50: {  	_ =	shalt  }
0x51: {  	_ =	shalt  }
0x52: {  	_ =	shalt  }
0x53: {  	_ =	shalt  }
0x54: {  	_ =	shalt  }
0x55: {  	_ =	shalt  }
0x56: {  	_ =	shalt  }
0x57: {  	_ =	shalt  }
0x58: {  	_ =	shalt  }
0x59: {  	_ =	shalt  }
0x5a: {  	_ =	shalt  }
0x5b: {  	_ =	shalt  }
0x5c: {  	_ =	shalt  }
0x5d: {  	_ =	shalt  }
0x5e: {  	_ =	shalt  }
0x5f: {  	_ =	shalt  }
0x60: {  	_ =	shalt  }
0x61: {  	_ =	shalt  }
0x62: {  	_ =	shalt  }
0x63: {  	_ =	shalt  }
0x64: {  	_ =	shalt  }
0x65: {  	_ =	shalt  }
0x66: {  	_ =	shalt  }
0x67: {  	_ =	shalt  }
0x68: {  	_ =	shalt  }
0x69: {  	_ =	shalt  }
0x6a: {  	_ =	shalt  }
0x6b: {  	_ =	shalt  }
0x6c: {  	_ =	shalt  }
0x6d: {  	_ =	shalt  }
0x6e: {  	_ =	shalt  }
0x6f: {  	_ =	shalt  }
0x70: {  	_ =	shalt  }
0x71: {  	_ =	shalt  }
0x72: {  	_ =	shalt  }
0x73: {  	_ =	shalt  }
0x74: {  	_ =	shalt  }
0x75: {  	_ =	shalt  }
0x76: {  	_ =	shalt  }
0x77: {  	_ =	shalt  }
0x78: {  	_ =	shalt  }
0x79: {  	_ =	shalt  }
0x7a: {  	_ =	shalt  }
0x7b: {  	_ =	shalt  }
0x7c: {  	_ =	shalt  }
0x7d: {  	_ =	shalt  }
0x7e: {  	_ =	shalt  }
0x7f: {  	_ =	shalt  }
0x80: {  	_ =	shalt  }
0x81: {  	_ =	shalt  }
0x82: {  	_ =	shalt  }
0x83: {  	_ =	shalt  }
0x84: {  	_ =	shalt  }
0x85: {  	_ =	shalt  }
0x86: {  	_ =	shalt  }
0x87: {  	_ =	shalt  }
.Lfunc_end0:
.L_simem_size_0:
called_computation.2_lowered:
.L_overlay_start_0:
0x88: {  	s2 =	sld [smem:$0x3FD9]  }
0x89: {  	s3 =	sld [smem:$0x3FFE];
	_ =	sdelay $0x1  }
0x8a: {  	s1 =	srdreg.scid  }
0x8b: {  	s0 =	sand.u32 $0x1, s1  }
0x8c: {  	s17 =	sshll.u32 s0, $0xA;
	s2 =	sadd.s32 s3, s2  }
0x8d: {  	s2 =	sadd.s32 s2, s17  }
0x8e: {  	[smem:$0x3FBF] =	sst s2  }
0x8f: {  	_ = 	snop  }
0x90: {  	s2 =	sld [smem:$0x3FC8];
	(tm) =	ssettm $0x1  }
0x91: {  	s18 =	sld [smem:$0x3FFB];
	_ =	sdelay $0x3  }
0x92: {  	_ =	strace s18  }
0x93: {  	s3 =	sld [smem:$0x3FFC];
	_ =	sdelay $0x3  }
0x94: {  	_ =	strace s3  }
0x95: {  	s3 =	sld [smem:$0x3FFD];
	_ =	sdelay $0x3  }
0x96: {  	_ =	strace s3  }
0x97: {  	_ =	strace $0x8FFFFFFF  }
0x98: {  	s19 =	sld [smem:$0x3FDB];
	_ =	sdelay $0x1  }
0x99: {  	s4 =	simm.s32 $_scs_section_size  }
0x9a: {  	s5 =	simm.s32 $_size__tile_overlayer_lowered;
	s6 =	simm.s32 $_tile_overlayer_lowered  }
0x9b: {  	s22 =	simm.s32 $0x1BFF;
	s21 =	sshll.u32 s6, $0x1;
	s3 =	sadd.s32 s4, s19  }
0x9c: {  	s7 =	simm.s32 $0x0;
	s20 =	sshll.u32 s5, $0x1;
	s5 =	sadd.s32 s21, s3  }
0x9d: {  	[timem:s7], [sflag:s22] =	dma.local [hbm:s5], s20  }
0x9e: {  	_ =	swait.ge [sflag:s22], s20  }
0x9f: {  	s4 =	ssub.s32 $0x0, s20;
	[sflag:s22] =	ssyncset.done $0x0  }
0xa0: {  	[sflag:s22] =	ssyncadd.s32 s4;
	_ =	sdelay $0x1  }
0xa1: {  	s23 =	simm.s32 $0x1B8B  }
0xa2: {  	_ =	swait.ge [sflag:s23], $0x1  }
0xa3: {  	[sflag:s23] =	ssyncset.done $0x0  }
0xa4: {  	s25 =	simm.s32 $0x1B8E;
	s24 =	sld [smem:$0x3FFE];
	[sflag:s23] =	ssyncadd.s32 $0xFFFFFFFF  }
0xa5: {  	s26 =	simm.s32 $execute0_lowered;
	[smem:$0x3FD2] =	sst s25  }
0xa6: {  	s5 =	sshll.u32 s26, $0x1;
	_ =	strace $0x8000004C;
	[dreg:$0x1] =	wrdreg $0xFFFFFFFF  }
0xa7: {  	s28 =	simm.s32 $_size_execute0_lowered;
	s3 =	sadd.s32 s3, s5;
	[dreg:$0x0] =	wrdreg $0x0  }
0xa8: {  	s5 =	sshll.u32 s28, $0x1;
	[dreg:$0x2] =	wrdreg s3  }
0xa9: {  	[dreg:$0x3] =	wrdreg s5  }
0xaa: {  	[dreg:$0x4] =	wrdreg $0xC0  }
0xab: {  	_ =	task [dreg:s7], $0x5FFFF  }
0xac: {  	[dreg:$0x1] =	wrdreg $0xFFFFFFFF  }
0xad: {  	[dreg:$0x0] =	wrdreg $0x60  }
0xae: {  	[dreg:$0x2] =	wrdreg s2  }
0xaf: {  	[dreg:$0x3] =	wrdreg s24  }
0xb0: {  	[dreg:$0x4] =	wrdreg $0xCF000  }
0xb1: {  	[dreg:$0x5] =	wrdreg $0xA7000  }
0xb2: {  	[dreg:$0x6] =	wrdreg $0x9  }
0xb3: {  	_ =	task.clear_ibuf [dreg:s7], $0x7FFFF;
	_ =	strace $0x9000004C  }
0xb4: {  	s29 =	simm.s32 $0x9;
	_ =	strace $0x8000004E  }
0xb5: {  	_ =	swait.ge [sflag:s29], $0x1  }
0xb6: {  	[sflag:s29] =	ssyncadd.s32 $0xFFFFFFFF  }
0xb7: {  	_ =	strace $0x9000004E  }
0xb8: {  	_ =	sfence  }
0xb9: {  	s30 =	sld [smem:$0x0];
	_ =	sdelay $0x2  }
0xba: {  	s31 =	sshll.u32 s1, $0xD;
	s1 =	sshrl.u32 s1, $0x2  }
0xbb: {  	s3 =	sand.u32 $0x4000, s31;
	s1 =	sadd.s32 s1, s30  }
0xbc: {  	s0 =	sor.u32 s3, s0;
	s1 =	sshll.u32 s1, $0x11  }
0xbd: {  	s0 =	sor.u32 s1, s0  }
0xbe: {  	s0 =	sadd.s32 $0x8F2B, s0  }
0xbf: {  	[sflag:s0] =	ssyncadd.remote.s32 $0x1  }
0xc0: {  	_ =	sfence.sel $0xFFFF  }
0xc1: {  	[dreg:$0x0] =	wrdreg $0xFFFFFFFF;
	(pc) =	sbr.abs _section_cstart, $3  }
0xc2: {  	[dreg:$0x1] =	wrdreg $0xFFFFFFFF  }
0xc3: {  	_ =	task.clear_ibuf [dreg:s7], $0x2FFFF;
	_ =	strace $0x9FFFFFFF  }
0xc4: {  	(tm) =	ssettm $0x7FFFFFFF  }
0xc5: {  	_ =	shalt  }
tec
execute0_lowered:
.L_overlay_start_1:
0x0: {  	(tag) =	ssettag $0x1  }
0x1: {  	s0 =	rddreg [dreg:$0x0]  }
0x2: {  	s1 =	rddreg [dreg:$0x1]  }
0x3: {  	s2 =	rddreg [dreg:$0x2]  }
0x4: {  	s3 =	rddreg [dreg:$0x3]  }
0x5: {  	s12 =	stileid.u32;
	s6 =	srdreg.scid  }
0x6: {  	s4 =	simm.s32 $0x0;
	s15 =	simm.s32 $0xD;
	s16 =	simm.s32 $0x7F00  }
0x7: {  	s17 =	simm.s32 $0x80;
	s18 =	simm.s32 $0x4F00;
	s20 =	simm.s32 $0x5700  }
0x8: {  	s28 =	simm.s32 $0x6700;
	s29 =	simm.s32 $0x3;
	s31 =	simm.s32 $0x7  }
0x9: {  	s19 =	simm.s32 $0x8;
	s30 =	simm.s32 $0x9;
	s5 =	smul.u32 $0x5000, s12  }
0xa: {  	s6 =	sand.u32 $0x1, s6;
	[smem:$0x7FF] =	sst s4;
	s9 =	sshll.u32 s12, $0x1  }
0xb: {  	s13 =	sadd.s32 $0x1E00, s1;
	s25 =	sadd.s32 $0x25800, s2;
	p0 =	seq.s32 s12, $0xF  }
0xc: {  	p1 =	sgt.u32 s12, $0x1;
	s8 =	smul.u32 $0x50000, s6;
	_ =	strace $0x8000004D  }
0xd: {  	s10 =	ssub.s32 $0x2, s6;
	s6 =	sor.u32 s6, s9;
	[dreg:$0x5] =	wrdreg s13  }
0xe: {  	[dreg:$0xa] =	wrdreg s25;
	s25 =	simm.s32 $0x7700;
	s7 =	sshrl.u32 s5, $0x4  }
0xf: {  	s21 =	sshrl.u32 s10, $0x1;
	s11 =	smul.u32 $0x9C0, s6;
	s24 =	sshll.u32 s6, $0x5  }
0x10: {  	s6 =	simm.s32 $0xB;
	s7 =	sadd.s32 s7, s1;
	s8 =	sadd.s32 s5, s8  }
0x11: {  	s9 =	ssub.s32 s10, s21;
	s5 =	sshrl.u32 s5, $0x1;
	s21 =	simm.s32 $0x1  }
0x12: {  	s8 =	sshrl.u32 s8, $0x4;
	s22 =	sadd.s32 s0, s11;
	s7 =	sadd.s32 $0x2400, s7  }
0x13: {  	s23 =	sadd.s32 s5, s2;
	s11 =	sadd.s32 s5, s3;
	s0 =	sadd.s32 s24, s0  }
0x14: {  	s14 =	smax.u32 s9, $0x1;
	s24 =	simm.s32 $0x2;
	[dreg:$0x6] =	wrdreg s22  }
0x15: {  	s5 =	simm.s32 $0xA;
	s8 =	sadd.s32 s8, s1;
	[dreg:$0x7] =	wrdreg s7  }
.Ltmp0:
0x16: {  	[dreg:$0x8] =	wrdreg s23;
	s1 =	sadd.s32 $0x6F00, s1;
	(pc) =	sbr.rel .LBB2_1-.Ltmp0, $4  }
0x17: {  	s0 =	sadd.s32 $0x13800, s0;
	s23 =	simm.s32 $0x5F00;
	[dreg:$0x9] =	wrdreg s1  }
0x18: {  	s22 =	simm.s32 $0x6;
	s7 =	simm.s32 $0xC;
	[dreg:$0xb] =	wrdreg s0  }
0x19: {  	s26 =	sadd.s32 $0x7400, s8;
	s1 =	simm.s32 $0x6F00;
	s0 =	simm.s32 $0x4  }
0x1a: {  	s8 =	simm.s32 $0x0;
	[dreg:$0xc] =	wrdreg s26;
	s26 =	simm.s32 $0x5  }
.LBB2_4:
0x1b: {  	_ =	swait.ge [sflag:s22], $0x800  }
0x1c: {  	[sflag:s22] =	ssyncset.done $0x0  }
0x1d: {  	[sflag:s22] =	ssyncadd.s32 $0xFFFFF800  }
0x1e: {  	[spmem:s3] =	stream.indirect.scatter.add.bf16 [tilespmem:s25], [sflag:$0xC], $0x10, s12, s17, $0xb8;
	[tilespmem:$0xF700] =	vst v63  }
0x1f: {  	_ =	swait.ge [sflag:s31], $0x800  }
0x20: {  	[sflag:s31] =	ssyncset.done $0x0  }
0x21: {  	[sflag:s31] =	ssyncadd.s32 $0xFFFFF800  }
0x22: {  	_ =	swait.ge [sflag:s19], $0x800  }
0x23: {  	[sflag:s19] =	ssyncset.done $0x0  }
0x24: {  	[sflag:s19] =	ssyncadd.s32 $0xFFFFF800  }
0x25: {  	_ =	swait.ge [sflag:s30], $0x800  }
0x26: {  	[sflag:s30] =	ssyncset.done $0x0  }
0x27: {  	[sflag:s30] =	ssyncadd.s32 $0xFFFFF800  }
0x28: {  	_ =	swait.ge [sflag:s5], $0x800  }
0x29: {  	[sflag:s5] =	ssyncset.done $0x0  }
0x2a: {  	[sflag:s5] =	ssyncadd.s32 $0xFFFFF800  }
0x2b: {  	_ =	swait.ge [sflag:s6], $0x800  }
0x2c: {  	[sflag:s6] =	ssyncset.done $0x0  }
0x2d: {  	[sflag:s6] =	ssyncadd.s32 $0xFFFFF800  }
0x2e: {  	_ =	swait.ge [sflag:s7], $0x800  }
0x2f: {  	s9 =	simm.s32 @!p1 $0x0;
	[sflag:s7] =	ssyncset.done $0x0  }
0x30: {  	s10 =	simm.s32 @!p1 $0x4E00;
	s12 =	rddreg [dreg:$0xb];
	[sflag:s7] =	ssyncadd.s32 $0xFFFFF800  }
0x31: {  	[tilespmem:s10], [sflag:$0xD] =	stream.linear.gather @!p1 [hbm4b:s12+s9], $0x100, $0x38;
	[tilespmem:$0xF700] =	vst v63  }
0x32: {  	s9 =	simm.s32 @!p1 $0xD  }
0x33: {  	_ =	swait.ge @!p1 [sflag:s9], $0x100  }
0x34: {  	[sflag:s9] =	ssyncset.done @!p1 $0x0  }
0x35: {  	s13 =	simm.s32 @!p1 $0x4F00;
	s12 =	simm.s32 @!p1 $0x80;
	[sflag:s9] =	ssyncadd.s32 @!p1 $0xFFFFFF00  }
0x36: {  	[tilespmem:s13], [sflag:$0x1] =	stream.indirect.gather @!p1 [spmem:s2], $0x10, s10, s12, $0xb8;
	[tilespmem:$0xF700] =	vst v63  }
0x37: {  	s10 =	simm.s32 @!p1 $0x1  }
0x38: {  	_ =	swait.ge @!p1 [sflag:s10], $0x800  }
0x39: {  	[sflag:s10] =	ssyncset.done @!p1 $0x0  }
0x3a: {  	[sflag:s10] =	ssyncadd.s32 @!p1 $0xFFFFF800;
	s10 =	simm.s32 @!p1 $0x4E80  }
0x3b: {  	[spmem:s3] =	stream.indirect.scatter.add.bf16 @!p1 [tilespmem:s13], [sflag:$0xD], $0x10, s10, s12, $0xb8;
	[tilespmem:$0xF700] =	vst v63  }
0x3c: {  	_ =	swait.ge @!p1 [sflag:s9], $0x800  }
0x3d: {  	[sflag:s9] =	ssyncset.done @!p1 $0x0  }
0x3e: {  	[sflag:s9] =	ssyncadd.s32 @!p1 $0xFFFFF800  }
0x3f: {  	[bflag:$0x0] =	sbarrier.arrive $0xFFFF  }
0x40: {  	[tilespmem:s16], [sflag:$0xD] =	stream.linear.gather [spmem:s11], $0x2800, $0x38;
	[tilespmem:$0xF700] =	vst v63  }
0x41: {  	s8 =	sadd.s32 $0x1, s8;
	_ =	swait.ge [sflag:s15], $0x2800  }
0x42: {  	p2 =	sne.s32 s8, s14;
	[sflag:s15] =	ssyncset.done $0x0  }
.Ltmp1:
0x43: {  	s13 =	rddreg [dreg:$0xc];
	[sflag:s15] =	ssyncadd.s32 $0xFFFFD800;
	(pc) =	sbr.rel @!p2 .LBB2_5-.Ltmp1, $4  }
0x44: {  	[hbm4b:s13+s4] =	stream.linear.scatter [tilespmem:s16], [sflag:$0xD], $0x2800, $0x38;
	[tilespmem:$0xF700] =	vst v63  }
0x45: {  	_ =	swait.ge [sflag:s15], $0x2800  }
0x46: {  	[sflag:s15] =	ssyncset.done $0x0  }
0x47: {  	[sflag:s15] =	ssyncadd.s32 $0xFFFFD800  }
.LBB2_1:
0x48: {  	s9 =	rddreg [dreg:$0x6]  }
0x49: {  	[tilespmem:s4], [sflag:$0xD] =	stream.linear.gather [hbm4b:s9+s4], $0x4E00, $0x38;
	[tilespmem:$0xF700] =	vst v63  }
0x4a: {  	_ =	swait.ge [sflag:s15], $0x4E00  }
0x4b: {  	s10 =	simm.s32 @p0 $0x7F00;
	[sflag:s15] =	ssyncset.done $0x0  }
0x4c: {  	s9 =	simm.s32 @p0 $0x0;
	s12 =	rddreg [dreg:$0x9];
	[sflag:s15] =	ssyncadd.s32 $0xFFFFB200  }
0x4d: {  	[tilespmem:s10], [sflag:$0xD] =	stream.linear.gather @p0 [hbm4b:s12+s9], $0x1900, $0x38;
	[tilespmem:$0xF700] =	vst v63  }
0x4e: {  	s9 =	simm.s32 @p0 $0xD  }
0x4f: {  	_ =	swait.ge @p0 [sflag:s9], $0x1900  }
0x50: {  	[sflag:s9] =	ssyncset.done @p0 $0x0  }
0x51: {  	s12 =	rddreg [dreg:$0xa];
	[sflag:s9] =	ssyncadd.s32 @p0 $0xFFFFE700  }
0x52: {  	[spmem:s12] =	stream.linear.scatter @p0 [tilespmem:s10], [sflag:$0xD], $0x1900, $0x38;
	[tilespmem:$0xF700] =	vst v63  }
0x53: {  	_ =	swait.ge @p0 [sflag:s9], $0x1900  }
0x54: {  	s10 =	simm.s32 @!p0 $0x7F00;
	[sflag:s9] =	ssyncset.done @p0 $0x0  }
0x55: {  	s12 =	rddreg [dreg:$0x7];
	[sflag:s9] =	ssyncadd.s32 @p0 $0xFFFFE700;
	s9 =	simm.s32 @!p0 $0x0  }
0x56: {  	[tilespmem:s10], [sflag:$0xD] =	stream.linear.gather @!p0 [hbm4b:s12+s9], $0x2800, $0x38;
	[tilespmem:$0xF700] =	vst v63  }
0x57: {  	s9 =	simm.s32 @!p0 $0xD  }
0x58: {  	_ =	swait.ge @!p0 [sflag:s9], $0x2800  }
0x59: {  	[sflag:s9] =	ssyncset.done @!p0 $0x0  }
0x5a: {  	s12 =	rddreg [dreg:$0x8];
	[sflag:s9] =	ssyncadd.s32 @!p0 $0xFFFFD800  }
0x5b: {  	[spmem:s12] =	stream.linear.scatter @!p0 [tilespmem:s10], [sflag:$0xD], $0x2800, $0x38;
	[tilespmem:$0xF700] =	vst v63  }
0x5c: {  	_ =	swait.ge @!p0 [sflag:s9], $0x2800  }
0x5d: {  	[sflag:s9] =	ssyncset.done @!p0 $0x0  }
0x5e: {  	s13 =	rddreg [dreg:$0x5];
	[sflag:s9] =	ssyncadd.s32 @!p0 $0xFFFFD800  }
0x5f: {  	[tilespmem:s16], [sflag:$0xD] =	stream.linear.gather [hbm4b:s13+s4], $0x2800, $0x38;
	[tilespmem:$0xF700] =	vst v63  }
0x60: {  	_ =	swait.ge [sflag:s15], $0x2800  }
0x61: {  	[sflag:s15] =	ssyncset.done $0x0  }
0x62: {  	[sflag:s15] =	ssyncadd.s32 $0xFFFFD800  }
0x63: {  	[spmem:s11] =	stream.linear.scatter [tilespmem:s16], [sflag:$0xD], $0x2800, $0x38;
	[tilespmem:$0xF700] =	vst v63  }
0x64: {  	_ =	swait.ge [sflag:s15], $0x2800  }
0x65: {  	[sflag:s15] =	ssyncset.done $0x0  }
0x66: {  	[sflag:s15] =	ssyncadd.s32 $0xFFFFD800  }
0x67: {  	[bflag:$0x0] =	sbarrier.arrive $0xFFFF  }
0x68: {  	[tilespmem:s18], [sflag:$0x1] =	stream.indirect.gather [spmem:s2], $0x10, s4, s17, $0xb8;
	[tilespmem:$0xF700] =	vst v63  }
0x69: {  	s10 =	simm.s32 $0x100  }
0x6a: {  	[tilespmem:s20], [sflag:$0x2] =	stream.indirect.gather [spmem:s2], $0x10, s10, s17, $0xb8;
	[tilespmem:$0xF700] =	vst v63  }
0x6b: {  	_ =	swait.ge [sflag:s21], $0x800  }
0x6c: {  	[sflag:s21] =	ssyncset.done $0x0  }
0x6d: {  	[sflag:s21] =	ssyncadd.s32 $0xFFFFF800  }
0x6e: {  	[spmem:s3] =	stream.indirect.scatter.add.bf16 [tilespmem:s18], [sflag:$0x7], $0x10, s17, s17, $0xb8;
	[tilespmem:$0xF700] =	vst v63  }
0x6f: {  	s12 =	simm.s32 $0x200  }
0x70: {  	[tilespmem:s23], [sflag:$0x3] =	stream.indirect.gather [spmem:s2], $0x10, s12, s17, $0xb8;
	[tilespmem:$0xF700] =	vst v63  }
0x71: {  	_ =	swait.ge [sflag:s24], $0x800  }
0x72: {  	[sflag:s24] =	ssyncset.done $0x0  }
0x73: {  	s13 =	simm.s32 $0x180;
	[sflag:s24] =	ssyncadd.s32 $0xFFFFF800  }
0x74: {  	[spmem:s3] =	stream.indirect.scatter.add.bf16 [tilespmem:s20], [sflag:$0x8], $0x10, s13, s17, $0xb8;
	[tilespmem:$0xF700] =	vst v63  }
0x75: {  	s10 =	simm.s32 $0x300  }
0x76: {  	[tilespmem:s28], [sflag:$0x4] =	stream.indirect.gather [spmem:s2], $0x10, s10, s17, $0xb8;
	[tilespmem:$0xF700] =	vst v63  }
0x77: {  	_ =	swait.ge [sflag:s29], $0x800  }
0x78: {  	[sflag:s29] =	ssyncset.done $0x0  }
0x79: {  	s12 =	simm.s32 $0x280;
	[sflag:s29] =	ssyncadd.s32 $0xFFFFF800  }
0x7a: {  	[spmem:s3] =	stream.indirect.scatter.add.bf16 [tilespmem:s23], [sflag:$0x9], $0x10, s12, s17, $0xb8;
	[tilespmem:$0xF700] =	vst v63  }
0x7b: {  	s13 =	simm.s32 $0x400  }
0x7c: {  	[tilespmem:s1], [sflag:$0x5] =	stream.indirect.gather [spmem:s2], $0x10, s13, s17, $0xb8;
	[tilespmem:$0xF700] =	vst v63  }
0x7d: {  	_ =	swait.ge [sflag:s0], $0x800  }
0x7e: {  	[sflag:s0] =	ssyncset.done $0x0  }
0x7f: {  	s10 =	simm.s32 $0x380;
	[sflag:s0] =	ssyncadd.s32 $0xFFFFF800  }
0x80: {  	[spmem:s3] =	stream.indirect.scatter.add.bf16 [tilespmem:s28], [sflag:$0xA], $0x10, s10, s17, $0xb8;
	[tilespmem:$0xF700] =	vst v63  }
0x81: {  	s12 =	simm.s32 $0x500  }
0x82: {  	[tilespmem:s25], [sflag:$0x6] =	stream.indirect.gather [spmem:s2], $0x10, s12, s17, $0xb8;
	[tilespmem:$0xF700] =	vst v63  }
0x83: {  	_ =	swait.ge [sflag:s26], $0x800  }
0x84: {  	[sflag:s26] =	ssyncset.done $0x0  }
0x85: {  	s13 =	simm.s32 $0x480;
	[sflag:s26] =	ssyncadd.s32 $0xFFFFF800  }
0x86: {  	[spmem:s3] =	stream.indirect.scatter.add.bf16 [tilespmem:s1], [sflag:$0xB], $0x10, s13, s17, $0xb8;
	[tilespmem:$0xF700] =	vst v63  }
0x87: {  	_ =	swait.ge [sflag:s31], $0x800  }
0x88: {  	[sflag:s31] =	ssyncset.done $0x0  }
0x89: {  	s10 =	simm.s32 $0x600;
	[sflag:s31] =	ssyncadd.s32 $0xFFFFF800  }
0x8a: {  	[tilespmem:s18], [sflag:$0x1] =	stream.indirect.gather [spmem:s2], $0x10, s10, s17, $0xb8;
	[tilespmem:$0xF700] =	vst v63  }
0x8b: {  	_ =	swait.ge [sflag:s22], $0x800  }
0x8c: {  	[sflag:s22] =	ssyncset.done $0x0  }
0x8d: {  	s12 =	simm.s32 $0x580;
	[sflag:s22] =	ssyncadd.s32 $0xFFFFF800  }
0x8e: {  	[spmem:s3] =	stream.indirect.scatter.add.bf16 [tilespmem:s25], [sflag:$0xC], $0x10, s12, s17, $0xb8;
	[tilespmem:$0xF700] =	vst v63  }
0x8f: {  	_ =	swait.ge [sflag:s19], $0x800  }
0x90: {  	[sflag:s19] =	ssyncset.done $0x0  }
0x91: {  	s9 =	simm.s32 $0x0;
	s13 =	simm.s32 $0x700;
	[sflag:s19] =	ssyncadd.s32 $0xFFFFF800  }
0x92: {  	[tilespmem:s20], [sflag:$0x2] =	stream.indirect.gather [spmem:s2], $0x10, s13, s17, $0xb8;
	[tilespmem:$0xF700] =	vst v63  }
.LBB2_2:
0x93: {  	_ =	swait.ge [sflag:s21], $0x800  }
0x94: {  	s10 =	sshra.s32 s9, $0x2;
	[sflag:s21] =	ssyncset.done $0x0  }
0x95: {  	s12 =	sadd.s32 $0x680, s10;
	[sflag:s21] =	ssyncadd.s32 $0xFFFFF800  }
0x96: {  	[spmem:s3] =	stream.indirect.scatter.add.bf16 [tilespmem:s18], [sflag:$0x7], $0x10, s12, s17, $0xb8;
	[tilespmem:$0xF700] =	vst v63  }
0x97: {  	_ =	swait.ge [sflag:s30], $0x800  }
0x98: {  	[sflag:s30] =	ssyncset.done $0x0  }
0x99: {  	s13 =	sadd.s32 $0x800, s10;
	[sflag:s30] =	ssyncadd.s32 $0xFFFFF800  }
0x9a: {  	[tilespmem:s23], [sflag:$0x3] =	stream.indirect.gather [spmem:s2], $0x10, s13, s17, $0xb8;
	[tilespmem:$0xF700] =	vst v63  }
0x9b: {  	_ =	swait.ge [sflag:s24], $0x800  }
0x9c: {  	[sflag:s24] =	ssyncset.done $0x0  }
0x9d: {  	s13 =	sadd.s32 $0x780, s10;
	[sflag:s24] =	ssyncadd.s32 $0xFFFFF800  }
0x9e: {  	[spmem:s3] =	stream.indirect.scatter.add.bf16 [tilespmem:s20], [sflag:$0x8], $0x10, s13, s17, $0xb8;
	[tilespmem:$0xF700] =	vst v63  }
0x9f: {  	_ =	swait.ge [sflag:s5], $0x800  }
0xa0: {  	[sflag:s5] =	ssyncset.done $0x0  }
0xa1: {  	s13 =	sadd.s32 $0x900, s10;
	[sflag:s5] =	ssyncadd.s32 $0xFFFFF800  }
0xa2: {  	[tilespmem:s28], [sflag:$0x4] =	stream.indirect.gather [spmem:s2], $0x10, s13, s17, $0xb8;
	[tilespmem:$0xF700] =	vst v63  }
0xa3: {  	_ =	swait.ge [sflag:s29], $0x800  }
0xa4: {  	[sflag:s29] =	ssyncset.done $0x0  }
0xa5: {  	s13 =	sadd.s32 $0x880, s10;
	[sflag:s29] =	ssyncadd.s32 $0xFFFFF800  }
0xa6: {  	[spmem:s3] =	stream.indirect.scatter.add.bf16 [tilespmem:s23], [sflag:$0x9], $0x10, s13, s17, $0xb8;
	[tilespmem:$0xF700] =	vst v63  }
0xa7: {  	_ =	swait.ge [sflag:s6], $0x800  }
0xa8: {  	[sflag:s6] =	ssyncset.done $0x0  }
0xa9: {  	s13 =	sadd.s32 $0xA00, s10;
	[sflag:s6] =	ssyncadd.s32 $0xFFFFF800  }
0xaa: {  	[tilespmem:s1], [sflag:$0x5] =	stream.indirect.gather [spmem:s2], $0x10, s13, s17, $0xb8;
	[tilespmem:$0xF700] =	vst v63  }
0xab: {  	_ =	swait.ge [sflag:s0], $0x800  }
0xac: {  	[sflag:s0] =	ssyncset.done $0x0  }
0xad: {  	s13 =	sadd.s32 $0x980, s10;
	[sflag:s0] =	ssyncadd.s32 $0xFFFFF800  }
0xae: {  	[spmem:s3] =	stream.indirect.scatter.add.bf16 [tilespmem:s28], [sflag:$0xA], $0x10, s13, s17, $0xb8;
	[tilespmem:$0xF700] =	vst v63  }
0xaf: {  	_ =	swait.ge [sflag:s7], $0x800  }
0xb0: {  	[sflag:s7] =	ssyncset.done $0x0  }
0xb1: {  	p2 =	seq.s32 s9, $0x10800;
	s13 =	sadd.s32 $0xB00, s10;
	[sflag:s7] =	ssyncadd.s32 $0xFFFFF800  }
0xb2: {  	[tilespmem:s25], [sflag:$0x6] =	stream.indirect.gather [spmem:s2], $0x10, s13, s17, $0xb8;
	[tilespmem:$0xF700] =	vst v63  }
.Ltmp2:
0xb3: {  	_ = 	snop;
	(pc) =	sbr.rel @p2 .LBB2_4-.Ltmp2, $4  }
0xb4: {  	_ =	swait.ge [sflag:s26], $0x800  }
0xb5: {  	[sflag:s26] =	ssyncset.done $0x0  }
0xb6: {  	s12 =	sadd.s32 $0xB80, s10;
	s13 =	sadd.s32 $0xA80, s10;
	[sflag:s26] =	ssyncadd.s32 $0xFFFFF800  }
0xb7: {  	[spmem:s3] =	stream.indirect.scatter.add.bf16 [tilespmem:s1], [sflag:$0xB], $0x10, s13, s17, $0xb8;
	[tilespmem:$0xF700] =	vst v63  }
0xb8: {  	_ =	swait.ge [sflag:s31], $0x800  }
0xb9: {  	[sflag:s31] =	ssyncset.done $0x0  }
0xba: {  	s13 =	sadd.s32 $0xC00, s10;
	[sflag:s31] =	ssyncadd.s32 $0xFFFFF800  }
0xbb: {  	[tilespmem:s18], [sflag:$0x1] =	stream.indirect.gather [spmem:s2], $0x10, s13, s17, $0xb8;
	[tilespmem:$0xF700] =	vst v63  }
0xbc: {  	_ =	swait.ge [sflag:s22], $0x800  }
0xbd: {  	[sflag:s22] =	ssyncset.done $0x0  }
0xbe: {  	[sflag:s22] =	ssyncadd.s32 $0xFFFFF800  }
0xbf: {  	[spmem:s3] =	stream.indirect.scatter.add.bf16 [tilespmem:s25], [sflag:$0xC], $0x10, s12, s17, $0xb8;
	[tilespmem:$0xF700] =	vst v63  }
.Ltmp3:
0xc0: {  	_ = 	snop;
	(pc) =	sbr.rel .LBB2_2-.Ltmp3, $4  }
0xc1: {  	_ =	swait.ge [sflag:s19], $0x800  }
0xc2: {  	[sflag:s19] =	ssyncset.done $0x0  }
0xc3: {  	s9 =	sadd.s32 $0x1800, s9;
	s13 =	sadd.s32 $0xD00, s10;
	[sflag:s19] =	ssyncadd.s32 $0xFFFFF800  }
0xc4: {  	[tilespmem:s20], [sflag:$0x2] =	stream.indirect.gather [spmem:s2], $0x10, s13, s17, $0xb8;
	[tilespmem:$0xF700] =	vst v63  }
.LBB2_5:
0xc5: {  	_ =	sfence.sel $0x180000  }
0xc6: {  	[bflag:$0x0] =	sbarrier.arrive $0xFFFF  }
0xc7: {  	_ =	strace $0x9000004D  }
0xc8: {  	s0 =	stileid.u32;
	[bflag:$0x2] =	sbarrier.arrive $0xFFFF  }
0xc9: {  	p0 =	sne.s32 s0, $0x0;
	s0 =	rddreg [dreg:$0x4]  }
0xca: {  	s0 =	sadd.s32 @!p0 $0x100000, s0  }
0xcb: {  	[sflag:s0] =	ssyncadd.tile.s32 @!p0 $0x1;
	_ =	shalt  }
.Lfunc_end2:
_tile_overlayer_lowered:
.L_overlay_start_2:
0xcc: {  	(tag) =	ssettag $0x2  }
0xcd: {  	s0 =	rddreg [dreg:$0x0];
	s2 =	stileid.u32  }
0xce: {  	s1 =	rddreg [dreg:$0x1];
	p0 =	sne.s32 s2, $0x0  }
0xcf: {  	s3 =	rddreg [dreg:$0x2];
	[bflag:$0x3] =	sbarrier.arrive $0xFFFF;
	s2 =	simm.s32 @!p0 $0x1C0D  }
0xd0: {  	[timem:s3], [sflag:s2] =	dma.local @!p0 [hbm:s0], s1  }
0xd1: {  	s0 =	simm.s32 @!p0 $0xD  }
0xd2: {  	_ =	swait.ge @!p0 [sflag:s0], s1  }
0xd3: {  	s1 =	ssub.s32 @!p0 $0x0, s1;
	[sflag:s0] =	ssyncset.done @!p0 $0x0  }
0xd4: {  	[sflag:s0] =	ssyncadd.s32 @!p0 s1  }
0xd5: {  	[bflag:$0x3] =	sbarrier.arrive $0xFFFF  }
0xd6: {  	_ =	shalt  }

// kernel: kernel.8.cloned.1.call-start
scs
__scs_entry_jumppad:
0x0: {  	(pc) =	sbr.rel $0x88, $3  }
0x1: {  	(tag) =	ssettag $0x0;
	lr =	simm.s32 $0x1  }
0x2: {  	[smem:$0x3F98] =	sst lr;
	_ =	strace $0xD0000000  }
0x3: {  	_ = 	snop  }
0x4: {  	_ = 	snop  }
0x5: {  	_ = 	snop  }
0x6: {  	_ = 	snop  }
0x7: {  	_ = 	snop  }
__scs_overlays_trampoline_lowered:
0x8: {  	[smem:$0x3FA7] =	sst s0  }
0x9: {  	[smem:$0x3FA8] =	sst s1  }
0xa: {  	[smem:$0x3FA9] =	sst s2  }
0xb: {  	[smem:$0x3FAA] =	sst s3  }
0xc: {  	[smem:$0x3FAB] =	sst s4  }
0xd: {  	[smem:$0x3FAC] =	sst s5  }
0xe: {  	[smem:$0x3FAD] =	sst s6  }
0xf: {  	[smem:$0x3FAE] =	sst s7  }
0x10: {  	[smem:$0x3FAF] =	sst s8  }
0x11: {  	[smem:$0x3FB0] =	sst s9;
	s0 =	simm.s32 @!p0 $0x0  }
0x12: {  	s1 =	sld [smem:$0x3F96];
	s0 =	simm.s32 @p0 $0x1  }
0x13: {  	[smem:$0x3FB1] =	sst s0;
	s0 =	simm.s32 @!p1 $0x0  }
0x14: {  	s2 =	sld [smem:$0x3F95];
	s0 =	simm.s32 @p1 $0x1  }
0x15: {  	[smem:$0x3FB2] =	sst s0;
	s0 =	simm.s32 @!p2 $0x0  }
0x16: {  	s3 =	sld [smem:$0x3FDB];
	s0 =	simm.s32 @p2 $0x1  }
0x17: {  	s4 =	simm.s32 $0x1BF5;
	[smem:$0x3FB4] =	sst s0  }
0x18: {  	s0 =	sld [smem:$0x3F97];
	_ =	swait.ge [sflag:s4], $0x0  }
0x19: {  	s7 =	sld [smem:$0x3F98]  }
0x1a: {  	s8 =	sadd.s32 $0xFFFFE003, lr  }
0x1b: {  	s9 =	sadd.s32 $0xFFFFFEF7, lr;
	s5 =	simm.s32 $0xFFFFFFFF;
	p2 =	slt.u32 s8, $0xFFFFF086  }
0x1c: {  	p1 =	slt.u32 s9, $0xF7A;
	s5 =	simm.s32 @!p2 $0x0  }
0x1d: {  	s5 =	simm.s32 @p1 $0x1;
	p0 =	seq.s32 s7, s2  }
0x1e: {  	s7 =	smul.u32 @!p0 $0xF7A, s2;
	p2 =	seq.s32 @!p0 s5, $0x0  }
0x1f: {  	s9 =	smul.u32 $0xF7A, s1;
	s8 =	simm.s32 @!p0 $0x1BF5;
	p2 =	por !p2, p0  }
0x20: {  	[sflag:s8] =	ssyncset.s32 @!p0 $0xFFFFF086;
	s6 =	sadd.s32 @!p0 s3, s7;
	s7 =	simm.s32 @!p0 $0x108  }
0x21: {  	s3 =	sadd.s32 s3, s9;
	s6 =	sadd.s32 @!p0 $0x88, s6;
	s7 =	simm.s32 @p2 $0x1082  }
0x22: {  	[simem:s7], [sflag:s8] =	dma.local @!p0 [hbm:s6], $0xF7A  }
0x23: {  	s9 =	sor.u32 $0xD0000000, s2;
	s6 =	simm.s32 $0x108;
	_ =	swait.ge @!p0 [sflag:s8], $0x0  }
0x24: {  	s3 =	sadd.s32 $0x88, s3;
	s6 =	simm.s32 @!p1 $0x1082;
	[sflag:s4] =	ssyncset.s32 $0xFFFFF086  }
0x25: {  	[simem:s6], [sflag:s4] =	dma.local [hbm:s3], $0xF7A  }
0x26: {  	[smem:$0x3F98] =	sst s1;
	(tag) =	ssettag s2;
	_ =	strace s9  }
0x27: {  	s1 =	sld [smem:$0x3FA8]  }
0x28: {  	s2 =	sld [smem:$0x3FA9]  }
0x29: {  	s4 =	sld [smem:$0x3FAB]  }
0x2a: {  	p0 =	seq.s32 s5, $0x0;
	s5 =	sld [smem:$0x3FAC]  }
0x2b: {  	s6 =	sld [smem:$0x3FAD]  }
0x2c: {  	s7 =	sld [smem:$0x3FAE]  }
0x2d: {  	s3 =	simm.s32 $0x108;
	s8 =	sld [smem:$0x3FAF]  }
0x2e: {  	s3 =	simm.s32 @!p0 $0x1082;
	s9 =	sld [smem:$0x3FB0]  }
0x2f: {  	lr =	sadd.s32 s0, s3;
	s0 =	sld [smem:$0x3FA7]  }
0x30: {  	s3 =	sld [smem:$0x3FAA]  }
0x31: {  	[smem:$0x3FB3] =	sst s10  }
0x32: {  	s10 =	sld [smem:$0x3FB1];
	_ =	sdelay $0x3  }
0x33: {  	p0 =	seq.s32 s10, $0x1;
	s10 =	sld [smem:$0x3FB3];
	_ =	sdelay $0x3  }
0x34: {  	[smem:$0x3FB3] =	sst s10  }
0x35: {  	s10 =	sld [smem:$0x3FB2];
	_ =	sdelay $0x3  }
0x36: {  	p1 =	seq.s32 s10, $0x1;
	s10 =	sld [smem:$0x3FB3];
	_ =	sdelay $0x3  }
0x37: {  	[smem:$0x3FB3] =	sst s10  }
0x38: {  	s10 =	sld [smem:$0x3FB4]  }
0x39: {  	_ = 	snop;
	(pc) =	sbr.ind lr, $3  }
0x3a: {  	_ = 	snop  }
0x3b: {  	_ = 	snop  }
0x3c: {  	p2 =	seq.s32 s10, $0x1;
	s10 =	sld [smem:$0x3FB3]  }
0x3d: {  	_ =	shalt  }
0x3e: {  	_ =	shalt  }
0x3f: {  	_ =	shalt  }
0x40: {  	_ =	shalt  }
0x41: {  	_ =	shalt  }
0x42: {  	_ =	shalt  }
0x43: {  	_ =	shalt  }
0x44: {  	_ =	shalt  }
0x45: {  	_ =	shalt  }
0x46: {  	_ =	shalt  }
0x47: {  	_ =	shalt  }
0x48: {  	_ =	shalt  }
0x49: {  	_ =	shalt  }
0x4a: {  	_ =	shalt  }
0x4b: {  	_ =	shalt  }
0x4c: {  	_ =	shalt  }
0x4d: {  	_ =	shalt  }
0x4e: {  	_ =	shalt  }
0x4f: {  	_ =	shalt  }
0x50: {  	_ =	shalt  }
0x51: {  	_ =	shalt  }
0x52: {  	_ =	shalt  }
0x53: {  	_ =	shalt  }
0x54: {  	_ =	shalt  }
0x55: {  	_ =	shalt  }
0x56: {  	_ =	shalt  }
0x57: {  	_ =	shalt  }
0x58: {  	_ =	shalt  }
0x59: {  	_ =	shalt  }
0x5a: {  	_ =	shalt  }
0x5b: {  	_ =	shalt  }
0x5c: {  	_ =	shalt  }
0x5d: {  	_ =	shalt  }
0x5e: {  	_ =	shalt  }
0x5f: {  	_ =	shalt  }
0x60: {  	_ =	shalt  }
0x61: {  	_ =	shalt  }
0x62: {  	_ =	shalt  }
0x63: {  	_ =	shalt  }
0x64: {  	_ =	shalt  }
0x65: {  	_ =	shalt  }
0x66: {  	_ =	shalt  }
0x67: {  	_ =	shalt  }
0x68: {  	_ =	shalt  }
0x69: {  	_ =	shalt  }
0x6a: {  	_ =	shalt  }
0x6b: {  	_ =	shalt  }
0x6c: {  	_ =	shalt  }
0x6d: {  	_ =	shalt  }
0x6e: {  	_ =	shalt  }
0x6f: {  	_ =	shalt  }
0x70: {  	_ =	shalt  }
0x71: {  	_ =	shalt  }
0x72: {  	_ =	shalt  }
0x73: {  	_ =	shalt  }
0x74: {  	_ =	shalt  }
0x75: {  	_ =	shalt  }
0x76: {  	_ =	shalt  }
0x77: {  	_ =	shalt  }
0x78: {  	_ =	shalt  }
0x79: {  	_ =	shalt  }
0x7a: {  	_ =	shalt  }
0x7b: {  	_ =	shalt  }
0x7c: {  	_ =	shalt  }
0x7d: {  	_ =	shalt  }
0x7e: {  	_ =	shalt  }
0x7f: {  	_ =	shalt  }
0x80: {  	_ =	shalt  }
0x81: {  	_ =	shalt  }
0x82: {  	_ =	shalt  }
0x83: {  	_ =	shalt  }
0x84: {  	_ =	shalt  }
0x85: {  	_ =	shalt  }
0x86: {  	_ =	shalt  }
0x87: {  	_ =	shalt  }
.Lfunc_end0:
.L_simem_size_0:
called_computation_lowered:
.L_overlay_start_0:
0x88: {  	s2 =	sld [smem:$0x3FD9]  }
0x89: {  	s3 =	sld [smem:$0x3FFE];
	_ =	sdelay $0x1  }
0x8a: {  	s1 =	srdreg.scid  }
0x8b: {  	s0 =	sand.u32 $0x1, s1  }
0x8c: {  	s17 =	sshll.u32 s0, $0xA;
	s2 =	sadd.s32 s3, s2  }
0x8d: {  	s2 =	sadd.s32 s2, s17  }
0x8e: {  	[smem:$0x3FBF] =	sst s2  }
0x8f: {  	_ = 	snop  }
0x90: {  	s2 =	sld [smem:$0x3FC8]  }
0x91: {  	s18 =	sld [smem:$0x3FD0];
	(tm) =	ssettm $0x1  }
0x92: {  	s4 =	sld [smem:$0x3FFB];
	_ =	sdelay $0x3  }
0x93: {  	_ =	strace s4  }
0x94: {  	s4 =	sld [smem:$0x3FFC];
	_ =	sdelay $0x3  }
0x95: {  	_ =	strace s4  }
0x96: {  	s4 =	sld [smem:$0x3FFD];
	_ =	sdelay $0x3  }
0x97: {  	_ =	strace s4  }
0x98: {  	_ =	strace $0x8FFFFFFF  }
0x99: {  	s19 =	sld [smem:$0x3FDB];
	_ =	sdelay $0x1  }
0x9a: {  	s5 =	simm.s32 $_scs_section_size  }
0x9b: {  	s6 =	simm.s32 $_size__tile_overlayer_lowered;
	s7 =	simm.s32 $_tile_overlayer_lowered  }
0x9c: {  	s22 =	simm.s32 $0x1BFF;
	s21 =	sshll.u32 s7, $0x1;
	s4 =	sadd.s32 s5, s19  }
0x9d: {  	s8 =	simm.s32 $0x0;
	s20 =	sshll.u32 s6, $0x1;
	s6 =	sadd.s32 s21, s4  }
0x9e: {  	[timem:s8], [sflag:s22] =	dma.local [hbm:s6], s20  }
0x9f: {  	_ =	swait.ge [sflag:s22], s20  }
0xa0: {  	s5 =	ssub.s32 $0x0, s20;
	[sflag:s22] =	ssyncset.done $0x0  }
0xa1: {  	[sflag:s22] =	ssyncadd.s32 s5;
	_ =	sdelay $0x1  }
0xa2: {  	s23 =	simm.s32 $0x1B8B  }
0xa3: {  	_ =	swait.ge [sflag:s23], $0x1  }
0xa4: {  	[sflag:s23] =	ssyncset.done $0x0  }
0xa5: {  	s25 =	simm.s32 $0x1B8E;
	s24 =	sld [smem:$0x3FFE];
	[sflag:s23] =	ssyncadd.s32 $0xFFFFFFFF  }
0xa6: {  	s26 =	simm.s32 $execute0_lowered;
	[smem:$0x3FD2] =	sst s25  }
0xa7: {  	s6 =	sshll.u32 s26, $0x1;
	_ =	strace $0x80000046;
	[dreg:$0x1] =	wrdreg $0xFFFFFFFF  }
0xa8: {  	s28 =	simm.s32 $_size_execute0_lowered;
	s4 =	sadd.s32 s4, s6;
	[dreg:$0x0] =	wrdreg $0x0  }
0xa9: {  	s6 =	sshll.u32 s28, $0x1;
	[dreg:$0x2] =	wrdreg s4  }
0xaa: {  	[dreg:$0x3] =	wrdreg s6  }
0xab: {  	[dreg:$0x4] =	wrdreg $0xC0  }
0xac: {  	_ =	task [dreg:s8], $0x5FFFF  }
0xad: {  	[dreg:$0x1] =	wrdreg $0xFFFFFFFF  }
0xae: {  	[dreg:$0x0] =	wrdreg $0x60  }
0xaf: {  	[dreg:$0x2] =	wrdreg s2  }
0xb0: {  	[dreg:$0x3] =	wrdreg s18  }
0xb1: {  	[dreg:$0x4] =	wrdreg s24  }
0xb2: {  	[dreg:$0x5] =	wrdreg $0x52000  }
0xb3: {  	[dreg:$0x6] =	wrdreg $0x9  }
0xb4: {  	_ =	task.clear_ibuf [dreg:s8], $0x7FFFF;
	_ =	strace $0x90000046  }
0xb5: {  	s29 =	simm.s32 $0x9;
	_ =	strace $0x80000048  }
0xb6: {  	_ =	swait.ge [sflag:s29], $0x1  }
0xb7: {  	[sflag:s29] =	ssyncadd.s32 $0xFFFFFFFF  }
0xb8: {  	_ =	strace $0x90000048  }
0xb9: {  	_ =	sfence  }
0xba: {  	s30 =	sld [smem:$0x0];
	_ =	sdelay $0x2  }
0xbb: {  	s31 =	sshll.u32 s1, $0xD;
	s1 =	sshrl.u32 s1, $0x2  }
0xbc: {  	s3 =	sand.u32 $0x4000, s31;
	s1 =	sadd.s32 s1, s30  }
0xbd: {  	s0 =	sor.u32 s3, s0;
	s1 =	sshll.u32 s1, $0x11  }
0xbe: {  	s0 =	sor.u32 s1, s0  }
0xbf: {  	s0 =	sadd.s32 $0x8F2B, s0  }
0xc0: {  	[sflag:s0] =	ssyncadd.remote.s32 $0x1  }
0xc1: {  	_ =	sfence.sel $0xFFFF  }
0xc2: {  	[dreg:$0x0] =	wrdreg $0xFFFFFFFF;
	(pc) =	sbr.abs _section_cstart, $3  }
0xc3: {  	[dreg:$0x1] =	wrdreg $0xFFFFFFFF  }
0xc4: {  	_ =	task.clear_ibuf [dreg:s8], $0x2FFFF;
	_ =	strace $0x9FFFFFFF  }
0xc5: {  	(tm) =	ssettm $0x7FFFFFFF  }
tec
execute0_lowered:
.L_overlay_start_1:
0x0: {  	(tag) =	ssettag $0x1  }
0x1: {  	s6 =	rddreg [dreg:$0x0]  }
0x2: {  	s1 =	rddreg [dreg:$0x1]  }
0x3: {  	s5 =	rddreg [dreg:$0x2];
	s2 =	srdreg.scid  }
0x4: {  	s0 =	stileid.u32;
	s3 =	rddreg [dreg:$0x3];
	s4 =	simm.s32 $0x0  }
0x5: {  	s13 =	simm.s32 $0x4F00;
	s14 =	simm.s32 $0x180;
	s15 =	simm.s32 $0x280  }
0x6: {  	s16 =	simm.s32 $0x380;
	s17 =	simm.s32 $0x480;
	s18 =	simm.s32 $0x580  }
0x7: {  	s19 =	simm.s32 $0x1;
	s20 =	simm.s32 $0x2;
	s21 =	simm.s32 $0x3  }
0x8: {  	s22 =	simm.s32 $0x4;
	s23 =	simm.s32 $0x5;
	s24 =	simm.s32 $0x6  }
0x9: {  	s25 =	simm.s32 $0x0;
	s7 =	sand.u32 $0x1, s2;
	s2 =	rddreg [dreg:$0x4]  }
0xa: {  	s8 =	smul.u32 $0x280, s0;
	[smem:$0x7FF] =	sst s4;
	s10 =	sshll.u32 s0, $0x1  }
0xb: {  	p0 =	sgt.u32 s0, $0x1;
	s9 =	smul.u32 $0x2800, s7;
	s10 =	sor.u32 s7, s10  }
0xc: {  	_ =	strace $0x80000047;
	s7 =	ssub.s32 $0x2, s7;
	s11 =	smul.u32 $0x9C0, s10  }
0xd: {  	s30 =	sshrl.u32 s7, $0x1;
	s10 =	sshll.u32 s10, $0x5;
	s9 =	sadd.s32 s8, s9  }
0xe: {  	s12 =	ssub.s32 s7, s30;
	s31 =	sadd.s32 s10, s6;
	s9 =	sshrl.u32 s9, $0x3  }
0xf: {  	s10 =	simm.s32 $0x7;
	s7 =	sadd.s32 $0x13800, s31;
	s9 =	sadd.s32 s9, s5  }
0x10: {  	s5 =	sadd.s32 s6, s11;
	s6 =	sadd.s32 s8, s3;
	s11 =	simm.s32 $0x4F80  }
0x11: {  	v0 =	vimm.f32 $1.000000000e+00;
	s8 =	sadd.s32 $0x1E00, s9;
	s9 =	smax.u32 s12, $0x1;
	s12 =	simm.s32 $0x80  }
.LBB2_1:
0x12: {  	[tilespmem:s4], [sflag:$0x7] =	stream.linear.gather [hbm4b:s5+s4], $0x4E00, $0x38;
	[tilespmem:$0x5480] =	vst v63  }
0x13: {  	_ =	swait.ge [sflag:s10], $0x4E00  }
0x14: {  	[sflag:s10] =	ssyncset.done $0x0  }
0x15: {  	[sflag:s10] =	ssyncadd.s32 $0xFFFFB200  }
0x16: {  	[tilespmem:$0x4F00] =	vst v0  }
0x17: {  	[tilespmem:$0x4F10] =	vst v0  }
0x18: {  	[tilespmem:$0x4F20] =	vst v0  }
0x19: {  	[tilespmem:$0x4F30] =	vst v0  }
0x1a: {  	[tilespmem:$0x4F40] =	vst v0  }
0x1b: {  	[tilespmem:$0x4F50] =	vst v0  }
0x1c: {  	[tilespmem:$0x4F60] =	vst v0  }
0x1d: {  	[tilespmem:$0x4F70] =	vst v0  }
0x1e: {  	[tilespmem:s11], [sflag:$0x7] =	stream.linear.gather [hbm4b:s1+s4], $0x280, $0x38;
	[tilespmem:$0x5480] =	vst v63  }
0x1f: {  	_ =	swait.ge [sflag:s10], $0x280  }
0x20: {  	[sflag:s10] =	ssyncset.done $0x0  }
0x21: {  	[sflag:s10] =	ssyncadd.s32 $0xFFFFFD80  }
0x22: {  	[spmem:s6] =	stream.linear.scatter [tilespmem:s11], [sflag:$0x7], $0x280, $0x38;
	[tilespmem:$0x5480] =	vst v63  }
0x23: {  	_ =	swait.ge [sflag:s10], $0x280  }
0x24: {  	[sflag:s10] =	ssyncset.done $0x0  }
0x25: {  	[sflag:s10] =	ssyncadd.s32 $0xFFFFFD80  }
0x26: {  	[bflag:$0x0] =	sbarrier.arrive $0xFFFF  }
0x27: {  	[spmem:s3] =	stream.indirect.scatter.add.f32 [tilespmem:s13], [sflag:$0x1], $0x1, s12, s12, $0xb8;
	[tilespmem:$0x5480] =	vst v63  }
0x28: {  	_ = 	snop  }
0x29: {  	[spmem:s3] =	stream.indirect.scatter.add.f32 [tilespmem:s13], [sflag:$0x2], $0x1, s14, s12, $0xb8;
	[tilespmem:$0x5480] =	vst v63  }
0x2a: {  	_ = 	snop  }
0x2b: {  	[spmem:s3] =	stream.indirect.scatter.add.f32 [tilespmem:s13], [sflag:$0x3], $0x1, s15, s12, $0xb8;
	[tilespmem:$0x5480] =	vst v63  }
0x2c: {  	_ = 	snop  }
0x2d: {  	[spmem:s3] =	stream.indirect.scatter.add.f32 [tilespmem:s13], [sflag:$0x4], $0x1, s16, s12, $0xb8;
	[tilespmem:$0x5480] =	vst v63  }
0x2e: {  	_ = 	snop  }
0x2f: {  	[spmem:s3] =	stream.indirect.scatter.add.f32 [tilespmem:s13], [sflag:$0x5], $0x1, s17, s12, $0xb8;
	[tilespmem:$0x5480] =	vst v63  }
0x30: {  	_ = 	snop  }
0x31: {  	[spmem:s3] =	stream.indirect.scatter.add.f32 [tilespmem:s13], [sflag:$0x6], $0x1, s18, s12, $0xb8;
	[tilespmem:$0x5480] =	vst v63  }
0x32: {  	_ =	swait.ge [sflag:s19], $0x80  }
0x33: {  	[sflag:s19] =	ssyncset.done $0x0  }
0x34: {  	s26 =	simm.s32 $0x680;
	[sflag:s19] =	ssyncadd.s32 $0xFFFFFF80  }
0x35: {  	[spmem:s3] =	stream.indirect.scatter.add.f32 [tilespmem:s13], [sflag:$0x1], $0x1, s26, s12, $0xb8;
	[tilespmem:$0x5480] =	vst v63  }
0x36: {  	_ =	swait.ge [sflag:s20], $0x80  }
0x37: {  	[sflag:s20] =	ssyncset.done $0x0  }
0x38: {  	s31 =	simm.s32 $0x780;
	[sflag:s20] =	ssyncadd.s32 $0xFFFFFF80  }
0x39: {  	[spmem:s3] =	stream.indirect.scatter.add.f32 [tilespmem:s13], [sflag:$0x2], $0x1, s31, s12, $0xb8;
	[tilespmem:$0x5480] =	vst v63  }
0x3a: {  	_ =	swait.ge [sflag:s21], $0x80  }
0x3b: {  	[sflag:s21] =	ssyncset.done $0x0  }
0x3c: {  	s29 =	simm.s32 $0x880;
	[sflag:s21] =	ssyncadd.s32 $0xFFFFFF80  }
0x3d: {  	[spmem:s3] =	stream.indirect.scatter.add.f32 [tilespmem:s13], [sflag:$0x3], $0x1, s29, s12, $0xb8;
	[tilespmem:$0x5480] =	vst v63  }
0x3e: {  	_ =	swait.ge [sflag:s22], $0x80  }
0x3f: {  	[sflag:s22] =	ssyncset.done $0x0  }
0x40: {  	s30 =	simm.s32 $0x980;
	[sflag:s22] =	ssyncadd.s32 $0xFFFFFF80  }
0x41: {  	[spmem:s3] =	stream.indirect.scatter.add.f32 [tilespmem:s13], [sflag:$0x4], $0x1, s30, s12, $0xb8;
	[tilespmem:$0x5480] =	vst v63  }
0x42: {  	_ =	swait.ge [sflag:s23], $0x80  }
0x43: {  	[sflag:s23] =	ssyncset.done $0x0  }
0x44: {  	s31 =	simm.s32 $0xA80;
	[sflag:s23] =	ssyncadd.s32 $0xFFFFFF80  }
0x45: {  	[spmem:s3] =	stream.indirect.scatter.add.f32 [tilespmem:s13], [sflag:$0x5], $0x1, s31, s12, $0xb8;
	[tilespmem:$0x5480] =	vst v63  }
0x46: {  	_ =	swait.ge [sflag:s24], $0x80  }
0x47: {  	[sflag:s24] =	ssyncset.done $0x0  }
0x48: {  	s28 =	simm.s32 $0xB80;
	s26 =	simm.s32 $0x1800;
	[sflag:s24] =	ssyncadd.s32 $0xFFFFFF80  }
.LBB2_2:
0x49: {  	[spmem:s3] =	stream.indirect.scatter.add.f32 [tilespmem:s13], [sflag:$0x6], $0x1, s28, s12, $0xb8;
	[tilespmem:$0x5480] =	vst v63  }
0x4a: {  	s28 =	smov.u32 s26  }
0x4b: {  	p1 =	sne.s32 s26, $0x10800;
	s26 =	sadd.s32 $0x1800, s26;
	_ =	swait.ge [sflag:s19], $0x80  }
0x4c: {  	s28 =	sshra.s32 s28, $0x2;
	[sflag:s19] =	ssyncset.done $0x0  }
0x4d: {  	s29 =	sadd.s32 $0x680, s28;
	[sflag:s19] =	ssyncadd.s32 $0xFFFFFF80  }
0x4e: {  	[spmem:s3] =	stream.indirect.scatter.add.f32 [tilespmem:s13], [sflag:$0x1], $0x1, s29, s12, $0xb8;
	[tilespmem:$0x5480] =	vst v63  }
0x4f: {  	_ =	swait.ge [sflag:s20], $0x80  }
0x50: {  	[sflag:s20] =	ssyncset.done $0x0  }
0x51: {  	s29 =	sadd.s32 $0x780, s28;
	[sflag:s20] =	ssyncadd.s32 $0xFFFFFF80  }
0x52: {  	[spmem:s3] =	stream.indirect.scatter.add.f32 [tilespmem:s13], [sflag:$0x2], $0x1, s29, s12, $0xb8;
	[tilespmem:$0x5480] =	vst v63  }
0x53: {  	_ =	swait.ge [sflag:s21], $0x80  }
0x54: {  	[sflag:s21] =	ssyncset.done $0x0  }
0x55: {  	s29 =	sadd.s32 $0x880, s28;
	[sflag:s21] =	ssyncadd.s32 $0xFFFFFF80  }
0x56: {  	[spmem:s3] =	stream.indirect.scatter.add.f32 [tilespmem:s13], [sflag:$0x3], $0x1, s29, s12, $0xb8;
	[tilespmem:$0x5480] =	vst v63  }
0x57: {  	_ =	swait.ge [sflag:s22], $0x80  }
0x58: {  	[sflag:s22] =	ssyncset.done $0x0  }
0x59: {  	s29 =	sadd.s32 $0x980, s28;
	[sflag:s22] =	ssyncadd.s32 $0xFFFFFF80  }
0x5a: {  	[spmem:s3] =	stream.indirect.scatter.add.f32 [tilespmem:s13], [sflag:$0x4], $0x1, s29, s12, $0xb8;
	[tilespmem:$0x5480] =	vst v63  }
0x5b: {  	_ =	swait.ge [sflag:s23], $0x80  }
0x5c: {  	[sflag:s23] =	ssyncset.done $0x0  }
.Ltmp0:
0x5d: {  	s29 =	sadd.s32 $0xA80, s28;
	[sflag:s23] =	ssyncadd.s32 $0xFFFFFF80;
	(pc) =	sbr.rel @p1 .LBB2_2-.Ltmp0, $4  }
0x5e: {  	[spmem:s3] =	stream.indirect.scatter.add.f32 [tilespmem:s13], [sflag:$0x5], $0x1, s29, s12, $0xb8;
	[tilespmem:$0x5480] =	vst v63  }
0x5f: {  	_ =	swait.ge [sflag:s24], $0x80  }
0x60: {  	[sflag:s24] =	ssyncset.done $0x0  }
0x61: {  	s28 =	sadd.s32 $0xB80, s28;
	[sflag:s24] =	ssyncadd.s32 $0xFFFFFF80  }
0x62: {  	[spmem:s3] =	stream.indirect.scatter.add.f32 [tilespmem:s13], [sflag:$0x6], $0x1, s28, s12, $0xb8;
	[tilespmem:$0x5480] =	vst v63  }
0x63: {  	_ =	swait.ge [sflag:s19], $0x80  }
0x64: {  	[sflag:s19] =	ssyncset.done $0x0  }
0x65: {  	[sflag:s19] =	ssyncadd.s32 $0xFFFFFF80  }
0x66: {  	_ =	swait.ge [sflag:s20], $0x80  }
0x67: {  	[sflag:s20] =	ssyncset.done $0x0  }
0x68: {  	[sflag:s20] =	ssyncadd.s32 $0xFFFFFF80  }
0x69: {  	_ =	swait.ge [sflag:s21], $0x80  }
0x6a: {  	[sflag:s21] =	ssyncset.done $0x0  }
0x6b: {  	[sflag:s21] =	ssyncadd.s32 $0xFFFFFF80  }
0x6c: {  	_ =	swait.ge [sflag:s22], $0x80  }
0x6d: {  	[sflag:s22] =	ssyncset.done $0x0  }
0x6e: {  	[sflag:s22] =	ssyncadd.s32 $0xFFFFFF80  }
0x6f: {  	_ =	swait.ge [sflag:s23], $0x80  }
0x70: {  	[sflag:s23] =	ssyncset.done $0x0  }
0x71: {  	[sflag:s23] =	ssyncadd.s32 $0xFFFFFF80  }
0x72: {  	_ =	swait.ge [sflag:s24], $0x80  }
0x73: {  	[sflag:s24] =	ssyncset.done $0x0  }
0x74: {  	s26 =	simm.s32 @!p0 $0x0;
	s28 =	simm.s32 @!p0 $0x4E00;
	[sflag:s24] =	ssyncadd.s32 $0xFFFFFF80  }
0x75: {  	[tilespmem:s28], [sflag:$0x7] =	stream.linear.gather @!p0 [hbm4b:s7+s26], $0x100, $0x38;
	[tilespmem:$0x5480] =	vst v63  }
0x76: {  	s26 =	simm.s32 @!p0 $0x7  }
0x77: {  	_ =	swait.ge @!p0 [sflag:s26], $0x100  }
0x78: {  	s29 =	simm.s32 @!p0 $0x4E80;
	[sflag:s26] =	ssyncset.done @!p0 $0x0  }
0x79: {  	s30 =	simm.s32 @!p0 $0x4F00;
	s28 =	simm.s32 @!p0 $0x80;
	[sflag:s26] =	ssyncadd.s32 @!p0 $0xFFFFFF00  }
0x7a: {  	[spmem:s3] =	stream.indirect.scatter.add.f32 @!p0 [tilespmem:s30], [sflag:$0x7], $0x1, s29, s28, $0xb8;
	[tilespmem:$0x5480] =	vst v63  }
0x7b: {  	_ =	swait.ge @!p0 [sflag:s26], $0x80  }
0x7c: {  	[sflag:s26] =	ssyncset.done @!p0 $0x0  }
0x7d: {  	[sflag:s26] =	ssyncadd.s32 @!p0 $0xFFFFFF80  }
0x7e: {  	[bflag:$0x0] =	sbarrier.arrive $0xFFFF  }
0x7f: {  	[tilespmem:s11], [sflag:$0x7] =	stream.linear.gather [spmem:s6], $0x280, $0x38;
	[tilespmem:$0x5480] =	vst v63  }
0x80: {  	s25 =	sadd.s32 $0x1, s25;
	_ =	swait.ge [sflag:s10], $0x280  }
0x81: {  	p1 =	sne.s32 s25, s9;
	[sflag:s10] =	ssyncset.done $0x0  }
.Ltmp1:
0x82: {  	[sflag:s10] =	ssyncadd.s32 $0xFFFFFD80;
	(pc) =	sbr.rel @p1 .LBB2_1-.Ltmp1, $4  }
0x83: {  	[hbm4b:s8+s4] =	stream.linear.scatter [tilespmem:s11], [sflag:$0x7], $0x280, $0x38;
	[tilespmem:$0x5480] =	vst v63  }
0x84: {  	_ =	swait.ge [sflag:s10], $0x280  }
0x85: {  	[sflag:s10] =	ssyncset.done $0x0  }
0x86: {  	[sflag:s10] =	ssyncadd.s32 $0xFFFFFD80  }
0x87: {  	_ =	sfence.sel $0x180000  }
0x88: {  	[bflag:$0x0] =	sbarrier.arrive $0xFFFF  }
0x89: {  	p0 =	sne.s32 s0, $0x0;
	_ =	strace $0x90000047  }
0x8a: {  	s0 =	sadd.s32 @!p0 $0x100000, s2;
	[bflag:$0x2] =	sbarrier.arrive $0xFFFF  }
0x8b: {  	[sflag:s0] =	ssyncadd.tile.s32 @!p0 $0x1;
	_ =	shalt  }
.Lfunc_end2:
_tile_overlayer_lowered:
.L_overlay_start_2:
0x8c: {  	(tag) =	ssettag $0x2  }
0x8d: {  	s0 =	rddreg [dreg:$0x0];
	s2 =	stileid.u32  }
0x8e: {  	s1 =	rddreg [dreg:$0x1];
	p0 =	sne.s32 s2, $0x0  }
0x8f: {  	s3 =	rddreg [dreg:$0x2];
	[bflag:$0x3] =	sbarrier.arrive $0xFFFF;
	s2 =	simm.s32 @!p0 $0x1C07  }
0x90: {  	[timem:s3], [sflag:s2] =	dma.local @!p0 [hbm:s0], s1  }
0x91: {  	s0 =	simm.s32 @!p0 $0x7  }
0x92: {  	_ =	swait.ge @!p0 [sflag:s0], s1  }
0x93: {  	s1 =	ssub.s32 @!p0 $0x0, s1;
	[sflag:s0] =	ssyncset.done @!p0 $0x0  }
0x94: {  	[sflag:s0] =	ssyncadd.s32 @!p0 s1  }
0x95: {  	[bflag:$0x3] =	sbarrier.arrive $0xFFFF  }
0x96: {  	_ =	shalt  }

</sc_bundles>
